<compile_context>
chip_gen: v7x
topology: tpu7x:2x2x1
jax: 0.10.2.dev20260603
libtpu: 0.0.44.dev20260713+nightly
codegen_flags: <defaults>
</compile_context>

<pallas_src>
import functools

import jax
import jax.numpy as jnp
from jax import lax
from jax.experimental import pallas as pl
from jax.experimental.pallas import tpu as pltpu
from jax.experimental.pallas import tpu_sc as plsc

N = 10000
D = 128
E = 320000

NC = 2
NS = 16
NW = NC * NS
EPW = E // NW
K = 40
NCHUNK = EPW // K
SB = 5
NBB = NCHUNK // SB
R = 5
NG = NBB // R
NLEFT = NBB - NG * R
KD = 80
NCHUNKD = EPW // KD
DEGW = 8
STR = 624
TAIL = N - NS * STR
DW = 16

BN = 1000


def _stripe_copy(copy_fn, s):
    copy_fn(s * STR, STR)

    @pl.when(s == NS - 1)
    def _():
        copy_fn(NS * STR, TAIL)


def _sc_mesh():
    return plsc.VectorSubcoreMesh(core_axis_name="c", subcore_axis_name="s",
                                  num_cores=NC, num_subcores=NS)


def _deg_body(dst_hbm, z16_hbm, out_hbm, idx_v, ones_v, deg_sh, sem):
    c = lax.axis_index("c")
    s = lax.axis_index("s")
    wid = c * NS + s
    for i in range(KD):
        ones_v[i, :] = jnp.full((DW,), 1.0, jnp.float32)
    _stripe_copy(
        lambda b, n: pltpu.sync_copy(z16_hbm.at[pl.ds(b, n)],
                                     deg_sh.at[pl.ds(b, n)]), s)
    pltpu.sync_copy(dst_hbm.at[wid], idx_v)
    plsc.subcore_barrier()

    for j in range(DEGW):
        pltpu.async_copy(ones_v, deg_sh.at[idx_v.at[j]], sem, add=True)

    @pl.loop(0, NCHUNKD - DEGW)
    def _(t):
        pltpu.make_async_copy(ones_v, deg_sh.at[idx_v.at[t]], sem).wait()
        pltpu.async_copy(ones_v, deg_sh.at[idx_v.at[t + DEGW]], sem,
                         add=True)

    for j in range(DEGW):
        pltpu.make_async_copy(
            ones_v, deg_sh.at[idx_v.at[NCHUNKD - DEGW + j]], sem).wait()

    plsc.subcore_barrier()
    _stripe_copy(
        lambda b, n: pltpu.sync_copy(deg_sh.at[pl.ds(b, n)],
                                     out_hbm.at[c, pl.ds(b, n)]), s)


def _agg_body(xs_hbm, src_hbm, dst_hbm, z_hbm, out_hbm, src_v, dst_v,
              rows0_v, rows1_v, rows2_v, rows3_v, rows4_v,
              sg0, sg1, sg2, sg3, sg4, agg_sh):
    c = lax.axis_index("c")
    s = lax.axis_index("s")
    wid = c * NS + s
    rows = [rows0_v, rows1_v, rows2_v, rows3_v, rows4_v]
    sg = [sg0, sg1, sg2, sg3, sg4]

    @pl.when(c == 0)
    def _():
        _stripe_copy(
            lambda b, n: pltpu.sync_copy(xs_hbm.at[pl.ds(b, n)],
                                         agg_sh.at[pl.ds(b, n)]), s)

    @pl.when(c != 0)
    def _():
        _stripe_copy(
            lambda b, n: pltpu.sync_copy(z_hbm.at[pl.ds(b, n)],
                                         agg_sh.at[pl.ds(b, n)]), s)

    plsc.subcore_barrier()

    for b in range(SB):
        pltpu.sync_copy(src_hbm.at[wid, b], src_v)
        pltpu.sync_copy(dst_hbm.at[wid, b], dst_v)
        for i in range(R):
            pltpu.async_copy(xs_hbm.at[src_v.at[i]], rows[i], sg[i])

        @pl.loop(0, NG)
        def _(g):
            j = g * R
            for i in range(R):
                pltpu.make_async_copy(xs_hbm.at[src_v.at[j + i]], rows[i],
                                      sg[i]).wait()
                pltpu.sync_copy(rows[i], agg_sh.at[dst_v.at[j + i]],
                                add=True)

                @pl.when(g + 1 < NG)
                def _():
                    pltpu.async_copy(xs_hbm.at[src_v.at[j + R + i]],
                                     rows[i], sg[i])

    plsc.subcore_barrier()
    _stripe_copy(
        lambda b, n: pltpu.sync_copy(agg_sh.at[pl.ds(b, n)],
                                     out_hbm.at[c, pl.ds(b, n)]), s)


def _xs_body(x_ref, d0_ref, d1_ref, xs_ref):
    deg = d0_ref[:, 0:1] + d1_ref[:, 0:1] + 1.0
    xs_ref[...] = x_ref[...] * lax.rsqrt(deg)


def _head_body(p0_ref, p1_ref, d0_ref, d1_ref, wmu_ref, bmu_ref,
               wlv_ref, blv_ref, mu_ref, lv_ref):
    deg = d0_ref[:, 0:1] + d1_ref[:, 0:1] + 1.0
    agg = (p0_ref[...] + p1_ref[...]) * lax.rsqrt(deg)
    mu_ref[...] = (
        jnp.dot(agg, wmu_ref[...], preferred_element_type=jnp.float32)
        + bmu_ref[...]
    )
    lv_ref[...] = (
        jnp.dot(agg, wlv_ref[...], preferred_element_type=jnp.float32)
        + blv_ref[...]
    )


def kernel(x, edge_index, W_mu, b_mu, W_logvar, b_logvar):
    e0 = edge_index[0].reshape(NW, EPW)
    e1 = edge_index[1].reshape(NW, EPW)
    dstd = e1.reshape(NW, NCHUNKD, KD)
    src4 = e0.reshape(NW, SB, NBB, K)
    dst4 = e1.reshape(NW, SB, NBB, K)
    z16 = jnp.zeros((N, DW), jnp.float32)
    z128 = jnp.zeros((N, D), jnp.float32)

    deg_kernel = pl.kernel(
        _deg_body,
        out_type=jax.ShapeDtypeStruct((NC, N, DW), jnp.float32),
        mesh=_sc_mesh(),
        scratch_types=[
            pltpu.VMEM((NCHUNKD, KD), jnp.int32),
            pltpu.VMEM((KD, DW), jnp.float32),
            pltpu.VMEM_SHARED((N, DW), jnp.float32),
            pltpu.SemaphoreType.DMA,
        ],
    )
    deg_parts = deg_kernel(dstd, z16)
    d0, d1 = deg_parts[0], deg_parts[1]

    nb = N // BN
    xs = pl.pallas_call(
        _xs_body,
        grid=(nb,),
        in_specs=[
            pl.BlockSpec((BN, D), lambda i: (i, 0)),
            pl.BlockSpec((BN, DW), lambda i: (i, 0)),
            pl.BlockSpec((BN, DW), lambda i: (i, 0)),
        ],
        out_specs=pl.BlockSpec((BN, D), lambda i: (i, 0)),
        out_shape=jax.ShapeDtypeStruct((N, D), jnp.float32),
    )(x, d0, d1)

    agg_kernel = pl.kernel(
        _agg_body,
        out_type=jax.ShapeDtypeStruct((NC, N, D), jnp.float32),
        mesh=_sc_mesh(),
        scratch_types=(
            [pltpu.VMEM((NBB, K), jnp.int32),
             pltpu.VMEM((NBB, K), jnp.int32)]
            + [pltpu.VMEM((K, D), jnp.float32)] * R
            + [pltpu.SemaphoreType.DMA] * R
            + [pltpu.VMEM_SHARED((N, D), jnp.float32)]
        ),
    )
    agg_parts = agg_kernel(xs, src4, dst4, z128)
    p0, p1 = agg_parts[0], agg_parts[1]

    mu, logvar = pl.pallas_call(
        _head_body,
        grid=(nb,),
        in_specs=[
            pl.BlockSpec((BN, D), lambda i: (i, 0)),
            pl.BlockSpec((BN, D), lambda i: (i, 0)),
            pl.BlockSpec((BN, DW), lambda i: (i, 0)),
            pl.BlockSpec((BN, DW), lambda i: (i, 0)),
            pl.BlockSpec((D, D), lambda i: (0, 0)),
            pl.BlockSpec((1, D), lambda i: (0, 0)),
            pl.BlockSpec((D, D), lambda i: (0, 0)),
            pl.BlockSpec((1, D), lambda i: (0, 0)),
        ],
        out_specs=[
            pl.BlockSpec((BN, D), lambda i: (i, 0)),
            pl.BlockSpec((BN, D), lambda i: (i, 0)),
        ],
        out_shape=[
            jax.ShapeDtypeStruct((N, D), jnp.float32),
            jax.ShapeDtypeStruct((N, D), jnp.float32),
        ],
    )(p0, p1, d0, d1, W_mu, b_mu.reshape(1, D), W_logvar, b_logvar.reshape(1, D))
    return (mu, logvar)

# --- scband reference (transcript-rebuilt; emitter-appended) ---
"""Pipeline reference for scband-light-gcnencoder-46651934769921 (READ-ONLY COPY).

The authoritative reference and input builder live on the scoring server;
editing this copy changes nothing except your own understanding.
"""

import jax, jax.numpy as jnp
import numpy as np

N = 10000
D_IN = 128
D_OUT = 128
E = 320000


def setup_inputs(seed: int = 0) -> dict:
    key = jax.random.key(seed)
    k1, k2, k3, k4, k5, k6 = jax.random.split(key, 6)
    x = jax.random.normal(k1, (N, D_IN), dtype=jnp.float32)
    edge_index = jax.random.randint(k2, (2, E), 0, N, dtype=jnp.int32)
    s_in = 1.0 / np.sqrt(D_IN)
    W_mu = jax.random.uniform(k3, (D_IN, D_OUT), dtype=jnp.float32, minval=-s_in, maxval=s_in)
    b_mu = jnp.zeros((D_OUT,), dtype=jnp.float32)
    W_logvar = jax.random.uniform(k4, (D_IN, D_OUT), dtype=jnp.float32, minval=-s_in, maxval=s_in)
    b_logvar = jnp.zeros((D_OUT,), dtype=jnp.float32)
    return {"x": x, "edge_index": edge_index, "W_mu": W_mu, "b_mu": b_mu, "W_logvar": W_logvar, "b_logvar": b_logvar}


def _gcn_conv(x, src, dst, norm, W, b):
    # PyG GCNConv: linear transform, then normalized scatter-add aggregation, then bias
    h = x @ W
    msg = h[src] * norm[:, None]
    out = jnp.zeros((x.shape[0], W.shape[1]), dtype=h.dtype).at[dst].add(msg)
    return out + b


def reference(x, edge_index, W_mu, b_mu, W_logvar, b_logvar):
    num_nodes = x.shape[0]
    loop = jnp.arange(num_nodes, dtype=edge_index.dtype)
    src = jnp.concatenate([edge_index[0], loop])
    dst = jnp.concatenate([edge_index[1], loop])
    # symmetric gcn normalization with self-loops (edge_weight = 1)
    deg = jnp.zeros((num_nodes,), dtype=x.dtype).at[dst].add(1.0)
    deg_inv_sqrt = jnp.where(deg > 0, deg ** -0.5, 0.0)
    norm = deg_inv_sqrt[src] * deg_inv_sqrt[dst]
    mu = _gcn_conv(x, src, dst, norm, W_mu, b_mu)
    logvar = _gcn_conv(x, src, dst, norm, W_logvar, b_logvar)
    return (mu, logvar)

if __name__ == "__main__":
    import jax
    _d = setup_inputs()
    print(jax.jit(kernel)(*tuple(_d.values())))

</pallas_src>

<mosaic_0001>
#map = affine_map<(d0, d1) -> (0, 0)>
#map1 = affine_map<(d0, d1) -> (0, 0, 0, 0)>
#map2 = affine_map<(d0, d1) -> (0, 0, 0)>
module attributes {stable_mosaic.version = 14 : i64} {
  func.func @_agg_body(%arg0: i32, %arg1: i32, %arg2: memref<10000x128xf32, #tpu.memory_space<hbm>>, %arg3: memref<32x5x50x40xi32, #tpu.memory_space<hbm>>, %arg4: memref<32x5x50x40xi32, #tpu.memory_space<hbm>>, %arg5: memref<10000x128xf32, #tpu.memory_space<hbm>>, %arg6: memref<2x10000x128xf32, #tpu.memory_space<hbm>>, %arg7: memref<50x40xi32, #tpu.memory_space<vmem>>, %arg8: memref<50x40xi32, #tpu.memory_space<vmem>>, %arg9: memref<40x128xf32, #tpu.memory_space<vmem>>, %arg10: memref<40x128xf32, #tpu.memory_space<vmem>>, %arg11: memref<40x128xf32, #tpu.memory_space<vmem>>, %arg12: memref<40x128xf32, #tpu.memory_space<vmem>>, %arg13: memref<40x128xf32, #tpu.memory_space<vmem>>, %arg14: memref<!tpu.dma_semaphore, #tpu.memory_space<semaphore_mem>>, %arg15: memref<!tpu.dma_semaphore, #tpu.memory_space<semaphore_mem>>, %arg16: memref<!tpu.dma_semaphore, #tpu.memory_space<semaphore_mem>>, %arg17: memref<!tpu.dma_semaphore, #tpu.memory_space<semaphore_mem>>, %arg18: memref<!tpu.dma_semaphore, #tpu.memory_space<semaphore_mem>>, %arg19: memref<10000x128xf32, #tpu.memory_space<vmem_shared>>) attributes {dimension_semantics = [#tpu.dimension_semantics<core_parallel>, #tpu.dimension_semantics<subcore_parallel>], iteration_bounds = array<i64: 2, 16>, scalar_prefetch = 0 : i64, scratch_operands = 13 : i64, tpu.core_type = #tpu.core_type<sc_vector_subcore>, window_params = [{transform_indices = #map}, {transform_indices = #map1}, {transform_indices = #map1}, {transform_indices = #map}, {transform_indices = #map2}]} {
    %mul3A = arith.constant 16 : i32
    %mul3A_0 = arith.muli %arg0, %mul3A : i32
    %add3A = arith.addi %mul3A_0, %arg1 : i32
    %eq3A = arith.constant 0 : i32
    %eq3A_1 = arith.cmpi eq, %arg0, %eq3A : i32
    %convert_element_type3A = arith.extui %eq3A_1 : i1 to i32
    %cond3A = arith.constant 0 : i32
    %cond3A_2 = arith.cmpi ne, %convert_element_type3A, %cond3A : i32
    scf.if %cond3A_2 {
      %mul3A_222 = arith.constant 624 : i32
      %mul3A_223 = arith.muli %arg1, %mul3A_222 : i32
      "tpu.region"() ({
        %run_scoped3A_229 = tpu.sem_alloc : memref<!tpu.dma_semaphore, #tpu.memory_space<semaphore_mem>>
        %dma_start3A_230 = arith.constant 0 : i32
        %dma_start3A_231 = tpu.memref_slice %arg19[%mul3A_223, %dma_start3A_230] : memref<10000x128xf32, #tpu.memory_space<vmem_shared>> -> memref<624x128xf32, #tpu.memory_space<vmem_shared>>
        %dma_start3A_232 = arith.constant 0 : i32
        %dma_start3A_233 = tpu.memref_slice %arg2[%mul3A_223, %dma_start3A_232] : memref<10000x128xf32, #tpu.memory_space<hbm>> -> memref<624x128xf32, #tpu.memory_space<hbm>>
        tpu.enqueue_dma source(%dma_start3A_233 : memref<624x128xf32, #tpu.memory_space<hbm>>) target(%dma_start3A_231 : memref<624x128xf32, #tpu.memory_space<vmem_shared>>) target_semaphore(%run_scoped3A_229 : memref<!tpu.dma_semaphore, #tpu.memory_space<semaphore_mem>>)
        %dma_wait3A = arith.constant 0 : i32
        %dma_wait3A_234 = tpu.memref_slice %arg19[%mul3A_223, %dma_wait3A] : memref<10000x128xf32, #tpu.memory_space<vmem_shared>> -> memref<624x128xf32, #tpu.memory_space<vmem_shared>>
        %dma_wait3A_235 = arith.constant 0 : i32
        %dma_wait3A_236 = tpu.memref_slice %arg2[%mul3A_223, %dma_wait3A_235] : memref<10000x128xf32, #tpu.memory_space<hbm>> -> memref<624x128xf32, #tpu.memory_space<hbm>>
        tpu.wait_dma2 semaphore(%run_scoped3A_229 : memref<!tpu.dma_semaphore, #tpu.memory_space<semaphore_mem>>) src(%dma_wait3A_236 : memref<624x128xf32, #tpu.memory_space<hbm>>) dst(%dma_wait3A_234 : memref<624x128xf32, #tpu.memory_space<vmem_shared>>)
        tpu.yield
      }) : () -> ()
      %eq3A_224 = arith.constant 15 : i32
      %eq3A_225 = arith.cmpi eq, %arg1, %eq3A_224 : i32
      %convert_element_type3A_226 = arith.extui %eq3A_225 : i1 to i32
      %cond3A_227 = arith.constant 0 : i32
      %cond3A_228 = arith.cmpi ne, %convert_element_type3A_226, %cond3A_227 : i32
      scf.if %cond3A_228 {
        "tpu.region"() ({
          %run_scoped3A_229 = tpu.sem_alloc : memref<!tpu.dma_semaphore, #tpu.memory_space<semaphore_mem>>
          %dma_start3A_230 = arith.constant 9984 : i32
          %dma_start3A_231 = arith.constant 0 : i32
          %dma_start3A_232 = tpu.memref_slice %arg19[%dma_start3A_230, %dma_start3A_231] : memref<10000x128xf32, #tpu.memory_space<vmem_shared>> -> memref<16x128xf32, #tpu.memory_space<vmem_shared>>
          %dma_start3A_233 = arith.constant 9984 : i32
          %dma_start3A_234 = arith.constant 0 : i32
          %dma_start3A_235 = tpu.memref_slice %arg2[%dma_start3A_233, %dma_start3A_234] : memref<10000x128xf32, #tpu.memory_space<hbm>> -> memref<16x128xf32, #tpu.memory_space<hbm>>
          tpu.enqueue_dma source(%dma_start3A_235 : memref<16x128xf32, #tpu.memory_space<hbm>>) target(%dma_start3A_232 : memref<16x128xf32, #tpu.memory_space<vmem_shared>>) target_semaphore(%run_scoped3A_229 : memref<!tpu.dma_semaphore, #tpu.memory_space<semaphore_mem>>)
          %dma_wait3A = arith.constant 9984 : i32
          %dma_wait3A_236 = arith.constant 0 : i32
          %dma_wait3A_237 = tpu.memref_slice %arg19[%dma_wait3A, %dma_wait3A_236] : memref<10000x128xf32, #tpu.memory_space<vmem_shared>> -> memref<16x128xf32, #tpu.memory_space<vmem_shared>>
          %dma_wait3A_238 = arith.constant 9984 : i32
          %dma_wait3A_239 = arith.constant 0 : i32
          %dma_wait3A_240 = tpu.memref_slice %arg2[%dma_wait3A_238, %dma_wait3A_239] : memref<10000x128xf32, #tpu.memory_space<hbm>> -> memref<16x128xf32, #tpu.memory_space<hbm>>
          tpu.wait_dma2 semaphore(%run_scoped3A_229 : memref<!tpu.dma_semaphore, #tpu.memory_space<semaphore_mem>>) src(%dma_wait3A_240 : memref<16x128xf32, #tpu.memory_space<hbm>>) dst(%dma_wait3A_237 : memref<16x128xf32, #tpu.memory_space<vmem_shared>>)
          tpu.yield
        }) : () -> ()
      } else {
      }
    } else {
    }
    %ne3A = arith.constant 0 : i32
    %ne3A_3 = arith.cmpi ne, %arg0, %ne3A : i32
    %convert_element_type3A_4 = arith.extui %ne3A_3 : i1 to i32
    %cond3A_5 = arith.constant 0 : i32
    %cond3A_6 = arith.cmpi ne, %convert_element_type3A_4, %cond3A_5 : i32
    scf.if %cond3A_6 {
      %mul3A_222 = arith.constant 624 : i32
      %mul3A_223 = arith.muli %arg1, %mul3A_222 : i32
      "tpu.region"() ({
        %run_scoped3A_229 = tpu.sem_alloc : memref<!tpu.dma_semaphore, #tpu.memory_space<semaphore_mem>>
        %dma_start3A_230 = arith.constant 0 : i32
        %dma_start3A_231 = tpu.memref_slice %arg19[%mul3A_223, %dma_start3A_230] : memref<10000x128xf32, #tpu.memory_space<vmem_shared>> -> memref<624x128xf32, #tpu.memory_space<vmem_shared>>
        %dma_start3A_232 = arith.constant 0 : i32
        %dma_start3A_233 = tpu.memref_slice %arg5[%mul3A_223, %dma_start3A_232] : memref<10000x128xf32, #tpu.memory_space<hbm>> -> memref<624x128xf32, #tpu.memory_space<hbm>>
        tpu.enqueue_dma source(%dma_start3A_233 : memref<624x128xf32, #tpu.memory_space<hbm>>) target(%dma_start3A_231 : memref<624x128xf32, #tpu.memory_space<vmem_shared>>) target_semaphore(%run_scoped3A_229 : memref<!tpu.dma_semaphore, #tpu.memory_space<semaphore_mem>>)
        %dma_wait3A = arith.constant 0 : i32
        %dma_wait3A_234 = tpu.memref_slice %arg19[%mul3A_223, %dma_wait3A] : memref<10000x128xf32, #tpu.memory_space<vmem_shared>> -> memref<624x128xf32, #tpu.memory_space<vmem_shared>>
        %dma_wait3A_235 = arith.constant 0 : i32
        %dma_wait3A_236 = tpu.memref_slice %arg5[%mul3A_223, %dma_wait3A_235] : memref<10000x128xf32, #tpu.memory_space<hbm>> -> memref<624x128xf32, #tpu.memory_space<hbm>>
        tpu.wait_dma2 semaphore(%run_scoped3A_229 : memref<!tpu.dma_semaphore, #tpu.memory_space<semaphore_mem>>) src(%dma_wait3A_236 : memref<624x128xf32, #tpu.memory_space<hbm>>) dst(%dma_wait3A_234 : memref<624x128xf32, #tpu.memory_space<vmem_shared>>)
        tpu.yield
      }) : () -> ()
      %eq3A_224 = arith.constant 15 : i32
      %eq3A_225 = arith.cmpi eq, %arg1, %eq3A_224 : i32
      %convert_element_type3A_226 = arith.extui %eq3A_225 : i1 to i32
      %cond3A_227 = arith.constant 0 : i32
      %cond3A_228 = arith.cmpi ne, %convert_element_type3A_226, %cond3A_227 : i32
      scf.if %cond3A_228 {
        "tpu.region"() ({
          %run_scoped3A_229 = tpu.sem_alloc : memref<!tpu.dma_semaphore, #tpu.memory_space<semaphore_mem>>
          %dma_start3A_230 = arith.constant 9984 : i32
          %dma_start3A_231 = arith.constant 0 : i32
          %dma_start3A_232 = tpu.memref_slice %arg19[%dma_start3A_230, %dma_start3A_231] : memref<10000x128xf32, #tpu.memory_space<vmem_shared>> -> memref<16x128xf32, #tpu.memory_space<vmem_shared>>
          %dma_start3A_233 = arith.constant 9984 : i32
          %dma_start3A_234 = arith.constant 0 : i32
          %dma_start3A_235 = tpu.memref_slice %arg5[%dma_start3A_233, %dma_start3A_234] : memref<10000x128xf32, #tpu.memory_space<hbm>> -> memref<16x128xf32, #tpu.memory_space<hbm>>
          tpu.enqueue_dma source(%dma_start3A_235 : memref<16x128xf32, #tpu.memory_space<hbm>>) target(%dma_start3A_232 : memref<16x128xf32, #tpu.memory_space<vmem_shared>>) target_semaphore(%run_scoped3A_229 : memref<!tpu.dma_semaphore, #tpu.memory_space<semaphore_mem>>)
          %dma_wait3A = arith.constant 9984 : i32
          %dma_wait3A_236 = arith.constant 0 : i32
          %dma_wait3A_237 = tpu.memref_slice %arg19[%dma_wait3A, %dma_wait3A_236] : memref<10000x128xf32, #tpu.memory_space<vmem_shared>> -> memref<16x128xf32, #tpu.memory_space<vmem_shared>>
          %dma_wait3A_238 = arith.constant 9984 : i32
          %dma_wait3A_239 = arith.constant 0 : i32
          %dma_wait3A_240 = tpu.memref_slice %arg5[%dma_wait3A_238, %dma_wait3A_239] : memref<10000x128xf32, #tpu.memory_space<hbm>> -> memref<16x128xf32, #tpu.memory_space<hbm>>
          tpu.wait_dma2 semaphore(%run_scoped3A_229 : memref<!tpu.dma_semaphore, #tpu.memory_space<semaphore_mem>>) src(%dma_wait3A_240 : memref<16x128xf32, #tpu.memory_space<hbm>>) dst(%dma_wait3A_237 : memref<16x128xf32, #tpu.memory_space<vmem_shared>>)
          tpu.yield
        }) : () -> ()
      } else {
      }
    } else {
    }
    %barrier3A = arith.constant 0 : index
    tpu.barrier barrier_id(%barrier3A)
    %run_scoped3A = arith.constant 0 : i32
    "tpu.region"() ({
      %run_scoped3A_222 = tpu.sem_alloc : memref<!tpu.dma_semaphore, #tpu.memory_space<semaphore_mem>>
      %dma_start3A_223 = arith.constant 0 : i32
      %dma_start3A_224 = arith.constant 0 : i32
      %dma_start3A_225 = tpu.memref_slice %arg3[%add3A, %run_scoped3A, %dma_start3A_223, %dma_start3A_224] : memref<32x5x50x40xi32, #tpu.memory_space<hbm>> -> memref<1x1x50x40xi32, #tpu.memory_space<hbm>>
      %dma_start3A_226 = tpu.memref_squeeze %dma_start3A_225 : memref<1x1x50x40xi32, #tpu.memory_space<hbm>> -> memref<50x40xi32, #tpu.memory_space<hbm>>
      %dma_start3A_227 = arith.constant 0 : i32
      %dma_start3A_228 = arith.constant 0 : i32
      %dma_start3A_229 = tpu.memref_slice %arg3[%add3A, %run_scoped3A, %dma_start3A_227, %dma_start3A_228] : memref<32x5x50x40xi32, #tpu.memory_space<hbm>> -> memref<1x1x50x40xi32, #tpu.memory_space<hbm>>
      %dma_start3A_230 = tpu.memref_squeeze %dma_start3A_229 : memref<1x1x50x40xi32, #tpu.memory_space<hbm>> -> memref<50x40xi32, #tpu.memory_space<hbm>>
      tpu.enqueue_dma source(%dma_start3A_230 : memref<50x40xi32, #tpu.memory_space<hbm>>) target(%arg7 : memref<50x40xi32, #tpu.memory_space<vmem>>) target_semaphore(%run_scoped3A_222 : memref<!tpu.dma_semaphore, #tpu.memory_space<semaphore_mem>>)
      %dma_wait3A = arith.constant 0 : i32
      %dma_wait3A_231 = arith.constant 0 : i32
      %dma_wait3A_232 = tpu.memref_slice %arg3[%add3A, %run_scoped3A, %dma_wait3A, %dma_wait3A_231] : memref<32x5x50x40xi32, #tpu.memory_space<hbm>> -> memref<1x1x50x40xi32, #tpu.memory_space<hbm>>
      %dma_wait3A_233 = tpu.memref_squeeze %dma_wait3A_232 : memref<1x1x50x40xi32, #tpu.memory_space<hbm>> -> memref<50x40xi32, #tpu.memory_space<hbm>>
      %dma_wait3A_234 = arith.constant 0 : i32
      %dma_wait3A_235 = arith.constant 0 : i32
      %dma_wait3A_236 = tpu.memref_slice %arg3[%add3A, %run_scoped3A, %dma_wait3A_234, %dma_wait3A_235] : memref<32x5x50x40xi32, #tpu.memory_space<hbm>> -> memref<1x1x50x40xi32, #tpu.memory_space<hbm>>
      %dma_wait3A_237 = tpu.memref_squeeze %dma_wait3A_236 : memref<1x1x50x40xi32, #tpu.memory_space<hbm>> -> memref<50x40xi32, #tpu.memory_space<hbm>>
      tpu.wait_dma2 semaphore(%run_scoped3A_222 : memref<!tpu.dma_semaphore, #tpu.memory_space<semaphore_mem>>) src(%dma_wait3A_237 : memref<50x40xi32, #tpu.memory_space<hbm>>) dst(%arg7 : memref<50x40xi32, #tpu.memory_space<vmem>>)
      tpu.yield
    }) : () -> ()
    %run_scoped3A_7 = arith.constant 0 : i32
    "tpu.region"() ({
      %run_scoped3A_222 = tpu.sem_alloc : memref<!tpu.dma_semaphore, #tpu.memory_space<semaphore_mem>>
      %dma_start3A_223 = arith.constant 0 : i32
      %dma_start3A_224 = arith.constant 0 : i32
      %dma_start3A_225 = tpu.memref_slice %arg4[%add3A, %run_scoped3A_7, %dma_start3A_223, %dma_start3A_224] : memref<32x5x50x40xi32, #tpu.memory_space<hbm>> -> memref<1x1x50x40xi32, #tpu.memory_space<hbm>>
      %dma_start3A_226 = tpu.memref_squeeze %dma_start3A_225 : memref<1x1x50x40xi32, #tpu.memory_space<hbm>> -> memref<50x40xi32, #tpu.memory_space<hbm>>
      %dma_start3A_227 = arith.constant 0 : i32
      %dma_start3A_228 = arith.constant 0 : i32
      %dma_start3A_229 = tpu.memref_slice %arg4[%add3A, %run_scoped3A_7, %dma_start3A_227, %dma_start3A_228] : memref<32x5x50x40xi32, #tpu.memory_space<hbm>> -> memref<1x1x50x40xi32, #tpu.memory_space<hbm>>
      %dma_start3A_230 = tpu.memref_squeeze %dma_start3A_229 : memref<1x1x50x40xi32, #tpu.memory_space<hbm>> -> memref<50x40xi32, #tpu.memory_space<hbm>>
      tpu.enqueue_dma source(%dma_start3A_230 : memref<50x40xi32, #tpu.memory_space<hbm>>) target(%arg8 : memref<50x40xi32, #tpu.memory_space<vmem>>) target_semaphore(%run_scoped3A_222 : memref<!tpu.dma_semaphore, #tpu.memory_space<semaphore_mem>>)
      %dma_wait3A = arith.constant 0 : i32
      %dma_wait3A_231 = arith.constant 0 : i32
      %dma_wait3A_232 = tpu.memref_slice %arg4[%add3A, %run_scoped3A_7, %dma_wait3A, %dma_wait3A_231] : memref<32x5x50x40xi32, #tpu.memory_space<hbm>> -> memref<1x1x50x40xi32, #tpu.memory_space<hbm>>
      %dma_wait3A_233 = tpu.memref_squeeze %dma_wait3A_232 : memref<1x1x50x40xi32, #tpu.memory_space<hbm>> -> memref<50x40xi32, #tpu.memory_space<hbm>>
      %dma_wait3A_234 = arith.constant 0 : i32
      %dma_wait3A_235 = arith.constant 0 : i32
      %dma_wait3A_236 = tpu.memref_slice %arg4[%add3A, %run_scoped3A_7, %dma_wait3A_234, %dma_wait3A_235] : memref<32x5x50x40xi32, #tpu.memory_space<hbm>> -> memref<1x1x50x40xi32, #tpu.memory_space<hbm>>
      %dma_wait3A_237 = tpu.memref_squeeze %dma_wait3A_236 : memref<1x1x50x40xi32, #tpu.memory_space<hbm>> -> memref<50x40xi32, #tpu.memory_space<hbm>>
      tpu.wait_dma2 semaphore(%run_scoped3A_222 : memref<!tpu.dma_semaphore, #tpu.memory_space<semaphore_mem>>) src(%dma_wait3A_237 : memref<50x40xi32, #tpu.memory_space<hbm>>) dst(%arg8 : memref<50x40xi32, #tpu.memory_space<vmem>>)
      tpu.yield
    }) : () -> ()
    %dma_start3A = arith.constant 0 : i32
    %dma_start3A_8 = arith.constant 0 : i32
    %dma_start3A_9 = tpu.memref_slice %arg7[%dma_start3A, %dma_start3A_8] : memref<50x40xi32, #tpu.memory_space<vmem>> -> memref<1x40xi32, #tpu.memory_space<vmem>>
    %dma_start3A_10 = tpu.memref_squeeze %dma_start3A_9 : memref<1x40xi32, #tpu.memory_space<vmem>> -> memref<40xi32, #tpu.memory_space<vmem>>
    %dma_start3A_11 = arith.constant 0 : i32
    %dma_start3A_12 = arith.constant 0 : i32
    %dma_start3A_13 = tpu.memref_slice %arg2[%dma_start3A_11, %dma_start3A_12] : memref<10000x128xf32, #tpu.memory_space<hbm>> -> memref<10000x128xf32, #tpu.memory_space<hbm>>
    tpu.enqueue_indirect_dma source(%dma_start3A_13 : memref<10000x128xf32, #tpu.memory_space<hbm>>) target(%arg9 : memref<40x128xf32, #tpu.memory_space<vmem>>) offsets(%dma_start3A_10 : memref<40xi32, #tpu.memory_space<vmem>>) semaphore(%arg14 : memref<!tpu.dma_semaphore, #tpu.memory_space<semaphore_mem>>)
    %dma_start3A_14 = arith.constant 1 : i32
    %dma_start3A_15 = arith.constant 0 : i32
    %dma_start3A_16 = tpu.memref_slice %arg7[%dma_start3A_14, %dma_start3A_15] : memref<50x40xi32, #tpu.memory_space<vmem>> -> memref<1x40xi32, #tpu.memory_space<vmem>>
    %dma_start3A_17 = tpu.memref_squeeze %dma_start3A_16 : memref<1x40xi32, #tpu.memory_space<vmem>> -> memref<40xi32, #tpu.memory_space<vmem>>
    %dma_start3A_18 = arith.constant 0 : i32
    %dma_start3A_19 = arith.constant 0 : i32
    %dma_start3A_20 = tpu.memref_slice %arg2[%dma_start3A_18, %dma_start3A_19] : memref<10000x128xf32, #tpu.memory_space<hbm>> -> memref<10000x128xf32, #tpu.memory_space<hbm>>
    tpu.enqueue_indirect_dma source(%dma_start3A_20 : memref<10000x128xf32, #tpu.memory_space<hbm>>) target(%arg10 : memref<40x128xf32, #tpu.memory_space<vmem>>) offsets(%dma_start3A_17 : memref<40xi32, #tpu.memory_space<vmem>>) semaphore(%arg15 : memref<!tpu.dma_semaphore, #tpu.memory_space<semaphore_mem>>)
    %dma_start3A_21 = arith.constant 2 : i32
    %dma_start3A_22 = arith.constant 0 : i32
    %dma_start3A_23 = tpu.memref_slice %arg7[%dma_start3A_21, %dma_start3A_22] : memref<50x40xi32, #tpu.memory_space<vmem>> -> memref<1x40xi32, #tpu.memory_space<vmem>>
    %dma_start3A_24 = tpu.memref_squeeze %dma_start3A_23 : memref<1x40xi32, #tpu.memory_space<vmem>> -> memref<40xi32, #tpu.memory_space<vmem>>
    %dma_start3A_25 = arith.constant 0 : i32
    %dma_start3A_26 = arith.constant 0 : i32
    %dma_start3A_27 = tpu.memref_slice %arg2[%dma_start3A_25, %dma_start3A_26] : memref<10000x128xf32, #tpu.memory_space<hbm>> -> memref<10000x128xf32, #tpu.memory_space<hbm>>
    tpu.enqueue_indirect_dma source(%dma_start3A_27 : memref<10000x128xf32, #tpu.memory_space<hbm>>) target(%arg11 : memref<40x128xf32, #tpu.memory_space<vmem>>) offsets(%dma_start3A_24 : memref<40xi32, #tpu.memory_space<vmem>>) semaphore(%arg16 : memref<!tpu.dma_semaphore, #tpu.memory_space<semaphore_mem>>)
    %dma_start3A_28 = arith.constant 3 : i32
    %dma_start3A_29 = arith.constant 0 : i32
    %dma_start3A_30 = tpu.memref_slice %arg7[%dma_start3A_28, %dma_start3A_29] : memref<50x40xi32, #tpu.memory_space<vmem>> -> memref<1x40xi32, #tpu.memory_space<vmem>>
    %dma_start3A_31 = tpu.memref_squeeze %dma_start3A_30 : memref<1x40xi32, #tpu.memory_space<vmem>> -> memref<40xi32, #tpu.memory_space<vmem>>
    %dma_start3A_32 = arith.constant 0 : i32
    %dma_start3A_33 = arith.constant 0 : i32
    %dma_start3A_34 = tpu.memref_slice %arg2[%dma_start3A_32, %dma_start3A_33] : memref<10000x128xf32, #tpu.memory_space<hbm>> -> memref<10000x128xf32, #tpu.memory_space<hbm>>
    tpu.enqueue_indirect_dma source(%dma_start3A_34 : memref<10000x128xf32, #tpu.memory_space<hbm>>) target(%arg12 : memref<40x128xf32, #tpu.memory_space<vmem>>) offsets(%dma_start3A_31 : memref<40xi32, #tpu.memory_space<vmem>>) semaphore(%arg17 : memref<!tpu.dma_semaphore, #tpu.memory_space<semaphore_mem>>)
    %dma_start3A_35 = arith.constant 4 : i32
    %dma_start3A_36 = arith.constant 0 : i32
    %dma_start3A_37 = tpu.memref_slice %arg7[%dma_start3A_35, %dma_start3A_36] : memref<50x40xi32, #tpu.memory_space<vmem>> -> memref<1x40xi32, #tpu.memory_space<vmem>>
    %dma_start3A_38 = tpu.memref_squeeze %dma_start3A_37 : memref<1x40xi32, #tpu.memory_space<vmem>> -> memref<40xi32, #tpu.memory_space<vmem>>
    %dma_start3A_39 = arith.constant 0 : i32
    %dma_start3A_40 = arith.constant 0 : i32
    %dma_start3A_41 = tpu.memref_slice %arg2[%dma_start3A_39, %dma_start3A_40] : memref<10000x128xf32, #tpu.memory_space<hbm>> -> memref<10000x128xf32, #tpu.memory_space<hbm>>
    tpu.enqueue_indirect_dma source(%dma_start3A_41 : memref<10000x128xf32, #tpu.memory_space<hbm>>) target(%arg13 : memref<40x128xf32, #tpu.memory_space<vmem>>) offsets(%dma_start3A_38 : memref<40xi32, #tpu.memory_space<vmem>>) semaphore(%arg18 : memref<!tpu.dma_semaphore, #tpu.memory_space<semaphore_mem>>)
    %scan3A = arith.constant 0 : i32
    %scan3A_42 = arith.constant 10 : i32
    %scan3A_43 = arith.addi %scan3A, %scan3A_42 : i32
    %scan3A_44 = arith.constant 1 : i32
    scf.for %scan3A_222 = %scan3A to %scan3A_43 step %scan3A_44  : i32 {
      %mul3A_223 = arith.constant 1 : i32
      %mul3A_224 = arith.muli %scan3A_222, %mul3A_223 : i32
      %add3A_225 = arith.constant 0 : i32
      %add3A_226 = arith.addi %add3A_225, %mul3A_224 : i32
      %mul3A_227 = arith.constant 5 : i32
      %mul3A_228 = arith.muli %add3A_226, %mul3A_227 : i32
      %add3A_229 = arith.constant 0 : i32
      %add3A_230 = arith.addi %mul3A_228, %add3A_229 : i32
      %dma_wait3A = arith.constant 0 : i32
      %dma_wait3A_231 = tpu.memref_slice %arg7[%add3A_230, %dma_wait3A] : memref<50x40xi32, #tpu.memory_space<vmem>> -> memref<1x40xi32, #tpu.memory_space<vmem>>
      %dma_wait3A_232 = tpu.memref_squeeze %dma_wait3A_231 : memref<1x40xi32, #tpu.memory_space<vmem>> -> memref<40xi32, #tpu.memory_space<vmem>>
      %dma_wait3A_233 = arith.constant 0 : i32
      %dma_wait3A_234 = arith.constant 0 : i32
      %dma_wait3A_235 = tpu.memref_slice %arg2[%dma_wait3A_233, %dma_wait3A_234] : memref<10000x128xf32, #tpu.memory_space<hbm>> -> memref<10000x128xf32, #tpu.memory_space<hbm>>
      tpu.wait_indirect_dma semaphore(%arg14 : memref<!tpu.dma_semaphore, #tpu.memory_space<semaphore_mem>>) src(%dma_wait3A_235 : memref<10000x128xf32, #tpu.memory_space<hbm>>) dst(%arg9 : memref<40x128xf32, #tpu.memory_space<vmem>>)
      %add3A_236 = arith.constant 0 : i32
      %add3A_237 = arith.addi %mul3A_228, %add3A_236 : i32
      "tpu.region"() ({
        %run_scoped3A_312 = tpu.sem_alloc : memref<!tpu.dma_semaphore, #tpu.memory_space<semaphore_mem>>
        %dma_start3A_313 = arith.constant 0 : i32
        %dma_start3A_314 = tpu.memref_slice %arg8[%add3A_237, %dma_start3A_313] : memref<50x40xi32, #tpu.memory_space<vmem>> -> memref<1x40xi32, #tpu.memory_space<vmem>>
        %dma_start3A_315 = tpu.memref_squeeze %dma_start3A_314 : memref<1x40xi32, #tpu.memory_space<vmem>> -> memref<40xi32, #tpu.memory_space<vmem>>
        %dma_start3A_316 = arith.constant 0 : i32
        %dma_start3A_317 = arith.constant 0 : i32
        %dma_start3A_318 = tpu.memref_slice %arg19[%dma_start3A_316, %dma_start3A_317] : memref<10000x128xf32, #tpu.memory_space<vmem_shared>> -> memref<10000x128xf32, #tpu.memory_space<vmem_shared>>
        tpu.enqueue_indirect_dma source(%arg9 : memref<40x128xf32, #tpu.memory_space<vmem>>) target(%dma_start3A_318 : memref<10000x128xf32, #tpu.memory_space<vmem_shared>>) offsets(%dma_start3A_315 : memref<40xi32, #tpu.memory_space<vmem>>) semaphore(%run_scoped3A_312 : memref<!tpu.dma_semaphore, #tpu.memory_space<semaphore_mem>>) {add = true}
        %dma_wait3A_319 = arith.constant 0 : i32
        %dma_wait3A_320 = tpu.memref_slice %arg8[%add3A_237, %dma_wait3A_319] : memref<50x40xi32, #tpu.memory_space<vmem>> -> memref<1x40xi32, #tpu.memory_space<vmem>>
        %dma_wait3A_321 = tpu.memref_squeeze %dma_wait3A_320 : memref<1x40xi32, #tpu.memory_space<vmem>> -> memref<40xi32, #tpu.memory_space<vmem>>
        %dma_wait3A_322 = arith.constant 0 : i32
        %dma_wait3A_323 = arith.constant 0 : i32
        %dma_wait3A_324 = tpu.memref_slice %arg19[%dma_wait3A_322, %dma_wait3A_323] : memref<10000x128xf32, #tpu.memory_space<vmem_shared>> -> memref<10000x128xf32, #tpu.memory_space<vmem_shared>>
        tpu.wait_indirect_dma semaphore(%run_scoped3A_312 : memref<!tpu.dma_semaphore, #tpu.memory_space<semaphore_mem>>) src(%arg9 : memref<40x128xf32, #tpu.memory_space<vmem>>) dst(%dma_wait3A_324 : memref<10000x128xf32, #tpu.memory_space<vmem_shared>>)
        tpu.yield
      }) : () -> ()
      %add3A_238 = arith.constant 1 : i32
      %add3A_239 = arith.addi %add3A_226, %add3A_238 : i32
      %lt3A = arith.constant 10 : i32
      %lt3A_240 = arith.cmpi slt, %add3A_239, %lt3A : i32
      %convert_element_type3A_241 = arith.extui %lt3A_240 : i1 to i32
      %cond3A_242 = arith.constant 0 : i32
      %cond3A_243 = arith.cmpi ne, %convert_element_type3A_241, %cond3A_242 : i32
      scf.if %cond3A_243 {
        %add3A_312 = arith.constant 5 : i32
        %add3A_313 = arith.addi %mul3A_228, %add3A_312 : i32
        %add3A_314 = arith.constant 0 : i32
        %add3A_315 = arith.addi %add3A_313, %add3A_314 : i32
        %dma_start3A_316 = arith.constant 0 : i32
        %dma_start3A_317 = tpu.memref_slice %arg7[%add3A_315, %dma_start3A_316] : memref<50x40xi32, #tpu.memory_space<vmem>> -> memref<1x40xi32, #tpu.memory_space<vmem>>
        %dma_start3A_318 = tpu.memref_squeeze %dma_start3A_317 : memref<1x40xi32, #tpu.memory_space<vmem>> -> memref<40xi32, #tpu.memory_space<vmem>>
        %dma_start3A_319 = arith.constant 0 : i32
        %dma_start3A_320 = arith.constant 0 : i32
        %dma_start3A_321 = tpu.memref_slice %arg2[%dma_start3A_319, %dma_start3A_320] : memref<10000x128xf32, #tpu.memory_space<hbm>> -> memref<10000x128xf32, #tpu.memory_space<hbm>>
        tpu.enqueue_indirect_dma source(%dma_start3A_321 : memref<10000x128xf32, #tpu.memory_space<hbm>>) target(%arg9 : memref<40x128xf32, #tpu.memory_space<vmem>>) offsets(%dma_start3A_318 : memref<40xi32, #tpu.memory_space<vmem>>) semaphore(%arg14 : memref<!tpu.dma_semaphore, #tpu.memory_space<semaphore_mem>>)
      } else {
      }
      %add3A_244 = arith.constant 1 : i32
      %add3A_245 = arith.addi %mul3A_228, %add3A_244 : i32
      %dma_wait3A_246 = arith.constant 0 : i32
      %dma_wait3A_247 = tpu.memref_slice %arg7[%add3A_245, %dma_wait3A_246] : memref<50x40xi32, #tpu.memory_space<vmem>> -> memref<1x40xi32, #tpu.memory_space<vmem>>
      %dma_wait3A_248 = tpu.memref_squeeze %dma_wait3A_247 : memref<1x40xi32, #tpu.memory_space<vmem>> -> memref<40xi32, #tpu.memory_space<vmem>>
      %dma_wait3A_249 = arith.constant 0 : i32
      %dma_wait3A_250 = arith.constant 0 : i32
      %dma_wait3A_251 = tpu.memref_slice %arg2[%dma_wait3A_249, %dma_wait3A_250] : memref<10000x128xf32, #tpu.memory_space<hbm>> -> memref<10000x128xf32, #tpu.memory_space<hbm>>
      tpu.wait_indirect_dma semaphore(%arg15 : memref<!tpu.dma_semaphore, #tpu.memory_space<semaphore_mem>>) src(%dma_wait3A_251 : memref<10000x128xf32, #tpu.memory_space<hbm>>) dst(%arg10 : memref<40x128xf32, #tpu.memory_space<vmem>>)
      %add3A_252 = arith.constant 1 : i32
      %add3A_253 = arith.addi %mul3A_228, %add3A_252 : i32
      "tpu.region"() ({
        %run_scoped3A_312 = tpu.sem_alloc : memref<!tpu.dma_semaphore, #tpu.memory_space<semaphore_mem>>
        %dma_start3A_313 = arith.constant 0 : i32
        %dma_start3A_314 = tpu.memref_slice %arg8[%add3A_253, %dma_start3A_313] : memref<50x40xi32, #tpu.memory_space<vmem>> -> memref<1x40xi32, #tpu.memory_space<vmem>>
        %dma_start3A_315 = tpu.memref_squeeze %dma_start3A_314 : memref<1x40xi32, #tpu.memory_space<vmem>> -> memref<40xi32, #tpu.memory_space<vmem>>
        %dma_start3A_316 = arith.constant 0 : i32
        %dma_start3A_317 = arith.constant 0 : i32
        %dma_start3A_318 = tpu.memref_slice %arg19[%dma_start3A_316, %dma_start3A_317] : memref<10000x128xf32, #tpu.memory_space<vmem_shared>> -> memref<10000x128xf32, #tpu.memory_space<vmem_shared>>
        tpu.enqueue_indirect_dma source(%arg10 : memref<40x128xf32, #tpu.memory_space<vmem>>) target(%dma_start3A_318 : memref<10000x128xf32, #tpu.memory_space<vmem_shared>>) offsets(%dma_start3A_315 : memref<40xi32, #tpu.memory_space<vmem>>) semaphore(%run_scoped3A_312 : memref<!tpu.dma_semaphore, #tpu.memory_space<semaphore_mem>>) {add = true}
        %dma_wait3A_319 = arith.constant 0 : i32
        %dma_wait3A_320 = tpu.memref_slice %arg8[%add3A_253, %dma_wait3A_319] : memref<50x40xi32, #tpu.memory_space<vmem>> -> memref<1x40xi32, #tpu.memory_space<vmem>>
        %dma_wait3A_321 = tpu.memref_squeeze %dma_wait3A_320 : memref<1x40xi32, #tpu.memory_space<vmem>> -> memref<40xi32, #tpu.memory_space<vmem>>
        %dma_wait3A_322 = arith.constant 0 : i32
        %dma_wait3A_323 = arith.constant 0 : i32
        %dma_wait3A_324 = tpu.memref_slice %arg19[%dma_wait3A_322, %dma_wait3A_323] : memref<10000x128xf32, #tpu.memory_space<vmem_shared>> -> memref<10000x128xf32, #tpu.memory_space<vmem_shared>>
        tpu.wait_indirect_dma semaphore(%run_scoped3A_312 : memref<!tpu.dma_semaphore, #tpu.memory_space<semaphore_mem>>) src(%arg10 : memref<40x128xf32, #tpu.memory_space<vmem>>) dst(%dma_wait3A_324 : memref<10000x128xf32, #tpu.memory_space<vmem_shared>>)
        tpu.yield
      }) : () -> ()
      %add3A_254 = arith.constant 1 : i32
      %add3A_255 = arith.addi %add3A_226, %add3A_254 : i32
      %lt3A_256 = arith.constant 10 : i32
      %lt3A_257 = arith.cmpi slt, %add3A_255, %lt3A_256 : i32
      %convert_element_type3A_258 = arith.extui %lt3A_257 : i1 to i32
      %cond3A_259 = arith.constant 0 : i32
      %cond3A_260 = arith.cmpi ne, %convert_element_type3A_258, %cond3A_259 : i32
      scf.if %cond3A_260 {
        %add3A_312 = arith.constant 5 : i32
        %add3A_313 = arith.addi %mul3A_228, %add3A_312 : i32
        %add3A_314 = arith.constant 1 : i32
        %add3A_315 = arith.addi %add3A_313, %add3A_314 : i32
        %dma_start3A_316 = arith.constant 0 : i32
        %dma_start3A_317 = tpu.memref_slice %arg7[%add3A_315, %dma_start3A_316] : memref<50x40xi32, #tpu.memory_space<vmem>> -> memref<1x40xi32, #tpu.memory_space<vmem>>
        %dma_start3A_318 = tpu.memref_squeeze %dma_start3A_317 : memref<1x40xi32, #tpu.memory_space<vmem>> -> memref<40xi32, #tpu.memory_space<vmem>>
        %dma_start3A_319 = arith.constant 0 : i32
        %dma_start3A_320 = arith.constant 0 : i32
        %dma_start3A_321 = tpu.memref_slice %arg2[%dma_start3A_319, %dma_start3A_320] : memref<10000x128xf32, #tpu.memory_space<hbm>> -> memref<10000x128xf32, #tpu.memory_space<hbm>>
        tpu.enqueue_indirect_dma source(%dma_start3A_321 : memref<10000x128xf32, #tpu.memory_space<hbm>>) target(%arg10 : memref<40x128xf32, #tpu.memory_space<vmem>>) offsets(%dma_start3A_318 : memref<40xi32, #tpu.memory_space<vmem>>) semaphore(%arg15 : memref<!tpu.dma_semaphore, #tpu.memory_space<semaphore_mem>>)
      } else {
      }
      %add3A_261 = arith.constant 2 : i32
      %add3A_262 = arith.addi %mul3A_228, %add3A_261 : i32
      %dma_wait3A_263 = arith.constant 0 : i32
      %dma_wait3A_264 = tpu.memref_slice %arg7[%add3A_262, %dma_wait3A_263] : memref<50x40xi32, #tpu.memory_space<vmem>> -> memref<1x40xi32, #tpu.memory_space<vmem>>
      %dma_wait3A_265 = tpu.memref_squeeze %dma_wait3A_264 : memref<1x40xi32, #tpu.memory_space<vmem>> -> memref<40xi32, #tpu.memory_space<vmem>>
      %dma_wait3A_266 = arith.constant 0 : i32
      %dma_wait3A_267 = arith.constant 0 : i32
      %dma_wait3A_268 = tpu.memref_slice %arg2[%dma_wait3A_266, %dma_wait3A_267] : memref<10000x128xf32, #tpu.memory_space<hbm>> -> memref<10000x128xf32, #tpu.memory_space<hbm>>
      tpu.wait_indirect_dma semaphore(%arg16 : memref<!tpu.dma_semaphore, #tpu.memory_space<semaphore_mem>>) src(%dma_wait3A_268 : memref<10000x128xf32, #tpu.memory_space<hbm>>) dst(%arg11 : memref<40x128xf32, #tpu.memory_space<vmem>>)
      %add3A_269 = arith.constant 2 : i32
      %add3A_270 = arith.addi %mul3A_228, %add3A_269 : i32
      "tpu.region"() ({
        %run_scoped3A_312 = tpu.sem_alloc : memref<!tpu.dma_semaphore, #tpu.memory_space<semaphore_mem>>
        %dma_start3A_313 = arith.constant 0 : i32
        %dma_start3A_314 = tpu.memref_slice %arg8[%add3A_270, %dma_start3A_313] : memref<50x40xi32, #tpu.memory_space<vmem>> -> memref<1x40xi32, #tpu.memory_space<vmem>>
        %dma_start3A_315 = tpu.memref_squeeze %dma_start3A_314 : memref<1x40xi32, #tpu.memory_space<vmem>> -> memref<40xi32, #tpu.memory_space<vmem>>
        %dma_start3A_316 = arith.constant 0 : i32
        %dma_start3A_317 = arith.constant 0 : i32
        %dma_start3A_318 = tpu.memref_slice %arg19[%dma_start3A_316, %dma_start3A_317] : memref<10000x128xf32, #tpu.memory_space<vmem_shared>> -> memref<10000x128xf32, #tpu.memory_space<vmem_shared>>
        tpu.enqueue_indirect_dma source(%arg11 : memref<40x128xf32, #tpu.memory_space<vmem>>) target(%dma_start3A_318 : memref<10000x128xf32, #tpu.memory_space<vmem_shared>>) offsets(%dma_start3A_315 : memref<40xi32, #tpu.memory_space<vmem>>) semaphore(%run_scoped3A_312 : memref<!tpu.dma_semaphore, #tpu.memory_space<semaphore_mem>>) {add = true}
        %dma_wait3A_319 = arith.constant 0 : i32
        %dma_wait3A_320 = tpu.memref_slice %arg8[%add3A_270, %dma_wait3A_319] : memref<50x40xi32, #tpu.memory_space<vmem>> -> memref<1x40xi32, #tpu.memory_space<vmem>>
        %dma_wait3A_321 = tpu.memref_squeeze %dma_wait3A_320 : memref<1x40xi32, #tpu.memory_space<vmem>> -> memref<40xi32, #tpu.memory_space<vmem>>
        %dma_wait3A_322 = arith.constant 0 : i32
        %dma_wait3A_323 = arith.constant 0 : i32
        %dma_wait3A_324 = tpu.memref_slice %arg19[%dma_wait3A_322, %dma_wait3A_323] : memref<10000x128xf32, #tpu.memory_space<vmem_shared>> -> memref<10000x128xf32, #tpu.memory_space<vmem_shared>>
        tpu.wait_indirect_dma semaphore(%run_scoped3A_312 : memref<!tpu.dma_semaphore, #tpu.memory_space<semaphore_mem>>) src(%arg11 : memref<40x128xf32, #tpu.memory_space<vmem>>) dst(%dma_wait3A_324 : memref<10000x128xf32, #tpu.memory_space<vmem_shared>>)
        tpu.yield
      }) : () -> ()
      %add3A_271 = arith.constant 1 : i32
      %add3A_272 = arith.addi %add3A_226, %add3A_271 : i32
      %lt3A_273 = arith.constant 10 : i32
      %lt3A_274 = arith.cmpi slt, %add3A_272, %lt3A_273 : i32
      %convert_element_type3A_275 = arith.extui %lt3A_274 : i1 to i32
      %cond3A_276 = arith.constant 0 : i32
      %cond3A_277 = arith.cmpi ne, %convert_element_type3A_275, %cond3A_276 : i32
      scf.if %cond3A_277 {
        %add3A_312 = arith.constant 5 : i32
        %add3A_313 = arith.addi %mul3A_228, %add3A_312 : i32
        %add3A_314 = arith.constant 2 : i32
        %add3A_315 = arith.addi %add3A_313, %add3A_314 : i32
        %dma_start3A_316 = arith.constant 0 : i32
        %dma_start3A_317 = tpu.memref_slice %arg7[%add3A_315, %dma_start3A_316] : memref<50x40xi32, #tpu.memory_space<vmem>> -> memref<1x40xi32, #tpu.memory_space<vmem>>
        %dma_start3A_318 = tpu.memref_squeeze %dma_start3A_317 : memref<1x40xi32, #tpu.memory_space<vmem>> -> memref<40xi32, #tpu.memory_space<vmem>>
        %dma_start3A_319 = arith.constant 0 : i32
        %dma_start3A_320 = arith.constant 0 : i32
        %dma_start3A_321 = tpu.memref_slice %arg2[%dma_start3A_319, %dma_start3A_320] : memref<10000x128xf32, #tpu.memory_space<hbm>> -> memref<10000x128xf32, #tpu.memory_space<hbm>>
        tpu.enqueue_indirect_dma source(%dma_start3A_321 : memref<10000x128xf32, #tpu.memory_space<hbm>>) target(%arg11 : memref<40x128xf32, #tpu.memory_space<vmem>>) offsets(%dma_start3A_318 : memref<40xi32, #tpu.memory_space<vmem>>) semaphore(%arg16 : memref<!tpu.dma_semaphore, #tpu.memory_space<semaphore_mem>>)
      } else {
      }
      %add3A_278 = arith.constant 3 : i32
      %add3A_279 = arith.addi %mul3A_228, %add3A_278 : i32
      %dma_wait3A_280 = arith.constant 0 : i32
      %dma_wait3A_281 = tpu.memref_slice %arg7[%add3A_279, %dma_wait3A_280] : memref<50x40xi32, #tpu.memory_space<vmem>> -> memref<1x40xi32, #tpu.memory_space<vmem>>
      %dma_wait3A_282 = tpu.memref_squeeze %dma_wait3A_281 : memref<1x40xi32, #tpu.memory_space<vmem>> -> memref<40xi32, #tpu.memory_space<vmem>>
      %dma_wait3A_283 = arith.constant 0 : i32
      %dma_wait3A_284 = arith.constant 0 : i32
      %dma_wait3A_285 = tpu.memref_slice %arg2[%dma_wait3A_283, %dma_wait3A_284] : memref<10000x128xf32, #tpu.memory_space<hbm>> -> memref<10000x128xf32, #tpu.memory_space<hbm>>
      tpu.wait_indirect_dma semaphore(%arg17 : memref<!tpu.dma_semaphore, #tpu.memory_space<semaphore_mem>>) src(%dma_wait3A_285 : memref<10000x128xf32, #tpu.memory_space<hbm>>) dst(%arg12 : memref<40x128xf32, #tpu.memory_space<vmem>>)
      %add3A_286 = arith.constant 3 : i32
      %add3A_287 = arith.addi %mul3A_228, %add3A_286 : i32
      "tpu.region"() ({
        %run_scoped3A_312 = tpu.sem_alloc : memref<!tpu.dma_semaphore, #tpu.memory_space<semaphore_mem>>
        %dma_start3A_313 = arith.constant 0 : i32
        %dma_start3A_314 = tpu.memref_slice %arg8[%add3A_287, %dma_start3A_313] : memref<50x40xi32, #tpu.memory_space<vmem>> -> memref<1x40xi32, #tpu.memory_space<vmem>>
        %dma_start3A_315 = tpu.memref_squeeze %dma_start3A_314 : memref<1x40xi32, #tpu.memory_space<vmem>> -> memref<40xi32, #tpu.memory_space<vmem>>
        %dma_start3A_316 = arith.constant 0 : i32
        %dma_start3A_317 = arith.constant 0 : i32
        %dma_start3A_318 = tpu.memref_slice %arg19[%dma_start3A_316, %dma_start3A_317] : memref<10000x128xf32, #tpu.memory_space<vmem_shared>> -> memref<10000x128xf32, #tpu.memory_space<vmem_shared>>
        tpu.enqueue_indirect_dma source(%arg12 : memref<40x128xf32, #tpu.memory_space<vmem>>) target(%dma_start3A_318 : memref<10000x128xf32, #tpu.memory_space<vmem_shared>>) offsets(%dma_start3A_315 : memref<40xi32, #tpu.memory_space<vmem>>) semaphore(%run_scoped3A_312 : memref<!tpu.dma_semaphore, #tpu.memory_space<semaphore_mem>>) {add = true}
        %dma_wait3A_319 = arith.constant 0 : i32
        %dma_wait3A_320 = tpu.memref_slice %arg8[%add3A_287, %dma_wait3A_319] : memref<50x40xi32, #tpu.memory_space<vmem>> -> memref<1x40xi32, #tpu.memory_space<vmem>>
        %dma_wait3A_321 = tpu.memref_squeeze %dma_wait3A_320 : memref<1x40xi32, #tpu.memory_space<vmem>> -> memref<40xi32, #tpu.memory_space<vmem>>
        %dma_wait3A_322 = arith.constant 0 : i32
        %dma_wait3A_323 = arith.constant 0 : i32
        %dma_wait3A_324 = tpu.memref_slice %arg19[%dma_wait3A_322, %dma_wait3A_323] : memref<10000x128xf32, #tpu.memory_space<vmem_shared>> -> memref<10000x128xf32, #tpu.memory_space<vmem_shared>>
        tpu.wait_indirect_dma semaphore(%run_scoped3A_312 : memref<!tpu.dma_semaphore, #tpu.memory_space<semaphore_mem>>) src(%arg12 : memref<40x128xf32, #tpu.memory_space<vmem>>) dst(%dma_wait3A_324 : memref<10000x128xf32, #tpu.memory_space<vmem_shared>>)
        tpu.yield
      }) : () -> ()
      %add3A_288 = arith.constant 1 : i32
      %add3A_289 = arith.addi %add3A_226, %add3A_288 : i32
      %lt3A_290 = arith.constant 10 : i32
      %lt3A_291 = arith.cmpi slt, %add3A_289, %lt3A_290 : i32
      %convert_element_type3A_292 = arith.extui %lt3A_291 : i1 to i32
      %cond3A_293 = arith.constant 0 : i32
      %cond3A_294 = arith.cmpi ne, %convert_element_type3A_292, %cond3A_293 : i32
      scf.if %cond3A_294 {
        %add3A_312 = arith.constant 5 : i32
        %add3A_313 = arith.addi %mul3A_228, %add3A_312 : i32
        %add3A_314 = arith.constant 3 : i32
        %add3A_315 = arith.addi %add3A_313, %add3A_314 : i32
        %dma_start3A_316 = arith.constant 0 : i32
        %dma_start3A_317 = tpu.memref_slice %arg7[%add3A_315, %dma_start3A_316] : memref<50x40xi32, #tpu.memory_space<vmem>> -> memref<1x40xi32, #tpu.memory_space<vmem>>
        %dma_start3A_318 = tpu.memref_squeeze %dma_start3A_317 : memref<1x40xi32, #tpu.memory_space<vmem>> -> memref<40xi32, #tpu.memory_space<vmem>>
        %dma_start3A_319 = arith.constant 0 : i32
        %dma_start3A_320 = arith.constant 0 : i32
        %dma_start3A_321 = tpu.memref_slice %arg2[%dma_start3A_319, %dma_start3A_320] : memref<10000x128xf32, #tpu.memory_space<hbm>> -> memref<10000x128xf32, #tpu.memory_space<hbm>>
        tpu.enqueue_indirect_dma source(%dma_start3A_321 : memref<10000x128xf32, #tpu.memory_space<hbm>>) target(%arg12 : memref<40x128xf32, #tpu.memory_space<vmem>>) offsets(%dma_start3A_318 : memref<40xi32, #tpu.memory_space<vmem>>) semaphore(%arg17 : memref<!tpu.dma_semaphore, #tpu.memory_space<semaphore_mem>>)
      } else {
      }
      %add3A_295 = arith.constant 4 : i32
      %add3A_296 = arith.addi %mul3A_228, %add3A_295 : i32
      %dma_wait3A_297 = arith.constant 0 : i32
      %dma_wait3A_298 = tpu.memref_slice %arg7[%add3A_296, %dma_wait3A_297] : memref<50x40xi32, #tpu.memory_space<vmem>> -> memref<1x40xi32, #tpu.memory_space<vmem>>
      %dma_wait3A_299 = tpu.memref_squeeze %dma_wait3A_298 : memref<1x40xi32, #tpu.memory_space<vmem>> -> memref<40xi32, #tpu.memory_space<vmem>>
      %dma_wait3A_300 = arith.constant 0 : i32
      %dma_wait3A_301 = arith.constant 0 : i32
      %dma_wait3A_302 = tpu.memref_slice %arg2[%dma_wait3A_300, %dma_wait3A_301] : memref<10000x128xf32, #tpu.memory_space<hbm>> -> memref<10000x128xf32, #tpu.memory_space<hbm>>
      tpu.wait_indirect_dma semaphore(%arg18 : memref<!tpu.dma_semaphore, #tpu.memory_space<semaphore_mem>>) src(%dma_wait3A_302 : memref<10000x128xf32, #tpu.memory_space<hbm>>) dst(%arg13 : memref<40x128xf32, #tpu.memory_space<vmem>>)
      %add3A_303 = arith.constant 4 : i32
      %add3A_304 = arith.addi %mul3A_228, %add3A_303 : i32
      "tpu.region"() ({
        %run_scoped3A_312 = tpu.sem_alloc : memref<!tpu.dma_semaphore, #tpu.memory_space<semaphore_mem>>
        %dma_start3A_313 = arith.constant 0 : i32
        %dma_start3A_314 = tpu.memref_slice %arg8[%add3A_304, %dma_start3A_313] : memref<50x40xi32, #tpu.memory_space<vmem>> -> memref<1x40xi32, #tpu.memory_space<vmem>>
        %dma_start3A_315 = tpu.memref_squeeze %dma_start3A_314 : memref<1x40xi32, #tpu.memory_space<vmem>> -> memref<40xi32, #tpu.memory_space<vmem>>
        %dma_start3A_316 = arith.constant 0 : i32
        %dma_start3A_317 = arith.constant 0 : i32
        %dma_start3A_318 = tpu.memref_slice %arg19[%dma_start3A_316, %dma_start3A_317] : memref<10000x128xf32, #tpu.memory_space<vmem_shared>> -> memref<10000x128xf32, #tpu.memory_space<vmem_shared>>
        tpu.enqueue_indirect_dma source(%arg13 : memref<40x128xf32, #tpu.memory_space<vmem>>) target(%dma_start3A_318 : memref<10000x128xf32, #tpu.memory_space<vmem_shared>>) offsets(%dma_start3A_315 : memref<40xi32, #tpu.memory_space<vmem>>) semaphore(%run_scoped3A_312 : memref<!tpu.dma_semaphore, #tpu.memory_space<semaphore_mem>>) {add = true}
        %dma_wait3A_319 = arith.constant 0 : i32
        %dma_wait3A_320 = tpu.memref_slice %arg8[%add3A_304, %dma_wait3A_319] : memref<50x40xi32, #tpu.memory_space<vmem>> -> memref<1x40xi32, #tpu.memory_space<vmem>>
        %dma_wait3A_321 = tpu.memref_squeeze %dma_wait3A_320 : memref<1x40xi32, #tpu.memory_space<vmem>> -> memref<40xi32, #tpu.memory_space<vmem>>
        %dma_wait3A_322 = arith.constant 0 : i32
        %dma_wait3A_323 = arith.constant 0 : i32
        %dma_wait3A_324 = tpu.memref_slice %arg19[%dma_wait3A_322, %dma_wait3A_323] : memref<10000x128xf32, #tpu.memory_space<vmem_shared>> -> memref<10000x128xf32, #tpu.memory_space<vmem_shared>>
        tpu.wait_indirect_dma semaphore(%run_scoped3A_312 : memref<!tpu.dma_semaphore, #tpu.memory_space<semaphore_mem>>) src(%arg13 : memref<40x128xf32, #tpu.memory_space<vmem>>) dst(%dma_wait3A_324 : memref<10000x128xf32, #tpu.memory_space<vmem_shared>>)
        tpu.yield
      }) : () -> ()
      %add3A_305 = arith.constant 1 : i32
      %add3A_306 = arith.addi %add3A_226, %add3A_305 : i32
      %lt3A_307 = arith.constant 10 : i32
      %lt3A_308 = arith.cmpi slt, %add3A_306, %lt3A_307 : i32
      %convert_element_type3A_309 = arith.extui %lt3A_308 : i1 to i32
      %cond3A_310 = arith.constant 0 : i32
      %cond3A_311 = arith.cmpi ne, %convert_element_type3A_309, %cond3A_310 : i32
      scf.if %cond3A_311 {
        %add3A_312 = arith.constant 5 : i32
        %add3A_313 = arith.addi %mul3A_228, %add3A_312 : i32
        %add3A_314 = arith.constant 4 : i32
        %add3A_315 = arith.addi %add3A_313, %add3A_314 : i32
        %dma_start3A_316 = arith.constant 0 : i32
        %dma_start3A_317 = tpu.memref_slice %arg7[%add3A_315, %dma_start3A_316] : memref<50x40xi32, #tpu.memory_space<vmem>> -> memref<1x40xi32, #tpu.memory_space<vmem>>
        %dma_start3A_318 = tpu.memref_squeeze %dma_start3A_317 : memref<1x40xi32, #tpu.memory_space<vmem>> -> memref<40xi32, #tpu.memory_space<vmem>>
        %dma_start3A_319 = arith.constant 0 : i32
        %dma_start3A_320 = arith.constant 0 : i32
        %dma_start3A_321 = tpu.memref_slice %arg2[%dma_start3A_319, %dma_start3A_320] : memref<10000x128xf32, #tpu.memory_space<hbm>> -> memref<10000x128xf32, #tpu.memory_space<hbm>>
        tpu.enqueue_indirect_dma source(%dma_start3A_321 : memref<10000x128xf32, #tpu.memory_space<hbm>>) target(%arg13 : memref<40x128xf32, #tpu.memory_space<vmem>>) offsets(%dma_start3A_318 : memref<40xi32, #tpu.memory_space<vmem>>) semaphore(%arg18 : memref<!tpu.dma_semaphore, #tpu.memory_space<semaphore_mem>>)
      } else {
      }
    }
    %scan3A_45 = arith.constant 10 : i32
    %run_scoped3A_46 = arith.constant 1 : i32
    "tpu.region"() ({
      %run_scoped3A_222 = tpu.sem_alloc : memref<!tpu.dma_semaphore, #tpu.memory_space<semaphore_mem>>
      %dma_start3A_223 = arith.constant 0 : i32
      %dma_start3A_224 = arith.constant 0 : i32
      %dma_start3A_225 = tpu.memref_slice %arg3[%add3A, %run_scoped3A_46, %dma_start3A_223, %dma_start3A_224] : memref<32x5x50x40xi32, #tpu.memory_space<hbm>> -> memref<1x1x50x40xi32, #tpu.memory_space<hbm>>
      %dma_start3A_226 = tpu.memref_squeeze %dma_start3A_225 : memref<1x1x50x40xi32, #tpu.memory_space<hbm>> -> memref<50x40xi32, #tpu.memory_space<hbm>>
      %dma_start3A_227 = arith.constant 0 : i32
      %dma_start3A_228 = arith.constant 0 : i32
      %dma_start3A_229 = tpu.memref_slice %arg3[%add3A, %run_scoped3A_46, %dma_start3A_227, %dma_start3A_228] : memref<32x5x50x40xi32, #tpu.memory_space<hbm>> -> memref<1x1x50x40xi32, #tpu.memory_space<hbm>>
      %dma_start3A_230 = tpu.memref_squeeze %dma_start3A_229 : memref<1x1x50x40xi32, #tpu.memory_space<hbm>> -> memref<50x40xi32, #tpu.memory_space<hbm>>
      tpu.enqueue_dma source(%dma_start3A_230 : memref<50x40xi32, #tpu.memory_space<hbm>>) target(%arg7 : memref<50x40xi32, #tpu.memory_space<vmem>>) target_semaphore(%run_scoped3A_222 : memref<!tpu.dma_semaphore, #tpu.memory_space<semaphore_mem>>)
      %dma_wait3A = arith.constant 0 : i32
      %dma_wait3A_231 = arith.constant 0 : i32
      %dma_wait3A_232 = tpu.memref_slice %arg3[%add3A, %run_scoped3A_46, %dma_wait3A, %dma_wait3A_231] : memref<32x5x50x40xi32, #tpu.memory_space<hbm>> -> memref<1x1x50x40xi32, #tpu.memory_space<hbm>>
      %dma_wait3A_233 = tpu.memref_squeeze %dma_wait3A_232 : memref<1x1x50x40xi32, #tpu.memory_space<hbm>> -> memref<50x40xi32, #tpu.memory_space<hbm>>
      %dma_wait3A_234 = arith.constant 0 : i32
      %dma_wait3A_235 = arith.constant 0 : i32
      %dma_wait3A_236 = tpu.memref_slice %arg3[%add3A, %run_scoped3A_46, %dma_wait3A_234, %dma_wait3A_235] : memref<32x5x50x40xi32, #tpu.memory_space<hbm>> -> memref<1x1x50x40xi32, #tpu.memory_space<hbm>>
      %dma_wait3A_237 = tpu.memref_squeeze %dma_wait3A_236 : memref<1x1x50x40xi32, #tpu.memory_space<hbm>> -> memref<50x40xi32, #tpu.memory_space<hbm>>
      tpu.wait_dma2 semaphore(%run_scoped3A_222 : memref<!tpu.dma_semaphore, #tpu.memory_space<semaphore_mem>>) src(%dma_wait3A_237 : memref<50x40xi32, #tpu.memory_space<hbm>>) dst(%arg7 : memref<50x40xi32, #tpu.memory_space<vmem>>)
      tpu.yield
    }) : () -> ()
    %run_scoped3A_47 = arith.constant 1 : i32
    "tpu.region"() ({
      %run_scoped3A_222 = tpu.sem_alloc : memref<!tpu.dma_semaphore, #tpu.memory_space<semaphore_mem>>
      %dma_start3A_223 = arith.constant 0 : i32
      %dma_start3A_224 = arith.constant 0 : i32
      %dma_start3A_225 = tpu.memref_slice %arg4[%add3A, %run_scoped3A_47, %dma_start3A_223, %dma_start3A_224] : memref<32x5x50x40xi32, #tpu.memory_space<hbm>> -> memref<1x1x50x40xi32, #tpu.memory_space<hbm>>
      %dma_start3A_226 = tpu.memref_squeeze %dma_start3A_225 : memref<1x1x50x40xi32, #tpu.memory_space<hbm>> -> memref<50x40xi32, #tpu.memory_space<hbm>>
      %dma_start3A_227 = arith.constant 0 : i32
      %dma_start3A_228 = arith.constant 0 : i32
      %dma_start3A_229 = tpu.memref_slice %arg4[%add3A, %run_scoped3A_47, %dma_start3A_227, %dma_start3A_228] : memref<32x5x50x40xi32, #tpu.memory_space<hbm>> -> memref<1x1x50x40xi32, #tpu.memory_space<hbm>>
      %dma_start3A_230 = tpu.memref_squeeze %dma_start3A_229 : memref<1x1x50x40xi32, #tpu.memory_space<hbm>> -> memref<50x40xi32, #tpu.memory_space<hbm>>
      tpu.enqueue_dma source(%dma_start3A_230 : memref<50x40xi32, #tpu.memory_space<hbm>>) target(%arg8 : memref<50x40xi32, #tpu.memory_space<vmem>>) target_semaphore(%run_scoped3A_222 : memref<!tpu.dma_semaphore, #tpu.memory_space<semaphore_mem>>)
      %dma_wait3A = arith.constant 0 : i32
      %dma_wait3A_231 = arith.constant 0 : i32
      %dma_wait3A_232 = tpu.memref_slice %arg4[%add3A, %run_scoped3A_47, %dma_wait3A, %dma_wait3A_231] : memref<32x5x50x40xi32, #tpu.memory_space<hbm>> -> memref<1x1x50x40xi32, #tpu.memory_space<hbm>>
      %dma_wait3A_233 = tpu.memref_squeeze %dma_wait3A_232 : memref<1x1x50x40xi32, #tpu.memory_space<hbm>> -> memref<50x40xi32, #tpu.memory_space<hbm>>
      %dma_wait3A_234 = arith.constant 0 : i32
      %dma_wait3A_235 = arith.constant 0 : i32
      %dma_wait3A_236 = tpu.memref_slice %arg4[%add3A, %run_scoped3A_47, %dma_wait3A_234, %dma_wait3A_235] : memref<32x5x50x40xi32, #tpu.memory_space<hbm>> -> memref<1x1x50x40xi32, #tpu.memory_space<hbm>>
      %dma_wait3A_237 = tpu.memref_squeeze %dma_wait3A_236 : memref<1x1x50x40xi32, #tpu.memory_space<hbm>> -> memref<50x40xi32, #tpu.memory_space<hbm>>
      tpu.wait_dma2 semaphore(%run_scoped3A_222 : memref<!tpu.dma_semaphore, #tpu.memory_space<semaphore_mem>>) src(%dma_wait3A_237 : memref<50x40xi32, #tpu.memory_space<hbm>>) dst(%arg8 : memref<50x40xi32, #tpu.memory_space<vmem>>)
      tpu.yield
    }) : () -> ()
    %dma_start3A_48 = arith.constant 0 : i32
    %dma_start3A_49 = arith.constant 0 : i32
    %dma_start3A_50 = tpu.memref_slice %arg7[%dma_start3A_48, %dma_start3A_49] : memref<50x40xi32, #tpu.memory_space<vmem>> -> memref<1x40xi32, #tpu.memory_space<vmem>>
    %dma_start3A_51 = tpu.memref_squeeze %dma_start3A_50 : memref<1x40xi32, #tpu.memory_space<vmem>> -> memref<40xi32, #tpu.memory_space<vmem>>
    %dma_start3A_52 = arith.constant 0 : i32
    %dma_start3A_53 = arith.constant 0 : i32
    %dma_start3A_54 = tpu.memref_slice %arg2[%dma_start3A_52, %dma_start3A_53] : memref<10000x128xf32, #tpu.memory_space<hbm>> -> memref<10000x128xf32, #tpu.memory_space<hbm>>
    tpu.enqueue_indirect_dma source(%dma_start3A_54 : memref<10000x128xf32, #tpu.memory_space<hbm>>) target(%arg9 : memref<40x128xf32, #tpu.memory_space<vmem>>) offsets(%dma_start3A_51 : memref<40xi32, #tpu.memory_space<vmem>>) semaphore(%arg14 : memref<!tpu.dma_semaphore, #tpu.memory_space<semaphore_mem>>)
    %dma_start3A_55 = arith.constant 1 : i32
    %dma_start3A_56 = arith.constant 0 : i32
    %dma_start3A_57 = tpu.memref_slice %arg7[%dma_start3A_55, %dma_start3A_56] : memref<50x40xi32, #tpu.memory_space<vmem>> -> memref<1x40xi32, #tpu.memory_space<vmem>>
    %dma_start3A_58 = tpu.memref_squeeze %dma_start3A_57 : memref<1x40xi32, #tpu.memory_space<vmem>> -> memref<40xi32, #tpu.memory_space<vmem>>
    %dma_start3A_59 = arith.constant 0 : i32
    %dma_start3A_60 = arith.constant 0 : i32
    %dma_start3A_61 = tpu.memref_slice %arg2[%dma_start3A_59, %dma_start3A_60] : memref<10000x128xf32, #tpu.memory_space<hbm>> -> memref<10000x128xf32, #tpu.memory_space<hbm>>
    tpu.enqueue_indirect_dma source(%dma_start3A_61 : memref<10000x128xf32, #tpu.memory_space<hbm>>) target(%arg10 : memref<40x128xf32, #tpu.memory_space<vmem>>) offsets(%dma_start3A_58 : memref<40xi32, #tpu.memory_space<vmem>>) semaphore(%arg15 : memref<!tpu.dma_semaphore, #tpu.memory_space<semaphore_mem>>)
    %dma_start3A_62 = arith.constant 2 : i32
    %dma_start3A_63 = arith.constant 0 : i32
    %dma_start3A_64 = tpu.memref_slice %arg7[%dma_start3A_62, %dma_start3A_63] : memref<50x40xi32, #tpu.memory_space<vmem>> -> memref<1x40xi32, #tpu.memory_space<vmem>>
    %dma_start3A_65 = tpu.memref_squeeze %dma_start3A_64 : memref<1x40xi32, #tpu.memory_space<vmem>> -> memref<40xi32, #tpu.memory_space<vmem>>
    %dma_start3A_66 = arith.constant 0 : i32
    %dma_start3A_67 = arith.constant 0 : i32
    %dma_start3A_68 = tpu.memref_slice %arg2[%dma_start3A_66, %dma_start3A_67] : memref<10000x128xf32, #tpu.memory_space<hbm>> -> memref<10000x128xf32, #tpu.memory_space<hbm>>
    tpu.enqueue_indirect_dma source(%dma_start3A_68 : memref<10000x128xf32, #tpu.memory_space<hbm>>) target(%arg11 : memref<40x128xf32, #tpu.memory_space<vmem>>) offsets(%dma_start3A_65 : memref<40xi32, #tpu.memory_space<vmem>>) semaphore(%arg16 : memref<!tpu.dma_semaphore, #tpu.memory_space<semaphore_mem>>)
    %dma_start3A_69 = arith.constant 3 : i32
    %dma_start3A_70 = arith.constant 0 : i32
    %dma_start3A_71 = tpu.memref_slice %arg7[%dma_start3A_69, %dma_start3A_70] : memref<50x40xi32, #tpu.memory_space<vmem>> -> memref<1x40xi32, #tpu.memory_space<vmem>>
    %dma_start3A_72 = tpu.memref_squeeze %dma_start3A_71 : memref<1x40xi32, #tpu.memory_space<vmem>> -> memref<40xi32, #tpu.memory_space<vmem>>
    %dma_start3A_73 = arith.constant 0 : i32
    %dma_start3A_74 = arith.constant 0 : i32
    %dma_start3A_75 = tpu.memref_slice %arg2[%dma_start3A_73, %dma_start3A_74] : memref<10000x128xf32, #tpu.memory_space<hbm>> -> memref<10000x128xf32, #tpu.memory_space<hbm>>
    tpu.enqueue_indirect_dma source(%dma_start3A_75 : memref<10000x128xf32, #tpu.memory_space<hbm>>) target(%arg12 : memref<40x128xf32, #tpu.memory_space<vmem>>) offsets(%dma_start3A_72 : memref<40xi32, #tpu.memory_space<vmem>>) semaphore(%arg17 : memref<!tpu.dma_semaphore, #tpu.memory_space<semaphore_mem>>)
    %dma_start3A_76 = arith.constant 4 : i32
    %dma_start3A_77 = arith.constant 0 : i32
    %dma_start3A_78 = tpu.memref_slice %arg7[%dma_start3A_76, %dma_start3A_77] : memref<50x40xi32, #tpu.memory_space<vmem>> -> memref<1x40xi32, #tpu.memory_space<vmem>>
    %dma_start3A_79 = tpu.memref_squeeze %dma_start3A_78 : memref<1x40xi32, #tpu.memory_space<vmem>> -> memref<40xi32, #tpu.memory_space<vmem>>
    %dma_start3A_80 = arith.constant 0 : i32
    %dma_start3A_81 = arith.constant 0 : i32
    %dma_start3A_82 = tpu.memref_slice %arg2[%dma_start3A_80, %dma_start3A_81] : memref<10000x128xf32, #tpu.memory_space<hbm>> -> memref<10000x128xf32, #tpu.memory_space<hbm>>
    tpu.enqueue_indirect_dma source(%dma_start3A_82 : memref<10000x128xf32, #tpu.memory_space<hbm>>) target(%arg13 : memref<40x128xf32, #tpu.memory_space<vmem>>) offsets(%dma_start3A_79 : memref<40xi32, #tpu.memory_space<vmem>>) semaphore(%arg18 : memref<!tpu.dma_semaphore, #tpu.memory_space<semaphore_mem>>)
    %scan3A_83 = arith.constant 0 : i32
    %scan3A_84 = arith.constant 10 : i32
    %scan3A_85 = arith.addi %scan3A_83, %scan3A_84 : i32
    %scan3A_86 = arith.constant 1 : i32
    scf.for %scan3A_222 = %scan3A_83 to %scan3A_85 step %scan3A_86  : i32 {
      %mul3A_223 = arith.constant 1 : i32
      %mul3A_224 = arith.muli %scan3A_222, %mul3A_223 : i32
      %add3A_225 = arith.constant 0 : i32
      %add3A_226 = arith.addi %add3A_225, %mul3A_224 : i32
      %mul3A_227 = arith.constant 5 : i32
      %mul3A_228 = arith.muli %add3A_226, %mul3A_227 : i32
      %add3A_229 = arith.constant 0 : i32
      %add3A_230 = arith.addi %mul3A_228, %add3A_229 : i32
      %dma_wait3A = arith.constant 0 : i32
      %dma_wait3A_231 = tpu.memref_slice %arg7[%add3A_230, %dma_wait3A] : memref<50x40xi32, #tpu.memory_space<vmem>> -> memref<1x40xi32, #tpu.memory_space<vmem>>
      %dma_wait3A_232 = tpu.memref_squeeze %dma_wait3A_231 : memref<1x40xi32, #tpu.memory_space<vmem>> -> memref<40xi32, #tpu.memory_space<vmem>>
      %dma_wait3A_233 = arith.constant 0 : i32
      %dma_wait3A_234 = arith.constant 0 : i32
      %dma_wait3A_235 = tpu.memref_slice %arg2[%dma_wait3A_233, %dma_wait3A_234] : memref<10000x128xf32, #tpu.memory_space<hbm>> -> memref<10000x128xf32, #tpu.memory_space<hbm>>
      tpu.wait_indirect_dma semaphore(%arg14 : memref<!tpu.dma_semaphore, #tpu.memory_space<semaphore_mem>>) src(%dma_wait3A_235 : memref<10000x128xf32, #tpu.memory_space<hbm>>) dst(%arg9 : memref<40x128xf32, #tpu.memory_space<vmem>>)
      %add3A_236 = arith.constant 0 : i32
      %add3A_237 = arith.addi %mul3A_228, %add3A_236 : i32
      "tpu.region"() ({
        %run_scoped3A_312 = tpu.sem_alloc : memref<!tpu.dma_semaphore, #tpu.memory_space<semaphore_mem>>
        %dma_start3A_313 = arith.constant 0 : i32
        %dma_start3A_314 = tpu.memref_slice %arg8[%add3A_237, %dma_start3A_313] : memref<50x40xi32, #tpu.memory_space<vmem>> -> memref<1x40xi32, #tpu.memory_space<vmem>>
        %dma_start3A_315 = tpu.memref_squeeze %dma_start3A_314 : memref<1x40xi32, #tpu.memory_space<vmem>> -> memref<40xi32, #tpu.memory_space<vmem>>
        %dma_start3A_316 = arith.constant 0 : i32
        %dma_start3A_317 = arith.constant 0 : i32
        %dma_start3A_318 = tpu.memref_slice %arg19[%dma_start3A_316, %dma_start3A_317] : memref<10000x128xf32, #tpu.memory_space<vmem_shared>> -> memref<10000x128xf32, #tpu.memory_space<vmem_shared>>
        tpu.enqueue_indirect_dma source(%arg9 : memref<40x128xf32, #tpu.memory_space<vmem>>) target(%dma_start3A_318 : memref<10000x128xf32, #tpu.memory_space<vmem_shared>>) offsets(%dma_start3A_315 : memref<40xi32, #tpu.memory_space<vmem>>) semaphore(%run_scoped3A_312 : memref<!tpu.dma_semaphore, #tpu.memory_space<semaphore_mem>>) {add = true}
        %dma_wait3A_319 = arith.constant 0 : i32
        %dma_wait3A_320 = tpu.memref_slice %arg8[%add3A_237, %dma_wait3A_319] : memref<50x40xi32, #tpu.memory_space<vmem>> -> memref<1x40xi32, #tpu.memory_space<vmem>>
        %dma_wait3A_321 = tpu.memref_squeeze %dma_wait3A_320 : memref<1x40xi32, #tpu.memory_space<vmem>> -> memref<40xi32, #tpu.memory_space<vmem>>
        %dma_wait3A_322 = arith.constant 0 : i32
        %dma_wait3A_323 = arith.constant 0 : i32
        %dma_wait3A_324 = tpu.memref_slice %arg19[%dma_wait3A_322, %dma_wait3A_323] : memref<10000x128xf32, #tpu.memory_space<vmem_shared>> -> memref<10000x128xf32, #tpu.memory_space<vmem_shared>>
        tpu.wait_indirect_dma semaphore(%run_scoped3A_312 : memref<!tpu.dma_semaphore, #tpu.memory_space<semaphore_mem>>) src(%arg9 : memref<40x128xf32, #tpu.memory_space<vmem>>) dst(%dma_wait3A_324 : memref<10000x128xf32, #tpu.memory_space<vmem_shared>>)
        tpu.yield
      }) : () -> ()
      %add3A_238 = arith.constant 1 : i32
      %add3A_239 = arith.addi %add3A_226, %add3A_238 : i32
      %lt3A = arith.constant 10 : i32
      %lt3A_240 = arith.cmpi slt, %add3A_239, %lt3A : i32
      %convert_element_type3A_241 = arith.extui %lt3A_240 : i1 to i32
      %cond3A_242 = arith.constant 0 : i32
      %cond3A_243 = arith.cmpi ne, %convert_element_type3A_241, %cond3A_242 : i32
      scf.if %cond3A_243 {
        %add3A_312 = arith.constant 5 : i32
        %add3A_313 = arith.addi %mul3A_228, %add3A_312 : i32
        %add3A_314 = arith.constant 0 : i32
        %add3A_315 = arith.addi %add3A_313, %add3A_314 : i32
        %dma_start3A_316 = arith.constant 0 : i32
        %dma_start3A_317 = tpu.memref_slice %arg7[%add3A_315, %dma_start3A_316] : memref<50x40xi32, #tpu.memory_space<vmem>> -> memref<1x40xi32, #tpu.memory_space<vmem>>
        %dma_start3A_318 = tpu.memref_squeeze %dma_start3A_317 : memref<1x40xi32, #tpu.memory_space<vmem>> -> memref<40xi32, #tpu.memory_space<vmem>>
        %dma_start3A_319 = arith.constant 0 : i32
        %dma_start3A_320 = arith.constant 0 : i32
        %dma_start3A_321 = tpu.memref_slice %arg2[%dma_start3A_319, %dma_start3A_320] : memref<10000x128xf32, #tpu.memory_space<hbm>> -> memref<10000x128xf32, #tpu.memory_space<hbm>>
        tpu.enqueue_indirect_dma source(%dma_start3A_321 : memref<10000x128xf32, #tpu.memory_space<hbm>>) target(%arg9 : memref<40x128xf32, #tpu.memory_space<vmem>>) offsets(%dma_start3A_318 : memref<40xi32, #tpu.memory_space<vmem>>) semaphore(%arg14 : memref<!tpu.dma_semaphore, #tpu.memory_space<semaphore_mem>>)
      } else {
      }
      %add3A_244 = arith.constant 1 : i32
      %add3A_245 = arith.addi %mul3A_228, %add3A_244 : i32
      %dma_wait3A_246 = arith.constant 0 : i32
      %dma_wait3A_247 = tpu.memref_slice %arg7[%add3A_245, %dma_wait3A_246] : memref<50x40xi32, #tpu.memory_space<vmem>> -> memref<1x40xi32, #tpu.memory_space<vmem>>
      %dma_wait3A_248 = tpu.memref_squeeze %dma_wait3A_247 : memref<1x40xi32, #tpu.memory_space<vmem>> -> memref<40xi32, #tpu.memory_space<vmem>>
      %dma_wait3A_249 = arith.constant 0 : i32
      %dma_wait3A_250 = arith.constant 0 : i32
      %dma_wait3A_251 = tpu.memref_slice %arg2[%dma_wait3A_249, %dma_wait3A_250] : memref<10000x128xf32, #tpu.memory_space<hbm>> -> memref<10000x128xf32, #tpu.memory_space<hbm>>
      tpu.wait_indirect_dma semaphore(%arg15 : memref<!tpu.dma_semaphore, #tpu.memory_space<semaphore_mem>>) src(%dma_wait3A_251 : memref<10000x128xf32, #tpu.memory_space<hbm>>) dst(%arg10 : memref<40x128xf32, #tpu.memory_space<vmem>>)
      %add3A_252 = arith.constant 1 : i32
      %add3A_253 = arith.addi %mul3A_228, %add3A_252 : i32
      "tpu.region"() ({
        %run_scoped3A_312 = tpu.sem_alloc : memref<!tpu.dma_semaphore, #tpu.memory_space<semaphore_mem>>
        %dma_start3A_313 = arith.constant 0 : i32
        %dma_start3A_314 = tpu.memref_slice %arg8[%add3A_253, %dma_start3A_313] : memref<50x40xi32, #tpu.memory_space<vmem>> -> memref<1x40xi32, #tpu.memory_space<vmem>>
        %dma_start3A_315 = tpu.memref_squeeze %dma_start3A_314 : memref<1x40xi32, #tpu.memory_space<vmem>> -> memref<40xi32, #tpu.memory_space<vmem>>
        %dma_start3A_316 = arith.constant 0 : i32
        %dma_start3A_317 = arith.constant 0 : i32
        %dma_start3A_318 = tpu.memref_slice %arg19[%dma_start3A_316, %dma_start3A_317] : memref<10000x128xf32, #tpu.memory_space<vmem_shared>> -> memref<10000x128xf32, #tpu.memory_space<vmem_shared>>
        tpu.enqueue_indirect_dma source(%arg10 : memref<40x128xf32, #tpu.memory_space<vmem>>) target(%dma_start3A_318 : memref<10000x128xf32, #tpu.memory_space<vmem_shared>>) offsets(%dma_start3A_315 : memref<40xi32, #tpu.memory_space<vmem>>) semaphore(%run_scoped3A_312 : memref<!tpu.dma_semaphore, #tpu.memory_space<semaphore_mem>>) {add = true}
        %dma_wait3A_319 = arith.constant 0 : i32
        %dma_wait3A_320 = tpu.memref_slice %arg8[%add3A_253, %dma_wait3A_319] : memref<50x40xi32, #tpu.memory_space<vmem>> -> memref<1x40xi32, #tpu.memory_space<vmem>>
        %dma_wait3A_321 = tpu.memref_squeeze %dma_wait3A_320 : memref<1x40xi32, #tpu.memory_space<vmem>> -> memref<40xi32, #tpu.memory_space<vmem>>
        %dma_wait3A_322 = arith.constant 0 : i32
        %dma_wait3A_323 = arith.constant 0 : i32
        %dma_wait3A_324 = tpu.memref_slice %arg19[%dma_wait3A_322, %dma_wait3A_323] : memref<10000x128xf32, #tpu.memory_space<vmem_shared>> -> memref<10000x128xf32, #tpu.memory_space<vmem_shared>>
        tpu.wait_indirect_dma semaphore(%run_scoped3A_312 : memref<!tpu.dma_semaphore, #tpu.memory_space<semaphore_mem>>) src(%arg10 : memref<40x128xf32, #tpu.memory_space<vmem>>) dst(%dma_wait3A_324 : memref<10000x128xf32, #tpu.memory_space<vmem_shared>>)
        tpu.yield
      }) : () -> ()
      %add3A_254 = arith.constant 1 : i32
      %add3A_255 = arith.addi %add3A_226, %add3A_254 : i32
      %lt3A_256 = arith.constant 10 : i32
      %lt3A_257 = arith.cmpi slt, %add3A_255, %lt3A_256 : i32
      %convert_element_type3A_258 = arith.extui %lt3A_257 : i1 to i32
      %cond3A_259 = arith.constant 0 : i32
      %cond3A_260 = arith.cmpi ne, %convert_element_type3A_258, %cond3A_259 : i32
      scf.if %cond3A_260 {
        %add3A_312 = arith.constant 5 : i32
        %add3A_313 = arith.addi %mul3A_228, %add3A_312 : i32
        %add3A_314 = arith.constant 1 : i32
        %add3A_315 = arith.addi %add3A_313, %add3A_314 : i32
        %dma_start3A_316 = arith.constant 0 : i32
        %dma_start3A_317 = tpu.memref_slice %arg7[%add3A_315, %dma_start3A_316] : memref<50x40xi32, #tpu.memory_space<vmem>> -> memref<1x40xi32, #tpu.memory_space<vmem>>
        %dma_start3A_318 = tpu.memref_squeeze %dma_start3A_317 : memref<1x40xi32, #tpu.memory_space<vmem>> -> memref<40xi32, #tpu.memory_space<vmem>>
        %dma_start3A_319 = arith.constant 0 : i32
        %dma_start3A_320 = arith.constant 0 : i32
        %dma_start3A_321 = tpu.memref_slice %arg2[%dma_start3A_319, %dma_start3A_320] : memref<10000x128xf32, #tpu.memory_space<hbm>> -> memref<10000x128xf32, #tpu.memory_space<hbm>>
        tpu.enqueue_indirect_dma source(%dma_start3A_321 : memref<10000x128xf32, #tpu.memory_space<hbm>>) target(%arg10 : memref<40x128xf32, #tpu.memory_space<vmem>>) offsets(%dma_start3A_318 : memref<40xi32, #tpu.memory_space<vmem>>) semaphore(%arg15 : memref<!tpu.dma_semaphore, #tpu.memory_space<semaphore_mem>>)
      } else {
      }
      %add3A_261 = arith.constant 2 : i32
      %add3A_262 = arith.addi %mul3A_228, %add3A_261 : i32
      %dma_wait3A_263 = arith.constant 0 : i32
      %dma_wait3A_264 = tpu.memref_slice %arg7[%add3A_262, %dma_wait3A_263] : memref<50x40xi32, #tpu.memory_space<vmem>> -> memref<1x40xi32, #tpu.memory_space<vmem>>
      %dma_wait3A_265 = tpu.memref_squeeze %dma_wait3A_264 : memref<1x40xi32, #tpu.memory_space<vmem>> -> memref<40xi32, #tpu.memory_space<vmem>>
      %dma_wait3A_266 = arith.constant 0 : i32
      %dma_wait3A_267 = arith.constant 0 : i32
      %dma_wait3A_268 = tpu.memref_slice %arg2[%dma_wait3A_266, %dma_wait3A_267] : memref<10000x128xf32, #tpu.memory_space<hbm>> -> memref<10000x128xf32, #tpu.memory_space<hbm>>
      tpu.wait_indirect_dma semaphore(%arg16 : memref<!tpu.dma_semaphore, #tpu.memory_space<semaphore_mem>>) src(%dma_wait3A_268 : memref<10000x128xf32, #tpu.memory_space<hbm>>) dst(%arg11 : memref<40x128xf32, #tpu.memory_space<vmem>>)
      %add3A_269 = arith.constant 2 : i32
      %add3A_270 = arith.addi %mul3A_228, %add3A_269 : i32
      "tpu.region"() ({
        %run_scoped3A_312 = tpu.sem_alloc : memref<!tpu.dma_semaphore, #tpu.memory_space<semaphore_mem>>
        %dma_start3A_313 = arith.constant 0 : i32
        %dma_start3A_314 = tpu.memref_slice %arg8[%add3A_270, %dma_start3A_313] : memref<50x40xi32, #tpu.memory_space<vmem>> -> memref<1x40xi32, #tpu.memory_space<vmem>>
        %dma_start3A_315 = tpu.memref_squeeze %dma_start3A_314 : memref<1x40xi32, #tpu.memory_space<vmem>> -> memref<40xi32, #tpu.memory_space<vmem>>
        %dma_start3A_316 = arith.constant 0 : i32
        %dma_start3A_317 = arith.constant 0 : i32
        %dma_start3A_318 = tpu.memref_slice %arg19[%dma_start3A_316, %dma_start3A_317] : memref<10000x128xf32, #tpu.memory_space<vmem_shared>> -> memref<10000x128xf32, #tpu.memory_space<vmem_shared>>
        tpu.enqueue_indirect_dma source(%arg11 : memref<40x128xf32, #tpu.memory_space<vmem>>) target(%dma_start3A_318 : memref<10000x128xf32, #tpu.memory_space<vmem_shared>>) offsets(%dma_start3A_315 : memref<40xi32, #tpu.memory_space<vmem>>) semaphore(%run_scoped3A_312 : memref<!tpu.dma_semaphore, #tpu.memory_space<semaphore_mem>>) {add = true}
        %dma_wait3A_319 = arith.constant 0 : i32
        %dma_wait3A_320 = tpu.memref_slice %arg8[%add3A_270, %dma_wait3A_319] : memref<50x40xi32, #tpu.memory_space<vmem>> -> memref<1x40xi32, #tpu.memory_space<vmem>>
        %dma_wait3A_321 = tpu.memref_squeeze %dma_wait3A_320 : memref<1x40xi32, #tpu.memory_space<vmem>> -> memref<40xi32, #tpu.memory_space<vmem>>
        %dma_wait3A_322 = arith.constant 0 : i32
        %dma_wait3A_323 = arith.constant 0 : i32
        %dma_wait3A_324 = tpu.memref_slice %arg19[%dma_wait3A_322, %dma_wait3A_323] : memref<10000x128xf32, #tpu.memory_space<vmem_shared>> -> memref<10000x128xf32, #tpu.memory_space<vmem_shared>>
        tpu.wait_indirect_dma semaphore(%run_scoped3A_312 : memref<!tpu.dma_semaphore, #tpu.memory_space<semaphore_mem>>) src(%arg11 : memref<40x128xf32, #tpu.memory_space<vmem>>) dst(%dma_wait3A_324 : memref<10000x128xf32, #tpu.memory_space<vmem_shared>>)
        tpu.yield
      }) : () -> ()
      %add3A_271 = arith.constant 1 : i32
      %add3A_272 = arith.addi %add3A_226, %add3A_271 : i32
      %lt3A_273 = arith.constant 10 : i32
      %lt3A_274 = arith.cmpi slt, %add3A_272, %lt3A_273 : i32
      %convert_element_type3A_275 = arith.extui %lt3A_274 : i1 to i32
      %cond3A_276 = arith.constant 0 : i32
      %cond3A_277 = arith.cmpi ne, %convert_element_type3A_275, %cond3A_276 : i32
      scf.if %cond3A_277 {
        %add3A_312 = arith.constant 5 : i32
        %add3A_313 = arith.addi %mul3A_228, %add3A_312 : i32
        %add3A_314 = arith.constant 2 : i32
        %add3A_315 = arith.addi %add3A_313, %add3A_314 : i32
        %dma_start3A_316 = arith.constant 0 : i32
        %dma_start3A_317 = tpu.memref_slice %arg7[%add3A_315, %dma_start3A_316] : memref<50x40xi32, #tpu.memory_space<vmem>> -> memref<1x40xi32, #tpu.memory_space<vmem>>
        %dma_start3A_318 = tpu.memref_squeeze %dma_start3A_317 : memref<1x40xi32, #tpu.memory_space<vmem>> -> memref<40xi32, #tpu.memory_space<vmem>>
        %dma_start3A_319 = arith.constant 0 : i32
        %dma_start3A_320 = arith.constant 0 : i32
        %dma_start3A_321 = tpu.memref_slice %arg2[%dma_start3A_319, %dma_start3A_320] : memref<10000x128xf32, #tpu.memory_space<hbm>> -> memref<10000x128xf32, #tpu.memory_space<hbm>>
        tpu.enqueue_indirect_dma source(%dma_start3A_321 : memref<10000x128xf32, #tpu.memory_space<hbm>>) target(%arg11 : memref<40x128xf32, #tpu.memory_space<vmem>>) offsets(%dma_start3A_318 : memref<40xi32, #tpu.memory_space<vmem>>) semaphore(%arg16 : memref<!tpu.dma_semaphore, #tpu.memory_space<semaphore_mem>>)
      } else {
      }
      %add3A_278 = arith.constant 3 : i32
      %add3A_279 = arith.addi %mul3A_228, %add3A_278 : i32
      %dma_wait3A_280 = arith.constant 0 : i32
      %dma_wait3A_281 = tpu.memref_slice %arg7[%add3A_279, %dma_wait3A_280] : memref<50x40xi32, #tpu.memory_space<vmem>> -> memref<1x40xi32, #tpu.memory_space<vmem>>
      %dma_wait3A_282 = tpu.memref_squeeze %dma_wait3A_281 : memref<1x40xi32, #tpu.memory_space<vmem>> -> memref<40xi32, #tpu.memory_space<vmem>>
      %dma_wait3A_283 = arith.constant 0 : i32
      %dma_wait3A_284 = arith.constant 0 : i32
      %dma_wait3A_285 = tpu.memref_slice %arg2[%dma_wait3A_283, %dma_wait3A_284] : memref<10000x128xf32, #tpu.memory_space<hbm>> -> memref<10000x128xf32, #tpu.memory_space<hbm>>
      tpu.wait_indirect_dma semaphore(%arg17 : memref<!tpu.dma_semaphore, #tpu.memory_space<semaphore_mem>>) src(%dma_wait3A_285 : memref<10000x128xf32, #tpu.memory_space<hbm>>) dst(%arg12 : memref<40x128xf32, #tpu.memory_space<vmem>>)
      %add3A_286 = arith.constant 3 : i32
      %add3A_287 = arith.addi %mul3A_228, %add3A_286 : i32
      "tpu.region"() ({
        %run_scoped3A_312 = tpu.sem_alloc : memref<!tpu.dma_semaphore, #tpu.memory_space<semaphore_mem>>
        %dma_start3A_313 = arith.constant 0 : i32
        %dma_start3A_314 = tpu.memref_slice %arg8[%add3A_287, %dma_start3A_313] : memref<50x40xi32, #tpu.memory_space<vmem>> -> memref<1x40xi32, #tpu.memory_space<vmem>>
        %dma_start3A_315 = tpu.memref_squeeze %dma_start3A_314 : memref<1x40xi32, #tpu.memory_space<vmem>> -> memref<40xi32, #tpu.memory_space<vmem>>
        %dma_start3A_316 = arith.constant 0 : i32
        %dma_start3A_317 = arith.constant 0 : i32
        %dma_start3A_318 = tpu.memref_slice %arg19[%dma_start3A_316, %dma_start3A_317] : memref<10000x128xf32, #tpu.memory_space<vmem_shared>> -> memref<10000x128xf32, #tpu.memory_space<vmem_shared>>
        tpu.enqueue_indirect_dma source(%arg12 : memref<40x128xf32, #tpu.memory_space<vmem>>) target(%dma_start3A_318 : memref<10000x128xf32, #tpu.memory_space<vmem_shared>>) offsets(%dma_start3A_315 : memref<40xi32, #tpu.memory_space<vmem>>) semaphore(%run_scoped3A_312 : memref<!tpu.dma_semaphore, #tpu.memory_space<semaphore_mem>>) {add = true}
        %dma_wait3A_319 = arith.constant 0 : i32
        %dma_wait3A_320 = tpu.memref_slice %arg8[%add3A_287, %dma_wait3A_319] : memref<50x40xi32, #tpu.memory_space<vmem>> -> memref<1x40xi32, #tpu.memory_space<vmem>>
        %dma_wait3A_321 = tpu.memref_squeeze %dma_wait3A_320 : memref<1x40xi32, #tpu.memory_space<vmem>> -> memref<40xi32, #tpu.memory_space<vmem>>
        %dma_wait3A_322 = arith.constant 0 : i32
        %dma_wait3A_323 = arith.constant 0 : i32
        %dma_wait3A_324 = tpu.memref_slice %arg19[%dma_wait3A_322, %dma_wait3A_323] : memref<10000x128xf32, #tpu.memory_space<vmem_shared>> -> memref<10000x128xf32, #tpu.memory_space<vmem_shared>>
        tpu.wait_indirect_dma semaphore(%run_scoped3A_312 : memref<!tpu.dma_semaphore, #tpu.memory_space<semaphore_mem>>) src(%arg12 : memref<40x128xf32, #tpu.memory_space<vmem>>) dst(%dma_wait3A_324 : memref<10000x128xf32, #tpu.memory_space<vmem_shared>>)
        tpu.yield
      }) : () -> ()
      %add3A_288 = arith.constant 1 : i32
      %add3A_289 = arith.addi %add3A_226, %add3A_288 : i32
      %lt3A_290 = arith.constant 10 : i32
      %lt3A_291 = arith.cmpi slt, %add3A_289, %lt3A_290 : i32
      %convert_element_type3A_292 = arith.extui %lt3A_291 : i1 to i32
      %cond3A_293 = arith.constant 0 : i32
      %cond3A_294 = arith.cmpi ne, %convert_element_type3A_292, %cond3A_293 : i32
      scf.if %cond3A_294 {
        %add3A_312 = arith.constant 5 : i32
        %add3A_313 = arith.addi %mul3A_228, %add3A_312 : i32
        %add3A_314 = arith.constant 3 : i32
        %add3A_315 = arith.addi %add3A_313, %add3A_314 : i32
        %dma_start3A_316 = arith.constant 0 : i32
        %dma_start3A_317 = tpu.memref_slice %arg7[%add3A_315, %dma_start3A_316] : memref<50x40xi32, #tpu.memory_space<vmem>> -> memref<1x40xi32, #tpu.memory_space<vmem>>
        %dma_start3A_318 = tpu.memref_squeeze %dma_start3A_317 : memref<1x40xi32, #tpu.memory_space<vmem>> -> memref<40xi32, #tpu.memory_space<vmem>>
        %dma_start3A_319 = arith.constant 0 : i32
        %dma_start3A_320 = arith.constant 0 : i32
        %dma_start3A_321 = tpu.memref_slice %arg2[%dma_start3A_319, %dma_start3A_320] : memref<10000x128xf32, #tpu.memory_space<hbm>> -> memref<10000x128xf32, #tpu.memory_space<hbm>>
        tpu.enqueue_indirect_dma source(%dma_start3A_321 : memref<10000x128xf32, #tpu.memory_space<hbm>>) target(%arg12 : memref<40x128xf32, #tpu.memory_space<vmem>>) offsets(%dma_start3A_318 : memref<40xi32, #tpu.memory_space<vmem>>) semaphore(%arg17 : memref<!tpu.dma_semaphore, #tpu.memory_space<semaphore_mem>>)
      } else {
      }
      %add3A_295 = arith.constant 4 : i32
      %add3A_296 = arith.addi %mul3A_228, %add3A_295 : i32
      %dma_wait3A_297 = arith.constant 0 : i32
      %dma_wait3A_298 = tpu.memref_slice %arg7[%add3A_296, %dma_wait3A_297] : memref<50x40xi32, #tpu.memory_space<vmem>> -> memref<1x40xi32, #tpu.memory_space<vmem>>
      %dma_wait3A_299 = tpu.memref_squeeze %dma_wait3A_298 : memref<1x40xi32, #tpu.memory_space<vmem>> -> memref<40xi32, #tpu.memory_space<vmem>>
      %dma_wait3A_300 = arith.constant 0 : i32
      %dma_wait3A_301 = arith.constant 0 : i32
      %dma_wait3A_302 = tpu.memref_slice %arg2[%dma_wait3A_300, %dma_wait3A_301] : memref<10000x128xf32, #tpu.memory_space<hbm>> -> memref<10000x128xf32, #tpu.memory_space<hbm>>
      tpu.wait_indirect_dma semaphore(%arg18 : memref<!tpu.dma_semaphore, #tpu.memory_space<semaphore_mem>>) src(%dma_wait3A_302 : memref<10000x128xf32, #tpu.memory_space<hbm>>) dst(%arg13 : memref<40x128xf32, #tpu.memory_space<vmem>>)
      %add3A_303 = arith.constant 4 : i32
      %add3A_304 = arith.addi %mul3A_228, %add3A_303 : i32
      "tpu.region"() ({
        %run_scoped3A_312 = tpu.sem_alloc : memref<!tpu.dma_semaphore, #tpu.memory_space<semaphore_mem>>
        %dma_start3A_313 = arith.constant 0 : i32
        %dma_start3A_314 = tpu.memref_slice %arg8[%add3A_304, %dma_start3A_313] : memref<50x40xi32, #tpu.memory_space<vmem>> -> memref<1x40xi32, #tpu.memory_space<vmem>>
        %dma_start3A_315 = tpu.memref_squeeze %dma_start3A_314 : memref<1x40xi32, #tpu.memory_space<vmem>> -> memref<40xi32, #tpu.memory_space<vmem>>
        %dma_start3A_316 = arith.constant 0 : i32
        %dma_start3A_317 = arith.constant 0 : i32
        %dma_start3A_318 = tpu.memref_slice %arg19[%dma_start3A_316, %dma_start3A_317] : memref<10000x128xf32, #tpu.memory_space<vmem_shared>> -> memref<10000x128xf32, #tpu.memory_space<vmem_shared>>
        tpu.enqueue_indirect_dma source(%arg13 : memref<40x128xf32, #tpu.memory_space<vmem>>) target(%dma_start3A_318 : memref<10000x128xf32, #tpu.memory_space<vmem_shared>>) offsets(%dma_start3A_315 : memref<40xi32, #tpu.memory_space<vmem>>) semaphore(%run_scoped3A_312 : memref<!tpu.dma_semaphore, #tpu.memory_space<semaphore_mem>>) {add = true}
        %dma_wait3A_319 = arith.constant 0 : i32
        %dma_wait3A_320 = tpu.memref_slice %arg8[%add3A_304, %dma_wait3A_319] : memref<50x40xi32, #tpu.memory_space<vmem>> -> memref<1x40xi32, #tpu.memory_space<vmem>>
        %dma_wait3A_321 = tpu.memref_squeeze %dma_wait3A_320 : memref<1x40xi32, #tpu.memory_space<vmem>> -> memref<40xi32, #tpu.memory_space<vmem>>
        %dma_wait3A_322 = arith.constant 0 : i32
        %dma_wait3A_323 = arith.constant 0 : i32
        %dma_wait3A_324 = tpu.memref_slice %arg19[%dma_wait3A_322, %dma_wait3A_323] : memref<10000x128xf32, #tpu.memory_space<vmem_shared>> -> memref<10000x128xf32, #tpu.memory_space<vmem_shared>>
        tpu.wait_indirect_dma semaphore(%run_scoped3A_312 : memref<!tpu.dma_semaphore, #tpu.memory_space<semaphore_mem>>) src(%arg13 : memref<40x128xf32, #tpu.memory_space<vmem>>) dst(%dma_wait3A_324 : memref<10000x128xf32, #tpu.memory_space<vmem_shared>>)
        tpu.yield
      }) : () -> ()
      %add3A_305 = arith.constant 1 : i32
      %add3A_306 = arith.addi %add3A_226, %add3A_305 : i32
      %lt3A_307 = arith.constant 10 : i32
      %lt3A_308 = arith.cmpi slt, %add3A_306, %lt3A_307 : i32
      %convert_element_type3A_309 = arith.extui %lt3A_308 : i1 to i32
      %cond3A_310 = arith.constant 0 : i32
      %cond3A_311 = arith.cmpi ne, %convert_element_type3A_309, %cond3A_310 : i32
      scf.if %cond3A_311 {
        %add3A_312 = arith.constant 5 : i32
        %add3A_313 = arith.addi %mul3A_228, %add3A_312 : i32
        %add3A_314 = arith.constant 4 : i32
        %add3A_315 = arith.addi %add3A_313, %add3A_314 : i32
        %dma_start3A_316 = arith.constant 0 : i32
        %dma_start3A_317 = tpu.memref_slice %arg7[%add3A_315, %dma_start3A_316] : memref<50x40xi32, #tpu.memory_space<vmem>> -> memref<1x40xi32, #tpu.memory_space<vmem>>
        %dma_start3A_318 = tpu.memref_squeeze %dma_start3A_317 : memref<1x40xi32, #tpu.memory_space<vmem>> -> memref<40xi32, #tpu.memory_space<vmem>>
        %dma_start3A_319 = arith.constant 0 : i32
        %dma_start3A_320 = arith.constant 0 : i32
        %dma_start3A_321 = tpu.memref_slice %arg2[%dma_start3A_319, %dma_start3A_320] : memref<10000x128xf32, #tpu.memory_space<hbm>> -> memref<10000x128xf32, #tpu.memory_space<hbm>>
        tpu.enqueue_indirect_dma source(%dma_start3A_321 : memref<10000x128xf32, #tpu.memory_space<hbm>>) target(%arg13 : memref<40x128xf32, #tpu.memory_space<vmem>>) offsets(%dma_start3A_318 : memref<40xi32, #tpu.memory_space<vmem>>) semaphore(%arg18 : memref<!tpu.dma_semaphore, #tpu.memory_space<semaphore_mem>>)
      } else {
      }
    }
    %scan3A_87 = arith.constant 10 : i32
    %run_scoped3A_88 = arith.constant 2 : i32
    "tpu.region"() ({
      %run_scoped3A_222 = tpu.sem_alloc : memref<!tpu.dma_semaphore, #tpu.memory_space<semaphore_mem>>
      %dma_start3A_223 = arith.constant 0 : i32
      %dma_start3A_224 = arith.constant 0 : i32
      %dma_start3A_225 = tpu.memref_slice %arg3[%add3A, %run_scoped3A_88, %dma_start3A_223, %dma_start3A_224] : memref<32x5x50x40xi32, #tpu.memory_space<hbm>> -> memref<1x1x50x40xi32, #tpu.memory_space<hbm>>
      %dma_start3A_226 = tpu.memref_squeeze %dma_start3A_225 : memref<1x1x50x40xi32, #tpu.memory_space<hbm>> -> memref<50x40xi32, #tpu.memory_space<hbm>>
      %dma_start3A_227 = arith.constant 0 : i32
      %dma_start3A_228 = arith.constant 0 : i32
      %dma_start3A_229 = tpu.memref_slice %arg3[%add3A, %run_scoped3A_88, %dma_start3A_227, %dma_start3A_228] : memref<32x5x50x40xi32, #tpu.memory_space<hbm>> -> memref<1x1x50x40xi32, #tpu.memory_space<hbm>>
      %dma_start3A_230 = tpu.memref_squeeze %dma_start3A_229 : memref<1x1x50x40xi32, #tpu.memory_space<hbm>> -> memref<50x40xi32, #tpu.memory_space<hbm>>
      tpu.enqueue_dma source(%dma_start3A_230 : memref<50x40xi32, #tpu.memory_space<hbm>>) target(%arg7 : memref<50x40xi32, #tpu.memory_space<vmem>>) target_semaphore(%run_scoped3A_222 : memref<!tpu.dma_semaphore, #tpu.memory_space<semaphore_mem>>)
      %dma_wait3A = arith.constant 0 : i32
      %dma_wait3A_231 = arith.constant 0 : i32
      %dma_wait3A_232 = tpu.memref_slice %arg3[%add3A, %run_scoped3A_88, %dma_wait3A, %dma_wait3A_231] : memref<32x5x50x40xi32, #tpu.memory_space<hbm>> -> memref<1x1x50x40xi32, #tpu.memory_space<hbm>>
      %dma_wait3A_233 = tpu.memref_squeeze %dma_wait3A_232 : memref<1x1x50x40xi32, #tpu.memory_space<hbm>> -> memref<50x40xi32, #tpu.memory_space<hbm>>
      %dma_wait3A_234 = arith.constant 0 : i32
      %dma_wait3A_235 = arith.constant 0 : i32
      %dma_wait3A_236 = tpu.memref_slice %arg3[%add3A, %run_scoped3A_88, %dma_wait3A_234, %dma_wait3A_235] : memref<32x5x50x40xi32, #tpu.memory_space<hbm>> -> memref<1x1x50x40xi32, #tpu.memory_space<hbm>>
      %dma_wait3A_237 = tpu.memref_squeeze %dma_wait3A_236 : memref<1x1x50x40xi32, #tpu.memory_space<hbm>> -> memref<50x40xi32, #tpu.memory_space<hbm>>
      tpu.wait_dma2 semaphore(%run_scoped3A_222 : memref<!tpu.dma_semaphore, #tpu.memory_space<semaphore_mem>>) src(%dma_wait3A_237 : memref<50x40xi32, #tpu.memory_space<hbm>>) dst(%arg7 : memref<50x40xi32, #tpu.memory_space<vmem>>)
      tpu.yield
    }) : () -> ()
    %run_scoped3A_89 = arith.constant 2 : i32
    "tpu.region"() ({
      %run_scoped3A_222 = tpu.sem_alloc : memref<!tpu.dma_semaphore, #tpu.memory_space<semaphore_mem>>
      %dma_start3A_223 = arith.constant 0 : i32
      %dma_start3A_224 = arith.constant 0 : i32
      %dma_start3A_225 = tpu.memref_slice %arg4[%add3A, %run_scoped3A_89, %dma_start3A_223, %dma_start3A_224] : memref<32x5x50x40xi32, #tpu.memory_space<hbm>> -> memref<1x1x50x40xi32, #tpu.memory_space<hbm>>
      %dma_start3A_226 = tpu.memref_squeeze %dma_start3A_225 : memref<1x1x50x40xi32, #tpu.memory_space<hbm>> -> memref<50x40xi32, #tpu.memory_space<hbm>>
      %dma_start3A_227 = arith.constant 0 : i32
      %dma_start3A_228 = arith.constant 0 : i32
      %dma_start3A_229 = tpu.memref_slice %arg4[%add3A, %run_scoped3A_89, %dma_start3A_227, %dma_start3A_228] : memref<32x5x50x40xi32, #tpu.memory_space<hbm>> -> memref<1x1x50x40xi32, #tpu.memory_space<hbm>>
      %dma_start3A_230 = tpu.memref_squeeze %dma_start3A_229 : memref<1x1x50x40xi32, #tpu.memory_space<hbm>> -> memref<50x40xi32, #tpu.memory_space<hbm>>
      tpu.enqueue_dma source(%dma_start3A_230 : memref<50x40xi32, #tpu.memory_space<hbm>>) target(%arg8 : memref<50x40xi32, #tpu.memory_space<vmem>>) target_semaphore(%run_scoped3A_222 : memref<!tpu.dma_semaphore, #tpu.memory_space<semaphore_mem>>)
      %dma_wait3A = arith.constant 0 : i32
      %dma_wait3A_231 = arith.constant 0 : i32
      %dma_wait3A_232 = tpu.memref_slice %arg4[%add3A, %run_scoped3A_89, %dma_wait3A, %dma_wait3A_231] : memref<32x5x50x40xi32, #tpu.memory_space<hbm>> -> memref<1x1x50x40xi32, #tpu.memory_space<hbm>>
      %dma_wait3A_233 = tpu.memref_squeeze %dma_wait3A_232 : memref<1x1x50x40xi32, #tpu.memory_space<hbm>> -> memref<50x40xi32, #tpu.memory_space<hbm>>
      %dma_wait3A_234 = arith.constant 0 : i32
      %dma_wait3A_235 = arith.constant 0 : i32
      %dma_wait3A_236 = tpu.memref_slice %arg4[%add3A, %run_scoped3A_89, %dma_wait3A_234, %dma_wait3A_235] : memref<32x5x50x40xi32, #tpu.memory_space<hbm>> -> memref<1x1x50x40xi32, #tpu.memory_space<hbm>>
      %dma_wait3A_237 = tpu.memref_squeeze %dma_wait3A_236 : memref<1x1x50x40xi32, #tpu.memory_space<hbm>> -> memref<50x40xi32, #tpu.memory_space<hbm>>
      tpu.wait_dma2 semaphore(%run_scoped3A_222 : memref<!tpu.dma_semaphore, #tpu.memory_space<semaphore_mem>>) src(%dma_wait3A_237 : memref<50x40xi32, #tpu.memory_space<hbm>>) dst(%arg8 : memref<50x40xi32, #tpu.memory_space<vmem>>)
      tpu.yield
    }) : () -> ()
    %dma_start3A_90 = arith.constant 0 : i32
    %dma_start3A_91 = arith.constant 0 : i32
    %dma_start3A_92 = tpu.memref_slice %arg7[%dma_start3A_90, %dma_start3A_91] : memref<50x40xi32, #tpu.memory_space<vmem>> -> memref<1x40xi32, #tpu.memory_space<vmem>>
    %dma_start3A_93 = tpu.memref_squeeze %dma_start3A_92 : memref<1x40xi32, #tpu.memory_space<vmem>> -> memref<40xi32, #tpu.memory_space<vmem>>
    %dma_start3A_94 = arith.constant 0 : i32
    %dma_start3A_95 = arith.constant 0 : i32
    %dma_start3A_96 = tpu.memref_slice %arg2[%dma_start3A_94, %dma_start3A_95] : memref<10000x128xf32, #tpu.memory_space<hbm>> -> memref<10000x128xf32, #tpu.memory_space<hbm>>
    tpu.enqueue_indirect_dma source(%dma_start3A_96 : memref<10000x128xf32, #tpu.memory_space<hbm>>) target(%arg9 : memref<40x128xf32, #tpu.memory_space<vmem>>) offsets(%dma_start3A_93 : memref<40xi32, #tpu.memory_space<vmem>>) semaphore(%arg14 : memref<!tpu.dma_semaphore, #tpu.memory_space<semaphore_mem>>)
    %dma_start3A_97 = arith.constant 1 : i32
    %dma_start3A_98 = arith.constant 0 : i32
    %dma_start3A_99 = tpu.memref_slice %arg7[%dma_start3A_97, %dma_start3A_98] : memref<50x40xi32, #tpu.memory_space<vmem>> -> memref<1x40xi32, #tpu.memory_space<vmem>>
    %dma_start3A_100 = tpu.memref_squeeze %dma_start3A_99 : memref<1x40xi32, #tpu.memory_space<vmem>> -> memref<40xi32, #tpu.memory_space<vmem>>
    %dma_start3A_101 = arith.constant 0 : i32
    %dma_start3A_102 = arith.constant 0 : i32
    %dma_start3A_103 = tpu.memref_slice %arg2[%dma_start3A_101, %dma_start3A_102] : memref<10000x128xf32, #tpu.memory_space<hbm>> -> memref<10000x128xf32, #tpu.memory_space<hbm>>
    tpu.enqueue_indirect_dma source(%dma_start3A_103 : memref<10000x128xf32, #tpu.memory_space<hbm>>) target(%arg10 : memref<40x128xf32, #tpu.memory_space<vmem>>) offsets(%dma_start3A_100 : memref<40xi32, #tpu.memory_space<vmem>>) semaphore(%arg15 : memref<!tpu.dma_semaphore, #tpu.memory_space<semaphore_mem>>)
    %dma_start3A_104 = arith.constant 2 : i32
    %dma_start3A_105 = arith.constant 0 : i32
    %dma_start3A_106 = tpu.memref_slice %arg7[%dma_start3A_104, %dma_start3A_105] : memref<50x40xi32, #tpu.memory_space<vmem>> -> memref<1x40xi32, #tpu.memory_space<vmem>>
    %dma_start3A_107 = tpu.memref_squeeze %dma_start3A_106 : memref<1x40xi32, #tpu.memory_space<vmem>> -> memref<40xi32, #tpu.memory_space<vmem>>
    %dma_start3A_108 = arith.constant 0 : i32
    %dma_start3A_109 = arith.constant 0 : i32
    %dma_start3A_110 = tpu.memref_slice %arg2[%dma_start3A_108, %dma_start3A_109] : memref<10000x128xf32, #tpu.memory_space<hbm>> -> memref<10000x128xf32, #tpu.memory_space<hbm>>
    tpu.enqueue_indirect_dma source(%dma_start3A_110 : memref<10000x128xf32, #tpu.memory_space<hbm>>) target(%arg11 : memref<40x128xf32, #tpu.memory_space<vmem>>) offsets(%dma_start3A_107 : memref<40xi32, #tpu.memory_space<vmem>>) semaphore(%arg16 : memref<!tpu.dma_semaphore, #tpu.memory_space<semaphore_mem>>)
    %dma_start3A_111 = arith.constant 3 : i32
    %dma_start3A_112 = arith.constant 0 : i32
    %dma_start3A_113 = tpu.memref_slice %arg7[%dma_start3A_111, %dma_start3A_112] : memref<50x40xi32, #tpu.memory_space<vmem>> -> memref<1x40xi32, #tpu.memory_space<vmem>>
    %dma_start3A_114 = tpu.memref_squeeze %dma_start3A_113 : memref<1x40xi32, #tpu.memory_space<vmem>> -> memref<40xi32, #tpu.memory_space<vmem>>
    %dma_start3A_115 = arith.constant 0 : i32
    %dma_start3A_116 = arith.constant 0 : i32
    %dma_start3A_117 = tpu.memref_slice %arg2[%dma_start3A_115, %dma_start3A_116] : memref<10000x128xf32, #tpu.memory_space<hbm>> -> memref<10000x128xf32, #tpu.memory_space<hbm>>
    tpu.enqueue_indirect_dma source(%dma_start3A_117 : memref<10000x128xf32, #tpu.memory_space<hbm>>) target(%arg12 : memref<40x128xf32, #tpu.memory_space<vmem>>) offsets(%dma_start3A_114 : memref<40xi32, #tpu.memory_space<vmem>>) semaphore(%arg17 : memref<!tpu.dma_semaphore, #tpu.memory_space<semaphore_mem>>)
    %dma_start3A_118 = arith.constant 4 : i32
    %dma_start3A_119 = arith.constant 0 : i32
    %dma_start3A_120 = tpu.memref_slice %arg7[%dma_start3A_118, %dma_start3A_119] : memref<50x40xi32, #tpu.memory_space<vmem>> -> memref<1x40xi32, #tpu.memory_space<vmem>>
    %dma_start3A_121 = tpu.memref_squeeze %dma_start3A_120 : memref<1x40xi32, #tpu.memory_space<vmem>> -> memref<40xi32, #tpu.memory_space<vmem>>
    %dma_start3A_122 = arith.constant 0 : i32
    %dma_start3A_123 = arith.constant 0 : i32
    %dma_start3A_124 = tpu.memref_slice %arg2[%dma_start3A_122, %dma_start3A_123] : memref<10000x128xf32, #tpu.memory_space<hbm>> -> memref<10000x128xf32, #tpu.memory_space<hbm>>
    tpu.enqueue_indirect_dma source(%dma_start3A_124 : memref<10000x128xf32, #tpu.memory_space<hbm>>) target(%arg13 : memref<40x128xf32, #tpu.memory_space<vmem>>) offsets(%dma_start3A_121 : memref<40xi32, #tpu.memory_space<vmem>>) semaphore(%arg18 : memref<!tpu.dma_semaphore, #tpu.memory_space<semaphore_mem>>)
    %scan3A_125 = arith.constant 0 : i32
    %scan3A_126 = arith.constant 10 : i32
    %scan3A_127 = arith.addi %scan3A_125, %scan3A_126 : i32
    %scan3A_128 = arith.constant 1 : i32
    scf.for %scan3A_222 = %scan3A_125 to %scan3A_127 step %scan3A_128  : i32 {
      %mul3A_223 = arith.constant 1 : i32
      %mul3A_224 = arith.muli %scan3A_222, %mul3A_223 : i32
      %add3A_225 = arith.constant 0 : i32
      %add3A_226 = arith.addi %add3A_225, %mul3A_224 : i32
      %mul3A_227 = arith.constant 5 : i32
      %mul3A_228 = arith.muli %add3A_226, %mul3A_227 : i32
      %add3A_229 = arith.constant 0 : i32
      %add3A_230 = arith.addi %mul3A_228, %add3A_229 : i32
      %dma_wait3A = arith.constant 0 : i32
      %dma_wait3A_231 = tpu.memref_slice %arg7[%add3A_230, %dma_wait3A] : memref<50x40xi32, #tpu.memory_space<vmem>> -> memref<1x40xi32, #tpu.memory_space<vmem>>
      %dma_wait3A_232 = tpu.memref_squeeze %dma_wait3A_231 : memref<1x40xi32, #tpu.memory_space<vmem>> -> memref<40xi32, #tpu.memory_space<vmem>>
      %dma_wait3A_233 = arith.constant 0 : i32
      %dma_wait3A_234 = arith.constant 0 : i32
      %dma_wait3A_235 = tpu.memref_slice %arg2[%dma_wait3A_233, %dma_wait3A_234] : memref<10000x128xf32, #tpu.memory_space<hbm>> -> memref<10000x128xf32, #tpu.memory_space<hbm>>
      tpu.wait_indirect_dma semaphore(%arg14 : memref<!tpu.dma_semaphore, #tpu.memory_space<semaphore_mem>>) src(%dma_wait3A_235 : memref<10000x128xf32, #tpu.memory_space<hbm>>) dst(%arg9 : memref<40x128xf32, #tpu.memory_space<vmem>>)
      %add3A_236 = arith.constant 0 : i32
      %add3A_237 = arith.addi %mul3A_228, %add3A_236 : i32
      "tpu.region"() ({
        %run_scoped3A_312 = tpu.sem_alloc : memref<!tpu.dma_semaphore, #tpu.memory_space<semaphore_mem>>
        %dma_start3A_313 = arith.constant 0 : i32
        %dma_start3A_314 = tpu.memref_slice %arg8[%add3A_237, %dma_start3A_313] : memref<50x40xi32, #tpu.memory_space<vmem>> -> memref<1x40xi32, #tpu.memory_space<vmem>>
        %dma_start3A_315 = tpu.memref_squeeze %dma_start3A_314 : memref<1x40xi32, #tpu.memory_space<vmem>> -> memref<40xi32, #tpu.memory_space<vmem>>
        %dma_start3A_316 = arith.constant 0 : i32
        %dma_start3A_317 = arith.constant 0 : i32
        %dma_start3A_318 = tpu.memref_slice %arg19[%dma_start3A_316, %dma_start3A_317] : memref<10000x128xf32, #tpu.memory_space<vmem_shared>> -> memref<10000x128xf32, #tpu.memory_space<vmem_shared>>
        tpu.enqueue_indirect_dma source(%arg9 : memref<40x128xf32, #tpu.memory_space<vmem>>) target(%dma_start3A_318 : memref<10000x128xf32, #tpu.memory_space<vmem_shared>>) offsets(%dma_start3A_315 : memref<40xi32, #tpu.memory_space<vmem>>) semaphore(%run_scoped3A_312 : memref<!tpu.dma_semaphore, #tpu.memory_space<semaphore_mem>>) {add = true}
        %dma_wait3A_319 = arith.constant 0 : i32
        %dma_wait3A_320 = tpu.memref_slice %arg8[%add3A_237, %dma_wait3A_319] : memref<50x40xi32, #tpu.memory_space<vmem>> -> memref<1x40xi32, #tpu.memory_space<vmem>>
        %dma_wait3A_321 = tpu.memref_squeeze %dma_wait3A_320 : memref<1x40xi32, #tpu.memory_space<vmem>> -> memref<40xi32, #tpu.memory_space<vmem>>
        %dma_wait3A_322 = arith.constant 0 : i32
        %dma_wait3A_323 = arith.constant 0 : i32
        %dma_wait3A_324 = tpu.memref_slice %arg19[%dma_wait3A_322, %dma_wait3A_323] : memref<10000x128xf32, #tpu.memory_space<vmem_shared>> -> memref<10000x128xf32, #tpu.memory_space<vmem_shared>>
        tpu.wait_indirect_dma semaphore(%run_scoped3A_312 : memref<!tpu.dma_semaphore, #tpu.memory_space<semaphore_mem>>) src(%arg9 : memref<40x128xf32, #tpu.memory_space<vmem>>) dst(%dma_wait3A_324 : memref<10000x128xf32, #tpu.memory_space<vmem_shared>>)
        tpu.yield
      }) : () -> ()
      %add3A_238 = arith.constant 1 : i32
      %add3A_239 = arith.addi %add3A_226, %add3A_238 : i32
      %lt3A = arith.constant 10 : i32
      %lt3A_240 = arith.cmpi slt, %add3A_239, %lt3A : i32
      %convert_element_type3A_241 = arith.extui %lt3A_240 : i1 to i32
      %cond3A_242 = arith.constant 0 : i32
      %cond3A_243 = arith.cmpi ne, %convert_element_type3A_241, %cond3A_242 : i32
      scf.if %cond3A_243 {
        %add3A_312 = arith.constant 5 : i32
        %add3A_313 = arith.addi %mul3A_228, %add3A_312 : i32
        %add3A_314 = arith.constant 0 : i32
        %add3A_315 = arith.addi %add3A_313, %add3A_314 : i32
        %dma_start3A_316 = arith.constant 0 : i32
        %dma_start3A_317 = tpu.memref_slice %arg7[%add3A_315, %dma_start3A_316] : memref<50x40xi32, #tpu.memory_space<vmem>> -> memref<1x40xi32, #tpu.memory_space<vmem>>
        %dma_start3A_318 = tpu.memref_squeeze %dma_start3A_317 : memref<1x40xi32, #tpu.memory_space<vmem>> -> memref<40xi32, #tpu.memory_space<vmem>>
        %dma_start3A_319 = arith.constant 0 : i32
        %dma_start3A_320 = arith.constant 0 : i32
        %dma_start3A_321 = tpu.memref_slice %arg2[%dma_start3A_319, %dma_start3A_320] : memref<10000x128xf32, #tpu.memory_space<hbm>> -> memref<10000x128xf32, #tpu.memory_space<hbm>>
        tpu.enqueue_indirect_dma source(%dma_start3A_321 : memref<10000x128xf32, #tpu.memory_space<hbm>>) target(%arg9 : memref<40x128xf32, #tpu.memory_space<vmem>>) offsets(%dma_start3A_318 : memref<40xi32, #tpu.memory_space<vmem>>) semaphore(%arg14 : memref<!tpu.dma_semaphore, #tpu.memory_space<semaphore_mem>>)
      } else {
      }
      %add3A_244 = arith.constant 1 : i32
      %add3A_245 = arith.addi %mul3A_228, %add3A_244 : i32
      %dma_wait3A_246 = arith.constant 0 : i32
      %dma_wait3A_247 = tpu.memref_slice %arg7[%add3A_245, %dma_wait3A_246] : memref<50x40xi32, #tpu.memory_space<vmem>> -> memref<1x40xi32, #tpu.memory_space<vmem>>
      %dma_wait3A_248 = tpu.memref_squeeze %dma_wait3A_247 : memref<1x40xi32, #tpu.memory_space<vmem>> -> memref<40xi32, #tpu.memory_space<vmem>>
      %dma_wait3A_249 = arith.constant 0 : i32
      %dma_wait3A_250 = arith.constant 0 : i32
      %dma_wait3A_251 = tpu.memref_slice %arg2[%dma_wait3A_249, %dma_wait3A_250] : memref<10000x128xf32, #tpu.memory_space<hbm>> -> memref<10000x128xf32, #tpu.memory_space<hbm>>
      tpu.wait_indirect_dma semaphore(%arg15 : memref<!tpu.dma_semaphore, #tpu.memory_space<semaphore_mem>>) src(%dma_wait3A_251 : memref<10000x128xf32, #tpu.memory_space<hbm>>) dst(%arg10 : memref<40x128xf32, #tpu.memory_space<vmem>>)
      %add3A_252 = arith.constant 1 : i32
      %add3A_253 = arith.addi %mul3A_228, %add3A_252 : i32
      "tpu.region"() ({
        %run_scoped3A_312 = tpu.sem_alloc : memref<!tpu.dma_semaphore, #tpu.memory_space<semaphore_mem>>
        %dma_start3A_313 = arith.constant 0 : i32
        %dma_start3A_314 = tpu.memref_slice %arg8[%add3A_253, %dma_start3A_313] : memref<50x40xi32, #tpu.memory_space<vmem>> -> memref<1x40xi32, #tpu.memory_space<vmem>>
        %dma_start3A_315 = tpu.memref_squeeze %dma_start3A_314 : memref<1x40xi32, #tpu.memory_space<vmem>> -> memref<40xi32, #tpu.memory_space<vmem>>
        %dma_start3A_316 = arith.constant 0 : i32
        %dma_start3A_317 = arith.constant 0 : i32
        %dma_start3A_318 = tpu.memref_slice %arg19[%dma_start3A_316, %dma_start3A_317] : memref<10000x128xf32, #tpu.memory_space<vmem_shared>> -> memref<10000x128xf32, #tpu.memory_space<vmem_shared>>
        tpu.enqueue_indirect_dma source(%arg10 : memref<40x128xf32, #tpu.memory_space<vmem>>) target(%dma_start3A_318 : memref<10000x128xf32, #tpu.memory_space<vmem_shared>>) offsets(%dma_start3A_315 : memref<40xi32, #tpu.memory_space<vmem>>) semaphore(%run_scoped3A_312 : memref<!tpu.dma_semaphore, #tpu.memory_space<semaphore_mem>>) {add = true}
        %dma_wait3A_319 = arith.constant 0 : i32
        %dma_wait3A_320 = tpu.memref_slice %arg8[%add3A_253, %dma_wait3A_319] : memref<50x40xi32, #tpu.memory_space<vmem>> -> memref<1x40xi32, #tpu.memory_space<vmem>>
        %dma_wait3A_321 = tpu.memref_squeeze %dma_wait3A_320 : memref<1x40xi32, #tpu.memory_space<vmem>> -> memref<40xi32, #tpu.memory_space<vmem>>
        %dma_wait3A_322 = arith.constant 0 : i32
        %dma_wait3A_323 = arith.constant 0 : i32
        %dma_wait3A_324 = tpu.memref_slice %arg19[%dma_wait3A_322, %dma_wait3A_323] : memref<10000x128xf32, #tpu.memory_space<vmem_shared>> -> memref<10000x128xf32, #tpu.memory_space<vmem_shared>>
        tpu.wait_indirect_dma semaphore(%run_scoped3A_312 : memref<!tpu.dma_semaphore, #tpu.memory_space<semaphore_mem>>) src(%arg10 : memref<40x128xf32, #tpu.memory_space<vmem>>) dst(%dma_wait3A_324 : memref<10000x128xf32, #tpu.memory_space<vmem_shared>>)
        tpu.yield
      }) : () -> ()
      %add3A_254 = arith.constant 1 : i32
      %add3A_255 = arith.addi %add3A_226, %add3A_254 : i32
      %lt3A_256 = arith.constant 10 : i32
      %lt3A_257 = arith.cmpi slt, %add3A_255, %lt3A_256 : i32
      %convert_element_type3A_258 = arith.extui %lt3A_257 : i1 to i32
      %cond3A_259 = arith.constant 0 : i32
      %cond3A_260 = arith.cmpi ne, %convert_element_type3A_258, %cond3A_259 : i32
      scf.if %cond3A_260 {
        %add3A_312 = arith.constant 5 : i32
        %add3A_313 = arith.addi %mul3A_228, %add3A_312 : i32
        %add3A_314 = arith.constant 1 : i32
        %add3A_315 = arith.addi %add3A_313, %add3A_314 : i32
        %dma_start3A_316 = arith.constant 0 : i32
        %dma_start3A_317 = tpu.memref_slice %arg7[%add3A_315, %dma_start3A_316] : memref<50x40xi32, #tpu.memory_space<vmem>> -> memref<1x40xi32, #tpu.memory_space<vmem>>
        %dma_start3A_318 = tpu.memref_squeeze %dma_start3A_317 : memref<1x40xi32, #tpu.memory_space<vmem>> -> memref<40xi32, #tpu.memory_space<vmem>>
        %dma_start3A_319 = arith.constant 0 : i32
        %dma_start3A_320 = arith.constant 0 : i32
        %dma_start3A_321 = tpu.memref_slice %arg2[%dma_start3A_319, %dma_start3A_320] : memref<10000x128xf32, #tpu.memory_space<hbm>> -> memref<10000x128xf32, #tpu.memory_space<hbm>>
        tpu.enqueue_indirect_dma source(%dma_start3A_321 : memref<10000x128xf32, #tpu.memory_space<hbm>>) target(%arg10 : memref<40x128xf32, #tpu.memory_space<vmem>>) offsets(%dma_start3A_318 : memref<40xi32, #tpu.memory_space<vmem>>) semaphore(%arg15 : memref<!tpu.dma_semaphore, #tpu.memory_space<semaphore_mem>>)
      } else {
      }
      %add3A_261 = arith.constant 2 : i32
      %add3A_262 = arith.addi %mul3A_228, %add3A_261 : i32
      %dma_wait3A_263 = arith.constant 0 : i32
      %dma_wait3A_264 = tpu.memref_slice %arg7[%add3A_262, %dma_wait3A_263] : memref<50x40xi32, #tpu.memory_space<vmem>> -> memref<1x40xi32, #tpu.memory_space<vmem>>
      %dma_wait3A_265 = tpu.memref_squeeze %dma_wait3A_264 : memref<1x40xi32, #tpu.memory_space<vmem>> -> memref<40xi32, #tpu.memory_space<vmem>>
      %dma_wait3A_266 = arith.constant 0 : i32
      %dma_wait3A_267 = arith.constant 0 : i32
      %dma_wait3A_268 = tpu.memref_slice %arg2[%dma_wait3A_266, %dma_wait3A_267] : memref<10000x128xf32, #tpu.memory_space<hbm>> -> memref<10000x128xf32, #tpu.memory_space<hbm>>
      tpu.wait_indirect_dma semaphore(%arg16 : memref<!tpu.dma_semaphore, #tpu.memory_space<semaphore_mem>>) src(%dma_wait3A_268 : memref<10000x128xf32, #tpu.memory_space<hbm>>) dst(%arg11 : memref<40x128xf32, #tpu.memory_space<vmem>>)
      %add3A_269 = arith.constant 2 : i32
      %add3A_270 = arith.addi %mul3A_228, %add3A_269 : i32
      "tpu.region"() ({
        %run_scoped3A_312 = tpu.sem_alloc : memref<!tpu.dma_semaphore, #tpu.memory_space<semaphore_mem>>
        %dma_start3A_313 = arith.constant 0 : i32
        %dma_start3A_314 = tpu.memref_slice %arg8[%add3A_270, %dma_start3A_313] : memref<50x40xi32, #tpu.memory_space<vmem>> -> memref<1x40xi32, #tpu.memory_space<vmem>>
        %dma_start3A_315 = tpu.memref_squeeze %dma_start3A_314 : memref<1x40xi32, #tpu.memory_space<vmem>> -> memref<40xi32, #tpu.memory_space<vmem>>
        %dma_start3A_316 = arith.constant 0 : i32
        %dma_start3A_317 = arith.constant 0 : i32
        %dma_start3A_318 = tpu.memref_slice %arg19[%dma_start3A_316, %dma_start3A_317] : memref<10000x128xf32, #tpu.memory_space<vmem_shared>> -> memref<10000x128xf32, #tpu.memory_space<vmem_shared>>
        tpu.enqueue_indirect_dma source(%arg11 : memref<40x128xf32, #tpu.memory_space<vmem>>) target(%dma_start3A_318 : memref<10000x128xf32, #tpu.memory_space<vmem_shared>>) offsets(%dma_start3A_315 : memref<40xi32, #tpu.memory_space<vmem>>) semaphore(%run_scoped3A_312 : memref<!tpu.dma_semaphore, #tpu.memory_space<semaphore_mem>>) {add = true}
        %dma_wait3A_319 = arith.constant 0 : i32
        %dma_wait3A_320 = tpu.memref_slice %arg8[%add3A_270, %dma_wait3A_319] : memref<50x40xi32, #tpu.memory_space<vmem>> -> memref<1x40xi32, #tpu.memory_space<vmem>>
        %dma_wait3A_321 = tpu.memref_squeeze %dma_wait3A_320 : memref<1x40xi32, #tpu.memory_space<vmem>> -> memref<40xi32, #tpu.memory_space<vmem>>
        %dma_wait3A_322 = arith.constant 0 : i32
        %dma_wait3A_323 = arith.constant 0 : i32
        %dma_wait3A_324 = tpu.memref_slice %arg19[%dma_wait3A_322, %dma_wait3A_323] : memref<10000x128xf32, #tpu.memory_space<vmem_shared>> -> memref<10000x128xf32, #tpu.memory_space<vmem_shared>>
        tpu.wait_indirect_dma semaphore(%run_scoped3A_312 : memref<!tpu.dma_semaphore, #tpu.memory_space<semaphore_mem>>) src(%arg11 : memref<40x128xf32, #tpu.memory_space<vmem>>) dst(%dma_wait3A_324 : memref<10000x128xf32, #tpu.memory_space<vmem_shared>>)
        tpu.yield
      }) : () -> ()
      %add3A_271 = arith.constant 1 : i32
      %add3A_272 = arith.addi %add3A_226, %add3A_271 : i32
      %lt3A_273 = arith.constant 10 : i32
      %lt3A_274 = arith.cmpi slt, %add3A_272, %lt3A_273 : i32
      %convert_element_type3A_275 = arith.extui %lt3A_274 : i1 to i32
      %cond3A_276 = arith.constant 0 : i32
      %cond3A_277 = arith.cmpi ne, %convert_element_type3A_275, %cond3A_276 : i32
      scf.if %cond3A_277 {
        %add3A_312 = arith.constant 5 : i32
        %add3A_313 = arith.addi %mul3A_228, %add3A_312 : i32
        %add3A_314 = arith.constant 2 : i32
        %add3A_315 = arith.addi %add3A_313, %add3A_314 : i32
        %dma_start3A_316 = arith.constant 0 : i32
        %dma_start3A_317 = tpu.memref_slice %arg7[%add3A_315, %dma_start3A_316] : memref<50x40xi32, #tpu.memory_space<vmem>> -> memref<1x40xi32, #tpu.memory_space<vmem>>
        %dma_start3A_318 = tpu.memref_squeeze %dma_start3A_317 : memref<1x40xi32, #tpu.memory_space<vmem>> -> memref<40xi32, #tpu.memory_space<vmem>>
        %dma_start3A_319 = arith.constant 0 : i32
        %dma_start3A_320 = arith.constant 0 : i32
        %dma_start3A_321 = tpu.memref_slice %arg2[%dma_start3A_319, %dma_start3A_320] : memref<10000x128xf32, #tpu.memory_space<hbm>> -> memref<10000x128xf32, #tpu.memory_space<hbm>>
        tpu.enqueue_indirect_dma source(%dma_start3A_321 : memref<10000x128xf32, #tpu.memory_space<hbm>>) target(%arg11 : memref<40x128xf32, #tpu.memory_space<vmem>>) offsets(%dma_start3A_318 : memref<40xi32, #tpu.memory_space<vmem>>) semaphore(%arg16 : memref<!tpu.dma_semaphore, #tpu.memory_space<semaphore_mem>>)
      } else {
      }
      %add3A_278 = arith.constant 3 : i32
      %add3A_279 = arith.addi %mul3A_228, %add3A_278 : i32
      %dma_wait3A_280 = arith.constant 0 : i32
      %dma_wait3A_281 = tpu.memref_slice %arg7[%add3A_279, %dma_wait3A_280] : memref<50x40xi32, #tpu.memory_space<vmem>> -> memref<1x40xi32, #tpu.memory_space<vmem>>
      %dma_wait3A_282 = tpu.memref_squeeze %dma_wait3A_281 : memref<1x40xi32, #tpu.memory_space<vmem>> -> memref<40xi32, #tpu.memory_space<vmem>>
      %dma_wait3A_283 = arith.constant 0 : i32
      %dma_wait3A_284 = arith.constant 0 : i32
      %dma_wait3A_285 = tpu.memref_slice %arg2[%dma_wait3A_283, %dma_wait3A_284] : memref<10000x128xf32, #tpu.memory_space<hbm>> -> memref<10000x128xf32, #tpu.memory_space<hbm>>
      tpu.wait_indirect_dma semaphore(%arg17 : memref<!tpu.dma_semaphore, #tpu.memory_space<semaphore_mem>>) src(%dma_wait3A_285 : memref<10000x128xf32, #tpu.memory_space<hbm>>) dst(%arg12 : memref<40x128xf32, #tpu.memory_space<vmem>>)
      %add3A_286 = arith.constant 3 : i32
      %add3A_287 = arith.addi %mul3A_228, %add3A_286 : i32
      "tpu.region"() ({
        %run_scoped3A_312 = tpu.sem_alloc : memref<!tpu.dma_semaphore, #tpu.memory_space<semaphore_mem>>
        %dma_start3A_313 = arith.constant 0 : i32
        %dma_start3A_314 = tpu.memref_slice %arg8[%add3A_287, %dma_start3A_313] : memref<50x40xi32, #tpu.memory_space<vmem>> -> memref<1x40xi32, #tpu.memory_space<vmem>>
        %dma_start3A_315 = tpu.memref_squeeze %dma_start3A_314 : memref<1x40xi32, #tpu.memory_space<vmem>> -> memref<40xi32, #tpu.memory_space<vmem>>
        %dma_start3A_316 = arith.constant 0 : i32
        %dma_start3A_317 = arith.constant 0 : i32
        %dma_start3A_318 = tpu.memref_slice %arg19[%dma_start3A_316, %dma_start3A_317] : memref<10000x128xf32, #tpu.memory_space<vmem_shared>> -> memref<10000x128xf32, #tpu.memory_space<vmem_shared>>
        tpu.enqueue_indirect_dma source(%arg12 : memref<40x128xf32, #tpu.memory_space<vmem>>) target(%dma_start3A_318 : memref<10000x128xf32, #tpu.memory_space<vmem_shared>>) offsets(%dma_start3A_315 : memref<40xi32, #tpu.memory_space<vmem>>) semaphore(%run_scoped3A_312 : memref<!tpu.dma_semaphore, #tpu.memory_space<semaphore_mem>>) {add = true}
        %dma_wait3A_319 = arith.constant 0 : i32
        %dma_wait3A_320 = tpu.memref_slice %arg8[%add3A_287, %dma_wait3A_319] : memref<50x40xi32, #tpu.memory_space<vmem>> -> memref<1x40xi32, #tpu.memory_space<vmem>>
        %dma_wait3A_321 = tpu.memref_squeeze %dma_wait3A_320 : memref<1x40xi32, #tpu.memory_space<vmem>> -> memref<40xi32, #tpu.memory_space<vmem>>
        %dma_wait3A_322 = arith.constant 0 : i32
        %dma_wait3A_323 = arith.constant 0 : i32
        %dma_wait3A_324 = tpu.memref_slice %arg19[%dma_wait3A_322, %dma_wait3A_323] : memref<10000x128xf32, #tpu.memory_space<vmem_shared>> -> memref<10000x128xf32, #tpu.memory_space<vmem_shared>>
        tpu.wait_indirect_dma semaphore(%run_scoped3A_312 : memref<!tpu.dma_semaphore, #tpu.memory_space<semaphore_mem>>) src(%arg12 : memref<40x128xf32, #tpu.memory_space<vmem>>) dst(%dma_wait3A_324 : memref<10000x128xf32, #tpu.memory_space<vmem_shared>>)
        tpu.yield
      }) : () -> ()
      %add3A_288 = arith.constant 1 : i32
      %add3A_289 = arith.addi %add3A_226, %add3A_288 : i32
      %lt3A_290 = arith.constant 10 : i32
      %lt3A_291 = arith.cmpi slt, %add3A_289, %lt3A_290 : i32
      %convert_element_type3A_292 = arith.extui %lt3A_291 : i1 to i32
      %cond3A_293 = arith.constant 0 : i32
      %cond3A_294 = arith.cmpi ne, %convert_element_type3A_292, %cond3A_293 : i32
      scf.if %cond3A_294 {
        %add3A_312 = arith.constant 5 : i32
        %add3A_313 = arith.addi %mul3A_228, %add3A_312 : i32
        %add3A_314 = arith.constant 3 : i32
        %add3A_315 = arith.addi %add3A_313, %add3A_314 : i32
        %dma_start3A_316 = arith.constant 0 : i32
        %dma_start3A_317 = tpu.memref_slice %arg7[%add3A_315, %dma_start3A_316] : memref<50x40xi32, #tpu.memory_space<vmem>> -> memref<1x40xi32, #tpu.memory_space<vmem>>
        %dma_start3A_318 = tpu.memref_squeeze %dma_start3A_317 : memref<1x40xi32, #tpu.memory_space<vmem>> -> memref<40xi32, #tpu.memory_space<vmem>>
        %dma_start3A_319 = arith.constant 0 : i32
        %dma_start3A_320 = arith.constant 0 : i32
        %dma_start3A_321 = tpu.memref_slice %arg2[%dma_start3A_319, %dma_start3A_320] : memref<10000x128xf32, #tpu.memory_space<hbm>> -> memref<10000x128xf32, #tpu.memory_space<hbm>>
        tpu.enqueue_indirect_dma source(%dma_start3A_321 : memref<10000x128xf32, #tpu.memory_space<hbm>>) target(%arg12 : memref<40x128xf32, #tpu.memory_space<vmem>>) offsets(%dma_start3A_318 : memref<40xi32, #tpu.memory_space<vmem>>) semaphore(%arg17 : memref<!tpu.dma_semaphore, #tpu.memory_space<semaphore_mem>>)
      } else {
      }
      %add3A_295 = arith.constant 4 : i32
      %add3A_296 = arith.addi %mul3A_228, %add3A_295 : i32
      %dma_wait3A_297 = arith.constant 0 : i32
      %dma_wait3A_298 = tpu.memref_slice %arg7[%add3A_296, %dma_wait3A_297] : memref<50x40xi32, #tpu.memory_space<vmem>> -> memref<1x40xi32, #tpu.memory_space<vmem>>
      %dma_wait3A_299 = tpu.memref_squeeze %dma_wait3A_298 : memref<1x40xi32, #tpu.memory_space<vmem>> -> memref<40xi32, #tpu.memory_space<vmem>>
      %dma_wait3A_300 = arith.constant 0 : i32
      %dma_wait3A_301 = arith.constant 0 : i32
      %dma_wait3A_302 = tpu.memref_slice %arg2[%dma_wait3A_300, %dma_wait3A_301] : memref<10000x128xf32, #tpu.memory_space<hbm>> -> memref<10000x128xf32, #tpu.memory_space<hbm>>
      tpu.wait_indirect_dma semaphore(%arg18 : memref<!tpu.dma_semaphore, #tpu.memory_space<semaphore_mem>>) src(%dma_wait3A_302 : memref<10000x128xf32, #tpu.memory_space<hbm>>) dst(%arg13 : memref<40x128xf32, #tpu.memory_space<vmem>>)
      %add3A_303 = arith.constant 4 : i32
      %add3A_304 = arith.addi %mul3A_228, %add3A_303 : i32
      "tpu.region"() ({
        %run_scoped3A_312 = tpu.sem_alloc : memref<!tpu.dma_semaphore, #tpu.memory_space<semaphore_mem>>
        %dma_start3A_313 = arith.constant 0 : i32
        %dma_start3A_314 = tpu.memref_slice %arg8[%add3A_304, %dma_start3A_313] : memref<50x40xi32, #tpu.memory_space<vmem>> -> memref<1x40xi32, #tpu.memory_space<vmem>>
        %dma_start3A_315 = tpu.memref_squeeze %dma_start3A_314 : memref<1x40xi32, #tpu.memory_space<vmem>> -> memref<40xi32, #tpu.memory_space<vmem>>
        %dma_start3A_316 = arith.constant 0 : i32
        %dma_start3A_317 = arith.constant 0 : i32
        %dma_start3A_318 = tpu.memref_slice %arg19[%dma_start3A_316, %dma_start3A_317] : memref<10000x128xf32, #tpu.memory_space<vmem_shared>> -> memref<10000x128xf32, #tpu.memory_space<vmem_shared>>
        tpu.enqueue_indirect_dma source(%arg13 : memref<40x128xf32, #tpu.memory_space<vmem>>) target(%dma_start3A_318 : memref<10000x128xf32, #tpu.memory_space<vmem_shared>>) offsets(%dma_start3A_315 : memref<40xi32, #tpu.memory_space<vmem>>) semaphore(%run_scoped3A_312 : memref<!tpu.dma_semaphore, #tpu.memory_space<semaphore_mem>>) {add = true}
        %dma_wait3A_319 = arith.constant 0 : i32
        %dma_wait3A_320 = tpu.memref_slice %arg8[%add3A_304, %dma_wait3A_319] : memref<50x40xi32, #tpu.memory_space<vmem>> -> memref<1x40xi32, #tpu.memory_space<vmem>>
        %dma_wait3A_321 = tpu.memref_squeeze %dma_wait3A_320 : memref<1x40xi32, #tpu.memory_space<vmem>> -> memref<40xi32, #tpu.memory_space<vmem>>
        %dma_wait3A_322 = arith.constant 0 : i32
        %dma_wait3A_323 = arith.constant 0 : i32
        %dma_wait3A_324 = tpu.memref_slice %arg19[%dma_wait3A_322, %dma_wait3A_323] : memref<10000x128xf32, #tpu.memory_space<vmem_shared>> -> memref<10000x128xf32, #tpu.memory_space<vmem_shared>>
        tpu.wait_indirect_dma semaphore(%run_scoped3A_312 : memref<!tpu.dma_semaphore, #tpu.memory_space<semaphore_mem>>) src(%arg13 : memref<40x128xf32, #tpu.memory_space<vmem>>) dst(%dma_wait3A_324 : memref<10000x128xf32, #tpu.memory_space<vmem_shared>>)
        tpu.yield
      }) : () -> ()
      %add3A_305 = arith.constant 1 : i32
      %add3A_306 = arith.addi %add3A_226, %add3A_305 : i32
      %lt3A_307 = arith.constant 10 : i32
      %lt3A_308 = arith.cmpi slt, %add3A_306, %lt3A_307 : i32
      %convert_element_type3A_309 = arith.extui %lt3A_308 : i1 to i32
      %cond3A_310 = arith.constant 0 : i32
      %cond3A_311 = arith.cmpi ne, %convert_element_type3A_309, %cond3A_310 : i32
      scf.if %cond3A_311 {
        %add3A_312 = arith.constant 5 : i32
        %add3A_313 = arith.addi %mul3A_228, %add3A_312 : i32
        %add3A_314 = arith.constant 4 : i32
        %add3A_315 = arith.addi %add3A_313, %add3A_314 : i32
        %dma_start3A_316 = arith.constant 0 : i32
        %dma_start3A_317 = tpu.memref_slice %arg7[%add3A_315, %dma_start3A_316] : memref<50x40xi32, #tpu.memory_space<vmem>> -> memref<1x40xi32, #tpu.memory_space<vmem>>
        %dma_start3A_318 = tpu.memref_squeeze %dma_start3A_317 : memref<1x40xi32, #tpu.memory_space<vmem>> -> memref<40xi32, #tpu.memory_space<vmem>>
        %dma_start3A_319 = arith.constant 0 : i32
        %dma_start3A_320 = arith.constant 0 : i32
        %dma_start3A_321 = tpu.memref_slice %arg2[%dma_start3A_319, %dma_start3A_320] : memref<10000x128xf32, #tpu.memory_space<hbm>> -> memref<10000x128xf32, #tpu.memory_space<hbm>>
        tpu.enqueue_indirect_dma source(%dma_start3A_321 : memref<10000x128xf32, #tpu.memory_space<hbm>>) target(%arg13 : memref<40x128xf32, #tpu.memory_space<vmem>>) offsets(%dma_start3A_318 : memref<40xi32, #tpu.memory_space<vmem>>) semaphore(%arg18 : memref<!tpu.dma_semaphore, #tpu.memory_space<semaphore_mem>>)
      } else {
      }
    }
    %scan3A_129 = arith.constant 10 : i32
    %run_scoped3A_130 = arith.constant 3 : i32
    "tpu.region"() ({
      %run_scoped3A_222 = tpu.sem_alloc : memref<!tpu.dma_semaphore, #tpu.memory_space<semaphore_mem>>
      %dma_start3A_223 = arith.constant 0 : i32
      %dma_start3A_224 = arith.constant 0 : i32
      %dma_start3A_225 = tpu.memref_slice %arg3[%add3A, %run_scoped3A_130, %dma_start3A_223, %dma_start3A_224] : memref<32x5x50x40xi32, #tpu.memory_space<hbm>> -> memref<1x1x50x40xi32, #tpu.memory_space<hbm>>
      %dma_start3A_226 = tpu.memref_squeeze %dma_start3A_225 : memref<1x1x50x40xi32, #tpu.memory_space<hbm>> -> memref<50x40xi32, #tpu.memory_space<hbm>>
      %dma_start3A_227 = arith.constant 0 : i32
      %dma_start3A_228 = arith.constant 0 : i32
      %dma_start3A_229 = tpu.memref_slice %arg3[%add3A, %run_scoped3A_130, %dma_start3A_227, %dma_start3A_228] : memref<32x5x50x40xi32, #tpu.memory_space<hbm>> -> memref<1x1x50x40xi32, #tpu.memory_space<hbm>>
      %dma_start3A_230 = tpu.memref_squeeze %dma_start3A_229 : memref<1x1x50x40xi32, #tpu.memory_space<hbm>> -> memref<50x40xi32, #tpu.memory_space<hbm>>
      tpu.enqueue_dma source(%dma_start3A_230 : memref<50x40xi32, #tpu.memory_space<hbm>>) target(%arg7 : memref<50x40xi32, #tpu.memory_space<vmem>>) target_semaphore(%run_scoped3A_222 : memref<!tpu.dma_semaphore, #tpu.memory_space<semaphore_mem>>)
      %dma_wait3A = arith.constant 0 : i32
      %dma_wait3A_231 = arith.constant 0 : i32
      %dma_wait3A_232 = tpu.memref_slice %arg3[%add3A, %run_scoped3A_130, %dma_wait3A, %dma_wait3A_231] : memref<32x5x50x40xi32, #tpu.memory_space<hbm>> -> memref<1x1x50x40xi32, #tpu.memory_space<hbm>>
      %dma_wait3A_233 = tpu.memref_squeeze %dma_wait3A_232 : memref<1x1x50x40xi32, #tpu.memory_space<hbm>> -> memref<50x40xi32, #tpu.memory_space<hbm>>
      %dma_wait3A_234 = arith.constant 0 : i32
      %dma_wait3A_235 = arith.constant 0 : i32
      %dma_wait3A_236 = tpu.memref_slice %arg3[%add3A, %run_scoped3A_130, %dma_wait3A_234, %dma_wait3A_235] : memref<32x5x50x40xi32, #tpu.memory_space<hbm>> -> memref<1x1x50x40xi32, #tpu.memory_space<hbm>>
      %dma_wait3A_237 = tpu.memref_squeeze %dma_wait3A_236 : memref<1x1x50x40xi32, #tpu.memory_space<hbm>> -> memref<50x40xi32, #tpu.memory_space<hbm>>
      tpu.wait_dma2 semaphore(%run_scoped3A_222 : memref<!tpu.dma_semaphore, #tpu.memory_space<semaphore_mem>>) src(%dma_wait3A_237 : memref<50x40xi32, #tpu.memory_space<hbm>>) dst(%arg7 : memref<50x40xi32, #tpu.memory_space<vmem>>)
      tpu.yield
    }) : () -> ()
    %run_scoped3A_131 = arith.constant 3 : i32
    "tpu.region"() ({
      %run_scoped3A_222 = tpu.sem_alloc : memref<!tpu.dma_semaphore, #tpu.memory_space<semaphore_mem>>
      %dma_start3A_223 = arith.constant 0 : i32
      %dma_start3A_224 = arith.constant 0 : i32
      %dma_start3A_225 = tpu.memref_slice %arg4[%add3A, %run_scoped3A_131, %dma_start3A_223, %dma_start3A_224] : memref<32x5x50x40xi32, #tpu.memory_space<hbm>> -> memref<1x1x50x40xi32, #tpu.memory_space<hbm>>
      %dma_start3A_226 = tpu.memref_squeeze %dma_start3A_225 : memref<1x1x50x40xi32, #tpu.memory_space<hbm>> -> memref<50x40xi32, #tpu.memory_space<hbm>>
      %dma_start3A_227 = arith.constant 0 : i32
      %dma_start3A_228 = arith.constant 0 : i32
      %dma_start3A_229 = tpu.memref_slice %arg4[%add3A, %run_scoped3A_131, %dma_start3A_227, %dma_start3A_228] : memref<32x5x50x40xi32, #tpu.memory_space<hbm>> -> memref<1x1x50x40xi32, #tpu.memory_space<hbm>>
      %dma_start3A_230 = tpu.memref_squeeze %dma_start3A_229 : memref<1x1x50x40xi32, #tpu.memory_space<hbm>> -> memref<50x40xi32, #tpu.memory_space<hbm>>
      tpu.enqueue_dma source(%dma_start3A_230 : memref<50x40xi32, #tpu.memory_space<hbm>>) target(%arg8 : memref<50x40xi32, #tpu.memory_space<vmem>>) target_semaphore(%run_scoped3A_222 : memref<!tpu.dma_semaphore, #tpu.memory_space<semaphore_mem>>)
      %dma_wait3A = arith.constant 0 : i32
      %dma_wait3A_231 = arith.constant 0 : i32
      %dma_wait3A_232 = tpu.memref_slice %arg4[%add3A, %run_scoped3A_131, %dma_wait3A, %dma_wait3A_231] : memref<32x5x50x40xi32, #tpu.memory_space<hbm>> -> memref<1x1x50x40xi32, #tpu.memory_space<hbm>>
      %dma_wait3A_233 = tpu.memref_squeeze %dma_wait3A_232 : memref<1x1x50x40xi32, #tpu.memory_space<hbm>> -> memref<50x40xi32, #tpu.memory_space<hbm>>
      %dma_wait3A_234 = arith.constant 0 : i32
      %dma_wait3A_235 = arith.constant 0 : i32
      %dma_wait3A_236 = tpu.memref_slice %arg4[%add3A, %run_scoped3A_131, %dma_wait3A_234, %dma_wait3A_235] : memref<32x5x50x40xi32, #tpu.memory_space<hbm>> -> memref<1x1x50x40xi32, #tpu.memory_space<hbm>>
      %dma_wait3A_237 = tpu.memref_squeeze %dma_wait3A_236 : memref<1x1x50x40xi32, #tpu.memory_space<hbm>> -> memref<50x40xi32, #tpu.memory_space<hbm>>
      tpu.wait_dma2 semaphore(%run_scoped3A_222 : memref<!tpu.dma_semaphore, #tpu.memory_space<semaphore_mem>>) src(%dma_wait3A_237 : memref<50x40xi32, #tpu.memory_space<hbm>>) dst(%arg8 : memref<50x40xi32, #tpu.memory_space<vmem>>)
      tpu.yield
    }) : () -> ()
    %dma_start3A_132 = arith.constant 0 : i32
    %dma_start3A_133 = arith.constant 0 : i32
    %dma_start3A_134 = tpu.memref_slice %arg7[%dma_start3A_132, %dma_start3A_133] : memref<50x40xi32, #tpu.memory_space<vmem>> -> memref<1x40xi32, #tpu.memory_space<vmem>>
    %dma_start3A_135 = tpu.memref_squeeze %dma_start3A_134 : memref<1x40xi32, #tpu.memory_space<vmem>> -> memref<40xi32, #tpu.memory_space<vmem>>
    %dma_start3A_136 = arith.constant 0 : i32
    %dma_start3A_137 = arith.constant 0 : i32
    %dma_start3A_138 = tpu.memref_slice %arg2[%dma_start3A_136, %dma_start3A_137] : memref<10000x128xf32, #tpu.memory_space<hbm>> -> memref<10000x128xf32, #tpu.memory_space<hbm>>
    tpu.enqueue_indirect_dma source(%dma_start3A_138 : memref<10000x128xf32, #tpu.memory_space<hbm>>) target(%arg9 : memref<40x128xf32, #tpu.memory_space<vmem>>) offsets(%dma_start3A_135 : memref<40xi32, #tpu.memory_space<vmem>>) semaphore(%arg14 : memref<!tpu.dma_semaphore, #tpu.memory_space<semaphore_mem>>)
    %dma_start3A_139 = arith.constant 1 : i32
    %dma_start3A_140 = arith.constant 0 : i32
    %dma_start3A_141 = tpu.memref_slice %arg7[%dma_start3A_139, %dma_start3A_140] : memref<50x40xi32, #tpu.memory_space<vmem>> -> memref<1x40xi32, #tpu.memory_space<vmem>>
    %dma_start3A_142 = tpu.memref_squeeze %dma_start3A_141 : memref<1x40xi32, #tpu.memory_space<vmem>> -> memref<40xi32, #tpu.memory_space<vmem>>
    %dma_start3A_143 = arith.constant 0 : i32
    %dma_start3A_144 = arith.constant 0 : i32
    %dma_start3A_145 = tpu.memref_slice %arg2[%dma_start3A_143, %dma_start3A_144] : memref<10000x128xf32, #tpu.memory_space<hbm>> -> memref<10000x128xf32, #tpu.memory_space<hbm>>
    tpu.enqueue_indirect_dma source(%dma_start3A_145 : memref<10000x128xf32, #tpu.memory_space<hbm>>) target(%arg10 : memref<40x128xf32, #tpu.memory_space<vmem>>) offsets(%dma_start3A_142 : memref<40xi32, #tpu.memory_space<vmem>>) semaphore(%arg15 : memref<!tpu.dma_semaphore, #tpu.memory_space<semaphore_mem>>)
    %dma_start3A_146 = arith.constant 2 : i32
    %dma_start3A_147 = arith.constant 0 : i32
    %dma_start3A_148 = tpu.memref_slice %arg7[%dma_start3A_146, %dma_start3A_147] : memref<50x40xi32, #tpu.memory_space<vmem>> -> memref<1x40xi32, #tpu.memory_space<vmem>>
    %dma_start3A_149 = tpu.memref_squeeze %dma_start3A_148 : memref<1x40xi32, #tpu.memory_space<vmem>> -> memref<40xi32, #tpu.memory_space<vmem>>
    %dma_start3A_150 = arith.constant 0 : i32
    %dma_start3A_151 = arith.constant 0 : i32
    %dma_start3A_152 = tpu.memref_slice %arg2[%dma_start3A_150, %dma_start3A_151] : memref<10000x128xf32, #tpu.memory_space<hbm>> -> memref<10000x128xf32, #tpu.memory_space<hbm>>
    tpu.enqueue_indirect_dma source(%dma_start3A_152 : memref<10000x128xf32, #tpu.memory_space<hbm>>) target(%arg11 : memref<40x128xf32, #tpu.memory_space<vmem>>) offsets(%dma_start3A_149 : memref<40xi32, #tpu.memory_space<vmem>>) semaphore(%arg16 : memref<!tpu.dma_semaphore, #tpu.memory_space<semaphore_mem>>)
    %dma_start3A_153 = arith.constant 3 : i32
    %dma_start3A_154 = arith.constant 0 : i32
    %dma_start3A_155 = tpu.memref_slice %arg7[%dma_start3A_153, %dma_start3A_154] : memref<50x40xi32, #tpu.memory_space<vmem>> -> memref<1x40xi32, #tpu.memory_space<vmem>>
    %dma_start3A_156 = tpu.memref_squeeze %dma_start3A_155 : memref<1x40xi32, #tpu.memory_space<vmem>> -> memref<40xi32, #tpu.memory_space<vmem>>
    %dma_start3A_157 = arith.constant 0 : i32
    %dma_start3A_158 = arith.constant 0 : i32
    %dma_start3A_159 = tpu.memref_slice %arg2[%dma_start3A_157, %dma_start3A_158] : memref<10000x128xf32, #tpu.memory_space<hbm>> -> memref<10000x128xf32, #tpu.memory_space<hbm>>
    tpu.enqueue_indirect_dma source(%dma_start3A_159 : memref<10000x128xf32, #tpu.memory_space<hbm>>) target(%arg12 : memref<40x128xf32, #tpu.memory_space<vmem>>) offsets(%dma_start3A_156 : memref<40xi32, #tpu.memory_space<vmem>>) semaphore(%arg17 : memref<!tpu.dma_semaphore, #tpu.memory_space<semaphore_mem>>)
    %dma_start3A_160 = arith.constant 4 : i32
    %dma_start3A_161 = arith.constant 0 : i32
    %dma_start3A_162 = tpu.memref_slice %arg7[%dma_start3A_160, %dma_start3A_161] : memref<50x40xi32, #tpu.memory_space<vmem>> -> memref<1x40xi32, #tpu.memory_space<vmem>>
    %dma_start3A_163 = tpu.memref_squeeze %dma_start3A_162 : memref<1x40xi32, #tpu.memory_space<vmem>> -> memref<40xi32, #tpu.memory_space<vmem>>
    %dma_start3A_164 = arith.constant 0 : i32
    %dma_start3A_165 = arith.constant 0 : i32
    %dma_start3A_166 = tpu.memref_slice %arg2[%dma_start3A_164, %dma_start3A_165] : memref<10000x128xf32, #tpu.memory_space<hbm>> -> memref<10000x128xf32, #tpu.memory_space<hbm>>
    tpu.enqueue_indirect_dma source(%dma_start3A_166 : memref<10000x128xf32, #tpu.memory_space<hbm>>) target(%arg13 : memref<40x128xf32, #tpu.memory_space<vmem>>) offsets(%dma_start3A_163 : memref<40xi32, #tpu.memory_space<vmem>>) semaphore(%arg18 : memref<!tpu.dma_semaphore, #tpu.memory_space<semaphore_mem>>)
    %scan3A_167 = arith.constant 0 : i32
    %scan3A_168 = arith.constant 10 : i32
    %scan3A_169 = arith.addi %scan3A_167, %scan3A_168 : i32
    %scan3A_170 = arith.constant 1 : i32
    scf.for %scan3A_222 = %scan3A_167 to %scan3A_169 step %scan3A_170  : i32 {
      %mul3A_223 = arith.constant 1 : i32
      %mul3A_224 = arith.muli %scan3A_222, %mul3A_223 : i32
      %add3A_225 = arith.constant 0 : i32
      %add3A_226 = arith.addi %add3A_225, %mul3A_224 : i32
      %mul3A_227 = arith.constant 5 : i32
      %mul3A_228 = arith.muli %add3A_226, %mul3A_227 : i32
      %add3A_229 = arith.constant 0 : i32
      %add3A_230 = arith.addi %mul3A_228, %add3A_229 : i32
      %dma_wait3A = arith.constant 0 : i32
      %dma_wait3A_231 = tpu.memref_slice %arg7[%add3A_230, %dma_wait3A] : memref<50x40xi32, #tpu.memory_space<vmem>> -> memref<1x40xi32, #tpu.memory_space<vmem>>
      %dma_wait3A_232 = tpu.memref_squeeze %dma_wait3A_231 : memref<1x40xi32, #tpu.memory_space<vmem>> -> memref<40xi32, #tpu.memory_space<vmem>>
      %dma_wait3A_233 = arith.constant 0 : i32
      %dma_wait3A_234 = arith.constant 0 : i32
      %dma_wait3A_235 = tpu.memref_slice %arg2[%dma_wait3A_233, %dma_wait3A_234] : memref<10000x128xf32, #tpu.memory_space<hbm>> -> memref<10000x128xf32, #tpu.memory_space<hbm>>
      tpu.wait_indirect_dma semaphore(%arg14 : memref<!tpu.dma_semaphore, #tpu.memory_space<semaphore_mem>>) src(%dma_wait3A_235 : memref<10000x128xf32, #tpu.memory_space<hbm>>) dst(%arg9 : memref<40x128xf32, #tpu.memory_space<vmem>>)
      %add3A_236 = arith.constant 0 : i32
      %add3A_237 = arith.addi %mul3A_228, %add3A_236 : i32
      "tpu.region"() ({
        %run_scoped3A_312 = tpu.sem_alloc : memref<!tpu.dma_semaphore, #tpu.memory_space<semaphore_mem>>
        %dma_start3A_313 = arith.constant 0 : i32
        %dma_start3A_314 = tpu.memref_slice %arg8[%add3A_237, %dma_start3A_313] : memref<50x40xi32, #tpu.memory_space<vmem>> -> memref<1x40xi32, #tpu.memory_space<vmem>>
        %dma_start3A_315 = tpu.memref_squeeze %dma_start3A_314 : memref<1x40xi32, #tpu.memory_space<vmem>> -> memref<40xi32, #tpu.memory_space<vmem>>
        %dma_start3A_316 = arith.constant 0 : i32
        %dma_start3A_317 = arith.constant 0 : i32
        %dma_start3A_318 = tpu.memref_slice %arg19[%dma_start3A_316, %dma_start3A_317] : memref<10000x128xf32, #tpu.memory_space<vmem_shared>> -> memref<10000x128xf32, #tpu.memory_space<vmem_shared>>
        tpu.enqueue_indirect_dma source(%arg9 : memref<40x128xf32, #tpu.memory_space<vmem>>) target(%dma_start3A_318 : memref<10000x128xf32, #tpu.memory_space<vmem_shared>>) offsets(%dma_start3A_315 : memref<40xi32, #tpu.memory_space<vmem>>) semaphore(%run_scoped3A_312 : memref<!tpu.dma_semaphore, #tpu.memory_space<semaphore_mem>>) {add = true}
        %dma_wait3A_319 = arith.constant 0 : i32
        %dma_wait3A_320 = tpu.memref_slice %arg8[%add3A_237, %dma_wait3A_319] : memref<50x40xi32, #tpu.memory_space<vmem>> -> memref<1x40xi32, #tpu.memory_space<vmem>>
        %dma_wait3A_321 = tpu.memref_squeeze %dma_wait3A_320 : memref<1x40xi32, #tpu.memory_space<vmem>> -> memref<40xi32, #tpu.memory_space<vmem>>
        %dma_wait3A_322 = arith.constant 0 : i32
        %dma_wait3A_323 = arith.constant 0 : i32
        %dma_wait3A_324 = tpu.memref_slice %arg19[%dma_wait3A_322, %dma_wait3A_323] : memref<10000x128xf32, #tpu.memory_space<vmem_shared>> -> memref<10000x128xf32, #tpu.memory_space<vmem_shared>>
        tpu.wait_indirect_dma semaphore(%run_scoped3A_312 : memref<!tpu.dma_semaphore, #tpu.memory_space<semaphore_mem>>) src(%arg9 : memref<40x128xf32, #tpu.memory_space<vmem>>) dst(%dma_wait3A_324 : memref<10000x128xf32, #tpu.memory_space<vmem_shared>>)
        tpu.yield
      }) : () -> ()
      %add3A_238 = arith.constant 1 : i32
      %add3A_239 = arith.addi %add3A_226, %add3A_238 : i32
      %lt3A = arith.constant 10 : i32
      %lt3A_240 = arith.cmpi slt, %add3A_239, %lt3A : i32
      %convert_element_type3A_241 = arith.extui %lt3A_240 : i1 to i32
      %cond3A_242 = arith.constant 0 : i32
      %cond3A_243 = arith.cmpi ne, %convert_element_type3A_241, %cond3A_242 : i32
      scf.if %cond3A_243 {
        %add3A_312 = arith.constant 5 : i32
        %add3A_313 = arith.addi %mul3A_228, %add3A_312 : i32
        %add3A_314 = arith.constant 0 : i32
        %add3A_315 = arith.addi %add3A_313, %add3A_314 : i32
        %dma_start3A_316 = arith.constant 0 : i32
        %dma_start3A_317 = tpu.memref_slice %arg7[%add3A_315, %dma_start3A_316] : memref<50x40xi32, #tpu.memory_space<vmem>> -> memref<1x40xi32, #tpu.memory_space<vmem>>
        %dma_start3A_318 = tpu.memref_squeeze %dma_start3A_317 : memref<1x40xi32, #tpu.memory_space<vmem>> -> memref<40xi32, #tpu.memory_space<vmem>>
        %dma_start3A_319 = arith.constant 0 : i32
        %dma_start3A_320 = arith.constant 0 : i32
        %dma_start3A_321 = tpu.memref_slice %arg2[%dma_start3A_319, %dma_start3A_320] : memref<10000x128xf32, #tpu.memory_space<hbm>> -> memref<10000x128xf32, #tpu.memory_space<hbm>>
        tpu.enqueue_indirect_dma source(%dma_start3A_321 : memref<10000x128xf32, #tpu.memory_space<hbm>>) target(%arg9 : memref<40x128xf32, #tpu.memory_space<vmem>>) offsets(%dma_start3A_318 : memref<40xi32, #tpu.memory_space<vmem>>) semaphore(%arg14 : memref<!tpu.dma_semaphore, #tpu.memory_space<semaphore_mem>>)
      } else {
      }
      %add3A_244 = arith.constant 1 : i32
      %add3A_245 = arith.addi %mul3A_228, %add3A_244 : i32
      %dma_wait3A_246 = arith.constant 0 : i32
      %dma_wait3A_247 = tpu.memref_slice %arg7[%add3A_245, %dma_wait3A_246] : memref<50x40xi32, #tpu.memory_space<vmem>> -> memref<1x40xi32, #tpu.memory_space<vmem>>
      %dma_wait3A_248 = tpu.memref_squeeze %dma_wait3A_247 : memref<1x40xi32, #tpu.memory_space<vmem>> -> memref<40xi32, #tpu.memory_space<vmem>>
      %dma_wait3A_249 = arith.constant 0 : i32
      %dma_wait3A_250 = arith.constant 0 : i32
      %dma_wait3A_251 = tpu.memref_slice %arg2[%dma_wait3A_249, %dma_wait3A_250] : memref<10000x128xf32, #tpu.memory_space<hbm>> -> memref<10000x128xf32, #tpu.memory_space<hbm>>
      tpu.wait_indirect_dma semaphore(%arg15 : memref<!tpu.dma_semaphore, #tpu.memory_space<semaphore_mem>>) src(%dma_wait3A_251 : memref<10000x128xf32, #tpu.memory_space<hbm>>) dst(%arg10 : memref<40x128xf32, #tpu.memory_space<vmem>>)
      %add3A_252 = arith.constant 1 : i32
      %add3A_253 = arith.addi %mul3A_228, %add3A_252 : i32
      "tpu.region"() ({
        %run_scoped3A_312 = tpu.sem_alloc : memref<!tpu.dma_semaphore, #tpu.memory_space<semaphore_mem>>
        %dma_start3A_313 = arith.constant 0 : i32
        %dma_start3A_314 = tpu.memref_slice %arg8[%add3A_253, %dma_start3A_313] : memref<50x40xi32, #tpu.memory_space<vmem>> -> memref<1x40xi32, #tpu.memory_space<vmem>>
        %dma_start3A_315 = tpu.memref_squeeze %dma_start3A_314 : memref<1x40xi32, #tpu.memory_space<vmem>> -> memref<40xi32, #tpu.memory_space<vmem>>
        %dma_start3A_316 = arith.constant 0 : i32
        %dma_start3A_317 = arith.constant 0 : i32
        %dma_start3A_318 = tpu.memref_slice %arg19[%dma_start3A_316, %dma_start3A_317] : memref<10000x128xf32, #tpu.memory_space<vmem_shared>> -> memref<10000x128xf32, #tpu.memory_space<vmem_shared>>
        tpu.enqueue_indirect_dma source(%arg10 : memref<40x128xf32, #tpu.memory_space<vmem>>) target(%dma_start3A_318 : memref<10000x128xf32, #tpu.memory_space<vmem_shared>>) offsets(%dma_start3A_315 : memref<40xi32, #tpu.memory_space<vmem>>) semaphore(%run_scoped3A_312 : memref<!tpu.dma_semaphore, #tpu.memory_space<semaphore_mem>>) {add = true}
        %dma_wait3A_319 = arith.constant 0 : i32
        %dma_wait3A_320 = tpu.memref_slice %arg8[%add3A_253, %dma_wait3A_319] : memref<50x40xi32, #tpu.memory_space<vmem>> -> memref<1x40xi32, #tpu.memory_space<vmem>>
        %dma_wait3A_321 = tpu.memref_squeeze %dma_wait3A_320 : memref<1x40xi32, #tpu.memory_space<vmem>> -> memref<40xi32, #tpu.memory_space<vmem>>
        %dma_wait3A_322 = arith.constant 0 : i32
        %dma_wait3A_323 = arith.constant 0 : i32
        %dma_wait3A_324 = tpu.memref_slice %arg19[%dma_wait3A_322, %dma_wait3A_323] : memref<10000x128xf32, #tpu.memory_space<vmem_shared>> -> memref<10000x128xf32, #tpu.memory_space<vmem_shared>>
        tpu.wait_indirect_dma semaphore(%run_scoped3A_312 : memref<!tpu.dma_semaphore, #tpu.memory_space<semaphore_mem>>) src(%arg10 : memref<40x128xf32, #tpu.memory_space<vmem>>) dst(%dma_wait3A_324 : memref<10000x128xf32, #tpu.memory_space<vmem_shared>>)
        tpu.yield
      }) : () -> ()
      %add3A_254 = arith.constant 1 : i32
      %add3A_255 = arith.addi %add3A_226, %add3A_254 : i32
      %lt3A_256 = arith.constant 10 : i32
      %lt3A_257 = arith.cmpi slt, %add3A_255, %lt3A_256 : i32
      %convert_element_type3A_258 = arith.extui %lt3A_257 : i1 to i32
      %cond3A_259 = arith.constant 0 : i32
      %cond3A_260 = arith.cmpi ne, %convert_element_type3A_258, %cond3A_259 : i32
      scf.if %cond3A_260 {
        %add3A_312 = arith.constant 5 : i32
        %add3A_313 = arith.addi %mul3A_228, %add3A_312 : i32
        %add3A_314 = arith.constant 1 : i32
        %add3A_315 = arith.addi %add3A_313, %add3A_314 : i32
        %dma_start3A_316 = arith.constant 0 : i32
        %dma_start3A_317 = tpu.memref_slice %arg7[%add3A_315, %dma_start3A_316] : memref<50x40xi32, #tpu.memory_space<vmem>> -> memref<1x40xi32, #tpu.memory_space<vmem>>
        %dma_start3A_318 = tpu.memref_squeeze %dma_start3A_317 : memref<1x40xi32, #tpu.memory_space<vmem>> -> memref<40xi32, #tpu.memory_space<vmem>>
        %dma_start3A_319 = arith.constant 0 : i32
        %dma_start3A_320 = arith.constant 0 : i32
        %dma_start3A_321 = tpu.memref_slice %arg2[%dma_start3A_319, %dma_start3A_320] : memref<10000x128xf32, #tpu.memory_space<hbm>> -> memref<10000x128xf32, #tpu.memory_space<hbm>>
        tpu.enqueue_indirect_dma source(%dma_start3A_321 : memref<10000x128xf32, #tpu.memory_space<hbm>>) target(%arg10 : memref<40x128xf32, #tpu.memory_space<vmem>>) offsets(%dma_start3A_318 : memref<40xi32, #tpu.memory_space<vmem>>) semaphore(%arg15 : memref<!tpu.dma_semaphore, #tpu.memory_space<semaphore_mem>>)
      } else {
      }
      %add3A_261 = arith.constant 2 : i32
      %add3A_262 = arith.addi %mul3A_228, %add3A_261 : i32
      %dma_wait3A_263 = arith.constant 0 : i32
      %dma_wait3A_264 = tpu.memref_slice %arg7[%add3A_262, %dma_wait3A_263] : memref<50x40xi32, #tpu.memory_space<vmem>> -> memref<1x40xi32, #tpu.memory_space<vmem>>
      %dma_wait3A_265 = tpu.memref_squeeze %dma_wait3A_264 : memref<1x40xi32, #tpu.memory_space<vmem>> -> memref<40xi32, #tpu.memory_space<vmem>>
      %dma_wait3A_266 = arith.constant 0 : i32
      %dma_wait3A_267 = arith.constant 0 : i32
      %dma_wait3A_268 = tpu.memref_slice %arg2[%dma_wait3A_266, %dma_wait3A_267] : memref<10000x128xf32, #tpu.memory_space<hbm>> -> memref<10000x128xf32, #tpu.memory_space<hbm>>
      tpu.wait_indirect_dma semaphore(%arg16 : memref<!tpu.dma_semaphore, #tpu.memory_space<semaphore_mem>>) src(%dma_wait3A_268 : memref<10000x128xf32, #tpu.memory_space<hbm>>) dst(%arg11 : memref<40x128xf32, #tpu.memory_space<vmem>>)
      %add3A_269 = arith.constant 2 : i32
      %add3A_270 = arith.addi %mul3A_228, %add3A_269 : i32
      "tpu.region"() ({
        %run_scoped3A_312 = tpu.sem_alloc : memref<!tpu.dma_semaphore, #tpu.memory_space<semaphore_mem>>
        %dma_start3A_313 = arith.constant 0 : i32
        %dma_start3A_314 = tpu.memref_slice %arg8[%add3A_270, %dma_start3A_313] : memref<50x40xi32, #tpu.memory_space<vmem>> -> memref<1x40xi32, #tpu.memory_space<vmem>>
        %dma_start3A_315 = tpu.memref_squeeze %dma_start3A_314 : memref<1x40xi32, #tpu.memory_space<vmem>> -> memref<40xi32, #tpu.memory_space<vmem>>
        %dma_start3A_316 = arith.constant 0 : i32
        %dma_start3A_317 = arith.constant 0 : i32
        %dma_start3A_318 = tpu.memref_slice %arg19[%dma_start3A_316, %dma_start3A_317] : memref<10000x128xf32, #tpu.memory_space<vmem_shared>> -> memref<10000x128xf32, #tpu.memory_space<vmem_shared>>
        tpu.enqueue_indirect_dma source(%arg11 : memref<40x128xf32, #tpu.memory_space<vmem>>) target(%dma_start3A_318 : memref<10000x128xf32, #tpu.memory_space<vmem_shared>>) offsets(%dma_start3A_315 : memref<40xi32, #tpu.memory_space<vmem>>) semaphore(%run_scoped3A_312 : memref<!tpu.dma_semaphore, #tpu.memory_space<semaphore_mem>>) {add = true}
        %dma_wait3A_319 = arith.constant 0 : i32
        %dma_wait3A_320 = tpu.memref_slice %arg8[%add3A_270, %dma_wait3A_319] : memref<50x40xi32, #tpu.memory_space<vmem>> -> memref<1x40xi32, #tpu.memory_space<vmem>>
        %dma_wait3A_321 = tpu.memref_squeeze %dma_wait3A_320 : memref<1x40xi32, #tpu.memory_space<vmem>> -> memref<40xi32, #tpu.memory_space<vmem>>
        %dma_wait3A_322 = arith.constant 0 : i32
        %dma_wait3A_323 = arith.constant 0 : i32
        %dma_wait3A_324 = tpu.memref_slice %arg19[%dma_wait3A_322, %dma_wait3A_323] : memref<10000x128xf32, #tpu.memory_space<vmem_shared>> -> memref<10000x128xf32, #tpu.memory_space<vmem_shared>>
        tpu.wait_indirect_dma semaphore(%run_scoped3A_312 : memref<!tpu.dma_semaphore, #tpu.memory_space<semaphore_mem>>) src(%arg11 : memref<40x128xf32, #tpu.memory_space<vmem>>) dst(%dma_wait3A_324 : memref<10000x128xf32, #tpu.memory_space<vmem_shared>>)
        tpu.yield
      }) : () -> ()
      %add3A_271 = arith.constant 1 : i32
      %add3A_272 = arith.addi %add3A_226, %add3A_271 : i32
      %lt3A_273 = arith.constant 10 : i32
      %lt3A_274 = arith.cmpi slt, %add3A_272, %lt3A_273 : i32
      %convert_element_type3A_275 = arith.extui %lt3A_274 : i1 to i32
      %cond3A_276 = arith.constant 0 : i32
      %cond3A_277 = arith.cmpi ne, %convert_element_type3A_275, %cond3A_276 : i32
      scf.if %cond3A_277 {
        %add3A_312 = arith.constant 5 : i32
        %add3A_313 = arith.addi %mul3A_228, %add3A_312 : i32
        %add3A_314 = arith.constant 2 : i32
        %add3A_315 = arith.addi %add3A_313, %add3A_314 : i32
        %dma_start3A_316 = arith.constant 0 : i32
        %dma_start3A_317 = tpu.memref_slice %arg7[%add3A_315, %dma_start3A_316] : memref<50x40xi32, #tpu.memory_space<vmem>> -> memref<1x40xi32, #tpu.memory_space<vmem>>
        %dma_start3A_318 = tpu.memref_squeeze %dma_start3A_317 : memref<1x40xi32, #tpu.memory_space<vmem>> -> memref<40xi32, #tpu.memory_space<vmem>>
        %dma_start3A_319 = arith.constant 0 : i32
        %dma_start3A_320 = arith.constant 0 : i32
        %dma_start3A_321 = tpu.memref_slice %arg2[%dma_start3A_319, %dma_start3A_320] : memref<10000x128xf32, #tpu.memory_space<hbm>> -> memref<10000x128xf32, #tpu.memory_space<hbm>>
        tpu.enqueue_indirect_dma source(%dma_start3A_321 : memref<10000x128xf32, #tpu.memory_space<hbm>>) target(%arg11 : memref<40x128xf32, #tpu.memory_space<vmem>>) offsets(%dma_start3A_318 : memref<40xi32, #tpu.memory_space<vmem>>) semaphore(%arg16 : memref<!tpu.dma_semaphore, #tpu.memory_space<semaphore_mem>>)
      } else {
      }
      %add3A_278 = arith.constant 3 : i32
      %add3A_279 = arith.addi %mul3A_228, %add3A_278 : i32
      %dma_wait3A_280 = arith.constant 0 : i32
      %dma_wait3A_281 = tpu.memref_slice %arg7[%add3A_279, %dma_wait3A_280] : memref<50x40xi32, #tpu.memory_space<vmem>> -> memref<1x40xi32, #tpu.memory_space<vmem>>
      %dma_wait3A_282 = tpu.memref_squeeze %dma_wait3A_281 : memref<1x40xi32, #tpu.memory_space<vmem>> -> memref<40xi32, #tpu.memory_space<vmem>>
      %dma_wait3A_283 = arith.constant 0 : i32
      %dma_wait3A_284 = arith.constant 0 : i32
      %dma_wait3A_285 = tpu.memref_slice %arg2[%dma_wait3A_283, %dma_wait3A_284] : memref<10000x128xf32, #tpu.memory_space<hbm>> -> memref<10000x128xf32, #tpu.memory_space<hbm>>
      tpu.wait_indirect_dma semaphore(%arg17 : memref<!tpu.dma_semaphore, #tpu.memory_space<semaphore_mem>>) src(%dma_wait3A_285 : memref<10000x128xf32, #tpu.memory_space<hbm>>) dst(%arg12 : memref<40x128xf32, #tpu.memory_space<vmem>>)
      %add3A_286 = arith.constant 3 : i32
      %add3A_287 = arith.addi %mul3A_228, %add3A_286 : i32
      "tpu.region"() ({
        %run_scoped3A_312 = tpu.sem_alloc : memref<!tpu.dma_semaphore, #tpu.memory_space<semaphore_mem>>
        %dma_start3A_313 = arith.constant 0 : i32
        %dma_start3A_314 = tpu.memref_slice %arg8[%add3A_287, %dma_start3A_313] : memref<50x40xi32, #tpu.memory_space<vmem>> -> memref<1x40xi32, #tpu.memory_space<vmem>>
        %dma_start3A_315 = tpu.memref_squeeze %dma_start3A_314 : memref<1x40xi32, #tpu.memory_space<vmem>> -> memref<40xi32, #tpu.memory_space<vmem>>
        %dma_start3A_316 = arith.constant 0 : i32
        %dma_start3A_317 = arith.constant 0 : i32
        %dma_start3A_318 = tpu.memref_slice %arg19[%dma_start3A_316, %dma_start3A_317] : memref<10000x128xf32, #tpu.memory_space<vmem_shared>> -> memref<10000x128xf32, #tpu.memory_space<vmem_shared>>
        tpu.enqueue_indirect_dma source(%arg12 : memref<40x128xf32, #tpu.memory_space<vmem>>) target(%dma_start3A_318 : memref<10000x128xf32, #tpu.memory_space<vmem_shared>>) offsets(%dma_start3A_315 : memref<40xi32, #tpu.memory_space<vmem>>) semaphore(%run_scoped3A_312 : memref<!tpu.dma_semaphore, #tpu.memory_space<semaphore_mem>>) {add = true}
        %dma_wait3A_319 = arith.constant 0 : i32
        %dma_wait3A_320 = tpu.memref_slice %arg8[%add3A_287, %dma_wait3A_319] : memref<50x40xi32, #tpu.memory_space<vmem>> -> memref<1x40xi32, #tpu.memory_space<vmem>>
        %dma_wait3A_321 = tpu.memref_squeeze %dma_wait3A_320 : memref<1x40xi32, #tpu.memory_space<vmem>> -> memref<40xi32, #tpu.memory_space<vmem>>
        %dma_wait3A_322 = arith.constant 0 : i32
        %dma_wait3A_323 = arith.constant 0 : i32
        %dma_wait3A_324 = tpu.memref_slice %arg19[%dma_wait3A_322, %dma_wait3A_323] : memref<10000x128xf32, #tpu.memory_space<vmem_shared>> -> memref<10000x128xf32, #tpu.memory_space<vmem_shared>>
        tpu.wait_indirect_dma semaphore(%run_scoped3A_312 : memref<!tpu.dma_semaphore, #tpu.memory_space<semaphore_mem>>) src(%arg12 : memref<40x128xf32, #tpu.memory_space<vmem>>) dst(%dma_wait3A_324 : memref<10000x128xf32, #tpu.memory_space<vmem_shared>>)
        tpu.yield
      }) : () -> ()
      %add3A_288 = arith.constant 1 : i32
      %add3A_289 = arith.addi %add3A_226, %add3A_288 : i32
      %lt3A_290 = arith.constant 10 : i32
      %lt3A_291 = arith.cmpi slt, %add3A_289, %lt3A_290 : i32
      %convert_element_type3A_292 = arith.extui %lt3A_291 : i1 to i32
      %cond3A_293 = arith.constant 0 : i32
      %cond3A_294 = arith.cmpi ne, %convert_element_type3A_292, %cond3A_293 : i32
      scf.if %cond3A_294 {
        %add3A_312 = arith.constant 5 : i32
        %add3A_313 = arith.addi %mul3A_228, %add3A_312 : i32
        %add3A_314 = arith.constant 3 : i32
        %add3A_315 = arith.addi %add3A_313, %add3A_314 : i32
        %dma_start3A_316 = arith.constant 0 : i32
        %dma_start3A_317 = tpu.memref_slice %arg7[%add3A_315, %dma_start3A_316] : memref<50x40xi32, #tpu.memory_space<vmem>> -> memref<1x40xi32, #tpu.memory_space<vmem>>
        %dma_start3A_318 = tpu.memref_squeeze %dma_start3A_317 : memref<1x40xi32, #tpu.memory_space<vmem>> -> memref<40xi32, #tpu.memory_space<vmem>>
        %dma_start3A_319 = arith.constant 0 : i32
        %dma_start3A_320 = arith.constant 0 : i32
        %dma_start3A_321 = tpu.memref_slice %arg2[%dma_start3A_319, %dma_start3A_320] : memref<10000x128xf32, #tpu.memory_space<hbm>> -> memref<10000x128xf32, #tpu.memory_space<hbm>>
        tpu.enqueue_indirect_dma source(%dma_start3A_321 : memref<10000x128xf32, #tpu.memory_space<hbm>>) target(%arg12 : memref<40x128xf32, #tpu.memory_space<vmem>>) offsets(%dma_start3A_318 : memref<40xi32, #tpu.memory_space<vmem>>) semaphore(%arg17 : memref<!tpu.dma_semaphore, #tpu.memory_space<semaphore_mem>>)
      } else {
      }
      %add3A_295 = arith.constant 4 : i32
      %add3A_296 = arith.addi %mul3A_228, %add3A_295 : i32
      %dma_wait3A_297 = arith.constant 0 : i32
      %dma_wait3A_298 = tpu.memref_slice %arg7[%add3A_296, %dma_wait3A_297] : memref<50x40xi32, #tpu.memory_space<vmem>> -> memref<1x40xi32, #tpu.memory_space<vmem>>
      %dma_wait3A_299 = tpu.memref_squeeze %dma_wait3A_298 : memref<1x40xi32, #tpu.memory_space<vmem>> -> memref<40xi32, #tpu.memory_space<vmem>>
      %dma_wait3A_300 = arith.constant 0 : i32
      %dma_wait3A_301 = arith.constant 0 : i32
      %dma_wait3A_302 = tpu.memref_slice %arg2[%dma_wait3A_300, %dma_wait3A_301] : memref<10000x128xf32, #tpu.memory_space<hbm>> -> memref<10000x128xf32, #tpu.memory_space<hbm>>
      tpu.wait_indirect_dma semaphore(%arg18 : memref<!tpu.dma_semaphore, #tpu.memory_space<semaphore_mem>>) src(%dma_wait3A_302 : memref<10000x128xf32, #tpu.memory_space<hbm>>) dst(%arg13 : memref<40x128xf32, #tpu.memory_space<vmem>>)
      %add3A_303 = arith.constant 4 : i32
      %add3A_304 = arith.addi %mul3A_228, %add3A_303 : i32
      "tpu.region"() ({
        %run_scoped3A_312 = tpu.sem_alloc : memref<!tpu.dma_semaphore, #tpu.memory_space<semaphore_mem>>
        %dma_start3A_313 = arith.constant 0 : i32
        %dma_start3A_314 = tpu.memref_slice %arg8[%add3A_304, %dma_start3A_313] : memref<50x40xi32, #tpu.memory_space<vmem>> -> memref<1x40xi32, #tpu.memory_space<vmem>>
        %dma_start3A_315 = tpu.memref_squeeze %dma_start3A_314 : memref<1x40xi32, #tpu.memory_space<vmem>> -> memref<40xi32, #tpu.memory_space<vmem>>
        %dma_start3A_316 = arith.constant 0 : i32
        %dma_start3A_317 = arith.constant 0 : i32
        %dma_start3A_318 = tpu.memref_slice %arg19[%dma_start3A_316, %dma_start3A_317] : memref<10000x128xf32, #tpu.memory_space<vmem_shared>> -> memref<10000x128xf32, #tpu.memory_space<vmem_shared>>
        tpu.enqueue_indirect_dma source(%arg13 : memref<40x128xf32, #tpu.memory_space<vmem>>) target(%dma_start3A_318 : memref<10000x128xf32, #tpu.memory_space<vmem_shared>>) offsets(%dma_start3A_315 : memref<40xi32, #tpu.memory_space<vmem>>) semaphore(%run_scoped3A_312 : memref<!tpu.dma_semaphore, #tpu.memory_space<semaphore_mem>>) {add = true}
        %dma_wait3A_319 = arith.constant 0 : i32
        %dma_wait3A_320 = tpu.memref_slice %arg8[%add3A_304, %dma_wait3A_319] : memref<50x40xi32, #tpu.memory_space<vmem>> -> memref<1x40xi32, #tpu.memory_space<vmem>>
        %dma_wait3A_321 = tpu.memref_squeeze %dma_wait3A_320 : memref<1x40xi32, #tpu.memory_space<vmem>> -> memref<40xi32, #tpu.memory_space<vmem>>
        %dma_wait3A_322 = arith.constant 0 : i32
        %dma_wait3A_323 = arith.constant 0 : i32
        %dma_wait3A_324 = tpu.memref_slice %arg19[%dma_wait3A_322, %dma_wait3A_323] : memref<10000x128xf32, #tpu.memory_space<vmem_shared>> -> memref<10000x128xf32, #tpu.memory_space<vmem_shared>>
        tpu.wait_indirect_dma semaphore(%run_scoped3A_312 : memref<!tpu.dma_semaphore, #tpu.memory_space<semaphore_mem>>) src(%arg13 : memref<40x128xf32, #tpu.memory_space<vmem>>) dst(%dma_wait3A_324 : memref<10000x128xf32, #tpu.memory_space<vmem_shared>>)
        tpu.yield
      }) : () -> ()
      %add3A_305 = arith.constant 1 : i32
      %add3A_306 = arith.addi %add3A_226, %add3A_305 : i32
      %lt3A_307 = arith.constant 10 : i32
      %lt3A_308 = arith.cmpi slt, %add3A_306, %lt3A_307 : i32
      %convert_element_type3A_309 = arith.extui %lt3A_308 : i1 to i32
      %cond3A_310 = arith.constant 0 : i32
      %cond3A_311 = arith.cmpi ne, %convert_element_type3A_309, %cond3A_310 : i32
      scf.if %cond3A_311 {
        %add3A_312 = arith.constant 5 : i32
        %add3A_313 = arith.addi %mul3A_228, %add3A_312 : i32
        %add3A_314 = arith.constant 4 : i32
        %add3A_315 = arith.addi %add3A_313, %add3A_314 : i32
        %dma_start3A_316 = arith.constant 0 : i32
        %dma_start3A_317 = tpu.memref_slice %arg7[%add3A_315, %dma_start3A_316] : memref<50x40xi32, #tpu.memory_space<vmem>> -> memref<1x40xi32, #tpu.memory_space<vmem>>
        %dma_start3A_318 = tpu.memref_squeeze %dma_start3A_317 : memref<1x40xi32, #tpu.memory_space<vmem>> -> memref<40xi32, #tpu.memory_space<vmem>>
        %dma_start3A_319 = arith.constant 0 : i32
        %dma_start3A_320 = arith.constant 0 : i32
        %dma_start3A_321 = tpu.memref_slice %arg2[%dma_start3A_319, %dma_start3A_320] : memref<10000x128xf32, #tpu.memory_space<hbm>> -> memref<10000x128xf32, #tpu.memory_space<hbm>>
        tpu.enqueue_indirect_dma source(%dma_start3A_321 : memref<10000x128xf32, #tpu.memory_space<hbm>>) target(%arg13 : memref<40x128xf32, #tpu.memory_space<vmem>>) offsets(%dma_start3A_318 : memref<40xi32, #tpu.memory_space<vmem>>) semaphore(%arg18 : memref<!tpu.dma_semaphore, #tpu.memory_space<semaphore_mem>>)
      } else {
      }
    }
    %scan3A_171 = arith.constant 10 : i32
    %run_scoped3A_172 = arith.constant 4 : i32
    "tpu.region"() ({
      %run_scoped3A_222 = tpu.sem_alloc : memref<!tpu.dma_semaphore, #tpu.memory_space<semaphore_mem>>
      %dma_start3A_223 = arith.constant 0 : i32
      %dma_start3A_224 = arith.constant 0 : i32
      %dma_start3A_225 = tpu.memref_slice %arg3[%add3A, %run_scoped3A_172, %dma_start3A_223, %dma_start3A_224] : memref<32x5x50x40xi32, #tpu.memory_space<hbm>> -> memref<1x1x50x40xi32, #tpu.memory_space<hbm>>
      %dma_start3A_226 = tpu.memref_squeeze %dma_start3A_225 : memref<1x1x50x40xi32, #tpu.memory_space<hbm>> -> memref<50x40xi32, #tpu.memory_space<hbm>>
      %dma_start3A_227 = arith.constant 0 : i32
      %dma_start3A_228 = arith.constant 0 : i32
      %dma_start3A_229 = tpu.memref_slice %arg3[%add3A, %run_scoped3A_172, %dma_start3A_227, %dma_start3A_228] : memref<32x5x50x40xi32, #tpu.memory_space<hbm>> -> memref<1x1x50x40xi32, #tpu.memory_space<hbm>>
      %dma_start3A_230 = tpu.memref_squeeze %dma_start3A_229 : memref<1x1x50x40xi32, #tpu.memory_space<hbm>> -> memref<50x40xi32, #tpu.memory_space<hbm>>
      tpu.enqueue_dma source(%dma_start3A_230 : memref<50x40xi32, #tpu.memory_space<hbm>>) target(%arg7 : memref<50x40xi32, #tpu.memory_space<vmem>>) target_semaphore(%run_scoped3A_222 : memref<!tpu.dma_semaphore, #tpu.memory_space<semaphore_mem>>)
      %dma_wait3A = arith.constant 0 : i32
      %dma_wait3A_231 = arith.constant 0 : i32
      %dma_wait3A_232 = tpu.memref_slice %arg3[%add3A, %run_scoped3A_172, %dma_wait3A, %dma_wait3A_231] : memref<32x5x50x40xi32, #tpu.memory_space<hbm>> -> memref<1x1x50x40xi32, #tpu.memory_space<hbm>>
      %dma_wait3A_233 = tpu.memref_squeeze %dma_wait3A_232 : memref<1x1x50x40xi32, #tpu.memory_space<hbm>> -> memref<50x40xi32, #tpu.memory_space<hbm>>
      %dma_wait3A_234 = arith.constant 0 : i32
      %dma_wait3A_235 = arith.constant 0 : i32
      %dma_wait3A_236 = tpu.memref_slice %arg3[%add3A, %run_scoped3A_172, %dma_wait3A_234, %dma_wait3A_235] : memref<32x5x50x40xi32, #tpu.memory_space<hbm>> -> memref<1x1x50x40xi32, #tpu.memory_space<hbm>>
      %dma_wait3A_237 = tpu.memref_squeeze %dma_wait3A_236 : memref<1x1x50x40xi32, #tpu.memory_space<hbm>> -> memref<50x40xi32, #tpu.memory_space<hbm>>
      tpu.wait_dma2 semaphore(%run_scoped3A_222 : memref<!tpu.dma_semaphore, #tpu.memory_space<semaphore_mem>>) src(%dma_wait3A_237 : memref<50x40xi32, #tpu.memory_space<hbm>>) dst(%arg7 : memref<50x40xi32, #tpu.memory_space<vmem>>)
      tpu.yield
    }) : () -> ()
    %run_scoped3A_173 = arith.constant 4 : i32
    "tpu.region"() ({
      %run_scoped3A_222 = tpu.sem_alloc : memref<!tpu.dma_semaphore, #tpu.memory_space<semaphore_mem>>
      %dma_start3A_223 = arith.constant 0 : i32
      %dma_start3A_224 = arith.constant 0 : i32
      %dma_start3A_225 = tpu.memref_slice %arg4[%add3A, %run_scoped3A_173, %dma_start3A_223, %dma_start3A_224] : memref<32x5x50x40xi32, #tpu.memory_space<hbm>> -> memref<1x1x50x40xi32, #tpu.memory_space<hbm>>
      %dma_start3A_226 = tpu.memref_squeeze %dma_start3A_225 : memref<1x1x50x40xi32, #tpu.memory_space<hbm>> -> memref<50x40xi32, #tpu.memory_space<hbm>>
      %dma_start3A_227 = arith.constant 0 : i32
      %dma_start3A_228 = arith.constant 0 : i32
      %dma_start3A_229 = tpu.memref_slice %arg4[%add3A, %run_scoped3A_173, %dma_start3A_227, %dma_start3A_228] : memref<32x5x50x40xi32, #tpu.memory_space<hbm>> -> memref<1x1x50x40xi32, #tpu.memory_space<hbm>>
      %dma_start3A_230 = tpu.memref_squeeze %dma_start3A_229 : memref<1x1x50x40xi32, #tpu.memory_space<hbm>> -> memref<50x40xi32, #tpu.memory_space<hbm>>
      tpu.enqueue_dma source(%dma_start3A_230 : memref<50x40xi32, #tpu.memory_space<hbm>>) target(%arg8 : memref<50x40xi32, #tpu.memory_space<vmem>>) target_semaphore(%run_scoped3A_222 : memref<!tpu.dma_semaphore, #tpu.memory_space<semaphore_mem>>)
      %dma_wait3A = arith.constant 0 : i32
      %dma_wait3A_231 = arith.constant 0 : i32
      %dma_wait3A_232 = tpu.memref_slice %arg4[%add3A, %run_scoped3A_173, %dma_wait3A, %dma_wait3A_231] : memref<32x5x50x40xi32, #tpu.memory_space<hbm>> -> memref<1x1x50x40xi32, #tpu.memory_space<hbm>>
      %dma_wait3A_233 = tpu.memref_squeeze %dma_wait3A_232 : memref<1x1x50x40xi32, #tpu.memory_space<hbm>> -> memref<50x40xi32, #tpu.memory_space<hbm>>
      %dma_wait3A_234 = arith.constant 0 : i32
      %dma_wait3A_235 = arith.constant 0 : i32
      %dma_wait3A_236 = tpu.memref_slice %arg4[%add3A, %run_scoped3A_173, %dma_wait3A_234, %dma_wait3A_235] : memref<32x5x50x40xi32, #tpu.memory_space<hbm>> -> memref<1x1x50x40xi32, #tpu.memory_space<hbm>>
      %dma_wait3A_237 = tpu.memref_squeeze %dma_wait3A_236 : memref<1x1x50x40xi32, #tpu.memory_space<hbm>> -> memref<50x40xi32, #tpu.memory_space<hbm>>
      tpu.wait_dma2 semaphore(%run_scoped3A_222 : memref<!tpu.dma_semaphore, #tpu.memory_space<semaphore_mem>>) src(%dma_wait3A_237 : memref<50x40xi32, #tpu.memory_space<hbm>>) dst(%arg8 : memref<50x40xi32, #tpu.memory_space<vmem>>)
      tpu.yield
    }) : () -> ()
    %dma_start3A_174 = arith.constant 0 : i32
    %dma_start3A_175 = arith.constant 0 : i32
    %dma_start3A_176 = tpu.memref_slice %arg7[%dma_start3A_174, %dma_start3A_175] : memref<50x40xi32, #tpu.memory_space<vmem>> -> memref<1x40xi32, #tpu.memory_space<vmem>>
    %dma_start3A_177 = tpu.memref_squeeze %dma_start3A_176 : memref<1x40xi32, #tpu.memory_space<vmem>> -> memref<40xi32, #tpu.memory_space<vmem>>
    %dma_start3A_178 = arith.constant 0 : i32
    %dma_start3A_179 = arith.constant 0 : i32
    %dma_start3A_180 = tpu.memref_slice %arg2[%dma_start3A_178, %dma_start3A_179] : memref<10000x128xf32, #tpu.memory_space<hbm>> -> memref<10000x128xf32, #tpu.memory_space<hbm>>
    tpu.enqueue_indirect_dma source(%dma_start3A_180 : memref<10000x128xf32, #tpu.memory_space<hbm>>) target(%arg9 : memref<40x128xf32, #tpu.memory_space<vmem>>) offsets(%dma_start3A_177 : memref<40xi32, #tpu.memory_space<vmem>>) semaphore(%arg14 : memref<!tpu.dma_semaphore, #tpu.memory_space<semaphore_mem>>)
    %dma_start3A_181 = arith.constant 1 : i32
    %dma_start3A_182 = arith.constant 0 : i32
    %dma_start3A_183 = tpu.memref_slice %arg7[%dma_start3A_181, %dma_start3A_182] : memref<50x40xi32, #tpu.memory_space<vmem>> -> memref<1x40xi32, #tpu.memory_space<vmem>>
    %dma_start3A_184 = tpu.memref_squeeze %dma_start3A_183 : memref<1x40xi32, #tpu.memory_space<vmem>> -> memref<40xi32, #tpu.memory_space<vmem>>
    %dma_start3A_185 = arith.constant 0 : i32
    %dma_start3A_186 = arith.constant 0 : i32
    %dma_start3A_187 = tpu.memref_slice %arg2[%dma_start3A_185, %dma_start3A_186] : memref<10000x128xf32, #tpu.memory_space<hbm>> -> memref<10000x128xf32, #tpu.memory_space<hbm>>
    tpu.enqueue_indirect_dma source(%dma_start3A_187 : memref<10000x128xf32, #tpu.memory_space<hbm>>) target(%arg10 : memref<40x128xf32, #tpu.memory_space<vmem>>) offsets(%dma_start3A_184 : memref<40xi32, #tpu.memory_space<vmem>>) semaphore(%arg15 : memref<!tpu.dma_semaphore, #tpu.memory_space<semaphore_mem>>)
    %dma_start3A_188 = arith.constant 2 : i32
    %dma_start3A_189 = arith.constant 0 : i32
    %dma_start3A_190 = tpu.memref_slice %arg7[%dma_start3A_188, %dma_start3A_189] : memref<50x40xi32, #tpu.memory_space<vmem>> -> memref<1x40xi32, #tpu.memory_space<vmem>>
    %dma_start3A_191 = tpu.memref_squeeze %dma_start3A_190 : memref<1x40xi32, #tpu.memory_space<vmem>> -> memref<40xi32, #tpu.memory_space<vmem>>
    %dma_start3A_192 = arith.constant 0 : i32
    %dma_start3A_193 = arith.constant 0 : i32
    %dma_start3A_194 = tpu.memref_slice %arg2[%dma_start3A_192, %dma_start3A_193] : memref<10000x128xf32, #tpu.memory_space<hbm>> -> memref<10000x128xf32, #tpu.memory_space<hbm>>
    tpu.enqueue_indirect_dma source(%dma_start3A_194 : memref<10000x128xf32, #tpu.memory_space<hbm>>) target(%arg11 : memref<40x128xf32, #tpu.memory_space<vmem>>) offsets(%dma_start3A_191 : memref<40xi32, #tpu.memory_space<vmem>>) semaphore(%arg16 : memref<!tpu.dma_semaphore, #tpu.memory_space<semaphore_mem>>)
    %dma_start3A_195 = arith.constant 3 : i32
    %dma_start3A_196 = arith.constant 0 : i32
    %dma_start3A_197 = tpu.memref_slice %arg7[%dma_start3A_195, %dma_start3A_196] : memref<50x40xi32, #tpu.memory_space<vmem>> -> memref<1x40xi32, #tpu.memory_space<vmem>>
    %dma_start3A_198 = tpu.memref_squeeze %dma_start3A_197 : memref<1x40xi32, #tpu.memory_space<vmem>> -> memref<40xi32, #tpu.memory_space<vmem>>
    %dma_start3A_199 = arith.constant 0 : i32
    %dma_start3A_200 = arith.constant 0 : i32
    %dma_start3A_201 = tpu.memref_slice %arg2[%dma_start3A_199, %dma_start3A_200] : memref<10000x128xf32, #tpu.memory_space<hbm>> -> memref<10000x128xf32, #tpu.memory_space<hbm>>
    tpu.enqueue_indirect_dma source(%dma_start3A_201 : memref<10000x128xf32, #tpu.memory_space<hbm>>) target(%arg12 : memref<40x128xf32, #tpu.memory_space<vmem>>) offsets(%dma_start3A_198 : memref<40xi32, #tpu.memory_space<vmem>>) semaphore(%arg17 : memref<!tpu.dma_semaphore, #tpu.memory_space<semaphore_mem>>)
    %dma_start3A_202 = arith.constant 4 : i32
    %dma_start3A_203 = arith.constant 0 : i32
    %dma_start3A_204 = tpu.memref_slice %arg7[%dma_start3A_202, %dma_start3A_203] : memref<50x40xi32, #tpu.memory_space<vmem>> -> memref<1x40xi32, #tpu.memory_space<vmem>>
    %dma_start3A_205 = tpu.memref_squeeze %dma_start3A_204 : memref<1x40xi32, #tpu.memory_space<vmem>> -> memref<40xi32, #tpu.memory_space<vmem>>
    %dma_start3A_206 = arith.constant 0 : i32
    %dma_start3A_207 = arith.constant 0 : i32
    %dma_start3A_208 = tpu.memref_slice %arg2[%dma_start3A_206, %dma_start3A_207] : memref<10000x128xf32, #tpu.memory_space<hbm>> -> memref<10000x128xf32, #tpu.memory_space<hbm>>
    tpu.enqueue_indirect_dma source(%dma_start3A_208 : memref<10000x128xf32, #tpu.memory_space<hbm>>) target(%arg13 : memref<40x128xf32, #tpu.memory_space<vmem>>) offsets(%dma_start3A_205 : memref<40xi32, #tpu.memory_space<vmem>>) semaphore(%arg18 : memref<!tpu.dma_semaphore, #tpu.memory_space<semaphore_mem>>)
    %scan3A_209 = arith.constant 0 : i32
    %scan3A_210 = arith.constant 10 : i32
    %scan3A_211 = arith.addi %scan3A_209, %scan3A_210 : i32
    %scan3A_212 = arith.constant 1 : i32
    scf.for %scan3A_222 = %scan3A_209 to %scan3A_211 step %scan3A_212  : i32 {
      %mul3A_223 = arith.constant 1 : i32
      %mul3A_224 = arith.muli %scan3A_222, %mul3A_223 : i32
      %add3A_225 = arith.constant 0 : i32
      %add3A_226 = arith.addi %add3A_225, %mul3A_224 : i32
      %mul3A_227 = arith.constant 5 : i32
      %mul3A_228 = arith.muli %add3A_226, %mul3A_227 : i32
      %add3A_229 = arith.constant 0 : i32
      %add3A_230 = arith.addi %mul3A_228, %add3A_229 : i32
      %dma_wait3A = arith.constant 0 : i32
      %dma_wait3A_231 = tpu.memref_slice %arg7[%add3A_230, %dma_wait3A] : memref<50x40xi32, #tpu.memory_space<vmem>> -> memref<1x40xi32, #tpu.memory_space<vmem>>
      %dma_wait3A_232 = tpu.memref_squeeze %dma_wait3A_231 : memref<1x40xi32, #tpu.memory_space<vmem>> -> memref<40xi32, #tpu.memory_space<vmem>>
      %dma_wait3A_233 = arith.constant 0 : i32
      %dma_wait3A_234 = arith.constant 0 : i32
      %dma_wait3A_235 = tpu.memref_slice %arg2[%dma_wait3A_233, %dma_wait3A_234] : memref<10000x128xf32, #tpu.memory_space<hbm>> -> memref<10000x128xf32, #tpu.memory_space<hbm>>
      tpu.wait_indirect_dma semaphore(%arg14 : memref<!tpu.dma_semaphore, #tpu.memory_space<semaphore_mem>>) src(%dma_wait3A_235 : memref<10000x128xf32, #tpu.memory_space<hbm>>) dst(%arg9 : memref<40x128xf32, #tpu.memory_space<vmem>>)
      %add3A_236 = arith.constant 0 : i32
      %add3A_237 = arith.addi %mul3A_228, %add3A_236 : i32
      "tpu.region"() ({
        %run_scoped3A_312 = tpu.sem_alloc : memref<!tpu.dma_semaphore, #tpu.memory_space<semaphore_mem>>
        %dma_start3A_313 = arith.constant 0 : i32
        %dma_start3A_314 = tpu.memref_slice %arg8[%add3A_237, %dma_start3A_313] : memref<50x40xi32, #tpu.memory_space<vmem>> -> memref<1x40xi32, #tpu.memory_space<vmem>>
        %dma_start3A_315 = tpu.memref_squeeze %dma_start3A_314 : memref<1x40xi32, #tpu.memory_space<vmem>> -> memref<40xi32, #tpu.memory_space<vmem>>
        %dma_start3A_316 = arith.constant 0 : i32
        %dma_start3A_317 = arith.constant 0 : i32
        %dma_start3A_318 = tpu.memref_slice %arg19[%dma_start3A_316, %dma_start3A_317] : memref<10000x128xf32, #tpu.memory_space<vmem_shared>> -> memref<10000x128xf32, #tpu.memory_space<vmem_shared>>
        tpu.enqueue_indirect_dma source(%arg9 : memref<40x128xf32, #tpu.memory_space<vmem>>) target(%dma_start3A_318 : memref<10000x128xf32, #tpu.memory_space<vmem_shared>>) offsets(%dma_start3A_315 : memref<40xi32, #tpu.memory_space<vmem>>) semaphore(%run_scoped3A_312 : memref<!tpu.dma_semaphore, #tpu.memory_space<semaphore_mem>>) {add = true}
        %dma_wait3A_319 = arith.constant 0 : i32
        %dma_wait3A_320 = tpu.memref_slice %arg8[%add3A_237, %dma_wait3A_319] : memref<50x40xi32, #tpu.memory_space<vmem>> -> memref<1x40xi32, #tpu.memory_space<vmem>>
        %dma_wait3A_321 = tpu.memref_squeeze %dma_wait3A_320 : memref<1x40xi32, #tpu.memory_space<vmem>> -> memref<40xi32, #tpu.memory_space<vmem>>
        %dma_wait3A_322 = arith.constant 0 : i32
        %dma_wait3A_323 = arith.constant 0 : i32
        %dma_wait3A_324 = tpu.memref_slice %arg19[%dma_wait3A_322, %dma_wait3A_323] : memref<10000x128xf32, #tpu.memory_space<vmem_shared>> -> memref<10000x128xf32, #tpu.memory_space<vmem_shared>>
        tpu.wait_indirect_dma semaphore(%run_scoped3A_312 : memref<!tpu.dma_semaphore, #tpu.memory_space<semaphore_mem>>) src(%arg9 : memref<40x128xf32, #tpu.memory_space<vmem>>) dst(%dma_wait3A_324 : memref<10000x128xf32, #tpu.memory_space<vmem_shared>>)
        tpu.yield
      }) : () -> ()
      %add3A_238 = arith.constant 1 : i32
      %add3A_239 = arith.addi %add3A_226, %add3A_238 : i32
      %lt3A = arith.constant 10 : i32
      %lt3A_240 = arith.cmpi slt, %add3A_239, %lt3A : i32
      %convert_element_type3A_241 = arith.extui %lt3A_240 : i1 to i32
      %cond3A_242 = arith.constant 0 : i32
      %cond3A_243 = arith.cmpi ne, %convert_element_type3A_241, %cond3A_242 : i32
      scf.if %cond3A_243 {
        %add3A_312 = arith.constant 5 : i32
        %add3A_313 = arith.addi %mul3A_228, %add3A_312 : i32
        %add3A_314 = arith.constant 0 : i32
        %add3A_315 = arith.addi %add3A_313, %add3A_314 : i32
        %dma_start3A_316 = arith.constant 0 : i32
        %dma_start3A_317 = tpu.memref_slice %arg7[%add3A_315, %dma_start3A_316] : memref<50x40xi32, #tpu.memory_space<vmem>> -> memref<1x40xi32, #tpu.memory_space<vmem>>
        %dma_start3A_318 = tpu.memref_squeeze %dma_start3A_317 : memref<1x40xi32, #tpu.memory_space<vmem>> -> memref<40xi32, #tpu.memory_space<vmem>>
        %dma_start3A_319 = arith.constant 0 : i32
        %dma_start3A_320 = arith.constant 0 : i32
        %dma_start3A_321 = tpu.memref_slice %arg2[%dma_start3A_319, %dma_start3A_320] : memref<10000x128xf32, #tpu.memory_space<hbm>> -> memref<10000x128xf32, #tpu.memory_space<hbm>>
        tpu.enqueue_indirect_dma source(%dma_start3A_321 : memref<10000x128xf32, #tpu.memory_space<hbm>>) target(%arg9 : memref<40x128xf32, #tpu.memory_space<vmem>>) offsets(%dma_start3A_318 : memref<40xi32, #tpu.memory_space<vmem>>) semaphore(%arg14 : memref<!tpu.dma_semaphore, #tpu.memory_space<semaphore_mem>>)
      } else {
      }
      %add3A_244 = arith.constant 1 : i32
      %add3A_245 = arith.addi %mul3A_228, %add3A_244 : i32
      %dma_wait3A_246 = arith.constant 0 : i32
      %dma_wait3A_247 = tpu.memref_slice %arg7[%add3A_245, %dma_wait3A_246] : memref<50x40xi32, #tpu.memory_space<vmem>> -> memref<1x40xi32, #tpu.memory_space<vmem>>
      %dma_wait3A_248 = tpu.memref_squeeze %dma_wait3A_247 : memref<1x40xi32, #tpu.memory_space<vmem>> -> memref<40xi32, #tpu.memory_space<vmem>>
      %dma_wait3A_249 = arith.constant 0 : i32
      %dma_wait3A_250 = arith.constant 0 : i32
      %dma_wait3A_251 = tpu.memref_slice %arg2[%dma_wait3A_249, %dma_wait3A_250] : memref<10000x128xf32, #tpu.memory_space<hbm>> -> memref<10000x128xf32, #tpu.memory_space<hbm>>
      tpu.wait_indirect_dma semaphore(%arg15 : memref<!tpu.dma_semaphore, #tpu.memory_space<semaphore_mem>>) src(%dma_wait3A_251 : memref<10000x128xf32, #tpu.memory_space<hbm>>) dst(%arg10 : memref<40x128xf32, #tpu.memory_space<vmem>>)
      %add3A_252 = arith.constant 1 : i32
      %add3A_253 = arith.addi %mul3A_228, %add3A_252 : i32
      "tpu.region"() ({
        %run_scoped3A_312 = tpu.sem_alloc : memref<!tpu.dma_semaphore, #tpu.memory_space<semaphore_mem>>
        %dma_start3A_313 = arith.constant 0 : i32
        %dma_start3A_314 = tpu.memref_slice %arg8[%add3A_253, %dma_start3A_313] : memref<50x40xi32, #tpu.memory_space<vmem>> -> memref<1x40xi32, #tpu.memory_space<vmem>>
        %dma_start3A_315 = tpu.memref_squeeze %dma_start3A_314 : memref<1x40xi32, #tpu.memory_space<vmem>> -> memref<40xi32, #tpu.memory_space<vmem>>
        %dma_start3A_316 = arith.constant 0 : i32
        %dma_start3A_317 = arith.constant 0 : i32
        %dma_start3A_318 = tpu.memref_slice %arg19[%dma_start3A_316, %dma_start3A_317] : memref<10000x128xf32, #tpu.memory_space<vmem_shared>> -> memref<10000x128xf32, #tpu.memory_space<vmem_shared>>
        tpu.enqueue_indirect_dma source(%arg10 : memref<40x128xf32, #tpu.memory_space<vmem>>) target(%dma_start3A_318 : memref<10000x128xf32, #tpu.memory_space<vmem_shared>>) offsets(%dma_start3A_315 : memref<40xi32, #tpu.memory_space<vmem>>) semaphore(%run_scoped3A_312 : memref<!tpu.dma_semaphore, #tpu.memory_space<semaphore_mem>>) {add = true}
        %dma_wait3A_319 = arith.constant 0 : i32
        %dma_wait3A_320 = tpu.memref_slice %arg8[%add3A_253, %dma_wait3A_319] : memref<50x40xi32, #tpu.memory_space<vmem>> -> memref<1x40xi32, #tpu.memory_space<vmem>>
        %dma_wait3A_321 = tpu.memref_squeeze %dma_wait3A_320 : memref<1x40xi32, #tpu.memory_space<vmem>> -> memref<40xi32, #tpu.memory_space<vmem>>
        %dma_wait3A_322 = arith.constant 0 : i32
        %dma_wait3A_323 = arith.constant 0 : i32
        %dma_wait3A_324 = tpu.memref_slice %arg19[%dma_wait3A_322, %dma_wait3A_323] : memref<10000x128xf32, #tpu.memory_space<vmem_shared>> -> memref<10000x128xf32, #tpu.memory_space<vmem_shared>>
        tpu.wait_indirect_dma semaphore(%run_scoped3A_312 : memref<!tpu.dma_semaphore, #tpu.memory_space<semaphore_mem>>) src(%arg10 : memref<40x128xf32, #tpu.memory_space<vmem>>) dst(%dma_wait3A_324 : memref<10000x128xf32, #tpu.memory_space<vmem_shared>>)
        tpu.yield
      }) : () -> ()
      %add3A_254 = arith.constant 1 : i32
      %add3A_255 = arith.addi %add3A_226, %add3A_254 : i32
      %lt3A_256 = arith.constant 10 : i32
      %lt3A_257 = arith.cmpi slt, %add3A_255, %lt3A_256 : i32
      %convert_element_type3A_258 = arith.extui %lt3A_257 : i1 to i32
      %cond3A_259 = arith.constant 0 : i32
      %cond3A_260 = arith.cmpi ne, %convert_element_type3A_258, %cond3A_259 : i32
      scf.if %cond3A_260 {
        %add3A_312 = arith.constant 5 : i32
        %add3A_313 = arith.addi %mul3A_228, %add3A_312 : i32
        %add3A_314 = arith.constant 1 : i32
        %add3A_315 = arith.addi %add3A_313, %add3A_314 : i32
        %dma_start3A_316 = arith.constant 0 : i32
        %dma_start3A_317 = tpu.memref_slice %arg7[%add3A_315, %dma_start3A_316] : memref<50x40xi32, #tpu.memory_space<vmem>> -> memref<1x40xi32, #tpu.memory_space<vmem>>
        %dma_start3A_318 = tpu.memref_squeeze %dma_start3A_317 : memref<1x40xi32, #tpu.memory_space<vmem>> -> memref<40xi32, #tpu.memory_space<vmem>>
        %dma_start3A_319 = arith.constant 0 : i32
        %dma_start3A_320 = arith.constant 0 : i32
        %dma_start3A_321 = tpu.memref_slice %arg2[%dma_start3A_319, %dma_start3A_320] : memref<10000x128xf32, #tpu.memory_space<hbm>> -> memref<10000x128xf32, #tpu.memory_space<hbm>>
        tpu.enqueue_indirect_dma source(%dma_start3A_321 : memref<10000x128xf32, #tpu.memory_space<hbm>>) target(%arg10 : memref<40x128xf32, #tpu.memory_space<vmem>>) offsets(%dma_start3A_318 : memref<40xi32, #tpu.memory_space<vmem>>) semaphore(%arg15 : memref<!tpu.dma_semaphore, #tpu.memory_space<semaphore_mem>>)
      } else {
      }
      %add3A_261 = arith.constant 2 : i32
      %add3A_262 = arith.addi %mul3A_228, %add3A_261 : i32
      %dma_wait3A_263 = arith.constant 0 : i32
      %dma_wait3A_264 = tpu.memref_slice %arg7[%add3A_262, %dma_wait3A_263] : memref<50x40xi32, #tpu.memory_space<vmem>> -> memref<1x40xi32, #tpu.memory_space<vmem>>
      %dma_wait3A_265 = tpu.memref_squeeze %dma_wait3A_264 : memref<1x40xi32, #tpu.memory_space<vmem>> -> memref<40xi32, #tpu.memory_space<vmem>>
      %dma_wait3A_266 = arith.constant 0 : i32
      %dma_wait3A_267 = arith.constant 0 : i32
      %dma_wait3A_268 = tpu.memref_slice %arg2[%dma_wait3A_266, %dma_wait3A_267] : memref<10000x128xf32, #tpu.memory_space<hbm>> -> memref<10000x128xf32, #tpu.memory_space<hbm>>
      tpu.wait_indirect_dma semaphore(%arg16 : memref<!tpu.dma_semaphore, #tpu.memory_space<semaphore_mem>>) src(%dma_wait3A_268 : memref<10000x128xf32, #tpu.memory_space<hbm>>) dst(%arg11 : memref<40x128xf32, #tpu.memory_space<vmem>>)
      %add3A_269 = arith.constant 2 : i32
      %add3A_270 = arith.addi %mul3A_228, %add3A_269 : i32
      "tpu.region"() ({
        %run_scoped3A_312 = tpu.sem_alloc : memref<!tpu.dma_semaphore, #tpu.memory_space<semaphore_mem>>
        %dma_start3A_313 = arith.constant 0 : i32
        %dma_start3A_314 = tpu.memref_slice %arg8[%add3A_270, %dma_start3A_313] : memref<50x40xi32, #tpu.memory_space<vmem>> -> memref<1x40xi32, #tpu.memory_space<vmem>>
        %dma_start3A_315 = tpu.memref_squeeze %dma_start3A_314 : memref<1x40xi32, #tpu.memory_space<vmem>> -> memref<40xi32, #tpu.memory_space<vmem>>
        %dma_start3A_316 = arith.constant 0 : i32
        %dma_start3A_317 = arith.constant 0 : i32
        %dma_start3A_318 = tpu.memref_slice %arg19[%dma_start3A_316, %dma_start3A_317] : memref<10000x128xf32, #tpu.memory_space<vmem_shared>> -> memref<10000x128xf32, #tpu.memory_space<vmem_shared>>
        tpu.enqueue_indirect_dma source(%arg11 : memref<40x128xf32, #tpu.memory_space<vmem>>) target(%dma_start3A_318 : memref<10000x128xf32, #tpu.memory_space<vmem_shared>>) offsets(%dma_start3A_315 : memref<40xi32, #tpu.memory_space<vmem>>) semaphore(%run_scoped3A_312 : memref<!tpu.dma_semaphore, #tpu.memory_space<semaphore_mem>>) {add = true}
        %dma_wait3A_319 = arith.constant 0 : i32
        %dma_wait3A_320 = tpu.memref_slice %arg8[%add3A_270, %dma_wait3A_319] : memref<50x40xi32, #tpu.memory_space<vmem>> -> memref<1x40xi32, #tpu.memory_space<vmem>>
        %dma_wait3A_321 = tpu.memref_squeeze %dma_wait3A_320 : memref<1x40xi32, #tpu.memory_space<vmem>> -> memref<40xi32, #tpu.memory_space<vmem>>
        %dma_wait3A_322 = arith.constant 0 : i32
        %dma_wait3A_323 = arith.constant 0 : i32
        %dma_wait3A_324 = tpu.memref_slice %arg19[%dma_wait3A_322, %dma_wait3A_323] : memref<10000x128xf32, #tpu.memory_space<vmem_shared>> -> memref<10000x128xf32, #tpu.memory_space<vmem_shared>>
        tpu.wait_indirect_dma semaphore(%run_scoped3A_312 : memref<!tpu.dma_semaphore, #tpu.memory_space<semaphore_mem>>) src(%arg11 : memref<40x128xf32, #tpu.memory_space<vmem>>) dst(%dma_wait3A_324 : memref<10000x128xf32, #tpu.memory_space<vmem_shared>>)
        tpu.yield
      }) : () -> ()
      %add3A_271 = arith.constant 1 : i32
      %add3A_272 = arith.addi %add3A_226, %add3A_271 : i32
      %lt3A_273 = arith.constant 10 : i32
      %lt3A_274 = arith.cmpi slt, %add3A_272, %lt3A_273 : i32
      %convert_element_type3A_275 = arith.extui %lt3A_274 : i1 to i32
      %cond3A_276 = arith.constant 0 : i32
      %cond3A_277 = arith.cmpi ne, %convert_element_type3A_275, %cond3A_276 : i32
      scf.if %cond3A_277 {
        %add3A_312 = arith.constant 5 : i32
        %add3A_313 = arith.addi %mul3A_228, %add3A_312 : i32
        %add3A_314 = arith.constant 2 : i32
        %add3A_315 = arith.addi %add3A_313, %add3A_314 : i32
        %dma_start3A_316 = arith.constant 0 : i32
        %dma_start3A_317 = tpu.memref_slice %arg7[%add3A_315, %dma_start3A_316] : memref<50x40xi32, #tpu.memory_space<vmem>> -> memref<1x40xi32, #tpu.memory_space<vmem>>
        %dma_start3A_318 = tpu.memref_squeeze %dma_start3A_317 : memref<1x40xi32, #tpu.memory_space<vmem>> -> memref<40xi32, #tpu.memory_space<vmem>>
        %dma_start3A_319 = arith.constant 0 : i32
        %dma_start3A_320 = arith.constant 0 : i32
        %dma_start3A_321 = tpu.memref_slice %arg2[%dma_start3A_319, %dma_start3A_320] : memref<10000x128xf32, #tpu.memory_space<hbm>> -> memref<10000x128xf32, #tpu.memory_space<hbm>>
        tpu.enqueue_indirect_dma source(%dma_start3A_321 : memref<10000x128xf32, #tpu.memory_space<hbm>>) target(%arg11 : memref<40x128xf32, #tpu.memory_space<vmem>>) offsets(%dma_start3A_318 : memref<40xi32, #tpu.memory_space<vmem>>) semaphore(%arg16 : memref<!tpu.dma_semaphore, #tpu.memory_space<semaphore_mem>>)
      } else {
      }
      %add3A_278 = arith.constant 3 : i32
      %add3A_279 = arith.addi %mul3A_228, %add3A_278 : i32
      %dma_wait3A_280 = arith.constant 0 : i32
      %dma_wait3A_281 = tpu.memref_slice %arg7[%add3A_279, %dma_wait3A_280] : memref<50x40xi32, #tpu.memory_space<vmem>> -> memref<1x40xi32, #tpu.memory_space<vmem>>
      %dma_wait3A_282 = tpu.memref_squeeze %dma_wait3A_281 : memref<1x40xi32, #tpu.memory_space<vmem>> -> memref<40xi32, #tpu.memory_space<vmem>>
      %dma_wait3A_283 = arith.constant 0 : i32
      %dma_wait3A_284 = arith.constant 0 : i32
      %dma_wait3A_285 = tpu.memref_slice %arg2[%dma_wait3A_283, %dma_wait3A_284] : memref<10000x128xf32, #tpu.memory_space<hbm>> -> memref<10000x128xf32, #tpu.memory_space<hbm>>
      tpu.wait_indirect_dma semaphore(%arg17 : memref<!tpu.dma_semaphore, #tpu.memory_space<semaphore_mem>>) src(%dma_wait3A_285 : memref<10000x128xf32, #tpu.memory_space<hbm>>) dst(%arg12 : memref<40x128xf32, #tpu.memory_space<vmem>>)
      %add3A_286 = arith.constant 3 : i32
      %add3A_287 = arith.addi %mul3A_228, %add3A_286 : i32
      "tpu.region"() ({
        %run_scoped3A_312 = tpu.sem_alloc : memref<!tpu.dma_semaphore, #tpu.memory_space<semaphore_mem>>
        %dma_start3A_313 = arith.constant 0 : i32
        %dma_start3A_314 = tpu.memref_slice %arg8[%add3A_287, %dma_start3A_313] : memref<50x40xi32, #tpu.memory_space<vmem>> -> memref<1x40xi32, #tpu.memory_space<vmem>>
        %dma_start3A_315 = tpu.memref_squeeze %dma_start3A_314 : memref<1x40xi32, #tpu.memory_space<vmem>> -> memref<40xi32, #tpu.memory_space<vmem>>
        %dma_start3A_316 = arith.constant 0 : i32
        %dma_start3A_317 = arith.constant 0 : i32
        %dma_start3A_318 = tpu.memref_slice %arg19[%dma_start3A_316, %dma_start3A_317] : memref<10000x128xf32, #tpu.memory_space<vmem_shared>> -> memref<10000x128xf32, #tpu.memory_space<vmem_shared>>
        tpu.enqueue_indirect_dma source(%arg12 : memref<40x128xf32, #tpu.memory_space<vmem>>) target(%dma_start3A_318 : memref<10000x128xf32, #tpu.memory_space<vmem_shared>>) offsets(%dma_start3A_315 : memref<40xi32, #tpu.memory_space<vmem>>) semaphore(%run_scoped3A_312 : memref<!tpu.dma_semaphore, #tpu.memory_space<semaphore_mem>>) {add = true}
        %dma_wait3A_319 = arith.constant 0 : i32
        %dma_wait3A_320 = tpu.memref_slice %arg8[%add3A_287, %dma_wait3A_319] : memref<50x40xi32, #tpu.memory_space<vmem>> -> memref<1x40xi32, #tpu.memory_space<vmem>>
        %dma_wait3A_321 = tpu.memref_squeeze %dma_wait3A_320 : memref<1x40xi32, #tpu.memory_space<vmem>> -> memref<40xi32, #tpu.memory_space<vmem>>
        %dma_wait3A_322 = arith.constant 0 : i32
        %dma_wait3A_323 = arith.constant 0 : i32
        %dma_wait3A_324 = tpu.memref_slice %arg19[%dma_wait3A_322, %dma_wait3A_323] : memref<10000x128xf32, #tpu.memory_space<vmem_shared>> -> memref<10000x128xf32, #tpu.memory_space<vmem_shared>>
        tpu.wait_indirect_dma semaphore(%run_scoped3A_312 : memref<!tpu.dma_semaphore, #tpu.memory_space<semaphore_mem>>) src(%arg12 : memref<40x128xf32, #tpu.memory_space<vmem>>) dst(%dma_wait3A_324 : memref<10000x128xf32, #tpu.memory_space<vmem_shared>>)
        tpu.yield
      }) : () -> ()
      %add3A_288 = arith.constant 1 : i32
      %add3A_289 = arith.addi %add3A_226, %add3A_288 : i32
      %lt3A_290 = arith.constant 10 : i32
      %lt3A_291 = arith.cmpi slt, %add3A_289, %lt3A_290 : i32
      %convert_element_type3A_292 = arith.extui %lt3A_291 : i1 to i32
      %cond3A_293 = arith.constant 0 : i32
      %cond3A_294 = arith.cmpi ne, %convert_element_type3A_292, %cond3A_293 : i32
      scf.if %cond3A_294 {
        %add3A_312 = arith.constant 5 : i32
        %add3A_313 = arith.addi %mul3A_228, %add3A_312 : i32
        %add3A_314 = arith.constant 3 : i32
        %add3A_315 = arith.addi %add3A_313, %add3A_314 : i32
        %dma_start3A_316 = arith.constant 0 : i32
        %dma_start3A_317 = tpu.memref_slice %arg7[%add3A_315, %dma_start3A_316] : memref<50x40xi32, #tpu.memory_space<vmem>> -> memref<1x40xi32, #tpu.memory_space<vmem>>
        %dma_start3A_318 = tpu.memref_squeeze %dma_start3A_317 : memref<1x40xi32, #tpu.memory_space<vmem>> -> memref<40xi32, #tpu.memory_space<vmem>>
        %dma_start3A_319 = arith.constant 0 : i32
        %dma_start3A_320 = arith.constant 0 : i32
        %dma_start3A_321 = tpu.memref_slice %arg2[%dma_start3A_319, %dma_start3A_320] : memref<10000x128xf32, #tpu.memory_space<hbm>> -> memref<10000x128xf32, #tpu.memory_space<hbm>>
        tpu.enqueue_indirect_dma source(%dma_start3A_321 : memref<10000x128xf32, #tpu.memory_space<hbm>>) target(%arg12 : memref<40x128xf32, #tpu.memory_space<vmem>>) offsets(%dma_start3A_318 : memref<40xi32, #tpu.memory_space<vmem>>) semaphore(%arg17 : memref<!tpu.dma_semaphore, #tpu.memory_space<semaphore_mem>>)
      } else {
      }
      %add3A_295 = arith.constant 4 : i32
      %add3A_296 = arith.addi %mul3A_228, %add3A_295 : i32
      %dma_wait3A_297 = arith.constant 0 : i32
      %dma_wait3A_298 = tpu.memref_slice %arg7[%add3A_296, %dma_wait3A_297] : memref<50x40xi32, #tpu.memory_space<vmem>> -> memref<1x40xi32, #tpu.memory_space<vmem>>
      %dma_wait3A_299 = tpu.memref_squeeze %dma_wait3A_298 : memref<1x40xi32, #tpu.memory_space<vmem>> -> memref<40xi32, #tpu.memory_space<vmem>>
      %dma_wait3A_300 = arith.constant 0 : i32
      %dma_wait3A_301 = arith.constant 0 : i32
      %dma_wait3A_302 = tpu.memref_slice %arg2[%dma_wait3A_300, %dma_wait3A_301] : memref<10000x128xf32, #tpu.memory_space<hbm>> -> memref<10000x128xf32, #tpu.memory_space<hbm>>
      tpu.wait_indirect_dma semaphore(%arg18 : memref<!tpu.dma_semaphore, #tpu.memory_space<semaphore_mem>>) src(%dma_wait3A_302 : memref<10000x128xf32, #tpu.memory_space<hbm>>) dst(%arg13 : memref<40x128xf32, #tpu.memory_space<vmem>>)
      %add3A_303 = arith.constant 4 : i32
      %add3A_304 = arith.addi %mul3A_228, %add3A_303 : i32
      "tpu.region"() ({
        %run_scoped3A_312 = tpu.sem_alloc : memref<!tpu.dma_semaphore, #tpu.memory_space<semaphore_mem>>
        %dma_start3A_313 = arith.constant 0 : i32
        %dma_start3A_314 = tpu.memref_slice %arg8[%add3A_304, %dma_start3A_313] : memref<50x40xi32, #tpu.memory_space<vmem>> -> memref<1x40xi32, #tpu.memory_space<vmem>>
        %dma_start3A_315 = tpu.memref_squeeze %dma_start3A_314 : memref<1x40xi32, #tpu.memory_space<vmem>> -> memref<40xi32, #tpu.memory_space<vmem>>
        %dma_start3A_316 = arith.constant 0 : i32
        %dma_start3A_317 = arith.constant 0 : i32
        %dma_start3A_318 = tpu.memref_slice %arg19[%dma_start3A_316, %dma_start3A_317] : memref<10000x128xf32, #tpu.memory_space<vmem_shared>> -> memref<10000x128xf32, #tpu.memory_space<vmem_shared>>
        tpu.enqueue_indirect_dma source(%arg13 : memref<40x128xf32, #tpu.memory_space<vmem>>) target(%dma_start3A_318 : memref<10000x128xf32, #tpu.memory_space<vmem_shared>>) offsets(%dma_start3A_315 : memref<40xi32, #tpu.memory_space<vmem>>) semaphore(%run_scoped3A_312 : memref<!tpu.dma_semaphore, #tpu.memory_space<semaphore_mem>>) {add = true}
        %dma_wait3A_319 = arith.constant 0 : i32
        %dma_wait3A_320 = tpu.memref_slice %arg8[%add3A_304, %dma_wait3A_319] : memref<50x40xi32, #tpu.memory_space<vmem>> -> memref<1x40xi32, #tpu.memory_space<vmem>>
        %dma_wait3A_321 = tpu.memref_squeeze %dma_wait3A_320 : memref<1x40xi32, #tpu.memory_space<vmem>> -> memref<40xi32, #tpu.memory_space<vmem>>
        %dma_wait3A_322 = arith.constant 0 : i32
        %dma_wait3A_323 = arith.constant 0 : i32
        %dma_wait3A_324 = tpu.memref_slice %arg19[%dma_wait3A_322, %dma_wait3A_323] : memref<10000x128xf32, #tpu.memory_space<vmem_shared>> -> memref<10000x128xf32, #tpu.memory_space<vmem_shared>>
        tpu.wait_indirect_dma semaphore(%run_scoped3A_312 : memref<!tpu.dma_semaphore, #tpu.memory_space<semaphore_mem>>) src(%arg13 : memref<40x128xf32, #tpu.memory_space<vmem>>) dst(%dma_wait3A_324 : memref<10000x128xf32, #tpu.memory_space<vmem_shared>>)
        tpu.yield
      }) : () -> ()
      %add3A_305 = arith.constant 1 : i32
      %add3A_306 = arith.addi %add3A_226, %add3A_305 : i32
      %lt3A_307 = arith.constant 10 : i32
      %lt3A_308 = arith.cmpi slt, %add3A_306, %lt3A_307 : i32
      %convert_element_type3A_309 = arith.extui %lt3A_308 : i1 to i32
      %cond3A_310 = arith.constant 0 : i32
      %cond3A_311 = arith.cmpi ne, %convert_element_type3A_309, %cond3A_310 : i32
      scf.if %cond3A_311 {
        %add3A_312 = arith.constant 5 : i32
        %add3A_313 = arith.addi %mul3A_228, %add3A_312 : i32
        %add3A_314 = arith.constant 4 : i32
        %add3A_315 = arith.addi %add3A_313, %add3A_314 : i32
        %dma_start3A_316 = arith.constant 0 : i32
        %dma_start3A_317 = tpu.memref_slice %arg7[%add3A_315, %dma_start3A_316] : memref<50x40xi32, #tpu.memory_space<vmem>> -> memref<1x40xi32, #tpu.memory_space<vmem>>
        %dma_start3A_318 = tpu.memref_squeeze %dma_start3A_317 : memref<1x40xi32, #tpu.memory_space<vmem>> -> memref<40xi32, #tpu.memory_space<vmem>>
        %dma_start3A_319 = arith.constant 0 : i32
        %dma_start3A_320 = arith.constant 0 : i32
        %dma_start3A_321 = tpu.memref_slice %arg2[%dma_start3A_319, %dma_start3A_320] : memref<10000x128xf32, #tpu.memory_space<hbm>> -> memref<10000x128xf32, #tpu.memory_space<hbm>>
        tpu.enqueue_indirect_dma source(%dma_start3A_321 : memref<10000x128xf32, #tpu.memory_space<hbm>>) target(%arg13 : memref<40x128xf32, #tpu.memory_space<vmem>>) offsets(%dma_start3A_318 : memref<40xi32, #tpu.memory_space<vmem>>) semaphore(%arg18 : memref<!tpu.dma_semaphore, #tpu.memory_space<semaphore_mem>>)
      } else {
      }
    }
    %scan3A_213 = arith.constant 10 : i32
    %barrier3A_214 = arith.constant 0 : index
    tpu.barrier barrier_id(%barrier3A_214)
    %mul3A_215 = arith.constant 624 : i32
    %mul3A_216 = arith.muli %arg1, %mul3A_215 : i32
    "tpu.region"() ({
      %run_scoped3A_222 = tpu.sem_alloc : memref<!tpu.dma_semaphore, #tpu.memory_space<semaphore_mem>>
      %dma_start3A_223 = arith.constant 0 : i32
      %dma_start3A_224 = tpu.memref_slice %arg6[%arg0, %mul3A_216, %dma_start3A_223] : memref<2x10000x128xf32, #tpu.memory_space<hbm>> -> memref<1x624x128xf32, #tpu.memory_space<hbm>>
      %dma_start3A_225 = tpu.memref_squeeze %dma_start3A_224 : memref<1x624x128xf32, #tpu.memory_space<hbm>> -> memref<624x128xf32, #tpu.memory_space<hbm>>
      %dma_start3A_226 = arith.constant 0 : i32
      %dma_start3A_227 = tpu.memref_slice %arg19[%mul3A_216, %dma_start3A_226] : memref<10000x128xf32, #tpu.memory_space<vmem_shared>> -> memref<624x128xf32, #tpu.memory_space<vmem_shared>>
      tpu.enqueue_dma source(%dma_start3A_227 : memref<624x128xf32, #tpu.memory_space<vmem_shared>>) target(%dma_start3A_225 : memref<624x128xf32, #tpu.memory_space<hbm>>) target_semaphore(%run_scoped3A_222 : memref<!tpu.dma_semaphore, #tpu.memory_space<semaphore_mem>>)
      %dma_wait3A = arith.constant 0 : i32
      %dma_wait3A_228 = tpu.memref_slice %arg6[%arg0, %mul3A_216, %dma_wait3A] : memref<2x10000x128xf32, #tpu.memory_space<hbm>> -> memref<1x624x128xf32, #tpu.memory_space<hbm>>
      %dma_wait3A_229 = tpu.memref_squeeze %dma_wait3A_228 : memref<1x624x128xf32, #tpu.memory_space<hbm>> -> memref<624x128xf32, #tpu.memory_space<hbm>>
      %dma_wait3A_230 = arith.constant 0 : i32
      %dma_wait3A_231 = tpu.memref_slice %arg19[%mul3A_216, %dma_wait3A_230] : memref<10000x128xf32, #tpu.memory_space<vmem_shared>> -> memref<624x128xf32, #tpu.memory_space<vmem_shared>>
      tpu.wait_dma2 semaphore(%run_scoped3A_222 : memref<!tpu.dma_semaphore, #tpu.memory_space<semaphore_mem>>) src(%dma_wait3A_231 : memref<624x128xf32, #tpu.memory_space<vmem_shared>>) dst(%dma_wait3A_229 : memref<624x128xf32, #tpu.memory_space<hbm>>)
      tpu.yield
    }) : () -> ()
    %eq3A_217 = arith.constant 15 : i32
    %eq3A_218 = arith.cmpi eq, %arg1, %eq3A_217 : i32
    %convert_element_type3A_219 = arith.extui %eq3A_218 : i1 to i32
    %cond3A_220 = arith.constant 0 : i32
    %cond3A_221 = arith.cmpi ne, %convert_element_type3A_219, %cond3A_220 : i32
    scf.if %cond3A_221 {
      "tpu.region"() ({
        %run_scoped3A_222 = tpu.sem_alloc : memref<!tpu.dma_semaphore, #tpu.memory_space<semaphore_mem>>
        %dma_start3A_223 = arith.constant 9984 : i32
        %dma_start3A_224 = arith.constant 0 : i32
        %dma_start3A_225 = tpu.memref_slice %arg6[%arg0, %dma_start3A_223, %dma_start3A_224] : memref<2x10000x128xf32, #tpu.memory_space<hbm>> -> memref<1x16x128xf32, #tpu.memory_space<hbm>>
        %dma_start3A_226 = tpu.memref_squeeze %dma_start3A_225 : memref<1x16x128xf32, #tpu.memory_space<hbm>> -> memref<16x128xf32, #tpu.memory_space<hbm>>
        %dma_start3A_227 = arith.constant 9984 : i32
        %dma_start3A_228 = arith.constant 0 : i32
        %dma_start3A_229 = tpu.memref_slice %arg19[%dma_start3A_227, %dma_start3A_228] : memref<10000x128xf32, #tpu.memory_space<vmem_shared>> -> memref<16x128xf32, #tpu.memory_space<vmem_shared>>
        tpu.enqueue_dma source(%dma_start3A_229 : memref<16x128xf32, #tpu.memory_space<vmem_shared>>) target(%dma_start3A_226 : memref<16x128xf32, #tpu.memory_space<hbm>>) target_semaphore(%run_scoped3A_222 : memref<!tpu.dma_semaphore, #tpu.memory_space<semaphore_mem>>)
        %dma_wait3A = arith.constant 9984 : i32
        %dma_wait3A_230 = arith.constant 0 : i32
        %dma_wait3A_231 = tpu.memref_slice %arg6[%arg0, %dma_wait3A, %dma_wait3A_230] : memref<2x10000x128xf32, #tpu.memory_space<hbm>> -> memref<1x16x128xf32, #tpu.memory_space<hbm>>
        %dma_wait3A_232 = tpu.memref_squeeze %dma_wait3A_231 : memref<1x16x128xf32, #tpu.memory_space<hbm>> -> memref<16x128xf32, #tpu.memory_space<hbm>>
        %dma_wait3A_233 = arith.constant 9984 : i32
        %dma_wait3A_234 = arith.constant 0 : i32
        %dma_wait3A_235 = tpu.memref_slice %arg19[%dma_wait3A_233, %dma_wait3A_234] : memref<10000x128xf32, #tpu.memory_space<vmem_shared>> -> memref<16x128xf32, #tpu.memory_space<vmem_shared>>
        tpu.wait_dma2 semaphore(%run_scoped3A_222 : memref<!tpu.dma_semaphore, #tpu.memory_space<semaphore_mem>>) src(%dma_wait3A_235 : memref<16x128xf32, #tpu.memory_space<vmem_shared>>) dst(%dma_wait3A_232 : memref<16x128xf32, #tpu.memory_space<hbm>>)
        tpu.yield
      }) : () -> ()
    } else {
    }
    return
  }
}

#map = affine_map<(d0, d1) -> (0, 0, 0)>
#map1 = affine_map<(d0, d1) -> (0, 0)>
module attributes {stable_mosaic.version = 14 : i64} {
  func.func @_deg_body(%arg0: i32, %arg1: i32, %arg2: memref<32x125x80xi32, #tpu.memory_space<hbm>>, %arg3: memref<10000x16xf32, #tpu.memory_space<hbm>>, %arg4: memref<2x10000x16xf32, #tpu.memory_space<hbm>>, %arg5: memref<125x80xi32, #tpu.memory_space<vmem>>, %arg6: memref<80x16xf32, #tpu.memory_space<vmem>>, %arg7: memref<10000x16xf32, #tpu.memory_space<vmem_shared>>, %arg8: memref<!tpu.dma_semaphore, #tpu.memory_space<semaphore_mem>>) attributes {dimension_semantics = [#tpu.dimension_semantics<core_parallel>, #tpu.dimension_semantics<subcore_parallel>], iteration_bounds = array<i64: 2, 16>, scalar_prefetch = 0 : i64, scratch_operands = 4 : i64, tpu.core_type = #tpu.core_type<sc_vector_subcore>, window_params = [{transform_indices = #map}, {transform_indices = #map1}, {transform_indices = #map}]} {
    %mul3A = arith.constant 16 : i32
    %mul3A_0 = arith.muli %arg0, %mul3A : i32
    %add3A = arith.addi %mul3A_0, %arg1 : i32
    %broadcast_in_dim3A = arith.constant 1.000000e+00 : f32
    %broadcast_in_dim3A_1 = vector.broadcast %broadcast_in_dim3A : f32 to vector<16xf32>
    %swap3A = arith.constant 0 : i32
    %swap3A_2 = arith.index_cast %swap3A : i32 to index
    %swap3A_3 = arith.constant 0 : index
    %swap3A_4 = tpu.vector_load %arg6[%swap3A_2, %swap3A_3] {strides = array<i32>} : memref<80x16xf32, #tpu.memory_space<vmem>>, vector<1x16xf32>,
    %swap3A_5 = vector.shape_cast %swap3A_4 : vector<1x16xf32> to vector<16xf32>
    %swap3A_6 = vector.shape_cast %broadcast_in_dim3A_1 : vector<16xf32> to vector<1x16xf32>
    tpu.vector_store %arg6[%swap3A_2, %swap3A_3], %swap3A_6 {strides = array<i32>} : memref<80x16xf32, #tpu.memory_space<vmem>>, vector<1x16xf32>,
    %broadcast_in_dim3A_7 = arith.constant 1.000000e+00 : f32
    %broadcast_in_dim3A_8 = vector.broadcast %broadcast_in_dim3A_7 : f32 to vector<16xf32>
    %swap3A_9 = arith.constant 1 : i32
    %swap3A_10 = arith.index_cast %swap3A_9 : i32 to index
    %swap3A_11 = arith.constant 0 : index
    %swap3A_12 = tpu.vector_load %arg6[%swap3A_10, %swap3A_11] {strides = array<i32>} : memref<80x16xf32, #tpu.memory_space<vmem>>, vector<1x16xf32>,
    %swap3A_13 = vector.shape_cast %swap3A_12 : vector<1x16xf32> to vector<16xf32>
    %swap3A_14 = vector.shape_cast %broadcast_in_dim3A_8 : vector<16xf32> to vector<1x16xf32>
    tpu.vector_store %arg6[%swap3A_10, %swap3A_11], %swap3A_14 {strides = array<i32>} : memref<80x16xf32, #tpu.memory_space<vmem>>, vector<1x16xf32>,
    %broadcast_in_dim3A_15 = arith.constant 1.000000e+00 : f32
    %broadcast_in_dim3A_16 = vector.broadcast %broadcast_in_dim3A_15 : f32 to vector<16xf32>
    %swap3A_17 = arith.constant 2 : i32
    %swap3A_18 = arith.index_cast %swap3A_17 : i32 to index
    %swap3A_19 = arith.constant 0 : index
    %swap3A_20 = tpu.vector_load %arg6[%swap3A_18, %swap3A_19] {strides = array<i32>} : memref<80x16xf32, #tpu.memory_space<vmem>>, vector<1x16xf32>,
    %swap3A_21 = vector.shape_cast %swap3A_20 : vector<1x16xf32> to vector<16xf32>
    %swap3A_22 = vector.shape_cast %broadcast_in_dim3A_16 : vector<16xf32> to vector<1x16xf32>
    tpu.vector_store %arg6[%swap3A_18, %swap3A_19], %swap3A_22 {strides = array<i32>} : memref<80x16xf32, #tpu.memory_space<vmem>>, vector<1x16xf32>,
    %broadcast_in_dim3A_23 = arith.constant 1.000000e+00 : f32
    %broadcast_in_dim3A_24 = vector.broadcast %broadcast_in_dim3A_23 : f32 to vector<16xf32>
    %swap3A_25 = arith.constant 3 : i32
    %swap3A_26 = arith.index_cast %swap3A_25 : i32 to index
    %swap3A_27 = arith.constant 0 : index
    %swap3A_28 = tpu.vector_load %arg6[%swap3A_26, %swap3A_27] {strides = array<i32>} : memref<80x16xf32, #tpu.memory_space<vmem>>, vector<1x16xf32>,
    %swap3A_29 = vector.shape_cast %swap3A_28 : vector<1x16xf32> to vector<16xf32>
    %swap3A_30 = vector.shape_cast %broadcast_in_dim3A_24 : vector<16xf32> to vector<1x16xf32>
    tpu.vector_store %arg6[%swap3A_26, %swap3A_27], %swap3A_30 {strides = array<i32>} : memref<80x16xf32, #tpu.memory_space<vmem>>, vector<1x16xf32>,
    %broadcast_in_dim3A_31 = arith.constant 1.000000e+00 : f32
    %broadcast_in_dim3A_32 = vector.broadcast %broadcast_in_dim3A_31 : f32 to vector<16xf32>
    %swap3A_33 = arith.constant 4 : i32
    %swap3A_34 = arith.index_cast %swap3A_33 : i32 to index
    %swap3A_35 = arith.constant 0 : index
    %swap3A_36 = tpu.vector_load %arg6[%swap3A_34, %swap3A_35] {strides = array<i32>} : memref<80x16xf32, #tpu.memory_space<vmem>>, vector<1x16xf32>,
    %swap3A_37 = vector.shape_cast %swap3A_36 : vector<1x16xf32> to vector<16xf32>
    %swap3A_38 = vector.shape_cast %broadcast_in_dim3A_32 : vector<16xf32> to vector<1x16xf32>
    tpu.vector_store %arg6[%swap3A_34, %swap3A_35], %swap3A_38 {strides = array<i32>} : memref<80x16xf32, #tpu.memory_space<vmem>>, vector<1x16xf32>,
    %broadcast_in_dim3A_39 = arith.constant 1.000000e+00 : f32
    %broadcast_in_dim3A_40 = vector.broadcast %broadcast_in_dim3A_39 : f32 to vector<16xf32>
    %swap3A_41 = arith.constant 5 : i32
    %swap3A_42 = arith.index_cast %swap3A_41 : i32 to index
    %swap3A_43 = arith.constant 0 : index
    %swap3A_44 = tpu.vector_load %arg6[%swap3A_42, %swap3A_43] {strides = array<i32>} : memref<80x16xf32, #tpu.memory_space<vmem>>, vector<1x16xf32>,
    %swap3A_45 = vector.shape_cast %swap3A_44 : vector<1x16xf32> to vector<16xf32>
    %swap3A_46 = vector.shape_cast %broadcast_in_dim3A_40 : vector<16xf32> to vector<1x16xf32>
    tpu.vector_store %arg6[%swap3A_42, %swap3A_43], %swap3A_46 {strides = array<i32>} : memref<80x16xf32, #tpu.memory_space<vmem>>, vector<1x16xf32>,
    %broadcast_in_dim3A_47 = arith.constant 1.000000e+00 : f32
    %broadcast_in_dim3A_48 = vector.broadcast %broadcast_in_dim3A_47 : f32 to vector<16xf32>
    %swap3A_49 = arith.constant 6 : i32
    %swap3A_50 = arith.index_cast %swap3A_49 : i32 to index
    %swap3A_51 = arith.constant 0 : index
    %swap3A_52 = tpu.vector_load %arg6[%swap3A_50, %swap3A_51] {strides = array<i32>} : memref<80x16xf32, #tpu.memory_space<vmem>>, vector<1x16xf32>,
    %swap3A_53 = vector.shape_cast %swap3A_52 : vector<1x16xf32> to vector<16xf32>
    %swap3A_54 = vector.shape_cast %broadcast_in_dim3A_48 : vector<16xf32> to vector<1x16xf32>
    tpu.vector_store %arg6[%swap3A_50, %swap3A_51], %swap3A_54 {strides = array<i32>} : memref<80x16xf32, #tpu.memory_space<vmem>>, vector<1x16xf32>,
    %broadcast_in_dim3A_55 = arith.constant 1.000000e+00 : f32
    %broadcast_in_dim3A_56 = vector.broadcast %broadcast_in_dim3A_55 : f32 to vector<16xf32>
    %swap3A_57 = arith.constant 7 : i32
    %swap3A_58 = arith.index_cast %swap3A_57 : i32 to index
    %swap3A_59 = arith.constant 0 : index
    %swap3A_60 = tpu.vector_load %arg6[%swap3A_58, %swap3A_59] {strides = array<i32>} : memref<80x16xf32, #tpu.memory_space<vmem>>, vector<1x16xf32>,
    %swap3A_61 = vector.shape_cast %swap3A_60 : vector<1x16xf32> to vector<16xf32>
    %swap3A_62 = vector.shape_cast %broadcast_in_dim3A_56 : vector<16xf32> to vector<1x16xf32>
    tpu.vector_store %arg6[%swap3A_58, %swap3A_59], %swap3A_62 {strides = array<i32>} : memref<80x16xf32, #tpu.memory_space<vmem>>, vector<1x16xf32>,
    %broadcast_in_dim3A_63 = arith.constant 1.000000e+00 : f32
    %broadcast_in_dim3A_64 = vector.broadcast %broadcast_in_dim3A_63 : f32 to vector<16xf32>
    %swap3A_65 = arith.constant 8 : i32
    %swap3A_66 = arith.index_cast %swap3A_65 : i32 to index
    %swap3A_67 = arith.constant 0 : index
    %swap3A_68 = tpu.vector_load %arg6[%swap3A_66, %swap3A_67] {strides = array<i32>} : memref<80x16xf32, #tpu.memory_space<vmem>>, vector<1x16xf32>,
    %swap3A_69 = vector.shape_cast %swap3A_68 : vector<1x16xf32> to vector<16xf32>
    %swap3A_70 = vector.shape_cast %broadcast_in_dim3A_64 : vector<16xf32> to vector<1x16xf32>
    tpu.vector_store %arg6[%swap3A_66, %swap3A_67], %swap3A_70 {strides = array<i32>} : memref<80x16xf32, #tpu.memory_space<vmem>>, vector<1x16xf32>,
    %broadcast_in_dim3A_71 = arith.constant 1.000000e+00 : f32
    %broadcast_in_dim3A_72 = vector.broadcast %broadcast_in_dim3A_71 : f32 to vector<16xf32>
    %swap3A_73 = arith.constant 9 : i32
    %swap3A_74 = arith.index_cast %swap3A_73 : i32 to index
    %swap3A_75 = arith.constant 0 : index
    %swap3A_76 = tpu.vector_load %arg6[%swap3A_74, %swap3A_75] {strides = array<i32>} : memref<80x16xf32, #tpu.memory_space<vmem>>, vector<1x16xf32>,
    %swap3A_77 = vector.shape_cast %swap3A_76 : vector<1x16xf32> to vector<16xf32>
    %swap3A_78 = vector.shape_cast %broadcast_in_dim3A_72 : vector<16xf32> to vector<1x16xf32>
    tpu.vector_store %arg6[%swap3A_74, %swap3A_75], %swap3A_78 {strides = array<i32>} : memref<80x16xf32, #tpu.memory_space<vmem>>, vector<1x16xf32>,
    %broadcast_in_dim3A_79 = arith.constant 1.000000e+00 : f32
    %broadcast_in_dim3A_80 = vector.broadcast %broadcast_in_dim3A_79 : f32 to vector<16xf32>
    %swap3A_81 = arith.constant 10 : i32
    %swap3A_82 = arith.index_cast %swap3A_81 : i32 to index
    %swap3A_83 = arith.constant 0 : index
    %swap3A_84 = tpu.vector_load %arg6[%swap3A_82, %swap3A_83] {strides = array<i32>} : memref<80x16xf32, #tpu.memory_space<vmem>>, vector<1x16xf32>,
    %swap3A_85 = vector.shape_cast %swap3A_84 : vector<1x16xf32> to vector<16xf32>
    %swap3A_86 = vector.shape_cast %broadcast_in_dim3A_80 : vector<16xf32> to vector<1x16xf32>
    tpu.vector_store %arg6[%swap3A_82, %swap3A_83], %swap3A_86 {strides = array<i32>} : memref<80x16xf32, #tpu.memory_space<vmem>>, vector<1x16xf32>,
    %broadcast_in_dim3A_87 = arith.constant 1.000000e+00 : f32
    %broadcast_in_dim3A_88 = vector.broadcast %broadcast_in_dim3A_87 : f32 to vector<16xf32>
    %swap3A_89 = arith.constant 11 : i32
    %swap3A_90 = arith.index_cast %swap3A_89 : i32 to index
    %swap3A_91 = arith.constant 0 : index
    %swap3A_92 = tpu.vector_load %arg6[%swap3A_90, %swap3A_91] {strides = array<i32>} : memref<80x16xf32, #tpu.memory_space<vmem>>, vector<1x16xf32>,
    %swap3A_93 = vector.shape_cast %swap3A_92 : vector<1x16xf32> to vector<16xf32>
    %swap3A_94 = vector.shape_cast %broadcast_in_dim3A_88 : vector<16xf32> to vector<1x16xf32>
    tpu.vector_store %arg6[%swap3A_90, %swap3A_91], %swap3A_94 {strides = array<i32>} : memref<80x16xf32, #tpu.memory_space<vmem>>, vector<1x16xf32>,
    %broadcast_in_dim3A_95 = arith.constant 1.000000e+00 : f32
    %broadcast_in_dim3A_96 = vector.broadcast %broadcast_in_dim3A_95 : f32 to vector<16xf32>
    %swap3A_97 = arith.constant 12 : i32
    %swap3A_98 = arith.index_cast %swap3A_97 : i32 to index
    %swap3A_99 = arith.constant 0 : index
    %swap3A_100 = tpu.vector_load %arg6[%swap3A_98, %swap3A_99] {strides = array<i32>} : memref<80x16xf32, #tpu.memory_space<vmem>>, vector<1x16xf32>,
    %swap3A_101 = vector.shape_cast %swap3A_100 : vector<1x16xf32> to vector<16xf32>
    %swap3A_102 = vector.shape_cast %broadcast_in_dim3A_96 : vector<16xf32> to vector<1x16xf32>
    tpu.vector_store %arg6[%swap3A_98, %swap3A_99], %swap3A_102 {strides = array<i32>} : memref<80x16xf32, #tpu.memory_space<vmem>>, vector<1x16xf32>,
    %broadcast_in_dim3A_103 = arith.constant 1.000000e+00 : f32
    %broadcast_in_dim3A_104 = vector.broadcast %broadcast_in_dim3A_103 : f32 to vector<16xf32>
    %swap3A_105 = arith.constant 13 : i32
    %swap3A_106 = arith.index_cast %swap3A_105 : i32 to index
    %swap3A_107 = arith.constant 0 : index
    %swap3A_108 = tpu.vector_load %arg6[%swap3A_106, %swap3A_107] {strides = array<i32>} : memref<80x16xf32, #tpu.memory_space<vmem>>, vector<1x16xf32>,
    %swap3A_109 = vector.shape_cast %swap3A_108 : vector<1x16xf32> to vector<16xf32>
    %swap3A_110 = vector.shape_cast %broadcast_in_dim3A_104 : vector<16xf32> to vector<1x16xf32>
    tpu.vector_store %arg6[%swap3A_106, %swap3A_107], %swap3A_110 {strides = array<i32>} : memref<80x16xf32, #tpu.memory_space<vmem>>, vector<1x16xf32>,
    %broadcast_in_dim3A_111 = arith.constant 1.000000e+00 : f32
    %broadcast_in_dim3A_112 = vector.broadcast %broadcast_in_dim3A_111 : f32 to vector<16xf32>
    %swap3A_113 = arith.constant 14 : i32
    %swap3A_114 = arith.index_cast %swap3A_113 : i32 to index
    %swap3A_115 = arith.constant 0 : index
    %swap3A_116 = tpu.vector_load %arg6[%swap3A_114, %swap3A_115] {strides = array<i32>} : memref<80x16xf32, #tpu.memory_space<vmem>>, vector<1x16xf32>,
    %swap3A_117 = vector.shape_cast %swap3A_116 : vector<1x16xf32> to vector<16xf32>
    %swap3A_118 = vector.shape_cast %broadcast_in_dim3A_112 : vector<16xf32> to vector<1x16xf32>
    tpu.vector_store %arg6[%swap3A_114, %swap3A_115], %swap3A_118 {strides = array<i32>} : memref<80x16xf32, #tpu.memory_space<vmem>>, vector<1x16xf32>,
    %broadcast_in_dim3A_119 = arith.constant 1.000000e+00 : f32
    %broadcast_in_dim3A_120 = vector.broadcast %broadcast_in_dim3A_119 : f32 to vector<16xf32>
    %swap3A_121 = arith.constant 15 : i32
    %swap3A_122 = arith.index_cast %swap3A_121 : i32 to index
    %swap3A_123 = arith.constant 0 : index
    %swap3A_124 = tpu.vector_load %arg6[%swap3A_122, %swap3A_123] {strides = array<i32>} : memref<80x16xf32, #tpu.memory_space<vmem>>, vector<1x16xf32>,
    %swap3A_125 = vector.shape_cast %swap3A_124 : vector<1x16xf32> to vector<16xf32>
    %swap3A_126 = vector.shape_cast %broadcast_in_dim3A_120 : vector<16xf32> to vector<1x16xf32>
    tpu.vector_store %arg6[%swap3A_122, %swap3A_123], %swap3A_126 {strides = array<i32>} : memref<80x16xf32, #tpu.memory_space<vmem>>, vector<1x16xf32>,
    %broadcast_in_dim3A_127 = arith.constant 1.000000e+00 : f32
    %broadcast_in_dim3A_128 = vector.broadcast %broadcast_in_dim3A_127 : f32 to vector<16xf32>
    %swap3A_129 = arith.constant 16 : i32
    %swap3A_130 = arith.index_cast %swap3A_129 : i32 to index
    %swap3A_131 = arith.constant 0 : index
    %swap3A_132 = tpu.vector_load %arg6[%swap3A_130, %swap3A_131] {strides = array<i32>} : memref<80x16xf32, #tpu.memory_space<vmem>>, vector<1x16xf32>,
    %swap3A_133 = vector.shape_cast %swap3A_132 : vector<1x16xf32> to vector<16xf32>
    %swap3A_134 = vector.shape_cast %broadcast_in_dim3A_128 : vector<16xf32> to vector<1x16xf32>
    tpu.vector_store %arg6[%swap3A_130, %swap3A_131], %swap3A_134 {strides = array<i32>} : memref<80x16xf32, #tpu.memory_space<vmem>>, vector<1x16xf32>,
    %broadcast_in_dim3A_135 = arith.constant 1.000000e+00 : f32
    %broadcast_in_dim3A_136 = vector.broadcast %broadcast_in_dim3A_135 : f32 to vector<16xf32>
    %swap3A_137 = arith.constant 17 : i32
    %swap3A_138 = arith.index_cast %swap3A_137 : i32 to index
    %swap3A_139 = arith.constant 0 : index
    %swap3A_140 = tpu.vector_load %arg6[%swap3A_138, %swap3A_139] {strides = array<i32>} : memref<80x16xf32, #tpu.memory_space<vmem>>, vector<1x16xf32>,
    %swap3A_141 = vector.shape_cast %swap3A_140 : vector<1x16xf32> to vector<16xf32>
    %swap3A_142 = vector.shape_cast %broadcast_in_dim3A_136 : vector<16xf32> to vector<1x16xf32>
    tpu.vector_store %arg6[%swap3A_138, %swap3A_139], %swap3A_142 {strides = array<i32>} : memref<80x16xf32, #tpu.memory_space<vmem>>, vector<1x16xf32>,
    %broadcast_in_dim3A_143 = arith.constant 1.000000e+00 : f32
    %broadcast_in_dim3A_144 = vector.broadcast %broadcast_in_dim3A_143 : f32 to vector<16xf32>
    %swap3A_145 = arith.constant 18 : i32
    %swap3A_146 = arith.index_cast %swap3A_145 : i32 to index
    %swap3A_147 = arith.constant 0 : index
    %swap3A_148 = tpu.vector_load %arg6[%swap3A_146, %swap3A_147] {strides = array<i32>} : memref<80x16xf32, #tpu.memory_space<vmem>>, vector<1x16xf32>,
    %swap3A_149 = vector.shape_cast %swap3A_148 : vector<1x16xf32> to vector<16xf32>
    %swap3A_150 = vector.shape_cast %broadcast_in_dim3A_144 : vector<16xf32> to vector<1x16xf32>
    tpu.vector_store %arg6[%swap3A_146, %swap3A_147], %swap3A_150 {strides = array<i32>} : memref<80x16xf32, #tpu.memory_space<vmem>>, vector<1x16xf32>,
    %broadcast_in_dim3A_151 = arith.constant 1.000000e+00 : f32
    %broadcast_in_dim3A_152 = vector.broadcast %broadcast_in_dim3A_151 : f32 to vector<16xf32>
    %swap3A_153 = arith.constant 19 : i32
    %swap3A_154 = arith.index_cast %swap3A_153 : i32 to index
    %swap3A_155 = arith.constant 0 : index
    %swap3A_156 = tpu.vector_load %arg6[%swap3A_154, %swap3A_155] {strides = array<i32>} : memref<80x16xf32, #tpu.memory_space<vmem>>, vector<1x16xf32>,
    %swap3A_157 = vector.shape_cast %swap3A_156 : vector<1x16xf32> to vector<16xf32>
    %swap3A_158 = vector.shape_cast %broadcast_in_dim3A_152 : vector<16xf32> to vector<1x16xf32>
    tpu.vector_store %arg6[%swap3A_154, %swap3A_155], %swap3A_158 {strides = array<i32>} : memref<80x16xf32, #tpu.memory_space<vmem>>, vector<1x16xf32>,
    %broadcast_in_dim3A_159 = arith.constant 1.000000e+00 : f32
    %broadcast_in_dim3A_160 = vector.broadcast %broadcast_in_dim3A_159 : f32 to vector<16xf32>
    %swap3A_161 = arith.constant 20 : i32
    %swap3A_162 = arith.index_cast %swap3A_161 : i32 to index
    %swap3A_163 = arith.constant 0 : index
    %swap3A_164 = tpu.vector_load %arg6[%swap3A_162, %swap3A_163] {strides = array<i32>} : memref<80x16xf32, #tpu.memory_space<vmem>>, vector<1x16xf32>,
    %swap3A_165 = vector.shape_cast %swap3A_164 : vector<1x16xf32> to vector<16xf32>
    %swap3A_166 = vector.shape_cast %broadcast_in_dim3A_160 : vector<16xf32> to vector<1x16xf32>
    tpu.vector_store %arg6[%swap3A_162, %swap3A_163], %swap3A_166 {strides = array<i32>} : memref<80x16xf32, #tpu.memory_space<vmem>>, vector<1x16xf32>,
    %broadcast_in_dim3A_167 = arith.constant 1.000000e+00 : f32
    %broadcast_in_dim3A_168 = vector.broadcast %broadcast_in_dim3A_167 : f32 to vector<16xf32>
    %swap3A_169 = arith.constant 21 : i32
    %swap3A_170 = arith.index_cast %swap3A_169 : i32 to index
    %swap3A_171 = arith.constant 0 : index
    %swap3A_172 = tpu.vector_load %arg6[%swap3A_170, %swap3A_171] {strides = array<i32>} : memref<80x16xf32, #tpu.memory_space<vmem>>, vector<1x16xf32>,
    %swap3A_173 = vector.shape_cast %swap3A_172 : vector<1x16xf32> to vector<16xf32>
    %swap3A_174 = vector.shape_cast %broadcast_in_dim3A_168 : vector<16xf32> to vector<1x16xf32>
    tpu.vector_store %arg6[%swap3A_170, %swap3A_171], %swap3A_174 {strides = array<i32>} : memref<80x16xf32, #tpu.memory_space<vmem>>, vector<1x16xf32>,
    %broadcast_in_dim3A_175 = arith.constant 1.000000e+00 : f32
    %broadcast_in_dim3A_176 = vector.broadcast %broadcast_in_dim3A_175 : f32 to vector<16xf32>
    %swap3A_177 = arith.constant 22 : i32
    %swap3A_178 = arith.index_cast %swap3A_177 : i32 to index
    %swap3A_179 = arith.constant 0 : index
    %swap3A_180 = tpu.vector_load %arg6[%swap3A_178, %swap3A_179] {strides = array<i32>} : memref<80x16xf32, #tpu.memory_space<vmem>>, vector<1x16xf32>,
    %swap3A_181 = vector.shape_cast %swap3A_180 : vector<1x16xf32> to vector<16xf32>
    %swap3A_182 = vector.shape_cast %broadcast_in_dim3A_176 : vector<16xf32> to vector<1x16xf32>
    tpu.vector_store %arg6[%swap3A_178, %swap3A_179], %swap3A_182 {strides = array<i32>} : memref<80x16xf32, #tpu.memory_space<vmem>>, vector<1x16xf32>,
    %broadcast_in_dim3A_183 = arith.constant 1.000000e+00 : f32
    %broadcast_in_dim3A_184 = vector.broadcast %broadcast_in_dim3A_183 : f32 to vector<16xf32>
    %swap3A_185 = arith.constant 23 : i32
    %swap3A_186 = arith.index_cast %swap3A_185 : i32 to index
    %swap3A_187 = arith.constant 0 : index
    %swap3A_188 = tpu.vector_load %arg6[%swap3A_186, %swap3A_187] {strides = array<i32>} : memref<80x16xf32, #tpu.memory_space<vmem>>, vector<1x16xf32>,
    %swap3A_189 = vector.shape_cast %swap3A_188 : vector<1x16xf32> to vector<16xf32>
    %swap3A_190 = vector.shape_cast %broadcast_in_dim3A_184 : vector<16xf32> to vector<1x16xf32>
    tpu.vector_store %arg6[%swap3A_186, %swap3A_187], %swap3A_190 {strides = array<i32>} : memref<80x16xf32, #tpu.memory_space<vmem>>, vector<1x16xf32>,
    %broadcast_in_dim3A_191 = arith.constant 1.000000e+00 : f32
    %broadcast_in_dim3A_192 = vector.broadcast %broadcast_in_dim3A_191 : f32 to vector<16xf32>
    %swap3A_193 = arith.constant 24 : i32
    %swap3A_194 = arith.index_cast %swap3A_193 : i32 to index
    %swap3A_195 = arith.constant 0 : index
    %swap3A_196 = tpu.vector_load %arg6[%swap3A_194, %swap3A_195] {strides = array<i32>} : memref<80x16xf32, #tpu.memory_space<vmem>>, vector<1x16xf32>,
    %swap3A_197 = vector.shape_cast %swap3A_196 : vector<1x16xf32> to vector<16xf32>
    %swap3A_198 = vector.shape_cast %broadcast_in_dim3A_192 : vector<16xf32> to vector<1x16xf32>
    tpu.vector_store %arg6[%swap3A_194, %swap3A_195], %swap3A_198 {strides = array<i32>} : memref<80x16xf32, #tpu.memory_space<vmem>>, vector<1x16xf32>,
    %broadcast_in_dim3A_199 = arith.constant 1.000000e+00 : f32
    %broadcast_in_dim3A_200 = vector.broadcast %broadcast_in_dim3A_199 : f32 to vector<16xf32>
    %swap3A_201 = arith.constant 25 : i32
    %swap3A_202 = arith.index_cast %swap3A_201 : i32 to index
    %swap3A_203 = arith.constant 0 : index
    %swap3A_204 = tpu.vector_load %arg6[%swap3A_202, %swap3A_203] {strides = array<i32>} : memref<80x16xf32, #tpu.memory_space<vmem>>, vector<1x16xf32>,
    %swap3A_205 = vector.shape_cast %swap3A_204 : vector<1x16xf32> to vector<16xf32>
    %swap3A_206 = vector.shape_cast %broadcast_in_dim3A_200 : vector<16xf32> to vector<1x16xf32>
    tpu.vector_store %arg6[%swap3A_202, %swap3A_203], %swap3A_206 {strides = array<i32>} : memref<80x16xf32, #tpu.memory_space<vmem>>, vector<1x16xf32>,
    %broadcast_in_dim3A_207 = arith.constant 1.000000e+00 : f32
    %broadcast_in_dim3A_208 = vector.broadcast %broadcast_in_dim3A_207 : f32 to vector<16xf32>
    %swap3A_209 = arith.constant 26 : i32
    %swap3A_210 = arith.index_cast %swap3A_209 : i32 to index
    %swap3A_211 = arith.constant 0 : index
    %swap3A_212 = tpu.vector_load %arg6[%swap3A_210, %swap3A_211] {strides = array<i32>} : memref<80x16xf32, #tpu.memory_space<vmem>>, vector<1x16xf32>,
    %swap3A_213 = vector.shape_cast %swap3A_212 : vector<1x16xf32> to vector<16xf32>
    %swap3A_214 = vector.shape_cast %broadcast_in_dim3A_208 : vector<16xf32> to vector<1x16xf32>
    tpu.vector_store %arg6[%swap3A_210, %swap3A_211], %swap3A_214 {strides = array<i32>} : memref<80x16xf32, #tpu.memory_space<vmem>>, vector<1x16xf32>,
    %broadcast_in_dim3A_215 = arith.constant 1.000000e+00 : f32
    %broadcast_in_dim3A_216 = vector.broadcast %broadcast_in_dim3A_215 : f32 to vector<16xf32>
    %swap3A_217 = arith.constant 27 : i32
    %swap3A_218 = arith.index_cast %swap3A_217 : i32 to index
    %swap3A_219 = arith.constant 0 : index
    %swap3A_220 = tpu.vector_load %arg6[%swap3A_218, %swap3A_219] {strides = array<i32>} : memref<80x16xf32, #tpu.memory_space<vmem>>, vector<1x16xf32>,
    %swap3A_221 = vector.shape_cast %swap3A_220 : vector<1x16xf32> to vector<16xf32>
    %swap3A_222 = vector.shape_cast %broadcast_in_dim3A_216 : vector<16xf32> to vector<1x16xf32>
    tpu.vector_store %arg6[%swap3A_218, %swap3A_219], %swap3A_222 {strides = array<i32>} : memref<80x16xf32, #tpu.memory_space<vmem>>, vector<1x16xf32>,
    %broadcast_in_dim3A_223 = arith.constant 1.000000e+00 : f32
    %broadcast_in_dim3A_224 = vector.broadcast %broadcast_in_dim3A_223 : f32 to vector<16xf32>
    %swap3A_225 = arith.constant 28 : i32
    %swap3A_226 = arith.index_cast %swap3A_225 : i32 to index
    %swap3A_227 = arith.constant 0 : index
    %swap3A_228 = tpu.vector_load %arg6[%swap3A_226, %swap3A_227] {strides = array<i32>} : memref<80x16xf32, #tpu.memory_space<vmem>>, vector<1x16xf32>,
    %swap3A_229 = vector.shape_cast %swap3A_228 : vector<1x16xf32> to vector<16xf32>
    %swap3A_230 = vector.shape_cast %broadcast_in_dim3A_224 : vector<16xf32> to vector<1x16xf32>
    tpu.vector_store %arg6[%swap3A_226, %swap3A_227], %swap3A_230 {strides = array<i32>} : memref<80x16xf32, #tpu.memory_space<vmem>>, vector<1x16xf32>,
    %broadcast_in_dim3A_231 = arith.constant 1.000000e+00 : f32
    %broadcast_in_dim3A_232 = vector.broadcast %broadcast_in_dim3A_231 : f32 to vector<16xf32>
    %swap3A_233 = arith.constant 29 : i32
    %swap3A_234 = arith.index_cast %swap3A_233 : i32 to index
    %swap3A_235 = arith.constant 0 : index
    %swap3A_236 = tpu.vector_load %arg6[%swap3A_234, %swap3A_235] {strides = array<i32>} : memref<80x16xf32, #tpu.memory_space<vmem>>, vector<1x16xf32>,
    %swap3A_237 = vector.shape_cast %swap3A_236 : vector<1x16xf32> to vector<16xf32>
    %swap3A_238 = vector.shape_cast %broadcast_in_dim3A_232 : vector<16xf32> to vector<1x16xf32>
    tpu.vector_store %arg6[%swap3A_234, %swap3A_235], %swap3A_238 {strides = array<i32>} : memref<80x16xf32, #tpu.memory_space<vmem>>, vector<1x16xf32>,
    %broadcast_in_dim3A_239 = arith.constant 1.000000e+00 : f32
    %broadcast_in_dim3A_240 = vector.broadcast %broadcast_in_dim3A_239 : f32 to vector<16xf32>
    %swap3A_241 = arith.constant 30 : i32
    %swap3A_242 = arith.index_cast %swap3A_241 : i32 to index
    %swap3A_243 = arith.constant 0 : index
    %swap3A_244 = tpu.vector_load %arg6[%swap3A_242, %swap3A_243] {strides = array<i32>} : memref<80x16xf32, #tpu.memory_space<vmem>>, vector<1x16xf32>,
    %swap3A_245 = vector.shape_cast %swap3A_244 : vector<1x16xf32> to vector<16xf32>
    %swap3A_246 = vector.shape_cast %broadcast_in_dim3A_240 : vector<16xf32> to vector<1x16xf32>
    tpu.vector_store %arg6[%swap3A_242, %swap3A_243], %swap3A_246 {strides = array<i32>} : memref<80x16xf32, #tpu.memory_space<vmem>>, vector<1x16xf32>,
    %broadcast_in_dim3A_247 = arith.constant 1.000000e+00 : f32
    %broadcast_in_dim3A_248 = vector.broadcast %broadcast_in_dim3A_247 : f32 to vector<16xf32>
    %swap3A_249 = arith.constant 31 : i32
    %swap3A_250 = arith.index_cast %swap3A_249 : i32 to index
    %swap3A_251 = arith.constant 0 : index
    %swap3A_252 = tpu.vector_load %arg6[%swap3A_250, %swap3A_251] {strides = array<i32>} : memref<80x16xf32, #tpu.memory_space<vmem>>, vector<1x16xf32>,
    %swap3A_253 = vector.shape_cast %swap3A_252 : vector<1x16xf32> to vector<16xf32>
    %swap3A_254 = vector.shape_cast %broadcast_in_dim3A_248 : vector<16xf32> to vector<1x16xf32>
    tpu.vector_store %arg6[%swap3A_250, %swap3A_251], %swap3A_254 {strides = array<i32>} : memref<80x16xf32, #tpu.memory_space<vmem>>, vector<1x16xf32>,
    %broadcast_in_dim3A_255 = arith.constant 1.000000e+00 : f32
    %broadcast_in_dim3A_256 = vector.broadcast %broadcast_in_dim3A_255 : f32 to vector<16xf32>
    %swap3A_257 = arith.constant 32 : i32
    %swap3A_258 = arith.index_cast %swap3A_257 : i32 to index
    %swap3A_259 = arith.constant 0 : index
    %swap3A_260 = tpu.vector_load %arg6[%swap3A_258, %swap3A_259] {strides = array<i32>} : memref<80x16xf32, #tpu.memory_space<vmem>>, vector<1x16xf32>,
    %swap3A_261 = vector.shape_cast %swap3A_260 : vector<1x16xf32> to vector<16xf32>
    %swap3A_262 = vector.shape_cast %broadcast_in_dim3A_256 : vector<16xf32> to vector<1x16xf32>
    tpu.vector_store %arg6[%swap3A_258, %swap3A_259], %swap3A_262 {strides = array<i32>} : memref<80x16xf32, #tpu.memory_space<vmem>>, vector<1x16xf32>,
    %broadcast_in_dim3A_263 = arith.constant 1.000000e+00 : f32
    %broadcast_in_dim3A_264 = vector.broadcast %broadcast_in_dim3A_263 : f32 to vector<16xf32>
    %swap3A_265 = arith.constant 33 : i32
    %swap3A_266 = arith.index_cast %swap3A_265 : i32 to index
    %swap3A_267 = arith.constant 0 : index
    %swap3A_268 = tpu.vector_load %arg6[%swap3A_266, %swap3A_267] {strides = array<i32>} : memref<80x16xf32, #tpu.memory_space<vmem>>, vector<1x16xf32>,
    %swap3A_269 = vector.shape_cast %swap3A_268 : vector<1x16xf32> to vector<16xf32>
    %swap3A_270 = vector.shape_cast %broadcast_in_dim3A_264 : vector<16xf32> to vector<1x16xf32>
    tpu.vector_store %arg6[%swap3A_266, %swap3A_267], %swap3A_270 {strides = array<i32>} : memref<80x16xf32, #tpu.memory_space<vmem>>, vector<1x16xf32>,
    %broadcast_in_dim3A_271 = arith.constant 1.000000e+00 : f32
    %broadcast_in_dim3A_272 = vector.broadcast %broadcast_in_dim3A_271 : f32 to vector<16xf32>
    %swap3A_273 = arith.constant 34 : i32
    %swap3A_274 = arith.index_cast %swap3A_273 : i32 to index
    %swap3A_275 = arith.constant 0 : index
    %swap3A_276 = tpu.vector_load %arg6[%swap3A_274, %swap3A_275] {strides = array<i32>} : memref<80x16xf32, #tpu.memory_space<vmem>>, vector<1x16xf32>,
    %swap3A_277 = vector.shape_cast %swap3A_276 : vector<1x16xf32> to vector<16xf32>
    %swap3A_278 = vector.shape_cast %broadcast_in_dim3A_272 : vector<16xf32> to vector<1x16xf32>
    tpu.vector_store %arg6[%swap3A_274, %swap3A_275], %swap3A_278 {strides = array<i32>} : memref<80x16xf32, #tpu.memory_space<vmem>>, vector<1x16xf32>,
    %broadcast_in_dim3A_279 = arith.constant 1.000000e+00 : f32
    %broadcast_in_dim3A_280 = vector.broadcast %broadcast_in_dim3A_279 : f32 to vector<16xf32>
    %swap3A_281 = arith.constant 35 : i32
    %swap3A_282 = arith.index_cast %swap3A_281 : i32 to index
    %swap3A_283 = arith.constant 0 : index
    %swap3A_284 = tpu.vector_load %arg6[%swap3A_282, %swap3A_283] {strides = array<i32>} : memref<80x16xf32, #tpu.memory_space<vmem>>, vector<1x16xf32>,
    %swap3A_285 = vector.shape_cast %swap3A_284 : vector<1x16xf32> to vector<16xf32>
    %swap3A_286 = vector.shape_cast %broadcast_in_dim3A_280 : vector<16xf32> to vector<1x16xf32>
    tpu.vector_store %arg6[%swap3A_282, %swap3A_283], %swap3A_286 {strides = array<i32>} : memref<80x16xf32, #tpu.memory_space<vmem>>, vector<1x16xf32>,
    %broadcast_in_dim3A_287 = arith.constant 1.000000e+00 : f32
    %broadcast_in_dim3A_288 = vector.broadcast %broadcast_in_dim3A_287 : f32 to vector<16xf32>
    %swap3A_289 = arith.constant 36 : i32
    %swap3A_290 = arith.index_cast %swap3A_289 : i32 to index
    %swap3A_291 = arith.constant 0 : index
    %swap3A_292 = tpu.vector_load %arg6[%swap3A_290, %swap3A_291] {strides = array<i32>} : memref<80x16xf32, #tpu.memory_space<vmem>>, vector<1x16xf32>,
    %swap3A_293 = vector.shape_cast %swap3A_292 : vector<1x16xf32> to vector<16xf32>
    %swap3A_294 = vector.shape_cast %broadcast_in_dim3A_288 : vector<16xf32> to vector<1x16xf32>
    tpu.vector_store %arg6[%swap3A_290, %swap3A_291], %swap3A_294 {strides = array<i32>} : memref<80x16xf32, #tpu.memory_space<vmem>>, vector<1x16xf32>,
    %broadcast_in_dim3A_295 = arith.constant 1.000000e+00 : f32
    %broadcast_in_dim3A_296 = vector.broadcast %broadcast_in_dim3A_295 : f32 to vector<16xf32>
    %swap3A_297 = arith.constant 37 : i32
    %swap3A_298 = arith.index_cast %swap3A_297 : i32 to index
    %swap3A_299 = arith.constant 0 : index
    %swap3A_300 = tpu.vector_load %arg6[%swap3A_298, %swap3A_299] {strides = array<i32>} : memref<80x16xf32, #tpu.memory_space<vmem>>, vector<1x16xf32>,
    %swap3A_301 = vector.shape_cast %swap3A_300 : vector<1x16xf32> to vector<16xf32>
    %swap3A_302 = vector.shape_cast %broadcast_in_dim3A_296 : vector<16xf32> to vector<1x16xf32>
    tpu.vector_store %arg6[%swap3A_298, %swap3A_299], %swap3A_302 {strides = array<i32>} : memref<80x16xf32, #tpu.memory_space<vmem>>, vector<1x16xf32>,
    %broadcast_in_dim3A_303 = arith.constant 1.000000e+00 : f32
    %broadcast_in_dim3A_304 = vector.broadcast %broadcast_in_dim3A_303 : f32 to vector<16xf32>
    %swap3A_305 = arith.constant 38 : i32
    %swap3A_306 = arith.index_cast %swap3A_305 : i32 to index
    %swap3A_307 = arith.constant 0 : index
    %swap3A_308 = tpu.vector_load %arg6[%swap3A_306, %swap3A_307] {strides = array<i32>} : memref<80x16xf32, #tpu.memory_space<vmem>>, vector<1x16xf32>,
    %swap3A_309 = vector.shape_cast %swap3A_308 : vector<1x16xf32> to vector<16xf32>
    %swap3A_310 = vector.shape_cast %broadcast_in_dim3A_304 : vector<16xf32> to vector<1x16xf32>
    tpu.vector_store %arg6[%swap3A_306, %swap3A_307], %swap3A_310 {strides = array<i32>} : memref<80x16xf32, #tpu.memory_space<vmem>>, vector<1x16xf32>,
    %broadcast_in_dim3A_311 = arith.constant 1.000000e+00 : f32
    %broadcast_in_dim3A_312 = vector.broadcast %broadcast_in_dim3A_311 : f32 to vector<16xf32>
    %swap3A_313 = arith.constant 39 : i32
    %swap3A_314 = arith.index_cast %swap3A_313 : i32 to index
    %swap3A_315 = arith.constant 0 : index
    %swap3A_316 = tpu.vector_load %arg6[%swap3A_314, %swap3A_315] {strides = array<i32>} : memref<80x16xf32, #tpu.memory_space<vmem>>, vector<1x16xf32>,
    %swap3A_317 = vector.shape_cast %swap3A_316 : vector<1x16xf32> to vector<16xf32>
    %swap3A_318 = vector.shape_cast %broadcast_in_dim3A_312 : vector<16xf32> to vector<1x16xf32>
    tpu.vector_store %arg6[%swap3A_314, %swap3A_315], %swap3A_318 {strides = array<i32>} : memref<80x16xf32, #tpu.memory_space<vmem>>, vector<1x16xf32>,
    %broadcast_in_dim3A_319 = arith.constant 1.000000e+00 : f32
    %broadcast_in_dim3A_320 = vector.broadcast %broadcast_in_dim3A_319 : f32 to vector<16xf32>
    %swap3A_321 = arith.constant 40 : i32
    %swap3A_322 = arith.index_cast %swap3A_321 : i32 to index
    %swap3A_323 = arith.constant 0 : index
    %swap3A_324 = tpu.vector_load %arg6[%swap3A_322, %swap3A_323] {strides = array<i32>} : memref<80x16xf32, #tpu.memory_space<vmem>>, vector<1x16xf32>,
    %swap3A_325 = vector.shape_cast %swap3A_324 : vector<1x16xf32> to vector<16xf32>
    %swap3A_326 = vector.shape_cast %broadcast_in_dim3A_320 : vector<16xf32> to vector<1x16xf32>
    tpu.vector_store %arg6[%swap3A_322, %swap3A_323], %swap3A_326 {strides = array<i32>} : memref<80x16xf32, #tpu.memory_space<vmem>>, vector<1x16xf32>,
    %broadcast_in_dim3A_327 = arith.constant 1.000000e+00 : f32
    %broadcast_in_dim3A_328 = vector.broadcast %broadcast_in_dim3A_327 : f32 to vector<16xf32>
    %swap3A_329 = arith.constant 41 : i32
    %swap3A_330 = arith.index_cast %swap3A_329 : i32 to index
    %swap3A_331 = arith.constant 0 : index
    %swap3A_332 = tpu.vector_load %arg6[%swap3A_330, %swap3A_331] {strides = array<i32>} : memref<80x16xf32, #tpu.memory_space<vmem>>, vector<1x16xf32>,
    %swap3A_333 = vector.shape_cast %swap3A_332 : vector<1x16xf32> to vector<16xf32>
    %swap3A_334 = vector.shape_cast %broadcast_in_dim3A_328 : vector<16xf32> to vector<1x16xf32>
    tpu.vector_store %arg6[%swap3A_330, %swap3A_331], %swap3A_334 {strides = array<i32>} : memref<80x16xf32, #tpu.memory_space<vmem>>, vector<1x16xf32>,
    %broadcast_in_dim3A_335 = arith.constant 1.000000e+00 : f32
    %broadcast_in_dim3A_336 = vector.broadcast %broadcast_in_dim3A_335 : f32 to vector<16xf32>
    %swap3A_337 = arith.constant 42 : i32
    %swap3A_338 = arith.index_cast %swap3A_337 : i32 to index
    %swap3A_339 = arith.constant 0 : index
    %swap3A_340 = tpu.vector_load %arg6[%swap3A_338, %swap3A_339] {strides = array<i32>} : memref<80x16xf32, #tpu.memory_space<vmem>>, vector<1x16xf32>,
    %swap3A_341 = vector.shape_cast %swap3A_340 : vector<1x16xf32> to vector<16xf32>
    %swap3A_342 = vector.shape_cast %broadcast_in_dim3A_336 : vector<16xf32> to vector<1x16xf32>
    tpu.vector_store %arg6[%swap3A_338, %swap3A_339], %swap3A_342 {strides = array<i32>} : memref<80x16xf32, #tpu.memory_space<vmem>>, vector<1x16xf32>,
    %broadcast_in_dim3A_343 = arith.constant 1.000000e+00 : f32
    %broadcast_in_dim3A_344 = vector.broadcast %broadcast_in_dim3A_343 : f32 to vector<16xf32>
    %swap3A_345 = arith.constant 43 : i32
    %swap3A_346 = arith.index_cast %swap3A_345 : i32 to index
    %swap3A_347 = arith.constant 0 : index
    %swap3A_348 = tpu.vector_load %arg6[%swap3A_346, %swap3A_347] {strides = array<i32>} : memref<80x16xf32, #tpu.memory_space<vmem>>, vector<1x16xf32>,
    %swap3A_349 = vector.shape_cast %swap3A_348 : vector<1x16xf32> to vector<16xf32>
    %swap3A_350 = vector.shape_cast %broadcast_in_dim3A_344 : vector<16xf32> to vector<1x16xf32>
    tpu.vector_store %arg6[%swap3A_346, %swap3A_347], %swap3A_350 {strides = array<i32>} : memref<80x16xf32, #tpu.memory_space<vmem>>, vector<1x16xf32>,
    %broadcast_in_dim3A_351 = arith.constant 1.000000e+00 : f32
    %broadcast_in_dim3A_352 = vector.broadcast %broadcast_in_dim3A_351 : f32 to vector<16xf32>
    %swap3A_353 = arith.constant 44 : i32
    %swap3A_354 = arith.index_cast %swap3A_353 : i32 to index
    %swap3A_355 = arith.constant 0 : index
    %swap3A_356 = tpu.vector_load %arg6[%swap3A_354, %swap3A_355] {strides = array<i32>} : memref<80x16xf32, #tpu.memory_space<vmem>>, vector<1x16xf32>,
    %swap3A_357 = vector.shape_cast %swap3A_356 : vector<1x16xf32> to vector<16xf32>
    %swap3A_358 = vector.shape_cast %broadcast_in_dim3A_352 : vector<16xf32> to vector<1x16xf32>
    tpu.vector_store %arg6[%swap3A_354, %swap3A_355], %swap3A_358 {strides = array<i32>} : memref<80x16xf32, #tpu.memory_space<vmem>>, vector<1x16xf32>,
    %broadcast_in_dim3A_359 = arith.constant 1.000000e+00 : f32
    %broadcast_in_dim3A_360 = vector.broadcast %broadcast_in_dim3A_359 : f32 to vector<16xf32>
    %swap3A_361 = arith.constant 45 : i32
    %swap3A_362 = arith.index_cast %swap3A_361 : i32 to index
    %swap3A_363 = arith.constant 0 : index
    %swap3A_364 = tpu.vector_load %arg6[%swap3A_362, %swap3A_363] {strides = array<i32>} : memref<80x16xf32, #tpu.memory_space<vmem>>, vector<1x16xf32>,
    %swap3A_365 = vector.shape_cast %swap3A_364 : vector<1x16xf32> to vector<16xf32>
    %swap3A_366 = vector.shape_cast %broadcast_in_dim3A_360 : vector<16xf32> to vector<1x16xf32>
    tpu.vector_store %arg6[%swap3A_362, %swap3A_363], %swap3A_366 {strides = array<i32>} : memref<80x16xf32, #tpu.memory_space<vmem>>, vector<1x16xf32>,
    %broadcast_in_dim3A_367 = arith.constant 1.000000e+00 : f32
    %broadcast_in_dim3A_368 = vector.broadcast %broadcast_in_dim3A_367 : f32 to vector<16xf32>
    %swap3A_369 = arith.constant 46 : i32
    %swap3A_370 = arith.index_cast %swap3A_369 : i32 to index
    %swap3A_371 = arith.constant 0 : index
    %swap3A_372 = tpu.vector_load %arg6[%swap3A_370, %swap3A_371] {strides = array<i32>} : memref<80x16xf32, #tpu.memory_space<vmem>>, vector<1x16xf32>,
    %swap3A_373 = vector.shape_cast %swap3A_372 : vector<1x16xf32> to vector<16xf32>
    %swap3A_374 = vector.shape_cast %broadcast_in_dim3A_368 : vector<16xf32> to vector<1x16xf32>
    tpu.vector_store %arg6[%swap3A_370, %swap3A_371], %swap3A_374 {strides = array<i32>} : memref<80x16xf32, #tpu.memory_space<vmem>>, vector<1x16xf32>,
    %broadcast_in_dim3A_375 = arith.constant 1.000000e+00 : f32
    %broadcast_in_dim3A_376 = vector.broadcast %broadcast_in_dim3A_375 : f32 to vector<16xf32>
    %swap3A_377 = arith.constant 47 : i32
    %swap3A_378 = arith.index_cast %swap3A_377 : i32 to index
    %swap3A_379 = arith.constant 0 : index
    %swap3A_380 = tpu.vector_load %arg6[%swap3A_378, %swap3A_379] {strides = array<i32>} : memref<80x16xf32, #tpu.memory_space<vmem>>, vector<1x16xf32>,
    %swap3A_381 = vector.shape_cast %swap3A_380 : vector<1x16xf32> to vector<16xf32>
    %swap3A_382 = vector.shape_cast %broadcast_in_dim3A_376 : vector<16xf32> to vector<1x16xf32>
    tpu.vector_store %arg6[%swap3A_378, %swap3A_379], %swap3A_382 {strides = array<i32>} : memref<80x16xf32, #tpu.memory_space<vmem>>, vector<1x16xf32>,
    %broadcast_in_dim3A_383 = arith.constant 1.000000e+00 : f32
    %broadcast_in_dim3A_384 = vector.broadcast %broadcast_in_dim3A_383 : f32 to vector<16xf32>
    %swap3A_385 = arith.constant 48 : i32
    %swap3A_386 = arith.index_cast %swap3A_385 : i32 to index
    %swap3A_387 = arith.constant 0 : index
    %swap3A_388 = tpu.vector_load %arg6[%swap3A_386, %swap3A_387] {strides = array<i32>} : memref<80x16xf32, #tpu.memory_space<vmem>>, vector<1x16xf32>,
    %swap3A_389 = vector.shape_cast %swap3A_388 : vector<1x16xf32> to vector<16xf32>
    %swap3A_390 = vector.shape_cast %broadcast_in_dim3A_384 : vector<16xf32> to vector<1x16xf32>
    tpu.vector_store %arg6[%swap3A_386, %swap3A_387], %swap3A_390 {strides = array<i32>} : memref<80x16xf32, #tpu.memory_space<vmem>>, vector<1x16xf32>,
    %broadcast_in_dim3A_391 = arith.constant 1.000000e+00 : f32
    %broadcast_in_dim3A_392 = vector.broadcast %broadcast_in_dim3A_391 : f32 to vector<16xf32>
    %swap3A_393 = arith.constant 49 : i32
    %swap3A_394 = arith.index_cast %swap3A_393 : i32 to index
    %swap3A_395 = arith.constant 0 : index
    %swap3A_396 = tpu.vector_load %arg6[%swap3A_394, %swap3A_395] {strides = array<i32>} : memref<80x16xf32, #tpu.memory_space<vmem>>, vector<1x16xf32>,
    %swap3A_397 = vector.shape_cast %swap3A_396 : vector<1x16xf32> to vector<16xf32>
    %swap3A_398 = vector.shape_cast %broadcast_in_dim3A_392 : vector<16xf32> to vector<1x16xf32>
    tpu.vector_store %arg6[%swap3A_394, %swap3A_395], %swap3A_398 {strides = array<i32>} : memref<80x16xf32, #tpu.memory_space<vmem>>, vector<1x16xf32>,
    %broadcast_in_dim3A_399 = arith.constant 1.000000e+00 : f32
    %broadcast_in_dim3A_400 = vector.broadcast %broadcast_in_dim3A_399 : f32 to vector<16xf32>
    %swap3A_401 = arith.constant 50 : i32
    %swap3A_402 = arith.index_cast %swap3A_401 : i32 to index
    %swap3A_403 = arith.constant 0 : index
    %swap3A_404 = tpu.vector_load %arg6[%swap3A_402, %swap3A_403] {strides = array<i32>} : memref<80x16xf32, #tpu.memory_space<vmem>>, vector<1x16xf32>,
    %swap3A_405 = vector.shape_cast %swap3A_404 : vector<1x16xf32> to vector<16xf32>
    %swap3A_406 = vector.shape_cast %broadcast_in_dim3A_400 : vector<16xf32> to vector<1x16xf32>
    tpu.vector_store %arg6[%swap3A_402, %swap3A_403], %swap3A_406 {strides = array<i32>} : memref<80x16xf32, #tpu.memory_space<vmem>>, vector<1x16xf32>,
    %broadcast_in_dim3A_407 = arith.constant 1.000000e+00 : f32
    %broadcast_in_dim3A_408 = vector.broadcast %broadcast_in_dim3A_407 : f32 to vector<16xf32>
    %swap3A_409 = arith.constant 51 : i32
    %swap3A_410 = arith.index_cast %swap3A_409 : i32 to index
    %swap3A_411 = arith.constant 0 : index
    %swap3A_412 = tpu.vector_load %arg6[%swap3A_410, %swap3A_411] {strides = array<i32>} : memref<80x16xf32, #tpu.memory_space<vmem>>, vector<1x16xf32>,
    %swap3A_413 = vector.shape_cast %swap3A_412 : vector<1x16xf32> to vector<16xf32>
    %swap3A_414 = vector.shape_cast %broadcast_in_dim3A_408 : vector<16xf32> to vector<1x16xf32>
    tpu.vector_store %arg6[%swap3A_410, %swap3A_411], %swap3A_414 {strides = array<i32>} : memref<80x16xf32, #tpu.memory_space<vmem>>, vector<1x16xf32>,
    %broadcast_in_dim3A_415 = arith.constant 1.000000e+00 : f32
    %broadcast_in_dim3A_416 = vector.broadcast %broadcast_in_dim3A_415 : f32 to vector<16xf32>
    %swap3A_417 = arith.constant 52 : i32
    %swap3A_418 = arith.index_cast %swap3A_417 : i32 to index
    %swap3A_419 = arith.constant 0 : index
    %swap3A_420 = tpu.vector_load %arg6[%swap3A_418, %swap3A_419] {strides = array<i32>} : memref<80x16xf32, #tpu.memory_space<vmem>>, vector<1x16xf32>,
    %swap3A_421 = vector.shape_cast %swap3A_420 : vector<1x16xf32> to vector<16xf32>
    %swap3A_422 = vector.shape_cast %broadcast_in_dim3A_416 : vector<16xf32> to vector<1x16xf32>
    tpu.vector_store %arg6[%swap3A_418, %swap3A_419], %swap3A_422 {strides = array<i32>} : memref<80x16xf32, #tpu.memory_space<vmem>>, vector<1x16xf32>,
    %broadcast_in_dim3A_423 = arith.constant 1.000000e+00 : f32
    %broadcast_in_dim3A_424 = vector.broadcast %broadcast_in_dim3A_423 : f32 to vector<16xf32>
    %swap3A_425 = arith.constant 53 : i32
    %swap3A_426 = arith.index_cast %swap3A_425 : i32 to index
    %swap3A_427 = arith.constant 0 : index
    %swap3A_428 = tpu.vector_load %arg6[%swap3A_426, %swap3A_427] {strides = array<i32>} : memref<80x16xf32, #tpu.memory_space<vmem>>, vector<1x16xf32>,
    %swap3A_429 = vector.shape_cast %swap3A_428 : vector<1x16xf32> to vector<16xf32>
    %swap3A_430 = vector.shape_cast %broadcast_in_dim3A_424 : vector<16xf32> to vector<1x16xf32>
    tpu.vector_store %arg6[%swap3A_426, %swap3A_427], %swap3A_430 {strides = array<i32>} : memref<80x16xf32, #tpu.memory_space<vmem>>, vector<1x16xf32>,
    %broadcast_in_dim3A_431 = arith.constant 1.000000e+00 : f32
    %broadcast_in_dim3A_432 = vector.broadcast %broadcast_in_dim3A_431 : f32 to vector<16xf32>
    %swap3A_433 = arith.constant 54 : i32
    %swap3A_434 = arith.index_cast %swap3A_433 : i32 to index
    %swap3A_435 = arith.constant 0 : index
    %swap3A_436 = tpu.vector_load %arg6[%swap3A_434, %swap3A_435] {strides = array<i32>} : memref<80x16xf32, #tpu.memory_space<vmem>>, vector<1x16xf32>,
    %swap3A_437 = vector.shape_cast %swap3A_436 : vector<1x16xf32> to vector<16xf32>
    %swap3A_438 = vector.shape_cast %broadcast_in_dim3A_432 : vector<16xf32> to vector<1x16xf32>
    tpu.vector_store %arg6[%swap3A_434, %swap3A_435], %swap3A_438 {strides = array<i32>} : memref<80x16xf32, #tpu.memory_space<vmem>>, vector<1x16xf32>,
    %broadcast_in_dim3A_439 = arith.constant 1.000000e+00 : f32
    %broadcast_in_dim3A_440 = vector.broadcast %broadcast_in_dim3A_439 : f32 to vector<16xf32>
    %swap3A_441 = arith.constant 55 : i32
    %swap3A_442 = arith.index_cast %swap3A_441 : i32 to index
    %swap3A_443 = arith.constant 0 : index
    %swap3A_444 = tpu.vector_load %arg6[%swap3A_442, %swap3A_443] {strides = array<i32>} : memref<80x16xf32, #tpu.memory_space<vmem>>, vector<1x16xf32>,
    %swap3A_445 = vector.shape_cast %swap3A_444 : vector<1x16xf32> to vector<16xf32>
    %swap3A_446 = vector.shape_cast %broadcast_in_dim3A_440 : vector<16xf32> to vector<1x16xf32>
    tpu.vector_store %arg6[%swap3A_442, %swap3A_443], %swap3A_446 {strides = array<i32>} : memref<80x16xf32, #tpu.memory_space<vmem>>, vector<1x16xf32>,
    %broadcast_in_dim3A_447 = arith.constant 1.000000e+00 : f32
    %broadcast_in_dim3A_448 = vector.broadcast %broadcast_in_dim3A_447 : f32 to vector<16xf32>
    %swap3A_449 = arith.constant 56 : i32
    %swap3A_450 = arith.index_cast %swap3A_449 : i32 to index
    %swap3A_451 = arith.constant 0 : index
    %swap3A_452 = tpu.vector_load %arg6[%swap3A_450, %swap3A_451] {strides = array<i32>} : memref<80x16xf32, #tpu.memory_space<vmem>>, vector<1x16xf32>,
    %swap3A_453 = vector.shape_cast %swap3A_452 : vector<1x16xf32> to vector<16xf32>
    %swap3A_454 = vector.shape_cast %broadcast_in_dim3A_448 : vector<16xf32> to vector<1x16xf32>
    tpu.vector_store %arg6[%swap3A_450, %swap3A_451], %swap3A_454 {strides = array<i32>} : memref<80x16xf32, #tpu.memory_space<vmem>>, vector<1x16xf32>,
    %broadcast_in_dim3A_455 = arith.constant 1.000000e+00 : f32
    %broadcast_in_dim3A_456 = vector.broadcast %broadcast_in_dim3A_455 : f32 to vector<16xf32>
    %swap3A_457 = arith.constant 57 : i32
    %swap3A_458 = arith.index_cast %swap3A_457 : i32 to index
    %swap3A_459 = arith.constant 0 : index
    %swap3A_460 = tpu.vector_load %arg6[%swap3A_458, %swap3A_459] {strides = array<i32>} : memref<80x16xf32, #tpu.memory_space<vmem>>, vector<1x16xf32>,
    %swap3A_461 = vector.shape_cast %swap3A_460 : vector<1x16xf32> to vector<16xf32>
    %swap3A_462 = vector.shape_cast %broadcast_in_dim3A_456 : vector<16xf32> to vector<1x16xf32>
    tpu.vector_store %arg6[%swap3A_458, %swap3A_459], %swap3A_462 {strides = array<i32>} : memref<80x16xf32, #tpu.memory_space<vmem>>, vector<1x16xf32>,
    %broadcast_in_dim3A_463 = arith.constant 1.000000e+00 : f32
    %broadcast_in_dim3A_464 = vector.broadcast %broadcast_in_dim3A_463 : f32 to vector<16xf32>
    %swap3A_465 = arith.constant 58 : i32
    %swap3A_466 = arith.index_cast %swap3A_465 : i32 to index
    %swap3A_467 = arith.constant 0 : index
    %swap3A_468 = tpu.vector_load %arg6[%swap3A_466, %swap3A_467] {strides = array<i32>} : memref<80x16xf32, #tpu.memory_space<vmem>>, vector<1x16xf32>,
    %swap3A_469 = vector.shape_cast %swap3A_468 : vector<1x16xf32> to vector<16xf32>
    %swap3A_470 = vector.shape_cast %broadcast_in_dim3A_464 : vector<16xf32> to vector<1x16xf32>
    tpu.vector_store %arg6[%swap3A_466, %swap3A_467], %swap3A_470 {strides = array<i32>} : memref<80x16xf32, #tpu.memory_space<vmem>>, vector<1x16xf32>,
    %broadcast_in_dim3A_471 = arith.constant 1.000000e+00 : f32
    %broadcast_in_dim3A_472 = vector.broadcast %broadcast_in_dim3A_471 : f32 to vector<16xf32>
    %swap3A_473 = arith.constant 59 : i32
    %swap3A_474 = arith.index_cast %swap3A_473 : i32 to index
    %swap3A_475 = arith.constant 0 : index
    %swap3A_476 = tpu.vector_load %arg6[%swap3A_474, %swap3A_475] {strides = array<i32>} : memref<80x16xf32, #tpu.memory_space<vmem>>, vector<1x16xf32>,
    %swap3A_477 = vector.shape_cast %swap3A_476 : vector<1x16xf32> to vector<16xf32>
    %swap3A_478 = vector.shape_cast %broadcast_in_dim3A_472 : vector<16xf32> to vector<1x16xf32>
    tpu.vector_store %arg6[%swap3A_474, %swap3A_475], %swap3A_478 {strides = array<i32>} : memref<80x16xf32, #tpu.memory_space<vmem>>, vector<1x16xf32>,
    %broadcast_in_dim3A_479 = arith.constant 1.000000e+00 : f32
    %broadcast_in_dim3A_480 = vector.broadcast %broadcast_in_dim3A_479 : f32 to vector<16xf32>
    %swap3A_481 = arith.constant 60 : i32
    %swap3A_482 = arith.index_cast %swap3A_481 : i32 to index
    %swap3A_483 = arith.constant 0 : index
    %swap3A_484 = tpu.vector_load %arg6[%swap3A_482, %swap3A_483] {strides = array<i32>} : memref<80x16xf32, #tpu.memory_space<vmem>>, vector<1x16xf32>,
    %swap3A_485 = vector.shape_cast %swap3A_484 : vector<1x16xf32> to vector<16xf32>
    %swap3A_486 = vector.shape_cast %broadcast_in_dim3A_480 : vector<16xf32> to vector<1x16xf32>
    tpu.vector_store %arg6[%swap3A_482, %swap3A_483], %swap3A_486 {strides = array<i32>} : memref<80x16xf32, #tpu.memory_space<vmem>>, vector<1x16xf32>,
    %broadcast_in_dim3A_487 = arith.constant 1.000000e+00 : f32
    %broadcast_in_dim3A_488 = vector.broadcast %broadcast_in_dim3A_487 : f32 to vector<16xf32>
    %swap3A_489 = arith.constant 61 : i32
    %swap3A_490 = arith.index_cast %swap3A_489 : i32 to index
    %swap3A_491 = arith.constant 0 : index
    %swap3A_492 = tpu.vector_load %arg6[%swap3A_490, %swap3A_491] {strides = array<i32>} : memref<80x16xf32, #tpu.memory_space<vmem>>, vector<1x16xf32>,
    %swap3A_493 = vector.shape_cast %swap3A_492 : vector<1x16xf32> to vector<16xf32>
    %swap3A_494 = vector.shape_cast %broadcast_in_dim3A_488 : vector<16xf32> to vector<1x16xf32>
    tpu.vector_store %arg6[%swap3A_490, %swap3A_491], %swap3A_494 {strides = array<i32>} : memref<80x16xf32, #tpu.memory_space<vmem>>, vector<1x16xf32>,
    %broadcast_in_dim3A_495 = arith.constant 1.000000e+00 : f32
    %broadcast_in_dim3A_496 = vector.broadcast %broadcast_in_dim3A_495 : f32 to vector<16xf32>
    %swap3A_497 = arith.constant 62 : i32
    %swap3A_498 = arith.index_cast %swap3A_497 : i32 to index
    %swap3A_499 = arith.constant 0 : index
    %swap3A_500 = tpu.vector_load %arg6[%swap3A_498, %swap3A_499] {strides = array<i32>} : memref<80x16xf32, #tpu.memory_space<vmem>>, vector<1x16xf32>,
    %swap3A_501 = vector.shape_cast %swap3A_500 : vector<1x16xf32> to vector<16xf32>
    %swap3A_502 = vector.shape_cast %broadcast_in_dim3A_496 : vector<16xf32> to vector<1x16xf32>
    tpu.vector_store %arg6[%swap3A_498, %swap3A_499], %swap3A_502 {strides = array<i32>} : memref<80x16xf32, #tpu.memory_space<vmem>>, vector<1x16xf32>,
    %broadcast_in_dim3A_503 = arith.constant 1.000000e+00 : f32
    %broadcast_in_dim3A_504 = vector.broadcast %broadcast_in_dim3A_503 : f32 to vector<16xf32>
    %swap3A_505 = arith.constant 63 : i32
    %swap3A_506 = arith.index_cast %swap3A_505 : i32 to index
    %swap3A_507 = arith.constant 0 : index
    %swap3A_508 = tpu.vector_load %arg6[%swap3A_506, %swap3A_507] {strides = array<i32>} : memref<80x16xf32, #tpu.memory_space<vmem>>, vector<1x16xf32>,
    %swap3A_509 = vector.shape_cast %swap3A_508 : vector<1x16xf32> to vector<16xf32>
    %swap3A_510 = vector.shape_cast %broadcast_in_dim3A_504 : vector<16xf32> to vector<1x16xf32>
    tpu.vector_store %arg6[%swap3A_506, %swap3A_507], %swap3A_510 {strides = array<i32>} : memref<80x16xf32, #tpu.memory_space<vmem>>, vector<1x16xf32>,
    %broadcast_in_dim3A_511 = arith.constant 1.000000e+00 : f32
    %broadcast_in_dim3A_512 = vector.broadcast %broadcast_in_dim3A_511 : f32 to vector<16xf32>
    %swap3A_513 = arith.constant 64 : i32
    %swap3A_514 = arith.index_cast %swap3A_513 : i32 to index
    %swap3A_515 = arith.constant 0 : index
    %swap3A_516 = tpu.vector_load %arg6[%swap3A_514, %swap3A_515] {strides = array<i32>} : memref<80x16xf32, #tpu.memory_space<vmem>>, vector<1x16xf32>,
    %swap3A_517 = vector.shape_cast %swap3A_516 : vector<1x16xf32> to vector<16xf32>
    %swap3A_518 = vector.shape_cast %broadcast_in_dim3A_512 : vector<16xf32> to vector<1x16xf32>
    tpu.vector_store %arg6[%swap3A_514, %swap3A_515], %swap3A_518 {strides = array<i32>} : memref<80x16xf32, #tpu.memory_space<vmem>>, vector<1x16xf32>,
    %broadcast_in_dim3A_519 = arith.constant 1.000000e+00 : f32
    %broadcast_in_dim3A_520 = vector.broadcast %broadcast_in_dim3A_519 : f32 to vector<16xf32>
    %swap3A_521 = arith.constant 65 : i32
    %swap3A_522 = arith.index_cast %swap3A_521 : i32 to index
    %swap3A_523 = arith.constant 0 : index
    %swap3A_524 = tpu.vector_load %arg6[%swap3A_522, %swap3A_523] {strides = array<i32>} : memref<80x16xf32, #tpu.memory_space<vmem>>, vector<1x16xf32>,
    %swap3A_525 = vector.shape_cast %swap3A_524 : vector<1x16xf32> to vector<16xf32>
    %swap3A_526 = vector.shape_cast %broadcast_in_dim3A_520 : vector<16xf32> to vector<1x16xf32>
    tpu.vector_store %arg6[%swap3A_522, %swap3A_523], %swap3A_526 {strides = array<i32>} : memref<80x16xf32, #tpu.memory_space<vmem>>, vector<1x16xf32>,
    %broadcast_in_dim3A_527 = arith.constant 1.000000e+00 : f32
    %broadcast_in_dim3A_528 = vector.broadcast %broadcast_in_dim3A_527 : f32 to vector<16xf32>
    %swap3A_529 = arith.constant 66 : i32
    %swap3A_530 = arith.index_cast %swap3A_529 : i32 to index
    %swap3A_531 = arith.constant 0 : index
    %swap3A_532 = tpu.vector_load %arg6[%swap3A_530, %swap3A_531] {strides = array<i32>} : memref<80x16xf32, #tpu.memory_space<vmem>>, vector<1x16xf32>,
    %swap3A_533 = vector.shape_cast %swap3A_532 : vector<1x16xf32> to vector<16xf32>
    %swap3A_534 = vector.shape_cast %broadcast_in_dim3A_528 : vector<16xf32> to vector<1x16xf32>
    tpu.vector_store %arg6[%swap3A_530, %swap3A_531], %swap3A_534 {strides = array<i32>} : memref<80x16xf32, #tpu.memory_space<vmem>>, vector<1x16xf32>,
    %broadcast_in_dim3A_535 = arith.constant 1.000000e+00 : f32
    %broadcast_in_dim3A_536 = vector.broadcast %broadcast_in_dim3A_535 : f32 to vector<16xf32>
    %swap3A_537 = arith.constant 67 : i32
    %swap3A_538 = arith.index_cast %swap3A_537 : i32 to index
    %swap3A_539 = arith.constant 0 : index
    %swap3A_540 = tpu.vector_load %arg6[%swap3A_538, %swap3A_539] {strides = array<i32>} : memref<80x16xf32, #tpu.memory_space<vmem>>, vector<1x16xf32>,
    %swap3A_541 = vector.shape_cast %swap3A_540 : vector<1x16xf32> to vector<16xf32>
    %swap3A_542 = vector.shape_cast %broadcast_in_dim3A_536 : vector<16xf32> to vector<1x16xf32>
    tpu.vector_store %arg6[%swap3A_538, %swap3A_539], %swap3A_542 {strides = array<i32>} : memref<80x16xf32, #tpu.memory_space<vmem>>, vector<1x16xf32>,
    %broadcast_in_dim3A_543 = arith.constant 1.000000e+00 : f32
    %broadcast_in_dim3A_544 = vector.broadcast %broadcast_in_dim3A_543 : f32 to vector<16xf32>
    %swap3A_545 = arith.constant 68 : i32
    %swap3A_546 = arith.index_cast %swap3A_545 : i32 to index
    %swap3A_547 = arith.constant 0 : index
    %swap3A_548 = tpu.vector_load %arg6[%swap3A_546, %swap3A_547] {strides = array<i32>} : memref<80x16xf32, #tpu.memory_space<vmem>>, vector<1x16xf32>,
    %swap3A_549 = vector.shape_cast %swap3A_548 : vector<1x16xf32> to vector<16xf32>
    %swap3A_550 = vector.shape_cast %broadcast_in_dim3A_544 : vector<16xf32> to vector<1x16xf32>
    tpu.vector_store %arg6[%swap3A_546, %swap3A_547], %swap3A_550 {strides = array<i32>} : memref<80x16xf32, #tpu.memory_space<vmem>>, vector<1x16xf32>,
    %broadcast_in_dim3A_551 = arith.constant 1.000000e+00 : f32
    %broadcast_in_dim3A_552 = vector.broadcast %broadcast_in_dim3A_551 : f32 to vector<16xf32>
    %swap3A_553 = arith.constant 69 : i32
    %swap3A_554 = arith.index_cast %swap3A_553 : i32 to index
    %swap3A_555 = arith.constant 0 : index
    %swap3A_556 = tpu.vector_load %arg6[%swap3A_554, %swap3A_555] {strides = array<i32>} : memref<80x16xf32, #tpu.memory_space<vmem>>, vector<1x16xf32>,
    %swap3A_557 = vector.shape_cast %swap3A_556 : vector<1x16xf32> to vector<16xf32>
    %swap3A_558 = vector.shape_cast %broadcast_in_dim3A_552 : vector<16xf32> to vector<1x16xf32>
    tpu.vector_store %arg6[%swap3A_554, %swap3A_555], %swap3A_558 {strides = array<i32>} : memref<80x16xf32, #tpu.memory_space<vmem>>, vector<1x16xf32>,
    %broadcast_in_dim3A_559 = arith.constant 1.000000e+00 : f32
    %broadcast_in_dim3A_560 = vector.broadcast %broadcast_in_dim3A_559 : f32 to vector<16xf32>
    %swap3A_561 = arith.constant 70 : i32
    %swap3A_562 = arith.index_cast %swap3A_561 : i32 to index
    %swap3A_563 = arith.constant 0 : index
    %swap3A_564 = tpu.vector_load %arg6[%swap3A_562, %swap3A_563] {strides = array<i32>} : memref<80x16xf32, #tpu.memory_space<vmem>>, vector<1x16xf32>,
    %swap3A_565 = vector.shape_cast %swap3A_564 : vector<1x16xf32> to vector<16xf32>
    %swap3A_566 = vector.shape_cast %broadcast_in_dim3A_560 : vector<16xf32> to vector<1x16xf32>
    tpu.vector_store %arg6[%swap3A_562, %swap3A_563], %swap3A_566 {strides = array<i32>} : memref<80x16xf32, #tpu.memory_space<vmem>>, vector<1x16xf32>,
    %broadcast_in_dim3A_567 = arith.constant 1.000000e+00 : f32
    %broadcast_in_dim3A_568 = vector.broadcast %broadcast_in_dim3A_567 : f32 to vector<16xf32>
    %swap3A_569 = arith.constant 71 : i32
    %swap3A_570 = arith.index_cast %swap3A_569 : i32 to index
    %swap3A_571 = arith.constant 0 : index
    %swap3A_572 = tpu.vector_load %arg6[%swap3A_570, %swap3A_571] {strides = array<i32>} : memref<80x16xf32, #tpu.memory_space<vmem>>, vector<1x16xf32>,
    %swap3A_573 = vector.shape_cast %swap3A_572 : vector<1x16xf32> to vector<16xf32>
    %swap3A_574 = vector.shape_cast %broadcast_in_dim3A_568 : vector<16xf32> to vector<1x16xf32>
    tpu.vector_store %arg6[%swap3A_570, %swap3A_571], %swap3A_574 {strides = array<i32>} : memref<80x16xf32, #tpu.memory_space<vmem>>, vector<1x16xf32>,
    %broadcast_in_dim3A_575 = arith.constant 1.000000e+00 : f32
    %broadcast_in_dim3A_576 = vector.broadcast %broadcast_in_dim3A_575 : f32 to vector<16xf32>
    %swap3A_577 = arith.constant 72 : i32
    %swap3A_578 = arith.index_cast %swap3A_577 : i32 to index
    %swap3A_579 = arith.constant 0 : index
    %swap3A_580 = tpu.vector_load %arg6[%swap3A_578, %swap3A_579] {strides = array<i32>} : memref<80x16xf32, #tpu.memory_space<vmem>>, vector<1x16xf32>,
    %swap3A_581 = vector.shape_cast %swap3A_580 : vector<1x16xf32> to vector<16xf32>
    %swap3A_582 = vector.shape_cast %broadcast_in_dim3A_576 : vector<16xf32> to vector<1x16xf32>
    tpu.vector_store %arg6[%swap3A_578, %swap3A_579], %swap3A_582 {strides = array<i32>} : memref<80x16xf32, #tpu.memory_space<vmem>>, vector<1x16xf32>,
    %broadcast_in_dim3A_583 = arith.constant 1.000000e+00 : f32
    %broadcast_in_dim3A_584 = vector.broadcast %broadcast_in_dim3A_583 : f32 to vector<16xf32>
    %swap3A_585 = arith.constant 73 : i32
    %swap3A_586 = arith.index_cast %swap3A_585 : i32 to index
    %swap3A_587 = arith.constant 0 : index
    %swap3A_588 = tpu.vector_load %arg6[%swap3A_586, %swap3A_587] {strides = array<i32>} : memref<80x16xf32, #tpu.memory_space<vmem>>, vector<1x16xf32>,
    %swap3A_589 = vector.shape_cast %swap3A_588 : vector<1x16xf32> to vector<16xf32>
    %swap3A_590 = vector.shape_cast %broadcast_in_dim3A_584 : vector<16xf32> to vector<1x16xf32>
    tpu.vector_store %arg6[%swap3A_586, %swap3A_587], %swap3A_590 {strides = array<i32>} : memref<80x16xf32, #tpu.memory_space<vmem>>, vector<1x16xf32>,
    %broadcast_in_dim3A_591 = arith.constant 1.000000e+00 : f32
    %broadcast_in_dim3A_592 = vector.broadcast %broadcast_in_dim3A_591 : f32 to vector<16xf32>
    %swap3A_593 = arith.constant 74 : i32
    %swap3A_594 = arith.index_cast %swap3A_593 : i32 to index
    %swap3A_595 = arith.constant 0 : index
    %swap3A_596 = tpu.vector_load %arg6[%swap3A_594, %swap3A_595] {strides = array<i32>} : memref<80x16xf32, #tpu.memory_space<vmem>>, vector<1x16xf32>,
    %swap3A_597 = vector.shape_cast %swap3A_596 : vector<1x16xf32> to vector<16xf32>
    %swap3A_598 = vector.shape_cast %broadcast_in_dim3A_592 : vector<16xf32> to vector<1x16xf32>
    tpu.vector_store %arg6[%swap3A_594, %swap3A_595], %swap3A_598 {strides = array<i32>} : memref<80x16xf32, #tpu.memory_space<vmem>>, vector<1x16xf32>,
    %broadcast_in_dim3A_599 = arith.constant 1.000000e+00 : f32
    %broadcast_in_dim3A_600 = vector.broadcast %broadcast_in_dim3A_599 : f32 to vector<16xf32>
    %swap3A_601 = arith.constant 75 : i32
    %swap3A_602 = arith.index_cast %swap3A_601 : i32 to index
    %swap3A_603 = arith.constant 0 : index
    %swap3A_604 = tpu.vector_load %arg6[%swap3A_602, %swap3A_603] {strides = array<i32>} : memref<80x16xf32, #tpu.memory_space<vmem>>, vector<1x16xf32>,
    %swap3A_605 = vector.shape_cast %swap3A_604 : vector<1x16xf32> to vector<16xf32>
    %swap3A_606 = vector.shape_cast %broadcast_in_dim3A_600 : vector<16xf32> to vector<1x16xf32>
    tpu.vector_store %arg6[%swap3A_602, %swap3A_603], %swap3A_606 {strides = array<i32>} : memref<80x16xf32, #tpu.memory_space<vmem>>, vector<1x16xf32>,
    %broadcast_in_dim3A_607 = arith.constant 1.000000e+00 : f32
    %broadcast_in_dim3A_608 = vector.broadcast %broadcast_in_dim3A_607 : f32 to vector<16xf32>
    %swap3A_609 = arith.constant 76 : i32
    %swap3A_610 = arith.index_cast %swap3A_609 : i32 to index
    %swap3A_611 = arith.constant 0 : index
    %swap3A_612 = tpu.vector_load %arg6[%swap3A_610, %swap3A_611] {strides = array<i32>} : memref<80x16xf32, #tpu.memory_space<vmem>>, vector<1x16xf32>,
    %swap3A_613 = vector.shape_cast %swap3A_612 : vector<1x16xf32> to vector<16xf32>
    %swap3A_614 = vector.shape_cast %broadcast_in_dim3A_608 : vector<16xf32> to vector<1x16xf32>
    tpu.vector_store %arg6[%swap3A_610, %swap3A_611], %swap3A_614 {strides = array<i32>} : memref<80x16xf32, #tpu.memory_space<vmem>>, vector<1x16xf32>,
    %broadcast_in_dim3A_615 = arith.constant 1.000000e+00 : f32
    %broadcast_in_dim3A_616 = vector.broadcast %broadcast_in_dim3A_615 : f32 to vector<16xf32>
    %swap3A_617 = arith.constant 77 : i32
    %swap3A_618 = arith.index_cast %swap3A_617 : i32 to index
    %swap3A_619 = arith.constant 0 : index
    %swap3A_620 = tpu.vector_load %arg6[%swap3A_618, %swap3A_619] {strides = array<i32>} : memref<80x16xf32, #tpu.memory_space<vmem>>, vector<1x16xf32>,
    %swap3A_621 = vector.shape_cast %swap3A_620 : vector<1x16xf32> to vector<16xf32>
    %swap3A_622 = vector.shape_cast %broadcast_in_dim3A_616 : vector<16xf32> to vector<1x16xf32>
    tpu.vector_store %arg6[%swap3A_618, %swap3A_619], %swap3A_622 {strides = array<i32>} : memref<80x16xf32, #tpu.memory_space<vmem>>, vector<1x16xf32>,
    %broadcast_in_dim3A_623 = arith.constant 1.000000e+00 : f32
    %broadcast_in_dim3A_624 = vector.broadcast %broadcast_in_dim3A_623 : f32 to vector<16xf32>
    %swap3A_625 = arith.constant 78 : i32
    %swap3A_626 = arith.index_cast %swap3A_625 : i32 to index
    %swap3A_627 = arith.constant 0 : index
    %swap3A_628 = tpu.vector_load %arg6[%swap3A_626, %swap3A_627] {strides = array<i32>} : memref<80x16xf32, #tpu.memory_space<vmem>>, vector<1x16xf32>,
    %swap3A_629 = vector.shape_cast %swap3A_628 : vector<1x16xf32> to vector<16xf32>
    %swap3A_630 = vector.shape_cast %broadcast_in_dim3A_624 : vector<16xf32> to vector<1x16xf32>
    tpu.vector_store %arg6[%swap3A_626, %swap3A_627], %swap3A_630 {strides = array<i32>} : memref<80x16xf32, #tpu.memory_space<vmem>>, vector<1x16xf32>,
    %broadcast_in_dim3A_631 = arith.constant 1.000000e+00 : f32
    %broadcast_in_dim3A_632 = vector.broadcast %broadcast_in_dim3A_631 : f32 to vector<16xf32>
    %swap3A_633 = arith.constant 79 : i32
    %swap3A_634 = arith.index_cast %swap3A_633 : i32 to index
    %swap3A_635 = arith.constant 0 : index
    %swap3A_636 = tpu.vector_load %arg6[%swap3A_634, %swap3A_635] {strides = array<i32>} : memref<80x16xf32, #tpu.memory_space<vmem>>, vector<1x16xf32>,
    %swap3A_637 = vector.shape_cast %swap3A_636 : vector<1x16xf32> to vector<16xf32>
    %swap3A_638 = vector.shape_cast %broadcast_in_dim3A_632 : vector<16xf32> to vector<1x16xf32>
    tpu.vector_store %arg6[%swap3A_634, %swap3A_635], %swap3A_638 {strides = array<i32>} : memref<80x16xf32, #tpu.memory_space<vmem>>, vector<1x16xf32>,
    %mul3A_639 = arith.constant 624 : i32
    %mul3A_640 = arith.muli %arg1, %mul3A_639 : i32
    "tpu.region"() ({
      %run_scoped3A = tpu.sem_alloc : memref<!tpu.dma_semaphore, #tpu.memory_space<semaphore_mem>>
      %dma_start3A_765 = arith.constant 0 : i32
      %dma_start3A_766 = tpu.memref_slice %arg7[%mul3A_640, %dma_start3A_765] : memref<10000x16xf32, #tpu.memory_space<vmem_shared>> -> memref<624x16xf32, #tpu.memory_space<vmem_shared>>
      %dma_start3A_767 = arith.constant 0 : i32
      %dma_start3A_768 = tpu.memref_slice %arg3[%mul3A_640, %dma_start3A_767] : memref<10000x16xf32, #tpu.memory_space<hbm>> -> memref<624x16xf32, #tpu.memory_space<hbm>>
      tpu.enqueue_dma source(%dma_start3A_768 : memref<624x16xf32, #tpu.memory_space<hbm>>) target(%dma_start3A_766 : memref<624x16xf32, #tpu.memory_space<vmem_shared>>) target_semaphore(%run_scoped3A : memref<!tpu.dma_semaphore, #tpu.memory_space<semaphore_mem>>)
      %dma_wait3A_769 = arith.constant 0 : i32
      %dma_wait3A_770 = tpu.memref_slice %arg7[%mul3A_640, %dma_wait3A_769] : memref<10000x16xf32, #tpu.memory_space<vmem_shared>> -> memref<624x16xf32, #tpu.memory_space<vmem_shared>>
      %dma_wait3A_771 = arith.constant 0 : i32
      %dma_wait3A_772 = tpu.memref_slice %arg3[%mul3A_640, %dma_wait3A_771] : memref<10000x16xf32, #tpu.memory_space<hbm>> -> memref<624x16xf32, #tpu.memory_space<hbm>>
      tpu.wait_dma2 semaphore(%run_scoped3A : memref<!tpu.dma_semaphore, #tpu.memory_space<semaphore_mem>>) src(%dma_wait3A_772 : memref<624x16xf32, #tpu.memory_space<hbm>>) dst(%dma_wait3A_770 : memref<624x16xf32, #tpu.memory_space<vmem_shared>>)
      tpu.yield
    }) : () -> ()
    %eq3A = arith.constant 15 : i32
    %eq3A_641 = arith.cmpi eq, %arg1, %eq3A : i32
    %convert_element_type3A = arith.extui %eq3A_641 : i1 to i32
    %cond3A = arith.constant 0 : i32
    %cond3A_642 = arith.cmpi ne, %convert_element_type3A, %cond3A : i32
    scf.if %cond3A_642 {
      "tpu.region"() ({
        %run_scoped3A = tpu.sem_alloc : memref<!tpu.dma_semaphore, #tpu.memory_space<semaphore_mem>>
        %dma_start3A_765 = arith.constant 9984 : i32
        %dma_start3A_766 = arith.constant 0 : i32
        %dma_start3A_767 = tpu.memref_slice %arg7[%dma_start3A_765, %dma_start3A_766] : memref<10000x16xf32, #tpu.memory_space<vmem_shared>> -> memref<16x16xf32, #tpu.memory_space<vmem_shared>>
        %dma_start3A_768 = arith.constant 9984 : i32
        %dma_start3A_769 = arith.constant 0 : i32
        %dma_start3A_770 = tpu.memref_slice %arg3[%dma_start3A_768, %dma_start3A_769] : memref<10000x16xf32, #tpu.memory_space<hbm>> -> memref<16x16xf32, #tpu.memory_space<hbm>>
        tpu.enqueue_dma source(%dma_start3A_770 : memref<16x16xf32, #tpu.memory_space<hbm>>) target(%dma_start3A_767 : memref<16x16xf32, #tpu.memory_space<vmem_shared>>) target_semaphore(%run_scoped3A : memref<!tpu.dma_semaphore, #tpu.memory_space<semaphore_mem>>)
        %dma_wait3A_771 = arith.constant 9984 : i32
        %dma_wait3A_772 = arith.constant 0 : i32
        %dma_wait3A_773 = tpu.memref_slice %arg7[%dma_wait3A_771, %dma_wait3A_772] : memref<10000x16xf32, #tpu.memory_space<vmem_shared>> -> memref<16x16xf32, #tpu.memory_space<vmem_shared>>
        %dma_wait3A_774 = arith.constant 9984 : i32
        %dma_wait3A_775 = arith.constant 0 : i32
        %dma_wait3A_776 = tpu.memref_slice %arg3[%dma_wait3A_774, %dma_wait3A_775] : memref<10000x16xf32, #tpu.memory_space<hbm>> -> memref<16x16xf32, #tpu.memory_space<hbm>>
        tpu.wait_dma2 semaphore(%run_scoped3A : memref<!tpu.dma_semaphore, #tpu.memory_space<semaphore_mem>>) src(%dma_wait3A_776 : memref<16x16xf32, #tpu.memory_space<hbm>>) dst(%dma_wait3A_773 : memref<16x16xf32, #tpu.memory_space<vmem_shared>>)
        tpu.yield
      }) : () -> ()
    } else {
    }
    "tpu.region"() ({
      %run_scoped3A = tpu.sem_alloc : memref<!tpu.dma_semaphore, #tpu.memory_space<semaphore_mem>>
      %dma_start3A_765 = arith.constant 0 : i32
      %dma_start3A_766 = arith.constant 0 : i32
      %dma_start3A_767 = tpu.memref_slice %arg2[%add3A, %dma_start3A_765, %dma_start3A_766] : memref<32x125x80xi32, #tpu.memory_space<hbm>> -> memref<1x125x80xi32, #tpu.memory_space<hbm>>
      %dma_start3A_768 = tpu.memref_squeeze %dma_start3A_767 : memref<1x125x80xi32, #tpu.memory_space<hbm>> -> memref<125x80xi32, #tpu.memory_space<hbm>>
      %dma_start3A_769 = arith.constant 0 : i32
      %dma_start3A_770 = arith.constant 0 : i32
      %dma_start3A_771 = tpu.memref_slice %arg2[%add3A, %dma_start3A_769, %dma_start3A_770] : memref<32x125x80xi32, #tpu.memory_space<hbm>> -> memref<1x125x80xi32, #tpu.memory_space<hbm>>
      %dma_start3A_772 = tpu.memref_squeeze %dma_start3A_771 : memref<1x125x80xi32, #tpu.memory_space<hbm>> -> memref<125x80xi32, #tpu.memory_space<hbm>>
      tpu.enqueue_dma source(%dma_start3A_772 : memref<125x80xi32, #tpu.memory_space<hbm>>) target(%arg5 : memref<125x80xi32, #tpu.memory_space<vmem>>) target_semaphore(%run_scoped3A : memref<!tpu.dma_semaphore, #tpu.memory_space<semaphore_mem>>)
      %dma_wait3A_773 = arith.constant 0 : i32
      %dma_wait3A_774 = arith.constant 0 : i32
      %dma_wait3A_775 = tpu.memref_slice %arg2[%add3A, %dma_wait3A_773, %dma_wait3A_774] : memref<32x125x80xi32, #tpu.memory_space<hbm>> -> memref<1x125x80xi32, #tpu.memory_space<hbm>>
      %dma_wait3A_776 = tpu.memref_squeeze %dma_wait3A_775 : memref<1x125x80xi32, #tpu.memory_space<hbm>> -> memref<125x80xi32, #tpu.memory_space<hbm>>
      %dma_wait3A_777 = arith.constant 0 : i32
      %dma_wait3A_778 = arith.constant 0 : i32
      %dma_wait3A_779 = tpu.memref_slice %arg2[%add3A, %dma_wait3A_777, %dma_wait3A_778] : memref<32x125x80xi32, #tpu.memory_space<hbm>> -> memref<1x125x80xi32, #tpu.memory_space<hbm>>
      %dma_wait3A_780 = tpu.memref_squeeze %dma_wait3A_779 : memref<1x125x80xi32, #tpu.memory_space<hbm>> -> memref<125x80xi32, #tpu.memory_space<hbm>>
      tpu.wait_dma2 semaphore(%run_scoped3A : memref<!tpu.dma_semaphore, #tpu.memory_space<semaphore_mem>>) src(%dma_wait3A_780 : memref<125x80xi32, #tpu.memory_space<hbm>>) dst(%arg5 : memref<125x80xi32, #tpu.memory_space<vmem>>)
      tpu.yield
    }) : () -> ()
    %barrier3A = arith.constant 0 : index
    tpu.barrier barrier_id(%barrier3A)
    %dma_start3A = arith.constant 0 : i32
    %dma_start3A_643 = arith.constant 0 : i32
    %dma_start3A_644 = tpu.memref_slice %arg5[%dma_start3A, %dma_start3A_643] : memref<125x80xi32, #tpu.memory_space<vmem>> -> memref<1x80xi32, #tpu.memory_space<vmem>>
    %dma_start3A_645 = tpu.memref_squeeze %dma_start3A_644 : memref<1x80xi32, #tpu.memory_space<vmem>> -> memref<80xi32, #tpu.memory_space<vmem>>
    %dma_start3A_646 = arith.constant 0 : i32
    %dma_start3A_647 = arith.constant 0 : i32
    %dma_start3A_648 = tpu.memref_slice %arg7[%dma_start3A_646, %dma_start3A_647] : memref<10000x16xf32, #tpu.memory_space<vmem_shared>> -> memref<10000x16xf32, #tpu.memory_space<vmem_shared>>
    tpu.enqueue_indirect_dma source(%arg6 : memref<80x16xf32, #tpu.memory_space<vmem>>) target(%dma_start3A_648 : memref<10000x16xf32, #tpu.memory_space<vmem_shared>>) offsets(%dma_start3A_645 : memref<80xi32, #tpu.memory_space<vmem>>) semaphore(%arg8 : memref<!tpu.dma_semaphore, #tpu.memory_space<semaphore_mem>>) {add = true}
    %dma_start3A_649 = arith.constant 1 : i32
    %dma_start3A_650 = arith.constant 0 : i32
    %dma_start3A_651 = tpu.memref_slice %arg5[%dma_start3A_649, %dma_start3A_650] : memref<125x80xi32, #tpu.memory_space<vmem>> -> memref<1x80xi32, #tpu.memory_space<vmem>>
    %dma_start3A_652 = tpu.memref_squeeze %dma_start3A_651 : memref<1x80xi32, #tpu.memory_space<vmem>> -> memref<80xi32, #tpu.memory_space<vmem>>
    %dma_start3A_653 = arith.constant 0 : i32
    %dma_start3A_654 = arith.constant 0 : i32
    %dma_start3A_655 = tpu.memref_slice %arg7[%dma_start3A_653, %dma_start3A_654] : memref<10000x16xf32, #tpu.memory_space<vmem_shared>> -> memref<10000x16xf32, #tpu.memory_space<vmem_shared>>
    tpu.enqueue_indirect_dma source(%arg6 : memref<80x16xf32, #tpu.memory_space<vmem>>) target(%dma_start3A_655 : memref<10000x16xf32, #tpu.memory_space<vmem_shared>>) offsets(%dma_start3A_652 : memref<80xi32, #tpu.memory_space<vmem>>) semaphore(%arg8 : memref<!tpu.dma_semaphore, #tpu.memory_space<semaphore_mem>>) {add = true}
    %dma_start3A_656 = arith.constant 2 : i32
    %dma_start3A_657 = arith.constant 0 : i32
    %dma_start3A_658 = tpu.memref_slice %arg5[%dma_start3A_656, %dma_start3A_657] : memref<125x80xi32, #tpu.memory_space<vmem>> -> memref<1x80xi32, #tpu.memory_space<vmem>>
    %dma_start3A_659 = tpu.memref_squeeze %dma_start3A_658 : memref<1x80xi32, #tpu.memory_space<vmem>> -> memref<80xi32, #tpu.memory_space<vmem>>
    %dma_start3A_660 = arith.constant 0 : i32
    %dma_start3A_661 = arith.constant 0 : i32
    %dma_start3A_662 = tpu.memref_slice %arg7[%dma_start3A_660, %dma_start3A_661] : memref<10000x16xf32, #tpu.memory_space<vmem_shared>> -> memref<10000x16xf32, #tpu.memory_space<vmem_shared>>
    tpu.enqueue_indirect_dma source(%arg6 : memref<80x16xf32, #tpu.memory_space<vmem>>) target(%dma_start3A_662 : memref<10000x16xf32, #tpu.memory_space<vmem_shared>>) offsets(%dma_start3A_659 : memref<80xi32, #tpu.memory_space<vmem>>) semaphore(%arg8 : memref<!tpu.dma_semaphore, #tpu.memory_space<semaphore_mem>>) {add = true}
    %dma_start3A_663 = arith.constant 3 : i32
    %dma_start3A_664 = arith.constant 0 : i32
    %dma_start3A_665 = tpu.memref_slice %arg5[%dma_start3A_663, %dma_start3A_664] : memref<125x80xi32, #tpu.memory_space<vmem>> -> memref<1x80xi32, #tpu.memory_space<vmem>>
    %dma_start3A_666 = tpu.memref_squeeze %dma_start3A_665 : memref<1x80xi32, #tpu.memory_space<vmem>> -> memref<80xi32, #tpu.memory_space<vmem>>
    %dma_start3A_667 = arith.constant 0 : i32
    %dma_start3A_668 = arith.constant 0 : i32
    %dma_start3A_669 = tpu.memref_slice %arg7[%dma_start3A_667, %dma_start3A_668] : memref<10000x16xf32, #tpu.memory_space<vmem_shared>> -> memref<10000x16xf32, #tpu.memory_space<vmem_shared>>
    tpu.enqueue_indirect_dma source(%arg6 : memref<80x16xf32, #tpu.memory_space<vmem>>) target(%dma_start3A_669 : memref<10000x16xf32, #tpu.memory_space<vmem_shared>>) offsets(%dma_start3A_666 : memref<80xi32, #tpu.memory_space<vmem>>) semaphore(%arg8 : memref<!tpu.dma_semaphore, #tpu.memory_space<semaphore_mem>>) {add = true}
    %dma_start3A_670 = arith.constant 4 : i32
    %dma_start3A_671 = arith.constant 0 : i32
    %dma_start3A_672 = tpu.memref_slice %arg5[%dma_start3A_670, %dma_start3A_671] : memref<125x80xi32, #tpu.memory_space<vmem>> -> memref<1x80xi32, #tpu.memory_space<vmem>>
    %dma_start3A_673 = tpu.memref_squeeze %dma_start3A_672 : memref<1x80xi32, #tpu.memory_space<vmem>> -> memref<80xi32, #tpu.memory_space<vmem>>
    %dma_start3A_674 = arith.constant 0 : i32
    %dma_start3A_675 = arith.constant 0 : i32
    %dma_start3A_676 = tpu.memref_slice %arg7[%dma_start3A_674, %dma_start3A_675] : memref<10000x16xf32, #tpu.memory_space<vmem_shared>> -> memref<10000x16xf32, #tpu.memory_space<vmem_shared>>
    tpu.enqueue_indirect_dma source(%arg6 : memref<80x16xf32, #tpu.memory_space<vmem>>) target(%dma_start3A_676 : memref<10000x16xf32, #tpu.memory_space<vmem_shared>>) offsets(%dma_start3A_673 : memref<80xi32, #tpu.memory_space<vmem>>) semaphore(%arg8 : memref<!tpu.dma_semaphore, #tpu.memory_space<semaphore_mem>>) {add = true}
    %dma_start3A_677 = arith.constant 5 : i32
    %dma_start3A_678 = arith.constant 0 : i32
    %dma_start3A_679 = tpu.memref_slice %arg5[%dma_start3A_677, %dma_start3A_678] : memref<125x80xi32, #tpu.memory_space<vmem>> -> memref<1x80xi32, #tpu.memory_space<vmem>>
    %dma_start3A_680 = tpu.memref_squeeze %dma_start3A_679 : memref<1x80xi32, #tpu.memory_space<vmem>> -> memref<80xi32, #tpu.memory_space<vmem>>
    %dma_start3A_681 = arith.constant 0 : i32
    %dma_start3A_682 = arith.constant 0 : i32
    %dma_start3A_683 = tpu.memref_slice %arg7[%dma_start3A_681, %dma_start3A_682] : memref<10000x16xf32, #tpu.memory_space<vmem_shared>> -> memref<10000x16xf32, #tpu.memory_space<vmem_shared>>
    tpu.enqueue_indirect_dma source(%arg6 : memref<80x16xf32, #tpu.memory_space<vmem>>) target(%dma_start3A_683 : memref<10000x16xf32, #tpu.memory_space<vmem_shared>>) offsets(%dma_start3A_680 : memref<80xi32, #tpu.memory_space<vmem>>) semaphore(%arg8 : memref<!tpu.dma_semaphore, #tpu.memory_space<semaphore_mem>>) {add = true}
    %dma_start3A_684 = arith.constant 6 : i32
    %dma_start3A_685 = arith.constant 0 : i32
    %dma_start3A_686 = tpu.memref_slice %arg5[%dma_start3A_684, %dma_start3A_685] : memref<125x80xi32, #tpu.memory_space<vmem>> -> memref<1x80xi32, #tpu.memory_space<vmem>>
    %dma_start3A_687 = tpu.memref_squeeze %dma_start3A_686 : memref<1x80xi32, #tpu.memory_space<vmem>> -> memref<80xi32, #tpu.memory_space<vmem>>
    %dma_start3A_688 = arith.constant 0 : i32
    %dma_start3A_689 = arith.constant 0 : i32
    %dma_start3A_690 = tpu.memref_slice %arg7[%dma_start3A_688, %dma_start3A_689] : memref<10000x16xf32, #tpu.memory_space<vmem_shared>> -> memref<10000x16xf32, #tpu.memory_space<vmem_shared>>
    tpu.enqueue_indirect_dma source(%arg6 : memref<80x16xf32, #tpu.memory_space<vmem>>) target(%dma_start3A_690 : memref<10000x16xf32, #tpu.memory_space<vmem_shared>>) offsets(%dma_start3A_687 : memref<80xi32, #tpu.memory_space<vmem>>) semaphore(%arg8 : memref<!tpu.dma_semaphore, #tpu.memory_space<semaphore_mem>>) {add = true}
    %dma_start3A_691 = arith.constant 7 : i32
    %dma_start3A_692 = arith.constant 0 : i32
    %dma_start3A_693 = tpu.memref_slice %arg5[%dma_start3A_691, %dma_start3A_692] : memref<125x80xi32, #tpu.memory_space<vmem>> -> memref<1x80xi32, #tpu.memory_space<vmem>>
    %dma_start3A_694 = tpu.memref_squeeze %dma_start3A_693 : memref<1x80xi32, #tpu.memory_space<vmem>> -> memref<80xi32, #tpu.memory_space<vmem>>
    %dma_start3A_695 = arith.constant 0 : i32
    %dma_start3A_696 = arith.constant 0 : i32
    %dma_start3A_697 = tpu.memref_slice %arg7[%dma_start3A_695, %dma_start3A_696] : memref<10000x16xf32, #tpu.memory_space<vmem_shared>> -> memref<10000x16xf32, #tpu.memory_space<vmem_shared>>
    tpu.enqueue_indirect_dma source(%arg6 : memref<80x16xf32, #tpu.memory_space<vmem>>) target(%dma_start3A_697 : memref<10000x16xf32, #tpu.memory_space<vmem_shared>>) offsets(%dma_start3A_694 : memref<80xi32, #tpu.memory_space<vmem>>) semaphore(%arg8 : memref<!tpu.dma_semaphore, #tpu.memory_space<semaphore_mem>>) {add = true}
    %scan3A = arith.constant 0 : i32
    %scan3A_698 = arith.constant 117 : i32
    %scan3A_699 = arith.addi %scan3A, %scan3A_698 : i32
    %scan3A_700 = arith.constant 1 : i32
    scf.for %scan3A_765 = %scan3A to %scan3A_699 step %scan3A_700  : i32 {
      %mul3A_766 = arith.constant 1 : i32
      %mul3A_767 = arith.muli %scan3A_765, %mul3A_766 : i32
      %add3A_768 = arith.constant 0 : i32
      %add3A_769 = arith.addi %add3A_768, %mul3A_767 : i32
      %dma_wait3A_770 = arith.constant 0 : i32
      %dma_wait3A_771 = tpu.memref_slice %arg5[%add3A_769, %dma_wait3A_770] : memref<125x80xi32, #tpu.memory_space<vmem>> -> memref<1x80xi32, #tpu.memory_space<vmem>>
      %dma_wait3A_772 = tpu.memref_squeeze %dma_wait3A_771 : memref<1x80xi32, #tpu.memory_space<vmem>> -> memref<80xi32, #tpu.memory_space<vmem>>
      %dma_wait3A_773 = arith.constant 0 : i32
      %dma_wait3A_774 = arith.constant 0 : i32
      %dma_wait3A_775 = tpu.memref_slice %arg7[%dma_wait3A_773, %dma_wait3A_774] : memref<10000x16xf32, #tpu.memory_space<vmem_shared>> -> memref<10000x16xf32, #tpu.memory_space<vmem_shared>>
      tpu.wait_indirect_dma semaphore(%arg8 : memref<!tpu.dma_semaphore, #tpu.memory_space<semaphore_mem>>) src(%arg6 : memref<80x16xf32, #tpu.memory_space<vmem>>) dst(%dma_wait3A_775 : memref<10000x16xf32, #tpu.memory_space<vmem_shared>>)
      %add3A_776 = arith.constant 8 : i32
      %add3A_777 = arith.addi %add3A_769, %add3A_776 : i32
      %dma_start3A_778 = arith.constant 0 : i32
      %dma_start3A_779 = tpu.memref_slice %arg5[%add3A_777, %dma_start3A_778] : memref<125x80xi32, #tpu.memory_space<vmem>> -> memref<1x80xi32, #tpu.memory_space<vmem>>
      %dma_start3A_780 = tpu.memref_squeeze %dma_start3A_779 : memref<1x80xi32, #tpu.memory_space<vmem>> -> memref<80xi32, #tpu.memory_space<vmem>>
      %dma_start3A_781 = arith.constant 0 : i32
      %dma_start3A_782 = arith.constant 0 : i32
      %dma_start3A_783 = tpu.memref_slice %arg7[%dma_start3A_781, %dma_start3A_782] : memref<10000x16xf32, #tpu.memory_space<vmem_shared>> -> memref<10000x16xf32, #tpu.memory_space<vmem_shared>>
      tpu.enqueue_indirect_dma source(%arg6 : memref<80x16xf32, #tpu.memory_space<vmem>>) target(%dma_start3A_783 : memref<10000x16xf32, #tpu.memory_space<vmem_shared>>) offsets(%dma_start3A_780 : memref<80xi32, #tpu.memory_space<vmem>>) semaphore(%arg8 : memref<!tpu.dma_semaphore, #tpu.memory_space<semaphore_mem>>) {add = true}
    }
    %scan3A_701 = arith.constant 117 : i32
    %dma_wait3A = arith.constant 117 : i32
    %dma_wait3A_702 = arith.constant 0 : i32
    %dma_wait3A_703 = tpu.memref_slice %arg5[%dma_wait3A, %dma_wait3A_702] : memref<125x80xi32, #tpu.memory_space<vmem>> -> memref<1x80xi32, #tpu.memory_space<vmem>>
    %dma_wait3A_704 = tpu.memref_squeeze %dma_wait3A_703 : memref<1x80xi32, #tpu.memory_space<vmem>> -> memref<80xi32, #tpu.memory_space<vmem>>
    %dma_wait3A_705 = arith.constant 0 : i32
    %dma_wait3A_706 = arith.constant 0 : i32
    %dma_wait3A_707 = tpu.memref_slice %arg7[%dma_wait3A_705, %dma_wait3A_706] : memref<10000x16xf32, #tpu.memory_space<vmem_shared>> -> memref<10000x16xf32, #tpu.memory_space<vmem_shared>>
    tpu.wait_indirect_dma semaphore(%arg8 : memref<!tpu.dma_semaphore, #tpu.memory_space<semaphore_mem>>) src(%arg6 : memref<80x16xf32, #tpu.memory_space<vmem>>) dst(%dma_wait3A_707 : memref<10000x16xf32, #tpu.memory_space<vmem_shared>>)
    %dma_wait3A_708 = arith.constant 118 : i32
    %dma_wait3A_709 = arith.constant 0 : i32
    %dma_wait3A_710 = tpu.memref_slice %arg5[%dma_wait3A_708, %dma_wait3A_709] : memref<125x80xi32, #tpu.memory_space<vmem>> -> memref<1x80xi32, #tpu.memory_space<vmem>>
    %dma_wait3A_711 = tpu.memref_squeeze %dma_wait3A_710 : memref<1x80xi32, #tpu.memory_space<vmem>> -> memref<80xi32, #tpu.memory_space<vmem>>
    %dma_wait3A_712 = arith.constant 0 : i32
    %dma_wait3A_713 = arith.constant 0 : i32
    %dma_wait3A_714 = tpu.memref_slice %arg7[%dma_wait3A_712, %dma_wait3A_713] : memref<10000x16xf32, #tpu.memory_space<vmem_shared>> -> memref<10000x16xf32, #tpu.memory_space<vmem_shared>>
    tpu.wait_indirect_dma semaphore(%arg8 : memref<!tpu.dma_semaphore, #tpu.memory_space<semaphore_mem>>) src(%arg6 : memref<80x16xf32, #tpu.memory_space<vmem>>) dst(%dma_wait3A_714 : memref<10000x16xf32, #tpu.memory_space<vmem_shared>>)
    %dma_wait3A_715 = arith.constant 119 : i32
    %dma_wait3A_716 = arith.constant 0 : i32
    %dma_wait3A_717 = tpu.memref_slice %arg5[%dma_wait3A_715, %dma_wait3A_716] : memref<125x80xi32, #tpu.memory_space<vmem>> -> memref<1x80xi32, #tpu.memory_space<vmem>>
    %dma_wait3A_718 = tpu.memref_squeeze %dma_wait3A_717 : memref<1x80xi32, #tpu.memory_space<vmem>> -> memref<80xi32, #tpu.memory_space<vmem>>
    %dma_wait3A_719 = arith.constant 0 : i32
    %dma_wait3A_720 = arith.constant 0 : i32
    %dma_wait3A_721 = tpu.memref_slice %arg7[%dma_wait3A_719, %dma_wait3A_720] : memref<10000x16xf32, #tpu.memory_space<vmem_shared>> -> memref<10000x16xf32, #tpu.memory_space<vmem_shared>>
    tpu.wait_indirect_dma semaphore(%arg8 : memref<!tpu.dma_semaphore, #tpu.memory_space<semaphore_mem>>) src(%arg6 : memref<80x16xf32, #tpu.memory_space<vmem>>) dst(%dma_wait3A_721 : memref<10000x16xf32, #tpu.memory_space<vmem_shared>>)
    %dma_wait3A_722 = arith.constant 120 : i32
    %dma_wait3A_723 = arith.constant 0 : i32
    %dma_wait3A_724 = tpu.memref_slice %arg5[%dma_wait3A_722, %dma_wait3A_723] : memref<125x80xi32, #tpu.memory_space<vmem>> -> memref<1x80xi32, #tpu.memory_space<vmem>>
    %dma_wait3A_725 = tpu.memref_squeeze %dma_wait3A_724 : memref<1x80xi32, #tpu.memory_space<vmem>> -> memref<80xi32, #tpu.memory_space<vmem>>
    %dma_wait3A_726 = arith.constant 0 : i32
    %dma_wait3A_727 = arith.constant 0 : i32
    %dma_wait3A_728 = tpu.memref_slice %arg7[%dma_wait3A_726, %dma_wait3A_727] : memref<10000x16xf32, #tpu.memory_space<vmem_shared>> -> memref<10000x16xf32, #tpu.memory_space<vmem_shared>>
    tpu.wait_indirect_dma semaphore(%arg8 : memref<!tpu.dma_semaphore, #tpu.memory_space<semaphore_mem>>) src(%arg6 : memref<80x16xf32, #tpu.memory_space<vmem>>) dst(%dma_wait3A_728 : memref<10000x16xf32, #tpu.memory_space<vmem_shared>>)
    %dma_wait3A_729 = arith.constant 121 : i32
    %dma_wait3A_730 = arith.constant 0 : i32
    %dma_wait3A_731 = tpu.memref_slice %arg5[%dma_wait3A_729, %dma_wait3A_730] : memref<125x80xi32, #tpu.memory_space<vmem>> -> memref<1x80xi32, #tpu.memory_space<vmem>>
    %dma_wait3A_732 = tpu.memref_squeeze %dma_wait3A_731 : memref<1x80xi32, #tpu.memory_space<vmem>> -> memref<80xi32, #tpu.memory_space<vmem>>
    %dma_wait3A_733 = arith.constant 0 : i32
    %dma_wait3A_734 = arith.constant 0 : i32
    %dma_wait3A_735 = tpu.memref_slice %arg7[%dma_wait3A_733, %dma_wait3A_734] : memref<10000x16xf32, #tpu.memory_space<vmem_shared>> -> memref<10000x16xf32, #tpu.memory_space<vmem_shared>>
    tpu.wait_indirect_dma semaphore(%arg8 : memref<!tpu.dma_semaphore, #tpu.memory_space<semaphore_mem>>) src(%arg6 : memref<80x16xf32, #tpu.memory_space<vmem>>) dst(%dma_wait3A_735 : memref<10000x16xf32, #tpu.memory_space<vmem_shared>>)
    %dma_wait3A_736 = arith.constant 122 : i32
    %dma_wait3A_737 = arith.constant 0 : i32
    %dma_wait3A_738 = tpu.memref_slice %arg5[%dma_wait3A_736, %dma_wait3A_737] : memref<125x80xi32, #tpu.memory_space<vmem>> -> memref<1x80xi32, #tpu.memory_space<vmem>>
    %dma_wait3A_739 = tpu.memref_squeeze %dma_wait3A_738 : memref<1x80xi32, #tpu.memory_space<vmem>> -> memref<80xi32, #tpu.memory_space<vmem>>
    %dma_wait3A_740 = arith.constant 0 : i32
    %dma_wait3A_741 = arith.constant 0 : i32
    %dma_wait3A_742 = tpu.memref_slice %arg7[%dma_wait3A_740, %dma_wait3A_741] : memref<10000x16xf32, #tpu.memory_space<vmem_shared>> -> memref<10000x16xf32, #tpu.memory_space<vmem_shared>>
    tpu.wait_indirect_dma semaphore(%arg8 : memref<!tpu.dma_semaphore, #tpu.memory_space<semaphore_mem>>) src(%arg6 : memref<80x16xf32, #tpu.memory_space<vmem>>) dst(%dma_wait3A_742 : memref<10000x16xf32, #tpu.memory_space<vmem_shared>>)
    %dma_wait3A_743 = arith.constant 123 : i32
    %dma_wait3A_744 = arith.constant 0 : i32
    %dma_wait3A_745 = tpu.memref_slice %arg5[%dma_wait3A_743, %dma_wait3A_744] : memref<125x80xi32, #tpu.memory_space<vmem>> -> memref<1x80xi32, #tpu.memory_space<vmem>>
    %dma_wait3A_746 = tpu.memref_squeeze %dma_wait3A_745 : memref<1x80xi32, #tpu.memory_space<vmem>> -> memref<80xi32, #tpu.memory_space<vmem>>
    %dma_wait3A_747 = arith.constant 0 : i32
    %dma_wait3A_748 = arith.constant 0 : i32
    %dma_wait3A_749 = tpu.memref_slice %arg7[%dma_wait3A_747, %dma_wait3A_748] : memref<10000x16xf32, #tpu.memory_space<vmem_shared>> -> memref<10000x16xf32, #tpu.memory_space<vmem_shared>>
    tpu.wait_indirect_dma semaphore(%arg8 : memref<!tpu.dma_semaphore, #tpu.memory_space<semaphore_mem>>) src(%arg6 : memref<80x16xf32, #tpu.memory_space<vmem>>) dst(%dma_wait3A_749 : memref<10000x16xf32, #tpu.memory_space<vmem_shared>>)
    %dma_wait3A_750 = arith.constant 124 : i32
    %dma_wait3A_751 = arith.constant 0 : i32
    %dma_wait3A_752 = tpu.memref_slice %arg5[%dma_wait3A_750, %dma_wait3A_751] : memref<125x80xi32, #tpu.memory_space<vmem>> -> memref<1x80xi32, #tpu.memory_space<vmem>>
    %dma_wait3A_753 = tpu.memref_squeeze %dma_wait3A_752 : memref<1x80xi32, #tpu.memory_space<vmem>> -> memref<80xi32, #tpu.memory_space<vmem>>
    %dma_wait3A_754 = arith.constant 0 : i32
    %dma_wait3A_755 = arith.constant 0 : i32
    %dma_wait3A_756 = tpu.memref_slice %arg7[%dma_wait3A_754, %dma_wait3A_755] : memref<10000x16xf32, #tpu.memory_space<vmem_shared>> -> memref<10000x16xf32, #tpu.memory_space<vmem_shared>>
    tpu.wait_indirect_dma semaphore(%arg8 : memref<!tpu.dma_semaphore, #tpu.memory_space<semaphore_mem>>) src(%arg6 : memref<80x16xf32, #tpu.memory_space<vmem>>) dst(%dma_wait3A_756 : memref<10000x16xf32, #tpu.memory_space<vmem_shared>>)
    %barrier3A_757 = arith.constant 0 : index
    tpu.barrier barrier_id(%barrier3A_757)
    %mul3A_758 = arith.constant 624 : i32
    %mul3A_759 = arith.muli %arg1, %mul3A_758 : i32
    "tpu.region"() ({
      %run_scoped3A = tpu.sem_alloc : memref<!tpu.dma_semaphore, #tpu.memory_space<semaphore_mem>>
      %dma_start3A_765 = arith.constant 0 : i32
      %dma_start3A_766 = tpu.memref_slice %arg4[%arg0, %mul3A_759, %dma_start3A_765] : memref<2x10000x16xf32, #tpu.memory_space<hbm>> -> memref<1x624x16xf32, #tpu.memory_space<hbm>>
      %dma_start3A_767 = tpu.memref_squeeze %dma_start3A_766 : memref<1x624x16xf32, #tpu.memory_space<hbm>> -> memref<624x16xf32, #tpu.memory_space<hbm>>
      %dma_start3A_768 = arith.constant 0 : i32
      %dma_start3A_769 = tpu.memref_slice %arg7[%mul3A_759, %dma_start3A_768] : memref<10000x16xf32, #tpu.memory_space<vmem_shared>> -> memref<624x16xf32, #tpu.memory_space<vmem_shared>>
      tpu.enqueue_dma source(%dma_start3A_769 : memref<624x16xf32, #tpu.memory_space<vmem_shared>>) target(%dma_start3A_767 : memref<624x16xf32, #tpu.memory_space<hbm>>) target_semaphore(%run_scoped3A : memref<!tpu.dma_semaphore, #tpu.memory_space<semaphore_mem>>)
      %dma_wait3A_770 = arith.constant 0 : i32
      %dma_wait3A_771 = tpu.memref_slice %arg4[%arg0, %mul3A_759, %dma_wait3A_770] : memref<2x10000x16xf32, #tpu.memory_space<hbm>> -> memref<1x624x16xf32, #tpu.memory_space<hbm>>
      %dma_wait3A_772 = tpu.memref_squeeze %dma_wait3A_771 : memref<1x624x16xf32, #tpu.memory_space<hbm>> -> memref<624x16xf32, #tpu.memory_space<hbm>>
      %dma_wait3A_773 = arith.constant 0 : i32
      %dma_wait3A_774 = tpu.memref_slice %arg7[%mul3A_759, %dma_wait3A_773] : memref<10000x16xf32, #tpu.memory_space<vmem_shared>> -> memref<624x16xf32, #tpu.memory_space<vmem_shared>>
      tpu.wait_dma2 semaphore(%run_scoped3A : memref<!tpu.dma_semaphore, #tpu.memory_space<semaphore_mem>>) src(%dma_wait3A_774 : memref<624x16xf32, #tpu.memory_space<vmem_shared>>) dst(%dma_wait3A_772 : memref<624x16xf32, #tpu.memory_space<hbm>>)
      tpu.yield
    }) : () -> ()
    %eq3A_760 = arith.constant 15 : i32
    %eq3A_761 = arith.cmpi eq, %arg1, %eq3A_760 : i32
    %convert_element_type3A_762 = arith.extui %eq3A_761 : i1 to i32
    %cond3A_763 = arith.constant 0 : i32
    %cond3A_764 = arith.cmpi ne, %convert_element_type3A_762, %cond3A_763 : i32
    scf.if %cond3A_764 {
      "tpu.region"() ({
        %run_scoped3A = tpu.sem_alloc : memref<!tpu.dma_semaphore, #tpu.memory_space<semaphore_mem>>
        %dma_start3A_765 = arith.constant 9984 : i32
        %dma_start3A_766 = arith.constant 0 : i32
        %dma_start3A_767 = tpu.memref_slice %arg4[%arg0, %dma_start3A_765, %dma_start3A_766] : memref<2x10000x16xf32, #tpu.memory_space<hbm>> -> memref<1x16x16xf32, #tpu.memory_space<hbm>>
        %dma_start3A_768 = tpu.memref_squeeze %dma_start3A_767 : memref<1x16x16xf32, #tpu.memory_space<hbm>> -> memref<16x16xf32, #tpu.memory_space<hbm>>
        %dma_start3A_769 = arith.constant 9984 : i32
        %dma_start3A_770 = arith.constant 0 : i32
        %dma_start3A_771 = tpu.memref_slice %arg7[%dma_start3A_769, %dma_start3A_770] : memref<10000x16xf32, #tpu.memory_space<vmem_shared>> -> memref<16x16xf32, #tpu.memory_space<vmem_shared>>
        tpu.enqueue_dma source(%dma_start3A_771 : memref<16x16xf32, #tpu.memory_space<vmem_shared>>) target(%dma_start3A_768 : memref<16x16xf32, #tpu.memory_space<hbm>>) target_semaphore(%run_scoped3A : memref<!tpu.dma_semaphore, #tpu.memory_space<semaphore_mem>>)
        %dma_wait3A_772 = arith.constant 9984 : i32
        %dma_wait3A_773 = arith.constant 0 : i32
        %dma_wait3A_774 = tpu.memref_slice %arg4[%arg0, %dma_wait3A_772, %dma_wait3A_773] : memref<2x10000x16xf32, #tpu.memory_space<hbm>> -> memref<1x16x16xf32, #tpu.memory_space<hbm>>
        %dma_wait3A_775 = tpu.memref_squeeze %dma_wait3A_774 : memref<1x16x16xf32, #tpu.memory_space<hbm>> -> memref<16x16xf32, #tpu.memory_space<hbm>>
        %dma_wait3A_776 = arith.constant 9984 : i32
        %dma_wait3A_777 = arith.constant 0 : i32
        %dma_wait3A_778 = tpu.memref_slice %arg7[%dma_wait3A_776, %dma_wait3A_777] : memref<10000x16xf32, #tpu.memory_space<vmem_shared>> -> memref<16x16xf32, #tpu.memory_space<vmem_shared>>
        tpu.wait_dma2 semaphore(%run_scoped3A : memref<!tpu.dma_semaphore, #tpu.memory_space<semaphore_mem>>) src(%dma_wait3A_778 : memref<16x16xf32, #tpu.memory_space<vmem_shared>>) dst(%dma_wait3A_775 : memref<16x16xf32, #tpu.memory_space<hbm>>)
        tpu.yield
      }) : () -> ()
    } else {
    }
    return
  }
}

module attributes {stable_mosaic.version = 14 : i64} {
  func.func @_xs_body(%arg0: i32, %arg1: memref<1000x128xf32, #tpu.memory_space<vmem>>, %arg2: memref<1000x16xf32, #tpu.memory_space<vmem>>, %arg3: memref<1000x16xf32, #tpu.memory_space<vmem>>, %arg4: memref<1000x128xf32, #tpu.memory_space<vmem>>) attributes {dimension_semantics = [#tpu.dimension_semantics<arbitrary>], iteration_bounds = array<i64: 10>, scalar_prefetch = 0 : i64, scratch_operands = 0 : i64, tpu.core_type = #tpu.core_type<tc>, window_params = [{transform_indices = @transform_0, window_bounds = array<i64: 1000, 128>}, {transform_indices = @transform_1, window_bounds = array<i64: 1000, 16>}, {transform_indices = @transform_2, window_bounds = array<i64: 1000, 16>}, {transform_indices = @transform_3, window_bounds = array<i64: 1000, 128>}]} {
    %get3A = arith.constant 0 : index
    %get3A_0 = arith.constant 0 : index
    %get3A_1 = vector.load %arg2[%get3A, %get3A_0] : memref<1000x16xf32, #tpu.memory_space<vmem>>, vector<1000x1xf32>
    %get3A_2 = arith.constant 0 : index
    %get3A_3 = arith.constant 0 : index
    %get3A_4 = vector.load %arg3[%get3A_2, %get3A_3] : memref<1000x16xf32, #tpu.memory_space<vmem>>, vector<1000x1xf32>
    %add3A = arith.addf %get3A_1, %get3A_4 : vector<1000x1xf32>
    %add3A_5 = arith.constant 1.000000e+00 : f32
    %add3A_6 = vector.broadcast %add3A_5 : f32 to vector<1000x1xf32>
    %add3A_7 = arith.addf %add3A, %add3A_6 : vector<1000x1xf32>
    %get3A_8 = arith.constant 0 : index
    %get3A_9 = arith.constant 0 : index
    %get3A_10 = vector.load %arg1[%get3A_8, %get3A_9] : memref<1000x128xf32, #tpu.memory_space<vmem>>, vector<1000x128xf32>
    %rsqrt3A = math.rsqrt %add3A_7 : vector<1000x1xf32>
    %mul3A = vector.broadcast %rsqrt3A : vector<1000x1xf32> to vector<1000x128xf32>
    %mul3A_11 = arith.mulf %get3A_10, %mul3A : vector<1000x128xf32>
    %swap3A = arith.constant 0 : index
    %swap3A_12 = arith.constant 0 : index
    %swap3A_13 = vector.load %arg4[%swap3A, %swap3A_12] : memref<1000x128xf32, #tpu.memory_space<vmem>>, vector<1000x128xf32>
    tpu.vector_store %arg4[%swap3A, %swap3A_12], %mul3A_11 {strides = array<i32>} : memref<1000x128xf32, #tpu.memory_space<vmem>>, vector<1000x128xf32>,
    return
  }
  func.func @transform_0(%arg0: i32) -> (i32, i32) {
    %c0_i32 = arith.constant 0 : i32
    %c0_i32_0 = arith.constant 0 : i32
    return %arg0, %c0_i32 : i32, i32
  }
  func.func @transform_1(%arg0: i32) -> (i32, i32) {
    %c0_i32 = arith.constant 0 : i32
    %c0_i32_0 = arith.constant 0 : i32
    return %arg0, %c0_i32 : i32, i32
  }
  func.func @transform_2(%arg0: i32) -> (i32, i32) {
    %c0_i32 = arith.constant 0 : i32
    %c0_i32_0 = arith.constant 0 : i32
    return %arg0, %c0_i32 : i32, i32
  }
  func.func @transform_3(%arg0: i32) -> (i32, i32) {
    %c0_i32 = arith.constant 0 : i32
    %c0_i32_0 = arith.constant 0 : i32
    return %arg0, %c0_i32 : i32, i32
  }
}

module attributes {stable_mosaic.version = 14 : i64} {
  func.func @_head_body(%arg0: i32, %arg1: memref<1000x128xf32, #tpu.memory_space<vmem>>, %arg2: memref<1000x128xf32, #tpu.memory_space<vmem>>, %arg3: memref<1000x16xf32, #tpu.memory_space<vmem>>, %arg4: memref<1000x16xf32, #tpu.memory_space<vmem>>, %arg5: memref<128x128xf32, #tpu.memory_space<vmem>>, %arg6: memref<1x128xf32, #tpu.memory_space<vmem>>, %arg7: memref<128x128xf32, #tpu.memory_space<vmem>>, %arg8: memref<1x128xf32, #tpu.memory_space<vmem>>, %arg9: memref<1000x128xf32, #tpu.memory_space<vmem>>, %arg10: memref<1000x128xf32, #tpu.memory_space<vmem>>) attributes {dimension_semantics = [#tpu.dimension_semantics<arbitrary>], iteration_bounds = array<i64: 10>, scalar_prefetch = 0 : i64, scratch_operands = 0 : i64, tpu.core_type = #tpu.core_type<tc>, window_params = [{transform_indices = @transform_0, window_bounds = array<i64: 1000, 128>}, {transform_indices = @transform_1, window_bounds = array<i64: 1000, 128>}, {transform_indices = @transform_2, window_bounds = array<i64: 1000, 16>}, {transform_indices = @transform_3, window_bounds = array<i64: 1000, 16>}, {pipeline_mode = #tpu.pipeline_mode<synchronous>, transform_indices = @transform_4, window_bounds = array<i64: 128, 128>}, {pipeline_mode = #tpu.pipeline_mode<synchronous>, transform_indices = @transform_5, window_bounds = array<i64: 1, 128>}, {pipeline_mode = #tpu.pipeline_mode<synchronous>, transform_indices = @transform_6, window_bounds = array<i64: 128, 128>}, {pipeline_mode = #tpu.pipeline_mode<synchronous>, transform_indices = @transform_7, window_bounds = array<i64: 1, 128>}, {transform_indices = @transform_8, window_bounds = array<i64: 1000, 128>}, {transform_indices = @transform_9, window_bounds = array<i64: 1000, 128>}]} {
    %get3A = arith.constant 0 : index
    %get3A_0 = arith.constant 0 : index
    %get3A_1 = vector.load %arg3[%get3A, %get3A_0] : memref<1000x16xf32, #tpu.memory_space<vmem>>, vector<1000x1xf32>
    %get3A_2 = arith.constant 0 : index
    %get3A_3 = arith.constant 0 : index
    %get3A_4 = vector.load %arg4[%get3A_2, %get3A_3] : memref<1000x16xf32, #tpu.memory_space<vmem>>, vector<1000x1xf32>
    %add3A = arith.addf %get3A_1, %get3A_4 : vector<1000x1xf32>
    %add3A_5 = arith.constant 1.000000e+00 : f32
    %add3A_6 = vector.broadcast %add3A_5 : f32 to vector<1000x1xf32>
    %add3A_7 = arith.addf %add3A, %add3A_6 : vector<1000x1xf32>
    %get3A_8 = arith.constant 0 : index
    %get3A_9 = arith.constant 0 : index
    %get3A_10 = vector.load %arg1[%get3A_8, %get3A_9] : memref<1000x128xf32, #tpu.memory_space<vmem>>, vector<1000x128xf32>
    %get3A_11 = arith.constant 0 : index
    %get3A_12 = arith.constant 0 : index
    %get3A_13 = vector.load %arg2[%get3A_11, %get3A_12] : memref<1000x128xf32, #tpu.memory_space<vmem>>, vector<1000x128xf32>
    %add3A_14 = arith.addf %get3A_10, %get3A_13 : vector<1000x128xf32>
    %rsqrt3A = math.rsqrt %add3A_7 : vector<1000x1xf32>
    %mul3A = vector.broadcast %rsqrt3A : vector<1000x1xf32> to vector<1000x128xf32>
    %mul3A_15 = arith.mulf %add3A_14, %mul3A : vector<1000x128xf32>
    %get3A_16 = arith.constant 0 : index
    %get3A_17 = arith.constant 0 : index
    %get3A_18 = vector.load %arg5[%get3A_16, %get3A_17] : memref<128x128xf32, #tpu.memory_space<vmem>>, vector<128x128xf32>
    %dot_general3A = arith.constant dense<0.000000e+00> : vector<1000x128xf32>
    %dot_general3A_19 = tpu.matmul %mul3A_15, %get3A_18, %dot_general3A {dimension_numbers = #tpu.dot_dimension_numbers<[1], [0], [0], [1], [0, 0, 1, 1], [], []>, transpose_lhs_hint = false} : vector<1000x128xf32>, vector<128x128xf32>, vector<1000x128xf32> -> vector<1000x128xf32>
    %get3A_20 = arith.constant 0 : index
    %get3A_21 = arith.constant 0 : index
    %get3A_22 = vector.load %arg6[%get3A_20, %get3A_21] : memref<1x128xf32, #tpu.memory_space<vmem>>, vector<1x128xf32>
    %add3A_23 = vector.broadcast %get3A_22 : vector<1x128xf32> to vector<1000x128xf32>
    %add3A_24 = arith.addf %dot_general3A_19, %add3A_23 : vector<1000x128xf32>
    %swap3A = arith.constant 0 : index
    %swap3A_25 = arith.constant 0 : index
    %swap3A_26 = vector.load %arg9[%swap3A, %swap3A_25] : memref<1000x128xf32, #tpu.memory_space<vmem>>, vector<1000x128xf32>
    tpu.vector_store %arg9[%swap3A, %swap3A_25], %add3A_24 {strides = array<i32>} : memref<1000x128xf32, #tpu.memory_space<vmem>>, vector<1000x128xf32>,
    %get3A_27 = arith.constant 0 : index
    %get3A_28 = arith.constant 0 : index
    %get3A_29 = vector.load %arg7[%get3A_27, %get3A_28] : memref<128x128xf32, #tpu.memory_space<vmem>>, vector<128x128xf32>
    %dot_general3A_30 = arith.constant dense<0.000000e+00> : vector<1000x128xf32>
    %dot_general3A_31 = tpu.matmul %mul3A_15, %get3A_29, %dot_general3A_30 {dimension_numbers = #tpu.dot_dimension_numbers<[1], [0], [0], [1], [0, 0, 1, 1], [], []>, transpose_lhs_hint = false} : vector<1000x128xf32>, vector<128x128xf32>, vector<1000x128xf32> -> vector<1000x128xf32>
    %get3A_32 = arith.constant 0 : index
    %get3A_33 = arith.constant 0 : index
    %get3A_34 = vector.load %arg8[%get3A_32, %get3A_33] : memref<1x128xf32, #tpu.memory_space<vmem>>, vector<1x128xf32>
    %add3A_35 = vector.broadcast %get3A_34 : vector<1x128xf32> to vector<1000x128xf32>
    %add3A_36 = arith.addf %dot_general3A_31, %add3A_35 : vector<1000x128xf32>
    %swap3A_37 = arith.constant 0 : index
    %swap3A_38 = arith.constant 0 : index
    %swap3A_39 = vector.load %arg10[%swap3A_37, %swap3A_38] : memref<1000x128xf32, #tpu.memory_space<vmem>>, vector<1000x128xf32>
    tpu.vector_store %arg10[%swap3A_37, %swap3A_38], %add3A_36 {strides = array<i32>} : memref<1000x128xf32, #tpu.memory_space<vmem>>, vector<1000x128xf32>,
    return
  }
  func.func @transform_0(%arg0: i32) -> (i32, i32) {
    %c0_i32 = arith.constant 0 : i32
    %c0_i32_0 = arith.constant 0 : i32
    return %arg0, %c0_i32 : i32, i32
  }
  func.func @transform_1(%arg0: i32) -> (i32, i32) {
    %c0_i32 = arith.constant 0 : i32
    %c0_i32_0 = arith.constant 0 : i32
    return %arg0, %c0_i32 : i32, i32
  }
  func.func @transform_2(%arg0: i32) -> (i32, i32) {
    %c0_i32 = arith.constant 0 : i32
    %c0_i32_0 = arith.constant 0 : i32
    return %arg0, %c0_i32 : i32, i32
  }
  func.func @transform_3(%arg0: i32) -> (i32, i32) {
    %c0_i32 = arith.constant 0 : i32
    %c0_i32_0 = arith.constant 0 : i32
    return %arg0, %c0_i32 : i32, i32
  }
  func.func @transform_4(%arg0: i32) -> (i32, i32) {
    %c0_i32 = arith.constant 0 : i32
    %c0_i32_0 = arith.constant 0 : i32
    %c0_i32_1 = arith.constant 0 : i32
    return %c0_i32, %c0_i32_0 : i32, i32
  }
  func.func @transform_5(%arg0: i32) -> (i32, i32) {
    %c0_i32 = arith.constant 0 : i32
    %c0_i32_0 = arith.constant 0 : i32
    %c0_i32_1 = arith.constant 0 : i32
    return %c0_i32, %c0_i32_0 : i32, i32
  }
  func.func @transform_6(%arg0: i32) -> (i32, i32) {
    %c0_i32 = arith.constant 0 : i32
    %c0_i32_0 = arith.constant 0 : i32
    %c0_i32_1 = arith.constant 0 : i32
    return %c0_i32, %c0_i32_0 : i32, i32
  }
  func.func @transform_7(%arg0: i32) -> (i32, i32) {
    %c0_i32 = arith.constant 0 : i32
    %c0_i32_0 = arith.constant 0 : i32
    %c0_i32_1 = arith.constant 0 : i32
    return %c0_i32, %c0_i32_0 : i32, i32
  }
  func.func @transform_8(%arg0: i32) -> (i32, i32) {
    %c0_i32 = arith.constant 0 : i32
    %c0_i32_0 = arith.constant 0 : i32
    return %arg0, %c0_i32 : i32, i32
  }
  func.func @transform_9(%arg0: i32) -> (i32, i32) {
    %c0_i32 = arith.constant 0 : i32
    %c0_i32_0 = arith.constant 0 : i32
    return %arg0, %c0_i32 : i32, i32
  }
}

</mosaic_0001>

<sc_bundles>
// kernel: kernel.6.cloned.1.call-start
scs
__scs_entry_jumppad:
0x0: {  	(pc) =	sbr.rel $0x88, $3  }
0x1: {  	(tag) =	ssettag $0x0;
	lr =	simm.s32 $0x1  }
0x2: {  	[smem:$0x3F9B] =	sst lr;
	_ =	strace $0xD0000000  }
0x3: {  	_ = 	snop  }
0x4: {  	_ = 	snop  }
0x5: {  	_ = 	snop  }
0x6: {  	_ = 	snop  }
0x7: {  	_ = 	snop  }
__scs_overlays_trampoline_lowered:
0x8: {  	[smem:$0x3FAA] =	sst s0  }
0x9: {  	[smem:$0x3FAB] =	sst s1  }
0xa: {  	[smem:$0x3FAC] =	sst s2  }
0xb: {  	[smem:$0x3FAD] =	sst s3  }
0xc: {  	[smem:$0x3FAE] =	sst s4  }
0xd: {  	[smem:$0x3FAF] =	sst s5  }
0xe: {  	[smem:$0x3FB0] =	sst s6  }
0xf: {  	[smem:$0x3FB1] =	sst s7  }
0x10: {  	[smem:$0x3FB2] =	sst s8  }
0x11: {  	[smem:$0x3FB3] =	sst s9;
	s0 =	simm.s32 @!p0 $0x0  }
0x12: {  	s1 =	sld [smem:$0x3F99];
	s0 =	simm.s32 @p0 $0x1  }
0x13: {  	[smem:$0x3FB4] =	sst s0;
	s0 =	simm.s32 @!p1 $0x0  }
0x14: {  	s2 =	sld [smem:$0x3F98];
	s0 =	simm.s32 @p1 $0x1  }
0x15: {  	[smem:$0x3FB5] =	sst s0;
	s0 =	simm.s32 @!p2 $0x0  }
0x16: {  	s3 =	sld [smem:$0x3FDB];
	s0 =	simm.s32 @p2 $0x1  }
0x17: {  	s4 =	simm.s32 $0x1BF5;
	[smem:$0x3FB7] =	sst s0  }
0x18: {  	s0 =	sld [smem:$0x3F9A];
	_ =	swait.ge [sflag:s4], $0x0  }
0x19: {  	s7 =	sld [smem:$0x3F9B]  }
0x1a: {  	s8 =	sadd.s32 $0xFFFFE003, lr  }
0x1b: {  	s9 =	sadd.s32 $0xFFFFFEF7, lr;
	s5 =	simm.s32 $0xFFFFFFFF;
	p2 =	slt.u32 s8, $0xFFFFF086  }
0x1c: {  	p1 =	slt.u32 s9, $0xF7A;
	s5 =	simm.s32 @!p2 $0x0  }
0x1d: {  	s5 =	simm.s32 @p1 $0x1;
	p0 =	seq.s32 s7, s2  }
0x1e: {  	s7 =	smul.u32 @!p0 $0xF7A, s2;
	p2 =	seq.s32 @!p0 s5, $0x0  }
0x1f: {  	s9 =	smul.u32 $0xF7A, s1;
	s8 =	simm.s32 @!p0 $0x1BF5;
	p2 =	por !p2, p0  }
0x20: {  	[sflag:s8] =	ssyncset.s32 @!p0 $0xFFFFF086;
	s6 =	sadd.s32 @!p0 s3, s7;
	s7 =	simm.s32 @!p0 $0x108  }
0x21: {  	s3 =	sadd.s32 s3, s9;
	s6 =	sadd.s32 @!p0 $0x88, s6;
	s7 =	simm.s32 @p2 $0x1082  }
0x22: {  	[simem:s7], [sflag:s8] =	dma.local @!p0 [hbm:s6], $0xF7A  }
0x23: {  	s9 =	sor.u32 $0xD0000000, s2;
	s6 =	simm.s32 $0x108;
	_ =	swait.ge @!p0 [sflag:s8], $0x0  }
0x24: {  	s3 =	sadd.s32 $0x88, s3;
	s6 =	simm.s32 @!p1 $0x1082;
	[sflag:s4] =	ssyncset.s32 $0xFFFFF086  }
0x25: {  	[simem:s6], [sflag:s4] =	dma.local [hbm:s3], $0xF7A  }
0x26: {  	[smem:$0x3F9B] =	sst s1;
	(tag) =	ssettag s2;
	_ =	strace s9  }
0x27: {  	s1 =	sld [smem:$0x3FAB]  }
0x28: {  	s2 =	sld [smem:$0x3FAC]  }
0x29: {  	s4 =	sld [smem:$0x3FAE]  }
0x2a: {  	p0 =	seq.s32 s5, $0x0;
	s5 =	sld [smem:$0x3FAF]  }
0x2b: {  	s6 =	sld [smem:$0x3FB0]  }
0x2c: {  	s7 =	sld [smem:$0x3FB1]  }
0x2d: {  	s3 =	simm.s32 $0x108;
	s8 =	sld [smem:$0x3FB2]  }
0x2e: {  	s3 =	simm.s32 @!p0 $0x1082;
	s9 =	sld [smem:$0x3FB3]  }
0x2f: {  	lr =	sadd.s32 s0, s3;
	s0 =	sld [smem:$0x3FAA]  }
0x30: {  	s3 =	sld [smem:$0x3FAD]  }
0x31: {  	[smem:$0x3FB6] =	sst s10  }
0x32: {  	s10 =	sld [smem:$0x3FB4];
	_ =	sdelay $0x3  }
0x33: {  	p0 =	seq.s32 s10, $0x1;
	s10 =	sld [smem:$0x3FB6];
	_ =	sdelay $0x3  }
0x34: {  	[smem:$0x3FB6] =	sst s10  }
0x35: {  	s10 =	sld [smem:$0x3FB5];
	_ =	sdelay $0x3  }
0x36: {  	p1 =	seq.s32 s10, $0x1;
	s10 =	sld [smem:$0x3FB6];
	_ =	sdelay $0x3  }
0x37: {  	[smem:$0x3FB6] =	sst s10  }
0x38: {  	s10 =	sld [smem:$0x3FB7]  }
0x39: {  	_ = 	snop;
	(pc) =	sbr.ind lr, $3  }
0x3a: {  	_ = 	snop  }
0x3b: {  	_ = 	snop  }
0x3c: {  	p2 =	seq.s32 s10, $0x1;
	s10 =	sld [smem:$0x3FB6]  }
0x3d: {  	_ =	shalt  }
0x3e: {  	_ =	shalt  }
0x3f: {  	_ =	shalt  }
0x40: {  	_ =	shalt  }
0x41: {  	_ =	shalt  }
0x42: {  	_ =	shalt  }
0x43: {  	_ =	shalt  }
0x44: {  	_ =	shalt  }
0x45: {  	_ =	shalt  }
0x46: {  	_ =	shalt  }
0x47: {  	_ =	shalt  }
0x48: {  	_ =	shalt  }
0x49: {  	_ =	shalt  }
0x4a: {  	_ =	shalt  }
0x4b: {  	_ =	shalt  }
0x4c: {  	_ =	shalt  }
0x4d: {  	_ =	shalt  }
0x4e: {  	_ =	shalt  }
0x4f: {  	_ =	shalt  }
0x50: {  	_ =	shalt  }
0x51: {  	_ =	shalt  }
0x52: {  	_ =	shalt  }
0x53: {  	_ =	shalt  }
0x54: {  	_ =	shalt  }
0x55: {  	_ =	shalt  }
0x56: {  	_ =	shalt  }
0x57: {  	_ =	shalt  }
0x58: {  	_ =	shalt  }
0x59: {  	_ =	shalt  }
0x5a: {  	_ =	shalt  }
0x5b: {  	_ =	shalt  }
0x5c: {  	_ =	shalt  }
0x5d: {  	_ =	shalt  }
0x5e: {  	_ =	shalt  }
0x5f: {  	_ =	shalt  }
0x60: {  	_ =	shalt  }
0x61: {  	_ =	shalt  }
0x62: {  	_ =	shalt  }
0x63: {  	_ =	shalt  }
0x64: {  	_ =	shalt  }
0x65: {  	_ =	shalt  }
0x66: {  	_ =	shalt  }
0x67: {  	_ =	shalt  }
0x68: {  	_ =	shalt  }
0x69: {  	_ =	shalt  }
0x6a: {  	_ =	shalt  }
0x6b: {  	_ =	shalt  }
0x6c: {  	_ =	shalt  }
0x6d: {  	_ =	shalt  }
0x6e: {  	_ =	shalt  }
0x6f: {  	_ =	shalt  }
0x70: {  	_ =	shalt  }
0x71: {  	_ =	shalt  }
0x72: {  	_ =	shalt  }
0x73: {  	_ =	shalt  }
0x74: {  	_ =	shalt  }
0x75: {  	_ =	shalt  }
0x76: {  	_ =	shalt  }
0x77: {  	_ =	shalt  }
0x78: {  	_ =	shalt  }
0x79: {  	_ =	shalt  }
0x7a: {  	_ =	shalt  }
0x7b: {  	_ =	shalt  }
0x7c: {  	_ =	shalt  }
0x7d: {  	_ =	shalt  }
0x7e: {  	_ =	shalt  }
0x7f: {  	_ =	shalt  }
0x80: {  	_ =	shalt  }
0x81: {  	_ =	shalt  }
0x82: {  	_ =	shalt  }
0x83: {  	_ =	shalt  }
0x84: {  	_ =	shalt  }
0x85: {  	_ =	shalt  }
0x86: {  	_ =	shalt  }
0x87: {  	_ =	shalt  }
.Lfunc_end0:
.L_simem_size_0:
called_computation_lowered:
.L_overlay_start_0:
0x88: {  	s2 =	sld [smem:$0x3FD9]  }
0x89: {  	s3 =	sld [smem:$0x3FFE];
	_ =	sdelay $0x1  }
0x8a: {  	s1 =	srdreg.scid  }
0x8b: {  	s0 =	sand.u32 $0x1, s1  }
0x8c: {  	s14 =	sshll.u32 s0, $0xA;
	s2 =	sadd.s32 s3, s2  }
0x8d: {  	s2 =	sadd.s32 s2, s14  }
0x8e: {  	[smem:$0x3FC2] =	sst s2  }
0x8f: {  	_ = 	snop  }
0x90: {  	s2 =	sld [smem:$0x3FD0];
	_ =	sdelay $0x2  }
0x91: {  	s15 =	simm.s32 $0xA;
	s4 =	simm.s32 $0x10  }
0x92: {  	[smem:s4], [sflag:s15] =	dma.local [hbm:s2], $0x1  }
0x93: {  	_ =	swait.eq [sflag:s15], $0x1  }
0x94: {  	[sflag:s15] =	ssyncset.done $0x0  }
0x95: {  	s16 =	sld [smem:$0x10];
	[sflag:s15] =	ssyncadd.s32 $0xFFFFFFFF  }
0x96: {  	s17 =	sld [smem:$0x11];
	(tm) =	ssettm $0x1  }
0x97: {  	s18 =	sld [smem:$0x3FFB];
	_ =	sdelay $0x3  }
0x98: {  	_ =	strace s18  }
0x99: {  	s4 =	sld [smem:$0x3FFC];
	_ =	sdelay $0x3  }
0x9a: {  	_ =	strace s4  }
0x9b: {  	s4 =	sld [smem:$0x3FFD];
	_ =	sdelay $0x3  }
0x9c: {  	_ =	strace s4  }
0x9d: {  	_ =	strace $0x8FFFFFFF  }
0x9e: {  	s19 =	sld [smem:$0x3FDB];
	_ =	sdelay $0x1  }
0x9f: {  	s5 =	simm.s32 $_scs_section_size  }
0xa0: {  	s6 =	simm.s32 $_size__tile_overlayer_lowered;
	s7 =	simm.s32 $_tile_overlayer_lowered  }
0xa1: {  	s22 =	simm.s32 $0x1BFF;
	s21 =	sshll.u32 s7, $0x1;
	s4 =	sadd.s32 s5, s19  }
0xa2: {  	s8 =	simm.s32 $0x0;
	s20 =	sshll.u32 s6, $0x1;
	s6 =	sadd.s32 s21, s4  }
0xa3: {  	[timem:s8], [sflag:s22] =	dma.local [hbm:s6], s20  }
0xa4: {  	_ =	swait.ge [sflag:s22], s20  }
0xa5: {  	s5 =	ssub.s32 $0x0, s20;
	[sflag:s22] =	ssyncset.done $0x0  }
0xa6: {  	[sflag:s22] =	ssyncadd.s32 s5;
	_ =	sdelay $0x1  }
0xa7: {  	s23 =	simm.s32 $0x1B8B  }
0xa8: {  	_ =	swait.ge [sflag:s23], $0x1  }
0xa9: {  	[sflag:s23] =	ssyncset.done $0x0  }
0xaa: {  	s25 =	simm.s32 $0x1B8E;
	s24 =	sld [smem:$0x3FFE];
	[sflag:s23] =	ssyncadd.s32 $0xFFFFFFFF  }
0xab: {  	s26 =	simm.s32 $execute0_lowered;
	[smem:$0x3FD2] =	sst s25  }
0xac: {  	s6 =	sshll.u32 s26, $0x1;
	_ =	strace $0x80000046;
	[dreg:$0x1] =	wrdreg $0xFFFFFFFF  }
0xad: {  	s28 =	simm.s32 $_size_execute0_lowered;
	s4 =	sadd.s32 s4, s6;
	[dreg:$0x0] =	wrdreg $0x0  }
0xae: {  	s6 =	sshll.u32 s28, $0x1;
	[dreg:$0x2] =	wrdreg s4  }
0xaf: {  	[dreg:$0x3] =	wrdreg s6  }
0xb0: {  	[dreg:$0x4] =	wrdreg $0xC0  }
0xb1: {  	_ =	task [dreg:s8], $0x5FFFF  }
0xb2: {  	[dreg:$0x1] =	wrdreg $0xFFFFFFFF  }
0xb3: {  	[dreg:$0x0] =	wrdreg $0x60  }
0xb4: {  	[dreg:$0x2] =	wrdreg s16  }
0xb5: {  	[dreg:$0x3] =	wrdreg s17  }
0xb6: {  	[dreg:$0x4] =	wrdreg s24  }
0xb7: {  	[dreg:$0x5] =	wrdreg $0x68000  }
0xb8: {  	[dreg:$0x6] =	wrdreg $0x9  }
0xb9: {  	_ =	task.clear_ibuf [dreg:s8], $0x7FFFF;
	_ =	strace $0x90000046  }
0xba: {  	s29 =	simm.s32 $0x9;
	_ =	strace $0x80000048  }
0xbb: {  	_ =	swait.ge [sflag:s29], $0x1  }
0xbc: {  	[sflag:s29] =	ssyncadd.s32 $0xFFFFFFFF  }
0xbd: {  	_ =	strace $0x90000048  }
0xbe: {  	_ =	sfence  }
0xbf: {  	s30 =	sld [smem:$0x0];
	_ =	sdelay $0x2  }
0xc0: {  	s31 =	sshll.u32 s1, $0xD;
	s1 =	sshrl.u32 s1, $0x2  }
0xc1: {  	s3 =	sand.u32 $0x4000, s31;
	s1 =	sadd.s32 s1, s30  }
0xc2: {  	s0 =	sor.u32 s3, s0;
	s1 =	sshll.u32 s1, $0x11  }
0xc3: {  	s0 =	sor.u32 s1, s0  }
0xc4: {  	s0 =	sadd.s32 $0x8F2B, s0  }
0xc5: {  	[sflag:s0] =	ssyncadd.remote.s32 $0x1  }
0xc6: {  	_ =	sfence.sel $0xFFFF  }
0xc7: {  	[dreg:$0x0] =	wrdreg $0xFFFFFFFF;
	(pc) =	sbr.abs _section_cstart, $3  }
0xc8: {  	[dreg:$0x1] =	wrdreg $0xFFFFFFFF  }
0xc9: {  	_ =	task.clear_ibuf [dreg:s8], $0x2FFFF;
	_ =	strace $0x9FFFFFFF  }
0xca: {  	(tm) =	ssettm $0x7FFFFFFF  }
0xcb: {  	_ =	shalt  }
tec
execute0_lowered:
.L_overlay_start_1:
0x0: {  	(tag) =	ssettag $0x1  }
0x1: {  	s7 =	rddreg [dreg:$0x0]  }
0x2: {  	s6 =	rddreg [dreg:$0x1]  }
0x3: {  	s4 =	rddreg [dreg:$0x2]  }
0x4: {  	s2 =	rddreg [dreg:$0x3]  }
0x5: {  	s0 =	rddreg [dreg:$0x4]  }
0x6: {  	s5 =	srdreg.scid;
	s1 =	stileid.u32  }
0x7: {  	s3 =	simm.s32 $0x0;
	s16 =	simm.s32 $0x80;
	s17 =	simm.s32 $0x100  }
0x8: {  	s18 =	simm.s32 $0x180;
	s19 =	simm.s32 $0x200;
	s20 =	simm.s32 $0x280  }
0x9: {  	s21 =	simm.s32 $0x300;
	s22 =	simm.s32 $0x380;
	s23 =	simm.s32 $0x1  }
0xa: {  	s8 =	sand.u32 $0x1, s5;
	s24 =	smul.u32 $0x4E000, s1;
	[smem:$0x7FF] =	sst s3  }
0xb: {  	s10 =	smul.u32 $0x13800, s1;
	s11 =	sadd.s32 $0x1600, s4;
	s29 =	sshll.u32 s1, $0x6  }
0xc: {  	s14 =	sadd.s32 $0x138000, s2;
	s15 =	sshll.u32 s1, $0xB;
	p0 =	sne.s32 s1, $0xF  }
0xd: {  	s9 =	ssub.s32 $0x2, s8;
	_ =	strace $0x80000047;
	s5 =	sor.u32 $0x1C02, s29  }
0xe: {  	s30 =	smul.u32 $0x138800, s8;
	s8 =	sshll.u32 s8, $0xF;
	s7 =	sadd.s32 s7, s15  }
0xf: {  	s15 =	simm.s32 $0x4000;
	s25 =	sshrl.u32 s9, $0x1;
	s26 =	sshrl.u32 s24, $0x2  }
0x10: {  	s28 =	sshrl.u32 s10, $0x3;
	s7 =	sadd.s32 s8, s7;
	s24 =	simm.s32 $0x0  }
0x11: {  	s12 =	ssub.s32 s9, s25;
	s13 =	sadd.s32 s26, s2;
	s4 =	sadd.s32 s6, s28  }
0x12: {  	s6 =	sadd.s32 $0x27000, s6;
	s10 =	sadd.s32 s10, s30;
	s9 =	sshrl.u32 s30, $0x3  }
0x13: {  	s31 =	sshrl.u32 s10, $0x3;
	s9 =	sadd.s32 s11, s9;
	s10 =	smax.u32 s12, $0x1  }
0x14: {  	s12 =	simm.s32 $0x2;
	s8 =	sadd.s32 s11, s31;
	s9 =	sadd.s32 $0x27000, s9  }
0x15: {  	v0 =	vimm.f32 $1.000000000e+00;
	s11 =	sshrl.u32 s13, $0x3;
	s13 =	sshrl.u32 @!p0 s14, $0x3;
	s14 =	simm.s32 $0x50  }
.LBB2_1:
0x16: {  	[tilespmem:$0x4000] =	vst v0  }
0x17: {  	[tilespmem:$0x4080] =	vst v0  }
0x18: {  	[tilespmem:$0x4100] =	vst v0  }
0x19: {  	[tilespmem:$0x4180] =	vst v0  }
0x1a: {  	[tilespmem:$0x4200] =	vst v0  }
0x1b: {  	[tilespmem:$0x4280] =	vst v0  }
0x1c: {  	[tilespmem:$0x4300] =	vst v0  }
0x1d: {  	[tilespmem:$0x4380] =	vst v0  }
0x1e: {  	[tilespmem:$0x4400] =	vst v0  }
0x1f: {  	[tilespmem:$0x4480] =	vst v0  }
0x20: {  	[tilespmem:$0x4500] =	vst v0  }
0x21: {  	[tilespmem:$0x4580] =	vst v0  }
0x22: {  	[tilespmem:$0x4600] =	vst v0  }
0x23: {  	[tilespmem:$0x4680] =	vst v0  }
0x24: {  	[tilespmem:$0x4700] =	vst v0  }
0x25: {  	[tilespmem:$0x4780] =	vst v0  }
0x26: {  	[tilespmem:$0x4800] =	vst v0  }
0x27: {  	[tilespmem:$0x4880] =	vst v0  }
0x28: {  	[tilespmem:$0x4900] =	vst v0  }
0x29: {  	[tilespmem:$0x4980] =	vst v0  }
0x2a: {  	[tilespmem:$0x4A00] =	vst v0  }
0x2b: {  	[tilespmem:$0x4A80] =	vst v0  }
0x2c: {  	[tilespmem:$0x4B00] =	vst v0  }
0x2d: {  	[tilespmem:$0x4B80] =	vst v0  }
0x2e: {  	[tilespmem:$0x4C00] =	vst v0  }
0x2f: {  	[tilespmem:$0x4C80] =	vst v0  }
0x30: {  	[tilespmem:$0x4D00] =	vst v0  }
0x31: {  	[tilespmem:$0x4D80] =	vst v0  }
0x32: {  	[tilespmem:$0x4E00] =	vst v0  }
0x33: {  	[tilespmem:$0x4E80] =	vst v0  }
0x34: {  	[tilespmem:$0x4F00] =	vst v0  }
0x35: {  	[tilespmem:$0x4F80] =	vst v0  }
0x36: {  	[tilespmem:$0x5000] =	vst v0  }
0x37: {  	[tilespmem:$0x5080] =	vst v0  }
0x38: {  	[tilespmem:$0x5100] =	vst v0  }
0x39: {  	[tilespmem:$0x5180] =	vst v0  }
0x3a: {  	[tilespmem:$0x5200] =	vst v0  }
0x3b: {  	[tilespmem:$0x5280] =	vst v0  }
0x3c: {  	[tilespmem:$0x5300] =	vst v0  }
0x3d: {  	[tilespmem:$0x5380] =	vst v0  }
0x3e: {  	[tilespmem:$0x5400] =	vst v0  }
0x3f: {  	[tilespmem:$0x5480] =	vst v0  }
0x40: {  	[tilespmem:$0x5500] =	vst v0  }
0x41: {  	[tilespmem:$0x5580] =	vst v0  }
0x42: {  	[tilespmem:$0x5600] =	vst v0  }
0x43: {  	[tilespmem:$0x5680] =	vst v0  }
0x44: {  	[tilespmem:$0x5700] =	vst v0  }
0x45: {  	[tilespmem:$0x5780] =	vst v0  }
0x46: {  	[tilespmem:$0x5800] =	vst v0  }
0x47: {  	[tilespmem:$0x5880] =	vst v0  }
0x48: {  	[tilespmem:$0x5900] =	vst v0  }
0x49: {  	[tilespmem:$0x5980] =	vst v0  }
0x4a: {  	[tilespmem:$0x5A00] =	vst v0  }
0x4b: {  	[tilespmem:$0x5A80] =	vst v0  }
0x4c: {  	[tilespmem:$0x5B00] =	vst v0  }
0x4d: {  	[tilespmem:$0x5B80] =	vst v0  }
0x4e: {  	[tilespmem:$0x5C00] =	vst v0  }
0x4f: {  	[tilespmem:$0x5C80] =	vst v0  }
0x50: {  	[tilespmem:$0x5D00] =	vst v0  }
0x51: {  	[tilespmem:$0x5D80] =	vst v0  }
0x52: {  	[tilespmem:$0x5E00] =	vst v0  }
0x53: {  	[tilespmem:$0x5E80] =	vst v0  }
0x54: {  	[tilespmem:$0x5F00] =	vst v0  }
0x55: {  	[tilespmem:$0x5F80] =	vst v0  }
0x56: {  	[tilespmem:$0x6000] =	vst v0  }
0x57: {  	[tilespmem:$0x6080] =	vst v0  }
0x58: {  	[tilespmem:$0x6100] =	vst v0  }
0x59: {  	[tilespmem:$0x6180] =	vst v0  }
0x5a: {  	[tilespmem:$0x6200] =	vst v0  }
0x5b: {  	[tilespmem:$0x6280] =	vst v0  }
0x5c: {  	[tilespmem:$0x6300] =	vst v0  }
0x5d: {  	[tilespmem:$0x6380] =	vst v0  }
0x5e: {  	[tilespmem:$0x6400] =	vst v0  }
0x5f: {  	[tilespmem:$0x6480] =	vst v0  }
0x60: {  	[tilespmem:$0x6500] =	vst v0  }
0x61: {  	[tilespmem:$0x6580] =	vst v0  }
0x62: {  	[tilespmem:$0x6600] =	vst v0  }
0x63: {  	[tilespmem:$0x6680] =	vst v0  }
0x64: {  	[tilespmem:$0x6700] =	vst v0  }
0x65: {  	[tilespmem:$0x6780] =	vst v0  }
0x66: {  	[spmem:s11], [sflag:s5] =	dma.local [hbm:s4], $0x2700  }
0x67: {  	_ =	swait.ge [sflag:s12], $0x2700  }
0x68: {  	[sflag:s12] =	ssyncset.done $0x0  }
0x69: {  	s25 =	simm.s32 @!p0 $0x2;
	[sflag:s12] =	ssyncadd.s32 $0xFFFFD900  }
0x6a: {  	[spmem:s13], [sflag:s5] =	dma.local @!p0 [hbm:s6], $0x100  }
0x6b: {  	_ =	swait.ge @!p0 [sflag:s25], $0x100  }
0x6c: {  	[sflag:s25] =	ssyncset.done @!p0 $0x0  }
0x6d: {  	[sflag:s25] =	ssyncadd.s32 @!p0 $0xFFFFFF00  }
0x6e: {  	[tilespmem:s3], [sflag:$0x2] =	stream.linear.gather [hbm4b:s7+s3], $0x3E80, $0x38;
	[tilespmem:$0x8F10] =	vst v63  }
0x6f: {  	_ =	swait.ge [sflag:s12], $0x3E80  }
0x70: {  	[sflag:s12] =	ssyncset.done $0x0  }
0x71: {  	[sflag:s12] =	ssyncadd.s32 $0xFFFFC180  }
0x72: {  	[bflag:$0x0] =	sbarrier.arrive $0xFFFF  }
0x73: {  	[spmem:s2] =	stream.indirect.scatter.add.f32 [tilespmem:s15], [sflag:$0x1], $0x10, s3, s14, $0xb8;
	[tilespmem:$0x8F10] =	vst v63  }
0x74: {  	_ = 	snop  }
0x75: {  	[spmem:s2] =	stream.indirect.scatter.add.f32 [tilespmem:s15], [sflag:$0x1], $0x10, s16, s14, $0xb8;
	[tilespmem:$0x8F10] =	vst v63  }
0x76: {  	_ = 	snop  }
0x77: {  	[spmem:s2] =	stream.indirect.scatter.add.f32 [tilespmem:s15], [sflag:$0x1], $0x10, s17, s14, $0xb8;
	[tilespmem:$0x8F10] =	vst v63  }
0x78: {  	_ = 	snop  }
0x79: {  	[spmem:s2] =	stream.indirect.scatter.add.f32 [tilespmem:s15], [sflag:$0x1], $0x10, s18, s14, $0xb8;
	[tilespmem:$0x8F10] =	vst v63  }
0x7a: {  	_ = 	snop  }
0x7b: {  	[spmem:s2] =	stream.indirect.scatter.add.f32 [tilespmem:s15], [sflag:$0x1], $0x10, s19, s14, $0xb8;
	[tilespmem:$0x8F10] =	vst v63  }
0x7c: {  	_ = 	snop  }
0x7d: {  	[spmem:s2] =	stream.indirect.scatter.add.f32 [tilespmem:s15], [sflag:$0x1], $0x10, s20, s14, $0xb8;
	[tilespmem:$0x8F10] =	vst v63  }
0x7e: {  	_ = 	snop  }
0x7f: {  	[spmem:s2] =	stream.indirect.scatter.add.f32 [tilespmem:s15], [sflag:$0x1], $0x10, s21, s14, $0xb8;
	[tilespmem:$0x8F10] =	vst v63  }
0x80: {  	_ = 	snop  }
0x81: {  	[spmem:s2] =	stream.indirect.scatter.add.f32 [tilespmem:s15], [sflag:$0x1], $0x10, s22, s14, $0xb8;
	[tilespmem:$0x8F10] =	vst v63  }
0x82: {  	_ =	swait.ge [sflag:s23], $0x500  }
0x83: {  	[sflag:s23] =	ssyncset.done $0x0  }
0x84: {  	s26 =	simm.s32 $0x400;
	s25 =	simm.s32 $0x1200;
	[sflag:s23] =	ssyncadd.s32 $0xFFFFFB00  }
.LBB2_2:
0x85: {  	[spmem:s2] =	stream.indirect.scatter.add.f32 [tilespmem:s15], [sflag:$0x1], $0x10, s26, s14, $0xb8;
	[tilespmem:$0x8F10] =	vst v63  }
0x86: {  	s26 =	smov.u32 s25;
	p1 =	sne.s32 s25, $0xF800  }
.Ltmp0:
0x87: {  	s25 =	sadd.s32 $0x200, s25;
	(pc) =	sbr.rel @p1 .LBB2_2-.Ltmp0, $4  }
0x88: {  	_ = 	snop  }
0x89: {  	_ =	swait.ge [sflag:s23], $0x500  }
0x8a: {  	[sflag:s23] =	ssyncset.done $0x0  }
0x8b: {  	s26 =	sshra.s32 s26, $0x2;
	[sflag:s23] =	ssyncadd.s32 $0xFFFFFB00  }
0x8c: {  	[spmem:s2] =	stream.indirect.scatter.add.f32 [tilespmem:s15], [sflag:$0x1], $0x10, s26, s14, $0xb8;
	[tilespmem:$0x8F10] =	vst v63  }
0x8d: {  	_ =	swait.ge [sflag:s23], $0x500  }
0x8e: {  	[sflag:s23] =	ssyncset.done $0x0  }
0x8f: {  	[sflag:s23] =	ssyncadd.s32 $0xFFFFFB00  }
0x90: {  	_ =	swait.ge [sflag:s23], $0x500  }
0x91: {  	[sflag:s23] =	ssyncset.done $0x0  }
0x92: {  	[sflag:s23] =	ssyncadd.s32 $0xFFFFFB00  }
0x93: {  	_ =	swait.ge [sflag:s23], $0x500  }
0x94: {  	[sflag:s23] =	ssyncset.done $0x0  }
0x95: {  	[sflag:s23] =	ssyncadd.s32 $0xFFFFFB00  }
0x96: {  	_ =	swait.ge [sflag:s23], $0x500  }
0x97: {  	[sflag:s23] =	ssyncset.done $0x0  }
0x98: {  	[sflag:s23] =	ssyncadd.s32 $0xFFFFFB00  }
0x99: {  	_ =	swait.ge [sflag:s23], $0x500  }
0x9a: {  	[sflag:s23] =	ssyncset.done $0x0  }
0x9b: {  	[sflag:s23] =	ssyncadd.s32 $0xFFFFFB00  }
0x9c: {  	_ =	swait.ge [sflag:s23], $0x500  }
0x9d: {  	[sflag:s23] =	ssyncset.done $0x0  }
0x9e: {  	[sflag:s23] =	ssyncadd.s32 $0xFFFFFB00  }
0x9f: {  	_ =	swait.ge [sflag:s23], $0x500  }
0xa0: {  	[sflag:s23] =	ssyncset.done $0x0  }
0xa1: {  	[sflag:s23] =	ssyncadd.s32 $0xFFFFFB00  }
0xa2: {  	_ =	swait.ge [sflag:s23], $0x500  }
0xa3: {  	[sflag:s23] =	ssyncset.done $0x0  }
0xa4: {  	[sflag:s23] =	ssyncadd.s32 $0xFFFFFB00  }
0xa5: {  	[bflag:$0x0] =	sbarrier.arrive $0xFFFF  }
0xa6: {  	[hbm:s8], [sflag:s5] =	dma.local [spmem:s11], $0x2700  }
0xa7: {  	s24 =	sadd.s32 $0x1, s24;
	_ =	swait.ge [sflag:s12], $0x2700  }
0xa8: {  	p1 =	sne.s32 s24, s10;
	[sflag:s12] =	ssyncset.done $0x0  }
.Ltmp1:
0xa9: {  	s25 =	simm.s32 @!p0 $0x2;
	[sflag:s12] =	ssyncadd.s32 $0xFFFFD900;
	(pc) =	sbr.rel @p1 .LBB2_1-.Ltmp1, $4  }
0xaa: {  	[hbm:s9], [sflag:s5] =	dma.local @!p0 [spmem:s13], $0x100  }
0xab: {  	_ =	swait.ge @!p0 [sflag:s25], $0x100  }
0xac: {  	[sflag:s25] =	ssyncset.done @!p0 $0x0  }
0xad: {  	[sflag:s25] =	ssyncadd.s32 @!p0 $0xFFFFFF00  }
0xae: {  	_ =	sfence.sel $0x180000  }
0xaf: {  	[bflag:$0x0] =	sbarrier.arrive $0xFFFF  }
0xb0: {  	p0 =	sne.s32 s1, $0x0;
	_ =	strace $0x90000047  }
0xb1: {  	s0 =	sadd.s32 @!p0 $0x100000, s0;
	[bflag:$0x2] =	sbarrier.arrive $0xFFFF  }
0xb2: {  	[sflag:s0] =	ssyncadd.tile.s32 @!p0 $0x1;
	_ =	shalt  }
.Lfunc_end2:
_tile_overlayer_lowered:
.L_overlay_start_2:
0xb3: {  	(tag) =	ssettag $0x2  }
0xb4: {  	s0 =	rddreg [dreg:$0x0];
	s2 =	stileid.u32  }
0xb5: {  	s1 =	rddreg [dreg:$0x1];
	p0 =	sne.s32 s2, $0x0  }
0xb6: {  	s3 =	rddreg [dreg:$0x2];
	[bflag:$0x3] =	sbarrier.arrive $0xFFFF;
	s2 =	simm.s32 @!p0 $0x1C02  }
0xb7: {  	[timem:s3], [sflag:s2] =	dma.local @!p0 [hbm:s0], s1  }
0xb8: {  	s0 =	simm.s32 @!p0 $0x2  }
0xb9: {  	_ =	swait.ge @!p0 [sflag:s0], s1  }
0xba: {  	s1 =	ssub.s32 @!p0 $0x0, s1;
	[sflag:s0] =	ssyncset.done @!p0 $0x0  }
0xbb: {  	[sflag:s0] =	ssyncadd.s32 @!p0 s1  }
0xbc: {  	[bflag:$0x3] =	sbarrier.arrive $0xFFFF  }
0xbd: {  	_ =	shalt  }

// kernel: kernel.9.cloned.1.call-start
scs
__scs_entry_jumppad:
0x0: {  	(pc) =	sbr.rel $0x88, $3  }
0x1: {  	(tag) =	ssettag $0x0;
	lr =	simm.s32 $0x1  }
0x2: {  	[smem:$0x3F9B] =	sst lr;
	_ =	strace $0xD0000000  }
0x3: {  	_ = 	snop  }
0x4: {  	_ = 	snop  }
0x5: {  	_ = 	snop  }
0x6: {  	_ = 	snop  }
0x7: {  	_ = 	snop  }
__scs_overlays_trampoline_lowered:
0x8: {  	[smem:$0x3FAA] =	sst s0  }
0x9: {  	[smem:$0x3FAB] =	sst s1  }
0xa: {  	[smem:$0x3FAC] =	sst s2  }
0xb: {  	[smem:$0x3FAD] =	sst s3  }
0xc: {  	[smem:$0x3FAE] =	sst s4  }
0xd: {  	[smem:$0x3FAF] =	sst s5  }
0xe: {  	[smem:$0x3FB0] =	sst s6  }
0xf: {  	[smem:$0x3FB1] =	sst s7  }
0x10: {  	[smem:$0x3FB2] =	sst s8  }
0x11: {  	[smem:$0x3FB3] =	sst s9;
	s0 =	simm.s32 @!p0 $0x0  }
0x12: {  	s1 =	sld [smem:$0x3F99];
	s0 =	simm.s32 @p0 $0x1  }
0x13: {  	[smem:$0x3FB4] =	sst s0;
	s0 =	simm.s32 @!p1 $0x0  }
0x14: {  	s2 =	sld [smem:$0x3F98];
	s0 =	simm.s32 @p1 $0x1  }
0x15: {  	[smem:$0x3FB5] =	sst s0;
	s0 =	simm.s32 @!p2 $0x0  }
0x16: {  	s3 =	sld [smem:$0x3FDB];
	s0 =	simm.s32 @p2 $0x1  }
0x17: {  	s4 =	simm.s32 $0x1BF5;
	[smem:$0x3FB7] =	sst s0  }
0x18: {  	s0 =	sld [smem:$0x3F9A];
	_ =	swait.ge [sflag:s4], $0x0  }
0x19: {  	s7 =	sld [smem:$0x3F9B]  }
0x1a: {  	s8 =	sadd.s32 $0xFFFFE003, lr  }
0x1b: {  	s9 =	sadd.s32 $0xFFFFFEF7, lr;
	s5 =	simm.s32 $0xFFFFFFFF;
	p2 =	slt.u32 s8, $0xFFFFF086  }
0x1c: {  	p1 =	slt.u32 s9, $0xF7A;
	s5 =	simm.s32 @!p2 $0x0  }
0x1d: {  	s5 =	simm.s32 @p1 $0x1;
	p0 =	seq.s32 s7, s2  }
0x1e: {  	s7 =	smul.u32 @!p0 $0xF7A, s2;
	p2 =	seq.s32 @!p0 s5, $0x0  }
0x1f: {  	s9 =	smul.u32 $0xF7A, s1;
	s8 =	simm.s32 @!p0 $0x1BF5;
	p2 =	por !p2, p0  }
0x20: {  	[sflag:s8] =	ssyncset.s32 @!p0 $0xFFFFF086;
	s6 =	sadd.s32 @!p0 s3, s7;
	s7 =	simm.s32 @!p0 $0x108  }
0x21: {  	s3 =	sadd.s32 s3, s9;
	s6 =	sadd.s32 @!p0 $0x88, s6;
	s7 =	simm.s32 @p2 $0x1082  }
0x22: {  	[simem:s7], [sflag:s8] =	dma.local @!p0 [hbm:s6], $0xF7A  }
0x23: {  	s9 =	sor.u32 $0xD0000000, s2;
	s6 =	simm.s32 $0x108;
	_ =	swait.ge @!p0 [sflag:s8], $0x0  }
0x24: {  	s3 =	sadd.s32 $0x88, s3;
	s6 =	simm.s32 @!p1 $0x1082;
	[sflag:s4] =	ssyncset.s32 $0xFFFFF086  }
0x25: {  	[simem:s6], [sflag:s4] =	dma.local [hbm:s3], $0xF7A  }
0x26: {  	[smem:$0x3F9B] =	sst s1;
	(tag) =	ssettag s2;
	_ =	strace s9  }
0x27: {  	s1 =	sld [smem:$0x3FAB]  }
0x28: {  	s2 =	sld [smem:$0x3FAC]  }
0x29: {  	s4 =	sld [smem:$0x3FAE]  }
0x2a: {  	p0 =	seq.s32 s5, $0x0;
	s5 =	sld [smem:$0x3FAF]  }
0x2b: {  	s6 =	sld [smem:$0x3FB0]  }
0x2c: {  	s7 =	sld [smem:$0x3FB1]  }
0x2d: {  	s3 =	simm.s32 $0x108;
	s8 =	sld [smem:$0x3FB2]  }
0x2e: {  	s3 =	simm.s32 @!p0 $0x1082;
	s9 =	sld [smem:$0x3FB3]  }
0x2f: {  	lr =	sadd.s32 s0, s3;
	s0 =	sld [smem:$0x3FAA]  }
0x30: {  	s3 =	sld [smem:$0x3FAD]  }
0x31: {  	[smem:$0x3FB6] =	sst s10  }
0x32: {  	s10 =	sld [smem:$0x3FB4];
	_ =	sdelay $0x3  }
0x33: {  	p0 =	seq.s32 s10, $0x1;
	s10 =	sld [smem:$0x3FB6];
	_ =	sdelay $0x3  }
0x34: {  	[smem:$0x3FB6] =	sst s10  }
0x35: {  	s10 =	sld [smem:$0x3FB5];
	_ =	sdelay $0x3  }
0x36: {  	p1 =	seq.s32 s10, $0x1;
	s10 =	sld [smem:$0x3FB6];
	_ =	sdelay $0x3  }
0x37: {  	[smem:$0x3FB6] =	sst s10  }
0x38: {  	s10 =	sld [smem:$0x3FB7]  }
0x39: {  	_ = 	snop;
	(pc) =	sbr.ind lr, $3  }
0x3a: {  	_ = 	snop  }
0x3b: {  	_ = 	snop  }
0x3c: {  	p2 =	seq.s32 s10, $0x1;
	s10 =	sld [smem:$0x3FB6]  }
0x3d: {  	_ =	shalt  }
0x3e: {  	_ =	shalt  }
0x3f: {  	_ =	shalt  }
0x40: {  	_ =	shalt  }
0x41: {  	_ =	shalt  }
0x42: {  	_ =	shalt  }
0x43: {  	_ =	shalt  }
0x44: {  	_ =	shalt  }
0x45: {  	_ =	shalt  }
0x46: {  	_ =	shalt  }
0x47: {  	_ =	shalt  }
0x48: {  	_ =	shalt  }
0x49: {  	_ =	shalt  }
0x4a: {  	_ =	shalt  }
0x4b: {  	_ =	shalt  }
0x4c: {  	_ =	shalt  }
0x4d: {  	_ =	shalt  }
0x4e: {  	_ =	shalt  }
0x4f: {  	_ =	shalt  }
0x50: {  	_ =	shalt  }
0x51: {  	_ =	shalt  }
0x52: {  	_ =	shalt  }
0x53: {  	_ =	shalt  }
0x54: {  	_ =	shalt  }
0x55: {  	_ =	shalt  }
0x56: {  	_ =	shalt  }
0x57: {  	_ =	shalt  }
0x58: {  	_ =	shalt  }
0x59: {  	_ =	shalt  }
0x5a: {  	_ =	shalt  }
0x5b: {  	_ =	shalt  }
0x5c: {  	_ =	shalt  }
0x5d: {  	_ =	shalt  }
0x5e: {  	_ =	shalt  }
0x5f: {  	_ =	shalt  }
0x60: {  	_ =	shalt  }
0x61: {  	_ =	shalt  }
0x62: {  	_ =	shalt  }
0x63: {  	_ =	shalt  }
0x64: {  	_ =	shalt  }
0x65: {  	_ =	shalt  }
0x66: {  	_ =	shalt  }
0x67: {  	_ =	shalt  }
0x68: {  	_ =	shalt  }
0x69: {  	_ =	shalt  }
0x6a: {  	_ =	shalt  }
0x6b: {  	_ =	shalt  }
0x6c: {  	_ =	shalt  }
0x6d: {  	_ =	shalt  }
0x6e: {  	_ =	shalt  }
0x6f: {  	_ =	shalt  }
0x70: {  	_ =	shalt  }
0x71: {  	_ =	shalt  }
0x72: {  	_ =	shalt  }
0x73: {  	_ =	shalt  }
0x74: {  	_ =	shalt  }
0x75: {  	_ =	shalt  }
0x76: {  	_ =	shalt  }
0x77: {  	_ =	shalt  }
0x78: {  	_ =	shalt  }
0x79: {  	_ =	shalt  }
0x7a: {  	_ =	shalt  }
0x7b: {  	_ =	shalt  }
0x7c: {  	_ =	shalt  }
0x7d: {  	_ =	shalt  }
0x7e: {  	_ =	shalt  }
0x7f: {  	_ =	shalt  }
0x80: {  	_ =	shalt  }
0x81: {  	_ =	shalt  }
0x82: {  	_ =	shalt  }
0x83: {  	_ =	shalt  }
0x84: {  	_ =	shalt  }
0x85: {  	_ =	shalt  }
0x86: {  	_ =	shalt  }
0x87: {  	_ =	shalt  }
.Lfunc_end0:
.L_simem_size_0:
called_computation.1_lowered:
.L_overlay_start_0:
0x88: {  	s2 =	sld [smem:$0x3FD9]  }
0x89: {  	s3 =	sld [smem:$0x3FFE];
	_ =	sdelay $0x1  }
0x8a: {  	s1 =	srdreg.scid  }
0x8b: {  	s0 =	sand.u32 $0x1, s1  }
0x8c: {  	s14 =	sshll.u32 s0, $0xA;
	s2 =	sadd.s32 s3, s2  }
0x8d: {  	s2 =	sadd.s32 s2, s14  }
0x8e: {  	[smem:$0x3FC2] =	sst s2  }
0x8f: {  	_ = 	snop  }
0x90: {  	s2 =	sld [smem:$0x3FD0];
	_ =	sdelay $0x2  }
0x91: {  	s15 =	simm.s32 $0xA;
	s4 =	simm.s32 $0x10  }
0x92: {  	[smem:s4], [sflag:s15] =	dma.local [hbm:s2], $0x1  }
0x93: {  	_ =	swait.eq [sflag:s15], $0x1  }
0x94: {  	[sflag:s15] =	ssyncset.done $0x0  }
0x95: {  	s16 =	sld [smem:$0x10];
	[sflag:s15] =	ssyncadd.s32 $0xFFFFFFFF  }
0x96: {  	s17 =	sld [smem:$0x11];
	(tm) =	ssettm $0x1  }
0x97: {  	s18 =	sld [smem:$0x3FFB];
	_ =	sdelay $0x3  }
0x98: {  	_ =	strace s18  }
0x99: {  	s4 =	sld [smem:$0x3FFC];
	_ =	sdelay $0x3  }
0x9a: {  	_ =	strace s4  }
0x9b: {  	s4 =	sld [smem:$0x3FFD];
	_ =	sdelay $0x3  }
0x9c: {  	_ =	strace s4  }
0x9d: {  	_ =	strace $0x8FFFFFFF  }
0x9e: {  	s19 =	sld [smem:$0x3FDB];
	_ =	sdelay $0x1  }
0x9f: {  	s5 =	simm.s32 $_scs_section_size  }
0xa0: {  	s6 =	simm.s32 $_size__tile_overlayer_lowered;
	s7 =	simm.s32 $_tile_overlayer_lowered  }
0xa1: {  	s22 =	simm.s32 $0x1BFF;
	s21 =	sshll.u32 s7, $0x1;
	s4 =	sadd.s32 s5, s19  }
0xa2: {  	s8 =	simm.s32 $0x0;
	s20 =	sshll.u32 s6, $0x1;
	s6 =	sadd.s32 s21, s4  }
0xa3: {  	[timem:s8], [sflag:s22] =	dma.local [hbm:s6], s20  }
0xa4: {  	_ =	swait.ge [sflag:s22], s20  }
0xa5: {  	s5 =	ssub.s32 $0x0, s20;
	[sflag:s22] =	ssyncset.done $0x0  }
0xa6: {  	[sflag:s22] =	ssyncadd.s32 s5;
	_ =	sdelay $0x1  }
0xa7: {  	s23 =	simm.s32 $0x1B8B  }
0xa8: {  	_ =	swait.ge [sflag:s23], $0x1  }
0xa9: {  	[sflag:s23] =	ssyncset.done $0x0  }
0xaa: {  	s25 =	simm.s32 $0x1B8E;
	s24 =	sld [smem:$0x3FFE];
	[sflag:s23] =	ssyncadd.s32 $0xFFFFFFFF  }
0xab: {  	s26 =	simm.s32 $execute0_lowered;
	[smem:$0x3FD2] =	sst s25  }
0xac: {  	s6 =	sshll.u32 s26, $0x1;
	_ =	strace $0x80000049;
	[dreg:$0x1] =	wrdreg $0xFFFFFFFF  }
0xad: {  	s28 =	simm.s32 $_size_execute0_lowered;
	s4 =	sadd.s32 s4, s6;
	[dreg:$0x0] =	wrdreg $0x0  }
0xae: {  	s6 =	sshll.u32 s28, $0x1;
	[dreg:$0x2] =	wrdreg s4  }
0xaf: {  	[dreg:$0x3] =	wrdreg s6  }
0xb0: {  	[dreg:$0x4] =	wrdreg $0xC0  }
0xb1: {  	_ =	task [dreg:s8], $0x5FFFF  }
0xb2: {  	[dreg:$0x1] =	wrdreg $0xFFFFFFFF  }
0xb3: {  	[dreg:$0x0] =	wrdreg $0x60  }
0xb4: {  	[dreg:$0x2] =	wrdreg s17  }
0xb5: {  	[dreg:$0x3] =	wrdreg s24  }
0xb6: {  	[dreg:$0x4] =	wrdreg s16  }
0xb7: {  	[dreg:$0x5] =	wrdreg $0x9C000  }
0xb8: {  	[dreg:$0x6] =	wrdreg $0x9  }
0xb9: {  	_ =	task.clear_ibuf [dreg:s8], $0x7FFFF;
	_ =	strace $0x90000049  }
0xba: {  	s29 =	simm.s32 $0x9;
	_ =	strace $0x8000004B  }
0xbb: {  	_ =	swait.ge [sflag:s29], $0x1  }
0xbc: {  	[sflag:s29] =	ssyncadd.s32 $0xFFFFFFFF  }
0xbd: {  	_ =	strace $0x9000004B  }
0xbe: {  	_ =	sfence  }
0xbf: {  	s30 =	sld [smem:$0x0];
	_ =	sdelay $0x2  }
0xc0: {  	s31 =	sshll.u32 s1, $0xD;
	s1 =	sshrl.u32 s1, $0x2  }
0xc1: {  	s3 =	sand.u32 $0x4000, s31;
	s1 =	sadd.s32 s1, s30  }
0xc2: {  	s0 =	sor.u32 s3, s0;
	s1 =	sshll.u32 s1, $0x11  }
0xc3: {  	s0 =	sor.u32 s1, s0  }
0xc4: {  	s0 =	sadd.s32 $0x8F2B, s0  }
0xc5: {  	[sflag:s0] =	ssyncadd.remote.s32 $0x1  }
0xc6: {  	_ =	sfence.sel $0xFFFF  }
0xc7: {  	[dreg:$0x0] =	wrdreg $0xFFFFFFFF;
	(pc) =	sbr.abs _section_cstart, $3  }
0xc8: {  	[dreg:$0x1] =	wrdreg $0xFFFFFFFF  }
0xc9: {  	_ =	task.clear_ibuf [dreg:s8], $0x2FFFF;
	_ =	strace $0x9FFFFFFF  }
0xca: {  	(tm) =	ssettm $0x7FFFFFFF  }
0xcb: {  	_ =	shalt  }
tec
execute0_lowered:
.L_overlay_start_1:
0x0: {  	(tag) =	ssettag $0x1  }
0x1: {  	s1 =	rddreg [dreg:$0x0]  }
0x2: {  	s0 =	rddreg [dreg:$0x1]  }
0x3: {  	s12 =	rddreg [dreg:$0x2]  }
0x4: {  	s3 =	rddreg [dreg:$0x3]  }
0x5: {  	s4 =	simm.s32 $0x0;
	s5 =	srdreg.scid;
	s14 =	stileid.u32  }
0x6: {  	s28 =	simm.s32 $0x80;
	s29 =	simm.s32 $0x4C00;
	s30 =	simm.s32 $0x100  }
0x7: {  	s31 =	simm.s32 $0x6000;
	[smem:$0x7FF] =	sst s4;
	s2 =	sadd.s32 $0x72800, s0  }
0x8: {  	s6 =	sadd.s32 $0x4F800, s0;
	s5 =	sand.u32 $0x1, s5;
	s8 =	smul.u32 $0x4E000, s14  }
0x9: {  	s0 =	sadd.s32 $0x1600, s0;
	s10 =	smul.u32 $0x2700, s14;
	p1 =	seq.s32 s14, $0xF  }
0xa: {  	p2 =	sne.s32 s14, $0xF;
	_ =	strace $0x8000004A;
	s7 =	sshll.u32 s5, $0x4  }
0xb: {  	s9 =	ssub.s32 $0x2, s5;
	s19 =	smul.u32 $0x138800, s5;
	p0 =	sne.s32 s5, $0x0  }
0xc: {  	s5 =	simm.s32 $0x1;
	s7 =	sor.u32 s14, s7;
	s11 =	sshrl.u32 s9, $0x1  }
0xd: {  	s8 =	sshrl.u32 s8, $0x2;
	s13 =	sadd.s32 s12, s10;
	s10 =	sadd.s32 s1, s10  }
0xe: {  	s12 =	simm.s32 $0x5;
	s7 =	smul.u32 $0x8C00, s7;
	[dreg:$0x6] =	wrdreg s13  }
0xf: {  	s9 =	ssub.s32 s9, s11;
	s8 =	sadd.s32 s8, s3;
	[dreg:$0x7] =	wrdreg s10  }
0x10: {  	s13 =	smul.u32 $0x13800, s14;
	s14 =	simm.s32 $0x3300;
	[dreg:$0x5] =	wrdreg s8  }
0x11: {  	s8 =	sadd.s32 $0x138000, s3;
	s26 =	smax.u32 s9, $0x1;
	s9 =	simm.s32 $0x8800  }
0x12: {  	s7 =	sshrl.u32 s7, $0x3;
	s24 =	sadd.s32 s13, s19;
	[dreg:$0x14] =	wrdreg s26  }
0x13: {  	s26 =	simm.s32 $0x3800;
	s13 =	simm.s32 $0x3280;
	s15 =	sadd.s32 s2, s7  }
0x14: {  	s16 =	sadd.s32 s6, s7;
	s17 =	sadd.s32 $0x380, s7;
	[dreg:$0x8] =	wrdreg s15  }
0x15: {  	s20 =	sadd.s32 $0x700, s7;
	[dreg:$0x9] =	wrdreg s16;
	s18 =	sadd.s32 s2, s17  }
0x16: {  	s21 =	sadd.s32 $0xA80, s7;
	s10 =	sadd.s32 s6, s17;
	[dreg:$0xa] =	wrdreg s18  }
0x17: {  	s7 =	sadd.s32 $0xE00, s7;
	s15 =	sadd.s32 s2, s20;
	[dreg:$0xb] =	wrdreg s10  }
0x18: {  	s25 =	sshrl.u32 s24, $0x3;
	s11 =	sadd.s32 s6, s20;
	[dreg:$0xc] =	wrdreg s15  }
0x19: {  	s24 =	simm.s32 $0x1C00;
	s22 =	sadd.s32 s2, s21;
	[dreg:$0xd] =	wrdreg s11  }
0x1a: {  	s23 =	sadd.s32 s6, s21;
	s2 =	sadd.s32 s2, s7;
	[dreg:$0xe] =	wrdreg s22  }
0x1b: {  	s6 =	sadd.s32 s6, s7;
	s7 =	simm.s32 $0x200;
	[dreg:$0xf] =	wrdreg s23  }
0x1c: {  	s16 =	simm.s32 $0x3400;
	s17 =	simm.s32 $0x3480;
	[dreg:$0x10] =	wrdreg s2  }
0x1d: {  	s10 =	sshrl.u32 s19, $0x3;
	[dreg:$0x11] =	wrdreg s6;
	s2 =	sadd.s32 s0, s25  }
0x1e: {  	s23 =	simm.s32 $0x6;
	s25 =	simm.s32 $0x28;
	s6 =	simm.s32 $0x2  }
0x1f: {  	s11 =	simm.s32 $0x4;
	s15 =	simm.s32 $0x3380;
	s0 =	sadd.s32 s0, s10  }
0x20: {  	[dreg:$0x12] =	wrdreg s2;
	s2 =	simm.s32 $0x7400;
	s0 =	sadd.s32 $0x27000, s0  }
0x21: {  	s10 =	simm.s32 $0x3;
	[dreg:$0x13] =	wrdreg s0;
	s0 =	simm.s32 $0x180  }
.LBB2_1:
.Ltmp0:
0x22: {  	(pc) =	sbr.rel @p0 .LBB2_3-.Ltmp0, $4  }
0x23: {  	_ = 	snop  }
0x24: {  	s18 =	stileid.u32  }
0x25: {  	s19 =	rddreg [dreg:$0x5];
	s18 =	sshll.u32 s18, $0x6  }
0x26: {  	s19 =	sshrl.u32 s19, $0x3;
	s20 =	sor.u32 $0x1C06, s18  }
0x27: {  	s20 =	sor.u32 $0x1C06, s18;
	s21 =	rddreg [dreg:$0x7]  }
0x28: {  	[spmem:s19], [sflag:s20] =	dma.local [hbm:s21], $0x2700  }
.Ltmp1:
0x29: {  	_ = 	snop;
	(pc) =	sbr.rel @p1 .LBB2_4-.Ltmp1, $4  }
.Ltmp2:
0x2a: {  	_ = 	snop;
	(pc) =	sbr.rel @!p1 .LBB2_5-.Ltmp2, $4  }
0x2b: {  	_ =	swait.ge [sflag:s23], $0x2700  }
0x2c: {  	[sflag:s23] =	ssyncset.done $0x0  }
0x2d: {  	s21 =	smov.u32 s1;
	[sflag:s23] =	ssyncadd.s32 $0xFFFFD900  }
0x2e: {  	_ = 	snop  }
.LBB2_3:
0x2f: {  	s21 =	rddreg [dreg:$0x6]  }
0x30: {  	[spmem:s19], [sflag:s20] =	dma.local [hbm:s21], $0x2700  }
.Ltmp3:
0x31: {  	_ = 	snop;
	(pc) =	sbr.rel @p2 .LBB2_5-.Ltmp3, $4  }
0x32: {  	_ =	swait.ge [sflag:s23], $0x2700  }
0x33: {  	[sflag:s23] =	ssyncset.done $0x0  }
0x34: {  	[sflag:s23] =	ssyncadd.s32 $0xFFFFD900  }
0x35: {  	s21 =	rddreg [dreg:$0x2]  }
.LBB2_4:
0x36: {  	s21 =	sadd.s32 $0x27000, s21;
	s22 =	sshrl.u32 s8, $0x3  }
0x37: {  	[spmem:s22], [sflag:s20] =	dma.local [hbm:s21], $0x100  }
0x38: {  	_ =	swait.ge [sflag:s23], $0x100  }
0x39: {  	[sflag:s23] =	ssyncset.done $0x0  }
0x3a: {  	[sflag:s23] =	ssyncadd.s32 $0xFFFFFF00  }
.LBB2_5:
0x3b: {  	[bflag:$0x0] =	sbarrier.arrive $0xFFFF  }
0x3c: {  	s20 =	simm.s32 $0x0;
	s21 =	rddreg [dreg:$0x8]  }
0x3d: {  	[tilespmem:s20], [sflag:$0x6] =	stream.linear.gather [hbm4b:s21+s20], $0x1900, $0x38;
	[tilespmem:$0x1D480] =	vst v63  }
0x3e: {  	_ =	swait.ge [sflag:s23], $0x1900  }
0x3f: {  	[sflag:s23] =	ssyncset.done $0x0  }
0x40: {  	s22 =	rddreg [dreg:$0x9];
	[sflag:s23] =	ssyncadd.s32 $0xFFFFE700  }
0x41: {  	[tilespmem:s24], [sflag:$0x6] =	stream.linear.gather [hbm4b:s22+s20], $0x1900, $0x38;
	[tilespmem:$0x1D480] =	vst v63  }
0x42: {  	_ =	swait.ge [sflag:s23], $0x1900  }
0x43: {  	[sflag:s23] =	ssyncset.done $0x0  }
0x44: {  	[sflag:s23] =	ssyncadd.s32 $0xFFFFE700  }
0x45: {  	[tilespmem:s26], [sflag:$0x1] =	stream.indirect.gather [hbm4b:s1+s25], $0x80, s20, s25, $0xb8;
	[tilespmem:$0x1D480] =	vst v63  }
0x46: {  	_ = 	snop  }
0x47: {  	[tilespmem:s29], [sflag:$0x2] =	stream.indirect.gather [hbm4b:s1+s25], $0x80, s28, s25, $0xb8;
	[tilespmem:$0x1D480] =	vst v63  }
0x48: {  	_ = 	snop  }
0x49: {  	[tilespmem:s31], [sflag:$0x3] =	stream.indirect.gather [hbm4b:s1+s25], $0x80, s30, s25, $0xb8;
	[tilespmem:$0x1D480] =	vst v63  }
0x4a: {  	_ = 	snop  }
0x4b: {  	[tilespmem:s2], [sflag:$0x4] =	stream.indirect.gather [hbm4b:s1+s25], $0x80, s0, s25, $0xb8;
	[tilespmem:$0x1D480] =	vst v63  }
0x4c: {  	_ = 	snop  }
0x4d: {  	[tilespmem:s9], [sflag:$0x5] =	stream.indirect.gather [hbm4b:s1+s25], $0x80, s7, s25, $0xb8;
	[tilespmem:$0x1D480] =	vst v63  }
0x4e: {  	_ =	swait.ge [sflag:s5], $0x1400  }
0x4f: {  	[sflag:s5] =	ssyncset.done $0x0  }
0x50: {  	s22 =	simm.s32 $0x1C00;
	[sflag:s5] =	ssyncadd.s32 $0xFFFFEC00  }
0x51: {  	[spmem:s3] =	stream.indirect.scatter.add.f32 [tilespmem:s26], [sflag:$0x6], $0x80, s22, s25, $0xb8;
	[tilespmem:$0x1D480] =	vst v63  }
0x52: {  	_ =	swait.ge [sflag:s23], $0x1400  }
0x53: {  	[sflag:s23] =	ssyncset.done $0x0  }
0x54: {  	s21 =	simm.s32 $0x280;
	[sflag:s23] =	ssyncadd.s32 $0xFFFFEC00  }
0x55: {  	[tilespmem:s26], [sflag:$0x1] =	stream.indirect.gather [hbm4b:s1+s25], $0x80, s21, s25, $0xb8;
	[tilespmem:$0x1D480] =	vst v63  }
0x56: {  	_ =	swait.ge [sflag:s6], $0x1400  }
0x57: {  	[sflag:s6] =	ssyncset.done $0x0  }
0x58: {  	s22 =	simm.s32 $0x1C80;
	[sflag:s6] =	ssyncadd.s32 $0xFFFFEC00  }
0x59: {  	[spmem:s3] =	stream.indirect.scatter.add.f32 [tilespmem:s29], [sflag:$0x6], $0x80, s22, s25, $0xb8;
	[tilespmem:$0x1D480] =	vst v63  }
0x5a: {  	_ =	swait.ge [sflag:s23], $0x1400  }
0x5b: {  	[sflag:s23] =	ssyncset.done $0x0  }
0x5c: {  	s21 =	simm.s32 $0x300;
	[sflag:s23] =	ssyncadd.s32 $0xFFFFEC00  }
0x5d: {  	[tilespmem:s29], [sflag:$0x2] =	stream.indirect.gather [hbm4b:s1+s25], $0x80, s21, s25, $0xb8;
	[tilespmem:$0x1D480] =	vst v63  }
0x5e: {  	_ =	swait.ge [sflag:s10], $0x1400  }
0x5f: {  	[sflag:s10] =	ssyncset.done $0x0  }
0x60: {  	s22 =	simm.s32 $0x1D00;
	[sflag:s10] =	ssyncadd.s32 $0xFFFFEC00  }
0x61: {  	[spmem:s3] =	stream.indirect.scatter.add.f32 [tilespmem:s31], [sflag:$0x6], $0x80, s22, s25, $0xb8;
	[tilespmem:$0x1D480] =	vst v63  }
0x62: {  	_ =	swait.ge [sflag:s23], $0x1400  }
0x63: {  	[sflag:s23] =	ssyncset.done $0x0  }
0x64: {  	s21 =	simm.s32 $0x380;
	[sflag:s23] =	ssyncadd.s32 $0xFFFFEC00  }
0x65: {  	[tilespmem:s31], [sflag:$0x3] =	stream.indirect.gather [hbm4b:s1+s25], $0x80, s21, s25, $0xb8;
	[tilespmem:$0x1D480] =	vst v63  }
0x66: {  	_ =	swait.ge [sflag:s11], $0x1400  }
0x67: {  	[sflag:s11] =	ssyncset.done $0x0  }
0x68: {  	s22 =	simm.s32 $0x1D80;
	[sflag:s11] =	ssyncadd.s32 $0xFFFFEC00  }
0x69: {  	[spmem:s3] =	stream.indirect.scatter.add.f32 [tilespmem:s2], [sflag:$0x6], $0x80, s22, s25, $0xb8;
	[tilespmem:$0x1D480] =	vst v63  }
0x6a: {  	_ =	swait.ge [sflag:s23], $0x1400  }
0x6b: {  	[sflag:s23] =	ssyncset.done $0x0  }
0x6c: {  	s21 =	simm.s32 $0x400;
	[sflag:s23] =	ssyncadd.s32 $0xFFFFEC00  }
0x6d: {  	[tilespmem:s2], [sflag:$0x4] =	stream.indirect.gather [hbm4b:s1+s25], $0x80, s21, s25, $0xb8;
	[tilespmem:$0x1D480] =	vst v63  }
0x6e: {  	_ =	swait.ge [sflag:s12], $0x1400  }
0x6f: {  	[sflag:s12] =	ssyncset.done $0x0  }
0x70: {  	s22 =	simm.s32 $0x1E00;
	[sflag:s12] =	ssyncadd.s32 $0xFFFFEC00  }
0x71: {  	[spmem:s3] =	stream.indirect.scatter.add.f32 [tilespmem:s9], [sflag:$0x6], $0x80, s22, s25, $0xb8;
	[tilespmem:$0x1D480] =	vst v63  }
0x72: {  	_ =	swait.ge [sflag:s23], $0x1400  }
0x73: {  	[sflag:s23] =	ssyncset.done $0x0  }
0x74: {  	s20 =	simm.s32 $0xA00;
	s21 =	simm.s32 $0x480;
	[sflag:s23] =	ssyncadd.s32 $0xFFFFEC00  }
.LBB2_6:
0x75: {  	[tilespmem:s9], [sflag:$0x5] =	stream.indirect.gather [hbm4b:s1+s25], $0x80, s21, s25, $0xb8;
	[tilespmem:$0x1D480] =	vst v63  }
0x76: {  	s21 =	smov.u32 s20  }
0x77: {  	p3 =	sne.s32 s20, $0x5000;
	s20 =	sadd.s32 $0xA00, s20;
	_ =	swait.ge [sflag:s5], $0x1400  }
0x78: {  	s21 =	sshra.s32 s21, $0x2;
	[sflag:s5] =	ssyncset.done $0x0  }
0x79: {  	s22 =	sadd.s32 $0x1C00, s21;
	[sflag:s5] =	ssyncadd.s32 $0xFFFFEC00  }
0x7a: {  	[spmem:s3] =	stream.indirect.scatter.add.f32 [tilespmem:s26], [sflag:$0x6], $0x80, s22, s25, $0xb8;
	[tilespmem:$0x1D480] =	vst v63  }
0x7b: {  	_ =	swait.ge [sflag:s23], $0x1400  }
0x7c: {  	[sflag:s23] =	ssyncset.done $0x0  }
0x7d: {  	s22 =	sadd.s32 $0x280, s21;
	[sflag:s23] =	ssyncadd.s32 $0xFFFFEC00  }
0x7e: {  	[tilespmem:s26], [sflag:$0x1] =	stream.indirect.gather [hbm4b:s1+s25], $0x80, s22, s25, $0xb8;
	[tilespmem:$0x1D480] =	vst v63  }
0x7f: {  	_ =	swait.ge [sflag:s6], $0x1400  }
0x80: {  	[sflag:s6] =	ssyncset.done $0x0  }
0x81: {  	s22 =	sadd.s32 $0x1C80, s21;
	[sflag:s6] =	ssyncadd.s32 $0xFFFFEC00  }
0x82: {  	[spmem:s3] =	stream.indirect.scatter.add.f32 [tilespmem:s29], [sflag:$0x6], $0x80, s22, s25, $0xb8;
	[tilespmem:$0x1D480] =	vst v63  }
0x83: {  	_ =	swait.ge [sflag:s23], $0x1400  }
0x84: {  	[sflag:s23] =	ssyncset.done $0x0  }
0x85: {  	s22 =	sadd.s32 $0x300, s21;
	[sflag:s23] =	ssyncadd.s32 $0xFFFFEC00  }
0x86: {  	[tilespmem:s29], [sflag:$0x2] =	stream.indirect.gather [hbm4b:s1+s25], $0x80, s22, s25, $0xb8;
	[tilespmem:$0x1D480] =	vst v63  }
0x87: {  	_ =	swait.ge [sflag:s10], $0x1400  }
0x88: {  	[sflag:s10] =	ssyncset.done $0x0  }
0x89: {  	s22 =	sadd.s32 $0x1D00, s21;
	[sflag:s10] =	ssyncadd.s32 $0xFFFFEC00  }
0x8a: {  	[spmem:s3] =	stream.indirect.scatter.add.f32 [tilespmem:s31], [sflag:$0x6], $0x80, s22, s25, $0xb8;
	[tilespmem:$0x1D480] =	vst v63  }
0x8b: {  	_ =	swait.ge [sflag:s23], $0x1400  }
0x8c: {  	[sflag:s23] =	ssyncset.done $0x0  }
0x8d: {  	s22 =	sadd.s32 $0x380, s21;
	[sflag:s23] =	ssyncadd.s32 $0xFFFFEC00  }
0x8e: {  	[tilespmem:s31], [sflag:$0x3] =	stream.indirect.gather [hbm4b:s1+s25], $0x80, s22, s25, $0xb8;
	[tilespmem:$0x1D480] =	vst v63  }
0x8f: {  	_ =	swait.ge [sflag:s11], $0x1400  }
0x90: {  	[sflag:s11] =	ssyncset.done $0x0  }
0x91: {  	s22 =	sadd.s32 $0x1D80, s21;
	[sflag:s11] =	ssyncadd.s32 $0xFFFFEC00  }
0x92: {  	[spmem:s3] =	stream.indirect.scatter.add.f32 [tilespmem:s2], [sflag:$0x6], $0x80, s22, s25, $0xb8;
	[tilespmem:$0x1D480] =	vst v63  }
0x93: {  	_ =	swait.ge [sflag:s23], $0x1400  }
0x94: {  	[sflag:s23] =	ssyncset.done $0x0  }
0x95: {  	s22 =	sadd.s32 $0x400, s21;
	[sflag:s23] =	ssyncadd.s32 $0xFFFFEC00  }
0x96: {  	[tilespmem:s2], [sflag:$0x4] =	stream.indirect.gather [hbm4b:s1+s25], $0x80, s22, s25, $0xb8;
	[tilespmem:$0x1D480] =	vst v63  }
0x97: {  	_ =	swait.ge [sflag:s12], $0x1400  }
0x98: {  	[sflag:s12] =	ssyncset.done $0x0  }
.Ltmp4:
0x99: {  	s22 =	sadd.s32 $0x1E00, s21;
	[sflag:s12] =	ssyncadd.s32 $0xFFFFEC00;
	(pc) =	sbr.rel @p3 .LBB2_6-.Ltmp4, $4  }
0x9a: {  	[spmem:s3] =	stream.indirect.scatter.add.f32 [tilespmem:s9], [sflag:$0x6], $0x80, s22, s25, $0xb8;
	[tilespmem:$0x1D480] =	vst v63  }
0x9b: {  	_ =	swait.ge [sflag:s23], $0x1400  }
0x9c: {  	[sflag:s23] =	ssyncset.done $0x0  }
0x9d: {  	s21 =	sadd.s32 $0x480, s21;
	[sflag:s23] =	ssyncadd.s32 $0xFFFFEC00  }
0x9e: {  	[tilespmem:s9], [sflag:$0x5] =	stream.indirect.gather [hbm4b:s1+s25], $0x80, s21, s25, $0xb8;
	[tilespmem:$0x1D480] =	vst v63  }
0x9f: {  	_ =	swait.ge [sflag:s5], $0x1400  }
0xa0: {  	[sflag:s5] =	ssyncset.done $0x0  }
0xa1: {  	[sflag:s5] =	ssyncadd.s32 $0xFFFFEC00  }
0xa2: {  	[spmem:s3] =	stream.indirect.scatter.add.f32 [tilespmem:s26], [sflag:$0x6], $0x80, s13, s25, $0xb8;
	[tilespmem:$0x1D480] =	vst v63  }
0xa3: {  	_ =	swait.ge [sflag:s23], $0x1400  }
0xa4: {  	[sflag:s23] =	ssyncset.done $0x0  }
0xa5: {  	[sflag:s23] =	ssyncadd.s32 $0xFFFFEC00  }
0xa6: {  	_ =	swait.ge [sflag:s6], $0x1400  }
0xa7: {  	[sflag:s6] =	ssyncset.done $0x0  }
0xa8: {  	[sflag:s6] =	ssyncadd.s32 $0xFFFFEC00  }
0xa9: {  	[spmem:s3] =	stream.indirect.scatter.add.f32 [tilespmem:s29], [sflag:$0x6], $0x80, s14, s25, $0xb8;
	[tilespmem:$0x1D480] =	vst v63  }
0xaa: {  	_ =	swait.ge [sflag:s23], $0x1400  }
0xab: {  	[sflag:s23] =	ssyncset.done $0x0  }
0xac: {  	[sflag:s23] =	ssyncadd.s32 $0xFFFFEC00  }
0xad: {  	_ =	swait.ge [sflag:s10], $0x1400  }
0xae: {  	[sflag:s10] =	ssyncset.done $0x0  }
0xaf: {  	[sflag:s10] =	ssyncadd.s32 $0xFFFFEC00  }
0xb0: {  	[spmem:s3] =	stream.indirect.scatter.add.f32 [tilespmem:s31], [sflag:$0x6], $0x80, s15, s25, $0xb8;
	[tilespmem:$0x1D480] =	vst v63  }
0xb1: {  	_ =	swait.ge [sflag:s23], $0x1400  }
0xb2: {  	[sflag:s23] =	ssyncset.done $0x0  }
0xb3: {  	[sflag:s23] =	ssyncadd.s32 $0xFFFFEC00  }
0xb4: {  	_ =	swait.ge [sflag:s11], $0x1400  }
0xb5: {  	[sflag:s11] =	ssyncset.done $0x0  }
0xb6: {  	[sflag:s11] =	ssyncadd.s32 $0xFFFFEC00  }
0xb7: {  	[spmem:s3] =	stream.indirect.scatter.add.f32 [tilespmem:s2], [sflag:$0x6], $0x80, s16, s25, $0xb8;
	[tilespmem:$0x1D480] =	vst v63  }
0xb8: {  	_ =	swait.ge [sflag:s23], $0x1400  }
0xb9: {  	[sflag:s23] =	ssyncset.done $0x0  }
0xba: {  	[sflag:s23] =	ssyncadd.s32 $0xFFFFEC00  }
0xbb: {  	_ =	swait.ge [sflag:s12], $0x1400  }
0xbc: {  	[sflag:s12] =	ssyncset.done $0x0  }
0xbd: {  	[sflag:s12] =	ssyncadd.s32 $0xFFFFEC00  }
0xbe: {  	[spmem:s3] =	stream.indirect.scatter.add.f32 [tilespmem:s9], [sflag:$0x6], $0x80, s17, s25, $0xb8;
	[tilespmem:$0x1D480] =	vst v63  }
0xbf: {  	_ =	swait.ge [sflag:s23], $0x1400  }
0xc0: {  	[sflag:s23] =	ssyncset.done $0x0  }
0xc1: {  	s20 =	simm.s32 $0x0;
	s22 =	rddreg [dreg:$0xa];
	[sflag:s23] =	ssyncadd.s32 $0xFFFFEC00  }
0xc2: {  	[tilespmem:s20], [sflag:$0x6] =	stream.linear.gather [hbm4b:s22+s20], $0x1900, $0x38;
	[tilespmem:$0x1D480] =	vst v63  }
0xc3: {  	_ =	swait.ge [sflag:s23], $0x1900  }
0xc4: {  	[sflag:s23] =	ssyncset.done $0x0  }
0xc5: {  	s22 =	rddreg [dreg:$0xb];
	[sflag:s23] =	ssyncadd.s32 $0xFFFFE700  }
0xc6: {  	[tilespmem:s24], [sflag:$0x6] =	stream.linear.gather [hbm4b:s22+s20], $0x1900, $0x38;
	[tilespmem:$0x1D480] =	vst v63  }
0xc7: {  	_ =	swait.ge [sflag:s23], $0x1900  }
0xc8: {  	[sflag:s23] =	ssyncset.done $0x0  }
0xc9: {  	[sflag:s23] =	ssyncadd.s32 $0xFFFFE700  }
0xca: {  	[tilespmem:s26], [sflag:$0x1] =	stream.indirect.gather [hbm4b:s1+s25], $0x80, s20, s25, $0xb8;
	[tilespmem:$0x1D480] =	vst v63  }
0xcb: {  	_ = 	snop  }
0xcc: {  	[tilespmem:s29], [sflag:$0x2] =	stream.indirect.gather [hbm4b:s1+s25], $0x80, s28, s25, $0xb8;
	[tilespmem:$0x1D480] =	vst v63  }
0xcd: {  	_ = 	snop  }
0xce: {  	[tilespmem:s31], [sflag:$0x3] =	stream.indirect.gather [hbm4b:s1+s25], $0x80, s30, s25, $0xb8;
	[tilespmem:$0x1D480] =	vst v63  }
0xcf: {  	_ = 	snop  }
0xd0: {  	[tilespmem:s2], [sflag:$0x4] =	stream.indirect.gather [hbm4b:s1+s25], $0x80, s0, s25, $0xb8;
	[tilespmem:$0x1D480] =	vst v63  }
0xd1: {  	_ = 	snop  }
0xd2: {  	[tilespmem:s9], [sflag:$0x5] =	stream.indirect.gather [hbm4b:s1+s25], $0x80, s7, s25, $0xb8;
	[tilespmem:$0x1D480] =	vst v63  }
0xd3: {  	_ =	swait.ge [sflag:s5], $0x1400  }
0xd4: {  	[sflag:s5] =	ssyncset.done $0x0  }
0xd5: {  	s22 =	simm.s32 $0x1C00;
	[sflag:s5] =	ssyncadd.s32 $0xFFFFEC00  }
0xd6: {  	[spmem:s3] =	stream.indirect.scatter.add.f32 [tilespmem:s26], [sflag:$0x6], $0x80, s22, s25, $0xb8;
	[tilespmem:$0x1D480] =	vst v63  }
0xd7: {  	_ =	swait.ge [sflag:s23], $0x1400  }
0xd8: {  	[sflag:s23] =	ssyncset.done $0x0  }
0xd9: {  	s21 =	simm.s32 $0x280;
	[sflag:s23] =	ssyncadd.s32 $0xFFFFEC00  }
0xda: {  	[tilespmem:s26], [sflag:$0x1] =	stream.indirect.gather [hbm4b:s1+s25], $0x80, s21, s25, $0xb8;
	[tilespmem:$0x1D480] =	vst v63  }
0xdb: {  	_ =	swait.ge [sflag:s6], $0x1400  }
0xdc: {  	[sflag:s6] =	ssyncset.done $0x0  }
0xdd: {  	s22 =	simm.s32 $0x1C80;
	[sflag:s6] =	ssyncadd.s32 $0xFFFFEC00  }
0xde: {  	[spmem:s3] =	stream.indirect.scatter.add.f32 [tilespmem:s29], [sflag:$0x6], $0x80, s22, s25, $0xb8;
	[tilespmem:$0x1D480] =	vst v63  }
0xdf: {  	_ =	swait.ge [sflag:s23], $0x1400  }
0xe0: {  	[sflag:s23] =	ssyncset.done $0x0  }
0xe1: {  	s21 =	simm.s32 $0x300;
	[sflag:s23] =	ssyncadd.s32 $0xFFFFEC00  }
0xe2: {  	[tilespmem:s29], [sflag:$0x2] =	stream.indirect.gather [hbm4b:s1+s25], $0x80, s21, s25, $0xb8;
	[tilespmem:$0x1D480] =	vst v63  }
0xe3: {  	_ =	swait.ge [sflag:s10], $0x1400  }
0xe4: {  	[sflag:s10] =	ssyncset.done $0x0  }
0xe5: {  	s22 =	simm.s32 $0x1D00;
	[sflag:s10] =	ssyncadd.s32 $0xFFFFEC00  }
0xe6: {  	[spmem:s3] =	stream.indirect.scatter.add.f32 [tilespmem:s31], [sflag:$0x6], $0x80, s22, s25, $0xb8;
	[tilespmem:$0x1D480] =	vst v63  }
0xe7: {  	_ =	swait.ge [sflag:s23], $0x1400  }
0xe8: {  	[sflag:s23] =	ssyncset.done $0x0  }
0xe9: {  	s21 =	simm.s32 $0x380;
	[sflag:s23] =	ssyncadd.s32 $0xFFFFEC00  }
0xea: {  	[tilespmem:s31], [sflag:$0x3] =	stream.indirect.gather [hbm4b:s1+s25], $0x80, s21, s25, $0xb8;
	[tilespmem:$0x1D480] =	vst v63  }
0xeb: {  	_ =	swait.ge [sflag:s11], $0x1400  }
0xec: {  	[sflag:s11] =	ssyncset.done $0x0  }
0xed: {  	s22 =	simm.s32 $0x1D80;
	[sflag:s11] =	ssyncadd.s32 $0xFFFFEC00  }
0xee: {  	[spmem:s3] =	stream.indirect.scatter.add.f32 [tilespmem:s2], [sflag:$0x6], $0x80, s22, s25, $0xb8;
	[tilespmem:$0x1D480] =	vst v63  }
0xef: {  	_ =	swait.ge [sflag:s23], $0x1400  }
0xf0: {  	[sflag:s23] =	ssyncset.done $0x0  }
0xf1: {  	s21 =	simm.s32 $0x400;
	[sflag:s23] =	ssyncadd.s32 $0xFFFFEC00  }
0xf2: {  	[tilespmem:s2], [sflag:$0x4] =	stream.indirect.gather [hbm4b:s1+s25], $0x80, s21, s25, $0xb8;
	[tilespmem:$0x1D480] =	vst v63  }
0xf3: {  	_ =	swait.ge [sflag:s12], $0x1400  }
0xf4: {  	[sflag:s12] =	ssyncset.done $0x0  }
0xf5: {  	s22 =	simm.s32 $0x1E00;
	[sflag:s12] =	ssyncadd.s32 $0xFFFFEC00  }
0xf6: {  	[spmem:s3] =	stream.indirect.scatter.add.f32 [tilespmem:s9], [sflag:$0x6], $0x80, s22, s25, $0xb8;
	[tilespmem:$0x1D480] =	vst v63  }
0xf7: {  	_ =	swait.ge [sflag:s23], $0x1400  }
0xf8: {  	[sflag:s23] =	ssyncset.done $0x0  }
0xf9: {  	s20 =	simm.s32 $0xA00;
	s21 =	simm.s32 $0x480;
	[sflag:s23] =	ssyncadd.s32 $0xFFFFEC00  }
.LBB2_8:
0xfa: {  	[tilespmem:s9], [sflag:$0x5] =	stream.indirect.gather [hbm4b:s1+s25], $0x80, s21, s25, $0xb8;
	[tilespmem:$0x1D480] =	vst v63  }
0xfb: {  	s21 =	smov.u32 s20  }
0xfc: {  	p3 =	sne.s32 s20, $0x5000;
	s20 =	sadd.s32 $0xA00, s20;
	_ =	swait.ge [sflag:s5], $0x1400  }
0xfd: {  	s21 =	sshra.s32 s21, $0x2;
	[sflag:s5] =	ssyncset.done $0x0  }
0xfe: {  	s22 =	sadd.s32 $0x1C00, s21;
	[sflag:s5] =	ssyncadd.s32 $0xFFFFEC00  }
0xff: {  	[spmem:s3] =	stream.indirect.scatter.add.f32 [tilespmem:s26], [sflag:$0x6], $0x80, s22, s25, $0xb8;
	[tilespmem:$0x1D480] =	vst v63  }
0x100: {  	_ =	swait.ge [sflag:s23], $0x1400  }
0x101: {  	[sflag:s23] =	ssyncset.done $0x0  }
0x102: {  	s22 =	sadd.s32 $0x280, s21;
	[sflag:s23] =	ssyncadd.s32 $0xFFFFEC00  }
0x103: {  	[tilespmem:s26], [sflag:$0x1] =	stream.indirect.gather [hbm4b:s1+s25], $0x80, s22, s25, $0xb8;
	[tilespmem:$0x1D480] =	vst v63  }
0x104: {  	_ =	swait.ge [sflag:s6], $0x1400  }
0x105: {  	[sflag:s6] =	ssyncset.done $0x0  }
0x106: {  	s22 =	sadd.s32 $0x1C80, s21;
	[sflag:s6] =	ssyncadd.s32 $0xFFFFEC00  }
0x107: {  	[spmem:s3] =	stream.indirect.scatter.add.f32 [tilespmem:s29], [sflag:$0x6], $0x80, s22, s25, $0xb8;
	[tilespmem:$0x1D480] =	vst v63  }
0x108: {  	_ =	swait.ge [sflag:s23], $0x1400  }
0x109: {  	[sflag:s23] =	ssyncset.done $0x0  }
0x10a: {  	s22 =	sadd.s32 $0x300, s21;
	[sflag:s23] =	ssyncadd.s32 $0xFFFFEC00  }
0x10b: {  	[tilespmem:s29], [sflag:$0x2] =	stream.indirect.gather [hbm4b:s1+s25], $0x80, s22, s25, $0xb8;
	[tilespmem:$0x1D480] =	vst v63  }
0x10c: {  	_ =	swait.ge [sflag:s10], $0x1400  }
0x10d: {  	[sflag:s10] =	ssyncset.done $0x0  }
0x10e: {  	s22 =	sadd.s32 $0x1D00, s21;
	[sflag:s10] =	ssyncadd.s32 $0xFFFFEC00  }
0x10f: {  	[spmem:s3] =	stream.indirect.scatter.add.f32 [tilespmem:s31], [sflag:$0x6], $0x80, s22, s25, $0xb8;
	[tilespmem:$0x1D480] =	vst v63  }
0x110: {  	_ =	swait.ge [sflag:s23], $0x1400  }
0x111: {  	[sflag:s23] =	ssyncset.done $0x0  }
0x112: {  	s22 =	sadd.s32 $0x380, s21;
	[sflag:s23] =	ssyncadd.s32 $0xFFFFEC00  }
0x113: {  	[tilespmem:s31], [sflag:$0x3] =	stream.indirect.gather [hbm4b:s1+s25], $0x80, s22, s25, $0xb8;
	[tilespmem:$0x1D480] =	vst v63  }
0x114: {  	_ =	swait.ge [sflag:s11], $0x1400  }
0x115: {  	[sflag:s11] =	ssyncset.done $0x0  }
0x116: {  	s22 =	sadd.s32 $0x1D80, s21;
	[sflag:s11] =	ssyncadd.s32 $0xFFFFEC00  }
0x117: {  	[spmem:s3] =	stream.indirect.scatter.add.f32 [tilespmem:s2], [sflag:$0x6], $0x80, s22, s25, $0xb8;
	[tilespmem:$0x1D480] =	vst v63  }
0x118: {  	_ =	swait.ge [sflag:s23], $0x1400  }
0x119: {  	[sflag:s23] =	ssyncset.done $0x0  }
0x11a: {  	s22 =	sadd.s32 $0x400, s21;
	[sflag:s23] =	ssyncadd.s32 $0xFFFFEC00  }
0x11b: {  	[tilespmem:s2], [sflag:$0x4] =	stream.indirect.gather [hbm4b:s1+s25], $0x80, s22, s25, $0xb8;
	[tilespmem:$0x1D480] =	vst v63  }
0x11c: {  	_ =	swait.ge [sflag:s12], $0x1400  }
0x11d: {  	[sflag:s12] =	ssyncset.done $0x0  }
.Ltmp5:
0x11e: {  	s22 =	sadd.s32 $0x1E00, s21;
	[sflag:s12] =	ssyncadd.s32 $0xFFFFEC00;
	(pc) =	sbr.rel @p3 .LBB2_8-.Ltmp5, $4  }
0x11f: {  	[spmem:s3] =	stream.indirect.scatter.add.f32 [tilespmem:s9], [sflag:$0x6], $0x80, s22, s25, $0xb8;
	[tilespmem:$0x1D480] =	vst v63  }
0x120: {  	_ =	swait.ge [sflag:s23], $0x1400  }
0x121: {  	[sflag:s23] =	ssyncset.done $0x0  }
0x122: {  	s21 =	sadd.s32 $0x480, s21;
	[sflag:s23] =	ssyncadd.s32 $0xFFFFEC00  }
0x123: {  	[tilespmem:s9], [sflag:$0x5] =	stream.indirect.gather [hbm4b:s1+s25], $0x80, s21, s25, $0xb8;
	[tilespmem:$0x1D480] =	vst v63  }
0x124: {  	_ =	swait.ge [sflag:s5], $0x1400  }
0x125: {  	[sflag:s5] =	ssyncset.done $0x0  }
0x126: {  	[sflag:s5] =	ssyncadd.s32 $0xFFFFEC00  }
0x127: {  	[spmem:s3] =	stream.indirect.scatter.add.f32 [tilespmem:s26], [sflag:$0x6], $0x80, s13, s25, $0xb8;
	[tilespmem:$0x1D480] =	vst v63  }
0x128: {  	_ =	swait.ge [sflag:s23], $0x1400  }
0x129: {  	[sflag:s23] =	ssyncset.done $0x0  }
0x12a: {  	[sflag:s23] =	ssyncadd.s32 $0xFFFFEC00  }
0x12b: {  	_ =	swait.ge [sflag:s6], $0x1400  }
0x12c: {  	[sflag:s6] =	ssyncset.done $0x0  }
0x12d: {  	[sflag:s6] =	ssyncadd.s32 $0xFFFFEC00  }
0x12e: {  	[spmem:s3] =	stream.indirect.scatter.add.f32 [tilespmem:s29], [sflag:$0x6], $0x80, s14, s25, $0xb8;
	[tilespmem:$0x1D480] =	vst v63  }
0x12f: {  	_ =	swait.ge [sflag:s23], $0x1400  }
0x130: {  	[sflag:s23] =	ssyncset.done $0x0  }
0x131: {  	[sflag:s23] =	ssyncadd.s32 $0xFFFFEC00  }
0x132: {  	_ =	swait.ge [sflag:s10], $0x1400  }
0x133: {  	[sflag:s10] =	ssyncset.done $0x0  }
0x134: {  	[sflag:s10] =	ssyncadd.s32 $0xFFFFEC00  }
0x135: {  	[spmem:s3] =	stream.indirect.scatter.add.f32 [tilespmem:s31], [sflag:$0x6], $0x80, s15, s25, $0xb8;
	[tilespmem:$0x1D480] =	vst v63  }
0x136: {  	_ =	swait.ge [sflag:s23], $0x1400  }
0x137: {  	[sflag:s23] =	ssyncset.done $0x0  }
0x138: {  	[sflag:s23] =	ssyncadd.s32 $0xFFFFEC00  }
0x139: {  	_ =	swait.ge [sflag:s11], $0x1400  }
0x13a: {  	[sflag:s11] =	ssyncset.done $0x0  }
0x13b: {  	[sflag:s11] =	ssyncadd.s32 $0xFFFFEC00  }
0x13c: {  	[spmem:s3] =	stream.indirect.scatter.add.f32 [tilespmem:s2], [sflag:$0x6], $0x80, s16, s25, $0xb8;
	[tilespmem:$0x1D480] =	vst v63  }
0x13d: {  	_ =	swait.ge [sflag:s23], $0x1400  }
0x13e: {  	[sflag:s23] =	ssyncset.done $0x0  }
0x13f: {  	[sflag:s23] =	ssyncadd.s32 $0xFFFFEC00  }
0x140: {  	_ =	swait.ge [sflag:s12], $0x1400  }
0x141: {  	[sflag:s12] =	ssyncset.done $0x0  }
0x142: {  	[sflag:s12] =	ssyncadd.s32 $0xFFFFEC00  }
0x143: {  	[spmem:s3] =	stream.indirect.scatter.add.f32 [tilespmem:s9], [sflag:$0x6], $0x80, s17, s25, $0xb8;
	[tilespmem:$0x1D480] =	vst v63  }
0x144: {  	_ =	swait.ge [sflag:s23], $0x1400  }
0x145: {  	[sflag:s23] =	ssyncset.done $0x0  }
0x146: {  	s20 =	simm.s32 $0x0;
	s22 =	rddreg [dreg:$0xc];
	[sflag:s23] =	ssyncadd.s32 $0xFFFFEC00  }
0x147: {  	[tilespmem:s20], [sflag:$0x6] =	stream.linear.gather [hbm4b:s22+s20], $0x1900, $0x38;
	[tilespmem:$0x1D480] =	vst v63  }
0x148: {  	_ =	swait.ge [sflag:s23], $0x1900  }
0x149: {  	[sflag:s23] =	ssyncset.done $0x0  }
0x14a: {  	s22 =	rddreg [dreg:$0xd];
	[sflag:s23] =	ssyncadd.s32 $0xFFFFE700  }
0x14b: {  	[tilespmem:s24], [sflag:$0x6] =	stream.linear.gather [hbm4b:s22+s20], $0x1900, $0x38;
	[tilespmem:$0x1D480] =	vst v63  }
0x14c: {  	_ =	swait.ge [sflag:s23], $0x1900  }
0x14d: {  	[sflag:s23] =	ssyncset.done $0x0  }
0x14e: {  	[sflag:s23] =	ssyncadd.s32 $0xFFFFE700  }
0x14f: {  	[tilespmem:s26], [sflag:$0x1] =	stream.indirect.gather [hbm4b:s1+s25], $0x80, s20, s25, $0xb8;
	[tilespmem:$0x1D480] =	vst v63  }
0x150: {  	_ = 	snop  }
0x151: {  	[tilespmem:s29], [sflag:$0x2] =	stream.indirect.gather [hbm4b:s1+s25], $0x80, s28, s25, $0xb8;
	[tilespmem:$0x1D480] =	vst v63  }
0x152: {  	_ = 	snop  }
0x153: {  	[tilespmem:s31], [sflag:$0x3] =	stream.indirect.gather [hbm4b:s1+s25], $0x80, s30, s25, $0xb8;
	[tilespmem:$0x1D480] =	vst v63  }
0x154: {  	_ = 	snop  }
0x155: {  	[tilespmem:s2], [sflag:$0x4] =	stream.indirect.gather [hbm4b:s1+s25], $0x80, s0, s25, $0xb8;
	[tilespmem:$0x1D480] =	vst v63  }
0x156: {  	_ = 	snop  }
0x157: {  	[tilespmem:s9], [sflag:$0x5] =	stream.indirect.gather [hbm4b:s1+s25], $0x80, s7, s25, $0xb8;
	[tilespmem:$0x1D480] =	vst v63  }
0x158: {  	_ =	swait.ge [sflag:s5], $0x1400  }
0x159: {  	[sflag:s5] =	ssyncset.done $0x0  }
0x15a: {  	s22 =	simm.s32 $0x1C00;
	[sflag:s5] =	ssyncadd.s32 $0xFFFFEC00  }
0x15b: {  	[spmem:s3] =	stream.indirect.scatter.add.f32 [tilespmem:s26], [sflag:$0x6], $0x80, s22, s25, $0xb8;
	[tilespmem:$0x1D480] =	vst v63  }
0x15c: {  	_ =	swait.ge [sflag:s23], $0x1400  }
0x15d: {  	[sflag:s23] =	ssyncset.done $0x0  }
0x15e: {  	s21 =	simm.s32 $0x280;
	[sflag:s23] =	ssyncadd.s32 $0xFFFFEC00  }
0x15f: {  	[tilespmem:s26], [sflag:$0x1] =	stream.indirect.gather [hbm4b:s1+s25], $0x80, s21, s25, $0xb8;
	[tilespmem:$0x1D480] =	vst v63  }
0x160: {  	_ =	swait.ge [sflag:s6], $0x1400  }
0x161: {  	[sflag:s6] =	ssyncset.done $0x0  }
0x162: {  	s22 =	simm.s32 $0x1C80;
	[sflag:s6] =	ssyncadd.s32 $0xFFFFEC00  }
0x163: {  	[spmem:s3] =	stream.indirect.scatter.add.f32 [tilespmem:s29], [sflag:$0x6], $0x80, s22, s25, $0xb8;
	[tilespmem:$0x1D480] =	vst v63  }
0x164: {  	_ =	swait.ge [sflag:s23], $0x1400  }
0x165: {  	[sflag:s23] =	ssyncset.done $0x0  }
0x166: {  	s21 =	simm.s32 $0x300;
	[sflag:s23] =	ssyncadd.s32 $0xFFFFEC00  }
0x167: {  	[tilespmem:s29], [sflag:$0x2] =	stream.indirect.gather [hbm4b:s1+s25], $0x80, s21, s25, $0xb8;
	[tilespmem:$0x1D480] =	vst v63  }
0x168: {  	_ =	swait.ge [sflag:s10], $0x1400  }
0x169: {  	[sflag:s10] =	ssyncset.done $0x0  }
0x16a: {  	s22 =	simm.s32 $0x1D00;
	[sflag:s10] =	ssyncadd.s32 $0xFFFFEC00  }
0x16b: {  	[spmem:s3] =	stream.indirect.scatter.add.f32 [tilespmem:s31], [sflag:$0x6], $0x80, s22, s25, $0xb8;
	[tilespmem:$0x1D480] =	vst v63  }
0x16c: {  	_ =	swait.ge [sflag:s23], $0x1400  }
0x16d: {  	[sflag:s23] =	ssyncset.done $0x0  }
0x16e: {  	s21 =	simm.s32 $0x380;
	[sflag:s23] =	ssyncadd.s32 $0xFFFFEC00  }
0x16f: {  	[tilespmem:s31], [sflag:$0x3] =	stream.indirect.gather [hbm4b:s1+s25], $0x80, s21, s25, $0xb8;
	[tilespmem:$0x1D480] =	vst v63  }
0x170: {  	_ =	swait.ge [sflag:s11], $0x1400  }
0x171: {  	[sflag:s11] =	ssyncset.done $0x0  }
0x172: {  	s22 =	simm.s32 $0x1D80;
	[sflag:s11] =	ssyncadd.s32 $0xFFFFEC00  }
0x173: {  	[spmem:s3] =	stream.indirect.scatter.add.f32 [tilespmem:s2], [sflag:$0x6], $0x80, s22, s25, $0xb8;
	[tilespmem:$0x1D480] =	vst v63  }
0x174: {  	_ =	swait.ge [sflag:s23], $0x1400  }
0x175: {  	[sflag:s23] =	ssyncset.done $0x0  }
0x176: {  	s21 =	simm.s32 $0x400;
	[sflag:s23] =	ssyncadd.s32 $0xFFFFEC00  }
0x177: {  	[tilespmem:s2], [sflag:$0x4] =	stream.indirect.gather [hbm4b:s1+s25], $0x80, s21, s25, $0xb8;
	[tilespmem:$0x1D480] =	vst v63  }
0x178: {  	_ =	swait.ge [sflag:s12], $0x1400  }
0x179: {  	[sflag:s12] =	ssyncset.done $0x0  }
0x17a: {  	s22 =	simm.s32 $0x1E00;
	[sflag:s12] =	ssyncadd.s32 $0xFFFFEC00  }
0x17b: {  	[spmem:s3] =	stream.indirect.scatter.add.f32 [tilespmem:s9], [sflag:$0x6], $0x80, s22, s25, $0xb8;
	[tilespmem:$0x1D480] =	vst v63  }
0x17c: {  	_ =	swait.ge [sflag:s23], $0x1400  }
0x17d: {  	[sflag:s23] =	ssyncset.done $0x0  }
0x17e: {  	s20 =	simm.s32 $0xA00;
	s21 =	simm.s32 $0x480;
	[sflag:s23] =	ssyncadd.s32 $0xFFFFEC00  }
.LBB2_10:
0x17f: {  	[tilespmem:s9], [sflag:$0x5] =	stream.indirect.gather [hbm4b:s1+s25], $0x80, s21, s25, $0xb8;
	[tilespmem:$0x1D480] =	vst v63  }
0x180: {  	s21 =	smov.u32 s20  }
0x181: {  	p3 =	sne.s32 s20, $0x5000;
	s20 =	sadd.s32 $0xA00, s20;
	_ =	swait.ge [sflag:s5], $0x1400  }
0x182: {  	s21 =	sshra.s32 s21, $0x2;
	[sflag:s5] =	ssyncset.done $0x0  }
0x183: {  	s22 =	sadd.s32 $0x1C00, s21;
	[sflag:s5] =	ssyncadd.s32 $0xFFFFEC00  }
0x184: {  	[spmem:s3] =	stream.indirect.scatter.add.f32 [tilespmem:s26], [sflag:$0x6], $0x80, s22, s25, $0xb8;
	[tilespmem:$0x1D480] =	vst v63  }
0x185: {  	_ =	swait.ge [sflag:s23], $0x1400  }
0x186: {  	[sflag:s23] =	ssyncset.done $0x0  }
0x187: {  	s22 =	sadd.s32 $0x280, s21;
	[sflag:s23] =	ssyncadd.s32 $0xFFFFEC00  }
0x188: {  	[tilespmem:s26], [sflag:$0x1] =	stream.indirect.gather [hbm4b:s1+s25], $0x80, s22, s25, $0xb8;
	[tilespmem:$0x1D480] =	vst v63  }
0x189: {  	_ =	swait.ge [sflag:s6], $0x1400  }
0x18a: {  	[sflag:s6] =	ssyncset.done $0x0  }
0x18b: {  	s22 =	sadd.s32 $0x1C80, s21;
	[sflag:s6] =	ssyncadd.s32 $0xFFFFEC00  }
0x18c: {  	[spmem:s3] =	stream.indirect.scatter.add.f32 [tilespmem:s29], [sflag:$0x6], $0x80, s22, s25, $0xb8;
	[tilespmem:$0x1D480] =	vst v63  }
0x18d: {  	_ =	swait.ge [sflag:s23], $0x1400  }
0x18e: {  	[sflag:s23] =	ssyncset.done $0x0  }
0x18f: {  	s22 =	sadd.s32 $0x300, s21;
	[sflag:s23] =	ssyncadd.s32 $0xFFFFEC00  }
0x190: {  	[tilespmem:s29], [sflag:$0x2] =	stream.indirect.gather [hbm4b:s1+s25], $0x80, s22, s25, $0xb8;
	[tilespmem:$0x1D480] =	vst v63  }
0x191: {  	_ =	swait.ge [sflag:s10], $0x1400  }
0x192: {  	[sflag:s10] =	ssyncset.done $0x0  }
0x193: {  	s22 =	sadd.s32 $0x1D00, s21;
	[sflag:s10] =	ssyncadd.s32 $0xFFFFEC00  }
0x194: {  	[spmem:s3] =	stream.indirect.scatter.add.f32 [tilespmem:s31], [sflag:$0x6], $0x80, s22, s25, $0xb8;
	[tilespmem:$0x1D480] =	vst v63  }
0x195: {  	_ =	swait.ge [sflag:s23], $0x1400  }
0x196: {  	[sflag:s23] =	ssyncset.done $0x0  }
0x197: {  	s22 =	sadd.s32 $0x380, s21;
	[sflag:s23] =	ssyncadd.s32 $0xFFFFEC00  }
0x198: {  	[tilespmem:s31], [sflag:$0x3] =	stream.indirect.gather [hbm4b:s1+s25], $0x80, s22, s25, $0xb8;
	[tilespmem:$0x1D480] =	vst v63  }
0x199: {  	_ =	swait.ge [sflag:s11], $0x1400  }
0x19a: {  	[sflag:s11] =	ssyncset.done $0x0  }
0x19b: {  	s22 =	sadd.s32 $0x1D80, s21;
	[sflag:s11] =	ssyncadd.s32 $0xFFFFEC00  }
0x19c: {  	[spmem:s3] =	stream.indirect.scatter.add.f32 [tilespmem:s2], [sflag:$0x6], $0x80, s22, s25, $0xb8;
	[tilespmem:$0x1D480] =	vst v63  }
0x19d: {  	_ =	swait.ge [sflag:s23], $0x1400  }
0x19e: {  	[sflag:s23] =	ssyncset.done $0x0  }
0x19f: {  	s22 =	sadd.s32 $0x400, s21;
	[sflag:s23] =	ssyncadd.s32 $0xFFFFEC00  }
0x1a0: {  	[tilespmem:s2], [sflag:$0x4] =	stream.indirect.gather [hbm4b:s1+s25], $0x80, s22, s25, $0xb8;
	[tilespmem:$0x1D480] =	vst v63  }
0x1a1: {  	_ =	swait.ge [sflag:s12], $0x1400  }
0x1a2: {  	[sflag:s12] =	ssyncset.done $0x0  }
.Ltmp6:
0x1a3: {  	s22 =	sadd.s32 $0x1E00, s21;
	[sflag:s12] =	ssyncadd.s32 $0xFFFFEC00;
	(pc) =	sbr.rel @p3 .LBB2_10-.Ltmp6, $4  }
0x1a4: {  	[spmem:s3] =	stream.indirect.scatter.add.f32 [tilespmem:s9], [sflag:$0x6], $0x80, s22, s25, $0xb8;
	[tilespmem:$0x1D480] =	vst v63  }
0x1a5: {  	_ =	swait.ge [sflag:s23], $0x1400  }
0x1a6: {  	[sflag:s23] =	ssyncset.done $0x0  }
0x1a7: {  	s21 =	sadd.s32 $0x480, s21;
	[sflag:s23] =	ssyncadd.s32 $0xFFFFEC00  }
0x1a8: {  	[tilespmem:s9], [sflag:$0x5] =	stream.indirect.gather [hbm4b:s1+s25], $0x80, s21, s25, $0xb8;
	[tilespmem:$0x1D480] =	vst v63  }
0x1a9: {  	_ =	swait.ge [sflag:s5], $0x1400  }
0x1aa: {  	[sflag:s5] =	ssyncset.done $0x0  }
0x1ab: {  	[sflag:s5] =	ssyncadd.s32 $0xFFFFEC00  }
0x1ac: {  	[spmem:s3] =	stream.indirect.scatter.add.f32 [tilespmem:s26], [sflag:$0x6], $0x80, s13, s25, $0xb8;
	[tilespmem:$0x1D480] =	vst v63  }
0x1ad: {  	_ =	swait.ge [sflag:s23], $0x1400  }
0x1ae: {  	[sflag:s23] =	ssyncset.done $0x0  }
0x1af: {  	[sflag:s23] =	ssyncadd.s32 $0xFFFFEC00  }
0x1b0: {  	_ =	swait.ge [sflag:s6], $0x1400  }
0x1b1: {  	[sflag:s6] =	ssyncset.done $0x0  }
0x1b2: {  	[sflag:s6] =	ssyncadd.s32 $0xFFFFEC00  }
0x1b3: {  	[spmem:s3] =	stream.indirect.scatter.add.f32 [tilespmem:s29], [sflag:$0x6], $0x80, s14, s25, $0xb8;
	[tilespmem:$0x1D480] =	vst v63  }
0x1b4: {  	_ =	swait.ge [sflag:s23], $0x1400  }
0x1b5: {  	[sflag:s23] =	ssyncset.done $0x0  }
0x1b6: {  	[sflag:s23] =	ssyncadd.s32 $0xFFFFEC00  }
0x1b7: {  	_ =	swait.ge [sflag:s10], $0x1400  }
0x1b8: {  	[sflag:s10] =	ssyncset.done $0x0  }
0x1b9: {  	[sflag:s10] =	ssyncadd.s32 $0xFFFFEC00  }
0x1ba: {  	[spmem:s3] =	stream.indirect.scatter.add.f32 [tilespmem:s31], [sflag:$0x6], $0x80, s15, s25, $0xb8;
	[tilespmem:$0x1D480] =	vst v63  }
0x1bb: {  	_ =	swait.ge [sflag:s23], $0x1400  }
0x1bc: {  	[sflag:s23] =	ssyncset.done $0x0  }
0x1bd: {  	[sflag:s23] =	ssyncadd.s32 $0xFFFFEC00  }
0x1be: {  	_ =	swait.ge [sflag:s11], $0x1400  }
0x1bf: {  	[sflag:s11] =	ssyncset.done $0x0  }
0x1c0: {  	[sflag:s11] =	ssyncadd.s32 $0xFFFFEC00  }
0x1c1: {  	[spmem:s3] =	stream.indirect.scatter.add.f32 [tilespmem:s2], [sflag:$0x6], $0x80, s16, s25, $0xb8;
	[tilespmem:$0x1D480] =	vst v63  }
0x1c2: {  	_ =	swait.ge [sflag:s23], $0x1400  }
0x1c3: {  	[sflag:s23] =	ssyncset.done $0x0  }
0x1c4: {  	[sflag:s23] =	ssyncadd.s32 $0xFFFFEC00  }
0x1c5: {  	_ =	swait.ge [sflag:s12], $0x1400  }
0x1c6: {  	[sflag:s12] =	ssyncset.done $0x0  }
0x1c7: {  	[sflag:s12] =	ssyncadd.s32 $0xFFFFEC00  }
0x1c8: {  	[spmem:s3] =	stream.indirect.scatter.add.f32 [tilespmem:s9], [sflag:$0x6], $0x80, s17, s25, $0xb8;
	[tilespmem:$0x1D480] =	vst v63  }
0x1c9: {  	_ =	swait.ge [sflag:s23], $0x1400  }
0x1ca: {  	[sflag:s23] =	ssyncset.done $0x0  }
0x1cb: {  	s20 =	simm.s32 $0x0;
	s22 =	rddreg [dreg:$0xe];
	[sflag:s23] =	ssyncadd.s32 $0xFFFFEC00  }
0x1cc: {  	[tilespmem:s20], [sflag:$0x6] =	stream.linear.gather [hbm4b:s22+s20], $0x1900, $0x38;
	[tilespmem:$0x1D480] =	vst v63  }
0x1cd: {  	_ =	swait.ge [sflag:s23], $0x1900  }
0x1ce: {  	[sflag:s23] =	ssyncset.done $0x0  }
0x1cf: {  	s22 =	rddreg [dreg:$0xf];
	[sflag:s23] =	ssyncadd.s32 $0xFFFFE700  }
0x1d0: {  	[tilespmem:s24], [sflag:$0x6] =	stream.linear.gather [hbm4b:s22+s20], $0x1900, $0x38;
	[tilespmem:$0x1D480] =	vst v63  }
0x1d1: {  	_ =	swait.ge [sflag:s23], $0x1900  }
0x1d2: {  	[sflag:s23] =	ssyncset.done $0x0  }
0x1d3: {  	[sflag:s23] =	ssyncadd.s32 $0xFFFFE700  }
0x1d4: {  	[tilespmem:s26], [sflag:$0x1] =	stream.indirect.gather [hbm4b:s1+s25], $0x80, s20, s25, $0xb8;
	[tilespmem:$0x1D480] =	vst v63  }
0x1d5: {  	_ = 	snop  }
0x1d6: {  	[tilespmem:s29], [sflag:$0x2] =	stream.indirect.gather [hbm4b:s1+s25], $0x80, s28, s25, $0xb8;
	[tilespmem:$0x1D480] =	vst v63  }
0x1d7: {  	_ = 	snop  }
0x1d8: {  	[tilespmem:s31], [sflag:$0x3] =	stream.indirect.gather [hbm4b:s1+s25], $0x80, s30, s25, $0xb8;
	[tilespmem:$0x1D480] =	vst v63  }
0x1d9: {  	_ = 	snop  }
0x1da: {  	[tilespmem:s2], [sflag:$0x4] =	stream.indirect.gather [hbm4b:s1+s25], $0x80, s0, s25, $0xb8;
	[tilespmem:$0x1D480] =	vst v63  }
0x1db: {  	_ = 	snop  }
0x1dc: {  	[tilespmem:s9], [sflag:$0x5] =	stream.indirect.gather [hbm4b:s1+s25], $0x80, s7, s25, $0xb8;
	[tilespmem:$0x1D480] =	vst v63  }
0x1dd: {  	_ =	swait.ge [sflag:s5], $0x1400  }
0x1de: {  	[sflag:s5] =	ssyncset.done $0x0  }
0x1df: {  	s22 =	simm.s32 $0x1C00;
	[sflag:s5] =	ssyncadd.s32 $0xFFFFEC00  }
0x1e0: {  	[spmem:s3] =	stream.indirect.scatter.add.f32 [tilespmem:s26], [sflag:$0x6], $0x80, s22, s25, $0xb8;
	[tilespmem:$0x1D480] =	vst v63  }
0x1e1: {  	_ =	swait.ge [sflag:s23], $0x1400  }
0x1e2: {  	[sflag:s23] =	ssyncset.done $0x0  }
0x1e3: {  	s21 =	simm.s32 $0x280;
	[sflag:s23] =	ssyncadd.s32 $0xFFFFEC00  }
0x1e4: {  	[tilespmem:s26], [sflag:$0x1] =	stream.indirect.gather [hbm4b:s1+s25], $0x80, s21, s25, $0xb8;
	[tilespmem:$0x1D480] =	vst v63  }
0x1e5: {  	_ =	swait.ge [sflag:s6], $0x1400  }
0x1e6: {  	[sflag:s6] =	ssyncset.done $0x0  }
0x1e7: {  	s22 =	simm.s32 $0x1C80;
	[sflag:s6] =	ssyncadd.s32 $0xFFFFEC00  }
0x1e8: {  	[spmem:s3] =	stream.indirect.scatter.add.f32 [tilespmem:s29], [sflag:$0x6], $0x80, s22, s25, $0xb8;
	[tilespmem:$0x1D480] =	vst v63  }
0x1e9: {  	_ =	swait.ge [sflag:s23], $0x1400  }
0x1ea: {  	[sflag:s23] =	ssyncset.done $0x0  }
0x1eb: {  	s21 =	simm.s32 $0x300;
	[sflag:s23] =	ssyncadd.s32 $0xFFFFEC00  }
0x1ec: {  	[tilespmem:s29], [sflag:$0x2] =	stream.indirect.gather [hbm4b:s1+s25], $0x80, s21, s25, $0xb8;
	[tilespmem:$0x1D480] =	vst v63  }
0x1ed: {  	_ =	swait.ge [sflag:s10], $0x1400  }
0x1ee: {  	[sflag:s10] =	ssyncset.done $0x0  }
0x1ef: {  	s22 =	simm.s32 $0x1D00;
	[sflag:s10] =	ssyncadd.s32 $0xFFFFEC00  }
0x1f0: {  	[spmem:s3] =	stream.indirect.scatter.add.f32 [tilespmem:s31], [sflag:$0x6], $0x80, s22, s25, $0xb8;
	[tilespmem:$0x1D480] =	vst v63  }
0x1f1: {  	_ =	swait.ge [sflag:s23], $0x1400  }
0x1f2: {  	[sflag:s23] =	ssyncset.done $0x0  }
0x1f3: {  	s21 =	simm.s32 $0x380;
	[sflag:s23] =	ssyncadd.s32 $0xFFFFEC00  }
0x1f4: {  	[tilespmem:s31], [sflag:$0x3] =	stream.indirect.gather [hbm4b:s1+s25], $0x80, s21, s25, $0xb8;
	[tilespmem:$0x1D480] =	vst v63  }
0x1f5: {  	_ =	swait.ge [sflag:s11], $0x1400  }
0x1f6: {  	[sflag:s11] =	ssyncset.done $0x0  }
0x1f7: {  	s22 =	simm.s32 $0x1D80;
	[sflag:s11] =	ssyncadd.s32 $0xFFFFEC00  }
0x1f8: {  	[spmem:s3] =	stream.indirect.scatter.add.f32 [tilespmem:s2], [sflag:$0x6], $0x80, s22, s25, $0xb8;
	[tilespmem:$0x1D480] =	vst v63  }
0x1f9: {  	_ =	swait.ge [sflag:s23], $0x1400  }
0x1fa: {  	[sflag:s23] =	ssyncset.done $0x0  }
0x1fb: {  	s21 =	simm.s32 $0x400;
	[sflag:s23] =	ssyncadd.s32 $0xFFFFEC00  }
0x1fc: {  	[tilespmem:s2], [sflag:$0x4] =	stream.indirect.gather [hbm4b:s1+s25], $0x80, s21, s25, $0xb8;
	[tilespmem:$0x1D480] =	vst v63  }
0x1fd: {  	_ =	swait.ge [sflag:s12], $0x1400  }
0x1fe: {  	[sflag:s12] =	ssyncset.done $0x0  }
0x1ff: {  	s22 =	simm.s32 $0x1E00;
	[sflag:s12] =	ssyncadd.s32 $0xFFFFEC00  }
0x200: {  	[spmem:s3] =	stream.indirect.scatter.add.f32 [tilespmem:s9], [sflag:$0x6], $0x80, s22, s25, $0xb8;
	[tilespmem:$0x1D480] =	vst v63  }
0x201: {  	_ =	swait.ge [sflag:s23], $0x1400  }
0x202: {  	[sflag:s23] =	ssyncset.done $0x0  }
0x203: {  	s20 =	simm.s32 $0xA00;
	s21 =	simm.s32 $0x480;
	[sflag:s23] =	ssyncadd.s32 $0xFFFFEC00  }
.LBB2_12:
0x204: {  	[tilespmem:s9], [sflag:$0x5] =	stream.indirect.gather [hbm4b:s1+s25], $0x80, s21, s25, $0xb8;
	[tilespmem:$0x1D480] =	vst v63  }
0x205: {  	s21 =	smov.u32 s20  }
0x206: {  	p3 =	sne.s32 s20, $0x5000;
	s20 =	sadd.s32 $0xA00, s20;
	_ =	swait.ge [sflag:s5], $0x1400  }
0x207: {  	s21 =	sshra.s32 s21, $0x2;
	[sflag:s5] =	ssyncset.done $0x0  }
0x208: {  	s22 =	sadd.s32 $0x1C00, s21;
	[sflag:s5] =	ssyncadd.s32 $0xFFFFEC00  }
0x209: {  	[spmem:s3] =	stream.indirect.scatter.add.f32 [tilespmem:s26], [sflag:$0x6], $0x80, s22, s25, $0xb8;
	[tilespmem:$0x1D480] =	vst v63  }
0x20a: {  	_ =	swait.ge [sflag:s23], $0x1400  }
0x20b: {  	[sflag:s23] =	ssyncset.done $0x0  }
0x20c: {  	s22 =	sadd.s32 $0x280, s21;
	[sflag:s23] =	ssyncadd.s32 $0xFFFFEC00  }
0x20d: {  	[tilespmem:s26], [sflag:$0x1] =	stream.indirect.gather [hbm4b:s1+s25], $0x80, s22, s25, $0xb8;
	[tilespmem:$0x1D480] =	vst v63  }
0x20e: {  	_ =	swait.ge [sflag:s6], $0x1400  }
0x20f: {  	[sflag:s6] =	ssyncset.done $0x0  }
0x210: {  	s22 =	sadd.s32 $0x1C80, s21;
	[sflag:s6] =	ssyncadd.s32 $0xFFFFEC00  }
0x211: {  	[spmem:s3] =	stream.indirect.scatter.add.f32 [tilespmem:s29], [sflag:$0x6], $0x80, s22, s25, $0xb8;
	[tilespmem:$0x1D480] =	vst v63  }
0x212: {  	_ =	swait.ge [sflag:s23], $0x1400  }
0x213: {  	[sflag:s23] =	ssyncset.done $0x0  }
0x214: {  	s22 =	sadd.s32 $0x300, s21;
	[sflag:s23] =	ssyncadd.s32 $0xFFFFEC00  }
0x215: {  	[tilespmem:s29], [sflag:$0x2] =	stream.indirect.gather [hbm4b:s1+s25], $0x80, s22, s25, $0xb8;
	[tilespmem:$0x1D480] =	vst v63  }
0x216: {  	_ =	swait.ge [sflag:s10], $0x1400  }
0x217: {  	[sflag:s10] =	ssyncset.done $0x0  }
0x218: {  	s22 =	sadd.s32 $0x1D00, s21;
	[sflag:s10] =	ssyncadd.s32 $0xFFFFEC00  }
0x219: {  	[spmem:s3] =	stream.indirect.scatter.add.f32 [tilespmem:s31], [sflag:$0x6], $0x80, s22, s25, $0xb8;
	[tilespmem:$0x1D480] =	vst v63  }
0x21a: {  	_ =	swait.ge [sflag:s23], $0x1400  }
0x21b: {  	[sflag:s23] =	ssyncset.done $0x0  }
0x21c: {  	s22 =	sadd.s32 $0x380, s21;
	[sflag:s23] =	ssyncadd.s32 $0xFFFFEC00  }
0x21d: {  	[tilespmem:s31], [sflag:$0x3] =	stream.indirect.gather [hbm4b:s1+s25], $0x80, s22, s25, $0xb8;
	[tilespmem:$0x1D480] =	vst v63  }
0x21e: {  	_ =	swait.ge [sflag:s11], $0x1400  }
0x21f: {  	[sflag:s11] =	ssyncset.done $0x0  }
0x220: {  	s22 =	sadd.s32 $0x1D80, s21;
	[sflag:s11] =	ssyncadd.s32 $0xFFFFEC00  }
0x221: {  	[spmem:s3] =	stream.indirect.scatter.add.f32 [tilespmem:s2], [sflag:$0x6], $0x80, s22, s25, $0xb8;
	[tilespmem:$0x1D480] =	vst v63  }
0x222: {  	_ =	swait.ge [sflag:s23], $0x1400  }
0x223: {  	[sflag:s23] =	ssyncset.done $0x0  }
0x224: {  	s22 =	sadd.s32 $0x400, s21;
	[sflag:s23] =	ssyncadd.s32 $0xFFFFEC00  }
0x225: {  	[tilespmem:s2], [sflag:$0x4] =	stream.indirect.gather [hbm4b:s1+s25], $0x80, s22, s25, $0xb8;
	[tilespmem:$0x1D480] =	vst v63  }
0x226: {  	_ =	swait.ge [sflag:s12], $0x1400  }
0x227: {  	[sflag:s12] =	ssyncset.done $0x0  }
.Ltmp7:
0x228: {  	s22 =	sadd.s32 $0x1E00, s21;
	[sflag:s12] =	ssyncadd.s32 $0xFFFFEC00;
	(pc) =	sbr.rel @p3 .LBB2_12-.Ltmp7, $4  }
0x229: {  	[spmem:s3] =	stream.indirect.scatter.add.f32 [tilespmem:s9], [sflag:$0x6], $0x80, s22, s25, $0xb8;
	[tilespmem:$0x1D480] =	vst v63  }
0x22a: {  	_ =	swait.ge [sflag:s23], $0x1400  }
0x22b: {  	[sflag:s23] =	ssyncset.done $0x0  }
0x22c: {  	s21 =	sadd.s32 $0x480, s21;
	[sflag:s23] =	ssyncadd.s32 $0xFFFFEC00  }
0x22d: {  	[tilespmem:s9], [sflag:$0x5] =	stream.indirect.gather [hbm4b:s1+s25], $0x80, s21, s25, $0xb8;
	[tilespmem:$0x1D480] =	vst v63  }
0x22e: {  	_ =	swait.ge [sflag:s5], $0x1400  }
0x22f: {  	[sflag:s5] =	ssyncset.done $0x0  }
0x230: {  	[sflag:s5] =	ssyncadd.s32 $0xFFFFEC00  }
0x231: {  	[spmem:s3] =	stream.indirect.scatter.add.f32 [tilespmem:s26], [sflag:$0x6], $0x80, s13, s25, $0xb8;
	[tilespmem:$0x1D480] =	vst v63  }
0x232: {  	_ =	swait.ge [sflag:s23], $0x1400  }
0x233: {  	[sflag:s23] =	ssyncset.done $0x0  }
0x234: {  	[sflag:s23] =	ssyncadd.s32 $0xFFFFEC00  }
0x235: {  	_ =	swait.ge [sflag:s6], $0x1400  }
0x236: {  	[sflag:s6] =	ssyncset.done $0x0  }
0x237: {  	[sflag:s6] =	ssyncadd.s32 $0xFFFFEC00  }
0x238: {  	[spmem:s3] =	stream.indirect.scatter.add.f32 [tilespmem:s29], [sflag:$0x6], $0x80, s14, s25, $0xb8;
	[tilespmem:$0x1D480] =	vst v63  }
0x239: {  	_ =	swait.ge [sflag:s23], $0x1400  }
0x23a: {  	[sflag:s23] =	ssyncset.done $0x0  }
0x23b: {  	[sflag:s23] =	ssyncadd.s32 $0xFFFFEC00  }
0x23c: {  	_ =	swait.ge [sflag:s10], $0x1400  }
0x23d: {  	[sflag:s10] =	ssyncset.done $0x0  }
0x23e: {  	[sflag:s10] =	ssyncadd.s32 $0xFFFFEC00  }
0x23f: {  	[spmem:s3] =	stream.indirect.scatter.add.f32 [tilespmem:s31], [sflag:$0x6], $0x80, s15, s25, $0xb8;
	[tilespmem:$0x1D480] =	vst v63  }
0x240: {  	_ =	swait.ge [sflag:s23], $0x1400  }
0x241: {  	[sflag:s23] =	ssyncset.done $0x0  }
0x242: {  	[sflag:s23] =	ssyncadd.s32 $0xFFFFEC00  }
0x243: {  	_ =	swait.ge [sflag:s11], $0x1400  }
0x244: {  	[sflag:s11] =	ssyncset.done $0x0  }
0x245: {  	[sflag:s11] =	ssyncadd.s32 $0xFFFFEC00  }
0x246: {  	[spmem:s3] =	stream.indirect.scatter.add.f32 [tilespmem:s2], [sflag:$0x6], $0x80, s16, s25, $0xb8;
	[tilespmem:$0x1D480] =	vst v63  }
0x247: {  	_ =	swait.ge [sflag:s23], $0x1400  }
0x248: {  	[sflag:s23] =	ssyncset.done $0x0  }
0x249: {  	[sflag:s23] =	ssyncadd.s32 $0xFFFFEC00  }
0x24a: {  	_ =	swait.ge [sflag:s12], $0x1400  }
0x24b: {  	[sflag:s12] =	ssyncset.done $0x0  }
0x24c: {  	[sflag:s12] =	ssyncadd.s32 $0xFFFFEC00  }
0x24d: {  	[spmem:s3] =	stream.indirect.scatter.add.f32 [tilespmem:s9], [sflag:$0x6], $0x80, s17, s25, $0xb8;
	[tilespmem:$0x1D480] =	vst v63  }
0x24e: {  	_ =	swait.ge [sflag:s23], $0x1400  }
0x24f: {  	[sflag:s23] =	ssyncset.done $0x0  }
0x250: {  	s20 =	simm.s32 $0x0;
	s22 =	rddreg [dreg:$0x10];
	[sflag:s23] =	ssyncadd.s32 $0xFFFFEC00  }
0x251: {  	[tilespmem:s20], [sflag:$0x6] =	stream.linear.gather [hbm4b:s22+s20], $0x1900, $0x38;
	[tilespmem:$0x1D480] =	vst v63  }
0x252: {  	_ =	swait.ge [sflag:s23], $0x1900  }
0x253: {  	[sflag:s23] =	ssyncset.done $0x0  }
0x254: {  	s22 =	rddreg [dreg:$0x11];
	[sflag:s23] =	ssyncadd.s32 $0xFFFFE700  }
0x255: {  	[tilespmem:s24], [sflag:$0x6] =	stream.linear.gather [hbm4b:s22+s20], $0x1900, $0x38;
	[tilespmem:$0x1D480] =	vst v63  }
0x256: {  	_ =	swait.ge [sflag:s23], $0x1900  }
0x257: {  	[sflag:s23] =	ssyncset.done $0x0  }
0x258: {  	[sflag:s23] =	ssyncadd.s32 $0xFFFFE700  }
0x259: {  	[tilespmem:s26], [sflag:$0x1] =	stream.indirect.gather [hbm4b:s1+s25], $0x80, s20, s25, $0xb8;
	[tilespmem:$0x1D480] =	vst v63  }
0x25a: {  	_ = 	snop  }
0x25b: {  	[tilespmem:s29], [sflag:$0x2] =	stream.indirect.gather [hbm4b:s1+s25], $0x80, s28, s25, $0xb8;
	[tilespmem:$0x1D480] =	vst v63  }
0x25c: {  	_ = 	snop  }
0x25d: {  	[tilespmem:s31], [sflag:$0x3] =	stream.indirect.gather [hbm4b:s1+s25], $0x80, s30, s25, $0xb8;
	[tilespmem:$0x1D480] =	vst v63  }
0x25e: {  	_ = 	snop  }
0x25f: {  	[tilespmem:s2], [sflag:$0x4] =	stream.indirect.gather [hbm4b:s1+s25], $0x80, s0, s25, $0xb8;
	[tilespmem:$0x1D480] =	vst v63  }
0x260: {  	_ = 	snop  }
0x261: {  	[tilespmem:s9], [sflag:$0x5] =	stream.indirect.gather [hbm4b:s1+s25], $0x80, s7, s25, $0xb8;
	[tilespmem:$0x1D480] =	vst v63  }
0x262: {  	_ =	swait.ge [sflag:s5], $0x1400  }
0x263: {  	[sflag:s5] =	ssyncset.done $0x0  }
0x264: {  	s22 =	simm.s32 $0x1C00;
	[sflag:s5] =	ssyncadd.s32 $0xFFFFEC00  }
0x265: {  	[spmem:s3] =	stream.indirect.scatter.add.f32 [tilespmem:s26], [sflag:$0x6], $0x80, s22, s25, $0xb8;
	[tilespmem:$0x1D480] =	vst v63  }
0x266: {  	_ =	swait.ge [sflag:s23], $0x1400  }
0x267: {  	[sflag:s23] =	ssyncset.done $0x0  }
0x268: {  	s21 =	simm.s32 $0x280;
	[sflag:s23] =	ssyncadd.s32 $0xFFFFEC00  }
0x269: {  	[tilespmem:s26], [sflag:$0x1] =	stream.indirect.gather [hbm4b:s1+s25], $0x80, s21, s25, $0xb8;
	[tilespmem:$0x1D480] =	vst v63  }
0x26a: {  	_ =	swait.ge [sflag:s6], $0x1400  }
0x26b: {  	[sflag:s6] =	ssyncset.done $0x0  }
0x26c: {  	s22 =	simm.s32 $0x1C80;
	[sflag:s6] =	ssyncadd.s32 $0xFFFFEC00  }
0x26d: {  	[spmem:s3] =	stream.indirect.scatter.add.f32 [tilespmem:s29], [sflag:$0x6], $0x80, s22, s25, $0xb8;
	[tilespmem:$0x1D480] =	vst v63  }
0x26e: {  	_ =	swait.ge [sflag:s23], $0x1400  }
0x26f: {  	[sflag:s23] =	ssyncset.done $0x0  }
0x270: {  	s21 =	simm.s32 $0x300;
	[sflag:s23] =	ssyncadd.s32 $0xFFFFEC00  }
0x271: {  	[tilespmem:s29], [sflag:$0x2] =	stream.indirect.gather [hbm4b:s1+s25], $0x80, s21, s25, $0xb8;
	[tilespmem:$0x1D480] =	vst v63  }
0x272: {  	_ =	swait.ge [sflag:s10], $0x1400  }
0x273: {  	[sflag:s10] =	ssyncset.done $0x0  }
0x274: {  	s22 =	simm.s32 $0x1D00;
	[sflag:s10] =	ssyncadd.s32 $0xFFFFEC00  }
0x275: {  	[spmem:s3] =	stream.indirect.scatter.add.f32 [tilespmem:s31], [sflag:$0x6], $0x80, s22, s25, $0xb8;
	[tilespmem:$0x1D480] =	vst v63  }
0x276: {  	_ =	swait.ge [sflag:s23], $0x1400  }
0x277: {  	[sflag:s23] =	ssyncset.done $0x0  }
0x278: {  	s21 =	simm.s32 $0x380;
	[sflag:s23] =	ssyncadd.s32 $0xFFFFEC00  }
0x279: {  	[tilespmem:s31], [sflag:$0x3] =	stream.indirect.gather [hbm4b:s1+s25], $0x80, s21, s25, $0xb8;
	[tilespmem:$0x1D480] =	vst v63  }
0x27a: {  	_ =	swait.ge [sflag:s11], $0x1400  }
0x27b: {  	[sflag:s11] =	ssyncset.done $0x0  }
0x27c: {  	s22 =	simm.s32 $0x1D80;
	[sflag:s11] =	ssyncadd.s32 $0xFFFFEC00  }
0x27d: {  	[spmem:s3] =	stream.indirect.scatter.add.f32 [tilespmem:s2], [sflag:$0x6], $0x80, s22, s25, $0xb8;
	[tilespmem:$0x1D480] =	vst v63  }
0x27e: {  	_ =	swait.ge [sflag:s23], $0x1400  }
0x27f: {  	[sflag:s23] =	ssyncset.done $0x0  }
0x280: {  	s21 =	simm.s32 $0x400;
	[sflag:s23] =	ssyncadd.s32 $0xFFFFEC00  }
0x281: {  	[tilespmem:s2], [sflag:$0x4] =	stream.indirect.gather [hbm4b:s1+s25], $0x80, s21, s25, $0xb8;
	[tilespmem:$0x1D480] =	vst v63  }
0x282: {  	_ =	swait.ge [sflag:s12], $0x1400  }
0x283: {  	[sflag:s12] =	ssyncset.done $0x0  }
0x284: {  	s22 =	simm.s32 $0x1E00;
	[sflag:s12] =	ssyncadd.s32 $0xFFFFEC00  }
0x285: {  	[spmem:s3] =	stream.indirect.scatter.add.f32 [tilespmem:s9], [sflag:$0x6], $0x80, s22, s25, $0xb8;
	[tilespmem:$0x1D480] =	vst v63  }
0x286: {  	_ =	swait.ge [sflag:s23], $0x1400  }
0x287: {  	[sflag:s23] =	ssyncset.done $0x0  }
0x288: {  	s20 =	simm.s32 $0xA00;
	s21 =	simm.s32 $0x480;
	[sflag:s23] =	ssyncadd.s32 $0xFFFFEC00  }
.LBB2_14:
0x289: {  	[tilespmem:s9], [sflag:$0x5] =	stream.indirect.gather [hbm4b:s1+s25], $0x80, s21, s25, $0xb8;
	[tilespmem:$0x1D480] =	vst v63  }
0x28a: {  	s21 =	smov.u32 s20  }
0x28b: {  	p3 =	sne.s32 s20, $0x5000;
	s20 =	sadd.s32 $0xA00, s20;
	_ =	swait.ge [sflag:s5], $0x1400  }
0x28c: {  	s21 =	sshra.s32 s21, $0x2;
	[sflag:s5] =	ssyncset.done $0x0  }
0x28d: {  	s22 =	sadd.s32 $0x1C00, s21;
	[sflag:s5] =	ssyncadd.s32 $0xFFFFEC00  }
0x28e: {  	[spmem:s3] =	stream.indirect.scatter.add.f32 [tilespmem:s26], [sflag:$0x6], $0x80, s22, s25, $0xb8;
	[tilespmem:$0x1D480] =	vst v63  }
0x28f: {  	_ =	swait.ge [sflag:s23], $0x1400  }
0x290: {  	[sflag:s23] =	ssyncset.done $0x0  }
0x291: {  	s22 =	sadd.s32 $0x280, s21;
	[sflag:s23] =	ssyncadd.s32 $0xFFFFEC00  }
0x292: {  	[tilespmem:s26], [sflag:$0x1] =	stream.indirect.gather [hbm4b:s1+s25], $0x80, s22, s25, $0xb8;
	[tilespmem:$0x1D480] =	vst v63  }
0x293: {  	_ =	swait.ge [sflag:s6], $0x1400  }
0x294: {  	[sflag:s6] =	ssyncset.done $0x0  }
0x295: {  	s22 =	sadd.s32 $0x1C80, s21;
	[sflag:s6] =	ssyncadd.s32 $0xFFFFEC00  }
0x296: {  	[spmem:s3] =	stream.indirect.scatter.add.f32 [tilespmem:s29], [sflag:$0x6], $0x80, s22, s25, $0xb8;
	[tilespmem:$0x1D480] =	vst v63  }
0x297: {  	_ =	swait.ge [sflag:s23], $0x1400  }
0x298: {  	[sflag:s23] =	ssyncset.done $0x0  }
0x299: {  	s22 =	sadd.s32 $0x300, s21;
	[sflag:s23] =	ssyncadd.s32 $0xFFFFEC00  }
0x29a: {  	[tilespmem:s29], [sflag:$0x2] =	stream.indirect.gather [hbm4b:s1+s25], $0x80, s22, s25, $0xb8;
	[tilespmem:$0x1D480] =	vst v63  }
0x29b: {  	_ =	swait.ge [sflag:s10], $0x1400  }
0x29c: {  	[sflag:s10] =	ssyncset.done $0x0  }
0x29d: {  	s22 =	sadd.s32 $0x1D00, s21;
	[sflag:s10] =	ssyncadd.s32 $0xFFFFEC00  }
0x29e: {  	[spmem:s3] =	stream.indirect.scatter.add.f32 [tilespmem:s31], [sflag:$0x6], $0x80, s22, s25, $0xb8;
	[tilespmem:$0x1D480] =	vst v63  }
0x29f: {  	_ =	swait.ge [sflag:s23], $0x1400  }
0x2a0: {  	[sflag:s23] =	ssyncset.done $0x0  }
0x2a1: {  	s22 =	sadd.s32 $0x380, s21;
	[sflag:s23] =	ssyncadd.s32 $0xFFFFEC00  }
0x2a2: {  	[tilespmem:s31], [sflag:$0x3] =	stream.indirect.gather [hbm4b:s1+s25], $0x80, s22, s25, $0xb8;
	[tilespmem:$0x1D480] =	vst v63  }
0x2a3: {  	_ =	swait.ge [sflag:s11], $0x1400  }
0x2a4: {  	[sflag:s11] =	ssyncset.done $0x0  }
0x2a5: {  	s22 =	sadd.s32 $0x1D80, s21;
	[sflag:s11] =	ssyncadd.s32 $0xFFFFEC00  }
0x2a6: {  	[spmem:s3] =	stream.indirect.scatter.add.f32 [tilespmem:s2], [sflag:$0x6], $0x80, s22, s25, $0xb8;
	[tilespmem:$0x1D480] =	vst v63  }
0x2a7: {  	_ =	swait.ge [sflag:s23], $0x1400  }
0x2a8: {  	[sflag:s23] =	ssyncset.done $0x0  }
0x2a9: {  	s22 =	sadd.s32 $0x400, s21;
	[sflag:s23] =	ssyncadd.s32 $0xFFFFEC00  }
0x2aa: {  	[tilespmem:s2], [sflag:$0x4] =	stream.indirect.gather [hbm4b:s1+s25], $0x80, s22, s25, $0xb8;
	[tilespmem:$0x1D480] =	vst v63  }
0x2ab: {  	_ =	swait.ge [sflag:s12], $0x1400  }
0x2ac: {  	[sflag:s12] =	ssyncset.done $0x0  }
.Ltmp8:
0x2ad: {  	s22 =	sadd.s32 $0x1E00, s21;
	[sflag:s12] =	ssyncadd.s32 $0xFFFFEC00;
	(pc) =	sbr.rel @p3 .LBB2_14-.Ltmp8, $4  }
0x2ae: {  	[spmem:s3] =	stream.indirect.scatter.add.f32 [tilespmem:s9], [sflag:$0x6], $0x80, s22, s25, $0xb8;
	[tilespmem:$0x1D480] =	vst v63  }
0x2af: {  	_ =	swait.ge [sflag:s23], $0x1400  }
0x2b0: {  	[sflag:s23] =	ssyncset.done $0x0  }
0x2b1: {  	s21 =	sadd.s32 $0x480, s21;
	[sflag:s23] =	ssyncadd.s32 $0xFFFFEC00  }
0x2b2: {  	[tilespmem:s9], [sflag:$0x5] =	stream.indirect.gather [hbm4b:s1+s25], $0x80, s21, s25, $0xb8;
	[tilespmem:$0x1D480] =	vst v63  }
0x2b3: {  	_ =	swait.ge [sflag:s5], $0x1400  }
0x2b4: {  	[sflag:s5] =	ssyncset.done $0x0  }
0x2b5: {  	[sflag:s5] =	ssyncadd.s32 $0xFFFFEC00  }
0x2b6: {  	[spmem:s3] =	stream.indirect.scatter.add.f32 [tilespmem:s26], [sflag:$0x6], $0x80, s13, s25, $0xb8;
	[tilespmem:$0x1D480] =	vst v63  }
0x2b7: {  	_ =	swait.ge [sflag:s23], $0x1400  }
0x2b8: {  	[sflag:s23] =	ssyncset.done $0x0  }
0x2b9: {  	[sflag:s23] =	ssyncadd.s32 $0xFFFFEC00  }
0x2ba: {  	_ =	swait.ge [sflag:s6], $0x1400  }
0x2bb: {  	[sflag:s6] =	ssyncset.done $0x0  }
0x2bc: {  	[sflag:s6] =	ssyncadd.s32 $0xFFFFEC00  }
0x2bd: {  	[spmem:s3] =	stream.indirect.scatter.add.f32 [tilespmem:s29], [sflag:$0x6], $0x80, s14, s25, $0xb8;
	[tilespmem:$0x1D480] =	vst v63  }
0x2be: {  	_ =	swait.ge [sflag:s23], $0x1400  }
0x2bf: {  	[sflag:s23] =	ssyncset.done $0x0  }
0x2c0: {  	[sflag:s23] =	ssyncadd.s32 $0xFFFFEC00  }
0x2c1: {  	_ =	swait.ge [sflag:s10], $0x1400  }
0x2c2: {  	[sflag:s10] =	ssyncset.done $0x0  }
0x2c3: {  	[sflag:s10] =	ssyncadd.s32 $0xFFFFEC00  }
0x2c4: {  	[spmem:s3] =	stream.indirect.scatter.add.f32 [tilespmem:s31], [sflag:$0x6], $0x80, s15, s25, $0xb8;
	[tilespmem:$0x1D480] =	vst v63  }
0x2c5: {  	_ =	swait.ge [sflag:s23], $0x1400  }
0x2c6: {  	[sflag:s23] =	ssyncset.done $0x0  }
0x2c7: {  	[sflag:s23] =	ssyncadd.s32 $0xFFFFEC00  }
0x2c8: {  	_ =	swait.ge [sflag:s11], $0x1400  }
0x2c9: {  	[sflag:s11] =	ssyncset.done $0x0  }
0x2ca: {  	[sflag:s11] =	ssyncadd.s32 $0xFFFFEC00  }
0x2cb: {  	[spmem:s3] =	stream.indirect.scatter.add.f32 [tilespmem:s2], [sflag:$0x6], $0x80, s16, s25, $0xb8;
	[tilespmem:$0x1D480] =	vst v63  }
0x2cc: {  	_ =	swait.ge [sflag:s23], $0x1400  }
0x2cd: {  	[sflag:s23] =	ssyncset.done $0x0  }
0x2ce: {  	[sflag:s23] =	ssyncadd.s32 $0xFFFFEC00  }
0x2cf: {  	_ =	swait.ge [sflag:s12], $0x1400  }
0x2d0: {  	[sflag:s12] =	ssyncset.done $0x0  }
0x2d1: {  	[sflag:s12] =	ssyncadd.s32 $0xFFFFEC00  }
0x2d2: {  	[spmem:s3] =	stream.indirect.scatter.add.f32 [tilespmem:s9], [sflag:$0x6], $0x80, s17, s25, $0xb8;
	[tilespmem:$0x1D480] =	vst v63  }
0x2d3: {  	_ =	swait.ge [sflag:s23], $0x1400  }
0x2d4: {  	[sflag:s23] =	ssyncset.done $0x0  }
0x2d5: {  	[sflag:s23] =	ssyncadd.s32 $0xFFFFEC00  }
0x2d6: {  	[bflag:$0x0] =	sbarrier.arrive $0xFFFF  }
0x2d7: {  	s18 =	sor.u32 $0x1C06, s18;
	s20 =	rddreg [dreg:$0x12]  }
0x2d8: {  	[hbm:s20], [sflag:s18] =	dma.local [spmem:s19], $0x2700  }
0x2d9: {  	_ =	swait.ge [sflag:s23], $0x2700  }
0x2da: {  	[sflag:s23] =	ssyncset.done $0x0  }
0x2db: {  	s19 =	sshrl.u32 @!p2 s8, $0x3;
	s20 =	rddreg [dreg:$0x13];
	[sflag:s23] =	ssyncadd.s32 $0xFFFFD900  }
0x2dc: {  	[hbm:s20], [sflag:s18] =	dma.local @!p2 [spmem:s19], $0x100  }
0x2dd: {  	s18 =	simm.s32 @!p2 $0x6  }
0x2de: {  	_ =	swait.ge @!p2 [sflag:s18], $0x100  }
0x2df: {  	s4 =	sadd.s32 $0x1, s4;
	s22 =	rddreg [dreg:$0x14]  }
0x2e0: {  	p3 =	sne.s32 s4, s22  }
.Ltmp9:
0x2e1: {  	_ = 	snop;
	(pc) =	sbr.rel @p3 .LBB2_1-.Ltmp9, $3  }
0x2e2: {  	_ =	sdelay $0x1  }
0x2e3: {  	[sflag:s18] =	ssyncset.done @!p2 $0x0  }
0x2e4: {  	[sflag:s18] =	ssyncadd.s32 @!p2 $0xFFFFFF00  }
0x2e5: {  	_ =	sfence.sel $0x180000  }
0x2e6: {  	[bflag:$0x0] =	sbarrier.arrive $0xFFFF  }
0x2e7: {  	_ =	strace $0x9000004A  }
0x2e8: {  	s0 =	stileid.u32;
	[bflag:$0x2] =	sbarrier.arrive $0xFFFF  }
0x2e9: {  	p0 =	sne.s32 s0, $0x0;
	s0 =	rddreg [dreg:$0x4]  }
0x2ea: {  	s0 =	sadd.s32 @!p0 $0x100000, s0  }
0x2eb: {  	[sflag:s0] =	ssyncadd.tile.s32 @!p0 $0x1;
	_ =	shalt  }
.Lfunc_end2:
_tile_overlayer_lowered:
.L_overlay_start_2:
0x2ec: {  	(tag) =	ssettag $0x2  }
0x2ed: {  	s0 =	rddreg [dreg:$0x0];
	s2 =	stileid.u32  }
0x2ee: {  	s1 =	rddreg [dreg:$0x1];
	p0 =	sne.s32 s2, $0x0  }
0x2ef: {  	s3 =	rddreg [dreg:$0x2];
	[bflag:$0x3] =	sbarrier.arrive $0xFFFF;
	s2 =	simm.s32 @!p0 $0x1C06  }
0x2f0: {  	[timem:s3], [sflag:s2] =	dma.local @!p0 [hbm:s0], s1  }
0x2f1: {  	s0 =	simm.s32 @!p0 $0x6  }
0x2f2: {  	_ =	swait.ge @!p0 [sflag:s0], s1  }
0x2f3: {  	s1 =	ssub.s32 @!p0 $0x0, s1;
	[sflag:s0] =	ssyncset.done @!p0 $0x0  }
0x2f4: {  	[sflag:s0] =	ssyncadd.s32 @!p0 s1  }
0x2f5: {  	[bflag:$0x3] =	sbarrier.arrive $0xFFFF  }
0x2f6: {  	_ =	shalt  }

</sc_bundles>
